<compile_context>
chip_gen: v7x
topology: tpu7x:2x2x1
jax: 0.10.2.dev20260603
libtpu: 0.0.44.dev20260713+nightly
codegen_flags: <defaults>
</compile_context>

<pallas_src>
import functools

import jax
import jax.numpy as jnp
from jax import lax
from jax.experimental import pallas as pl
from jax.experimental.pallas import tpu as pltpu
from jax.experimental.pallas import tpu_sc as plsc

B = 16384
D = 16
NW = 32
BPW = B // NW
CHUNK = 128
NCHUNK = BPW // CHUNK


_LOG2E = 1.4426950408889634
_LN2 = 0.6931471805599453
_EXP_C = (1 / 5040, 1 / 720, 1 / 120, 1 / 24, 1 / 6, 0.5, 1.0, 1.0)


def _exp(y):
    t = jnp.clip(y * _LOG2E, -126.0, 126.0)
    n = t.astype(jnp.int32)
    f = t - n.astype(jnp.float32)
    u = f * _LN2
    p = jnp.float32(_EXP_C[0])
    for c in _EXP_C[1:]:
        p = p * u + jnp.float32(c)
    scale = lax.bitcast_convert_type((n + 127) << 23, jnp.float32)
    return p * scale


def _sigmoid(x):
    den = 1.0 + _exp(-x)
    r = 1.0 / den
    return r * (2.0 - den * r)


@functools.partial(
    pl.kernel,
    out_type=jax.ShapeDtypeStruct((B, 2), jnp.float32),
    mesh=plsc.VectorSubcoreMesh(core_axis_name="c", subcore_axis_name="s"),
    compiler_params=pltpu.CompilerParams(
        needs_layout_passes=False, use_tc_tiling_on_sc=False),
    scratch_types=[
        pltpu.VMEM((BPW,), jnp.int32),
        pltpu.VMEM((BPW,), jnp.int32),
        pltpu.VMEM((BPW,), jnp.int32),
        pltpu.VMEM((BPW, D), jnp.float32),
        pltpu.VMEM((BPW, D), jnp.float32),
        pltpu.VMEM((BPW, D), jnp.float32),
        pltpu.VMEM((D,), jnp.float32),
        pltpu.VMEM((16,), jnp.float32),
        pltpu.VMEM((BPW, 2), jnp.float32),
        pltpu.SemaphoreType.DMA,
    ],
)
def _lightgcn_sc(user_hbm, pos_hbm, neg_hbm, ut_hbm, it_hbm, w_hbm, b_hbm,
                 out_hbm, idx_u, idx_p, idx_n, rows_u, rows_p, rows_n,
                 w_v, b_v, out_v, sem):
    wid = lax.axis_index("s") * 2 + lax.axis_index("c")
    base = wid * BPW

    pltpu.sync_copy(user_hbm.at[pl.ds(base, BPW)], idx_u)
    pltpu.sync_copy(pos_hbm.at[pl.ds(base, BPW)], idx_p)
    pltpu.sync_copy(neg_hbm.at[pl.ds(base, BPW)], idx_n)
    pltpu.sync_copy(w_hbm, w_v)
    pltpu.sync_copy(b_hbm, b_v)

    copies = []
    for j in range(NCHUNK):
        sl = pl.ds(j * CHUNK, CHUNK)
        copies.append(pltpu.async_copy(ut_hbm.at[idx_u.at[sl]], rows_u.at[sl], sem))
        copies.append(pltpu.async_copy(it_hbm.at[idx_p.at[sl]], rows_p.at[sl], sem))
        copies.append(pltpu.async_copy(it_hbm.at[idx_n.at[sl]], rows_n.at[sl], sem))
    for cp in copies:
        cp.wait()

    lane = lax.iota(jnp.int32, 16)
    col0 = jnp.zeros((16,), jnp.int32)
    col1 = jnp.ones((16,), jnp.int32)
    bias_vec = b_v[...]
    def _mxu_round(x):
        i = lax.bitcast_convert_type(x, jnp.int32)
        r = (i + 0x7FFF + ((i >> 16) & 1)) & jnp.int32(-65536)
        return lax.bitcast_convert_type(r, jnp.float32)

    wvec = _mxu_round(w_v[...])

    def block_body(blk, _):
        rows = blk * 16 + lane
        pos_acc = bias_vec
        neg_acc = bias_vec
        for d in range(D):
            cold = jnp.full((16,), d, jnp.int32)
            u = plsc.load_gather(rows_u, [rows, cold])
            p = plsc.load_gather(rows_p, [rows, cold])
            n = plsc.load_gather(rows_n, [rows, cold])
            wd = wvec[d]
            pos_acc = pos_acc + _mxu_round(_sigmoid(u * p)) * wd
            neg_acc = neg_acc + _mxu_round(_sigmoid(u * n)) * wd
        plsc.store_scatter(out_v, [rows, col0], pos_acc)
        plsc.store_scatter(out_v, [rows, col1], neg_acc)
        return _

    lax.fori_loop(0, BPW // 16, block_body, None)

    pltpu.sync_copy(out_v, out_hbm.at[pl.ds(base, BPW)])


def kernel(user, pos, neg, user_table, item_table, W, b):
    user = jnp.asarray(user, jnp.int32).reshape(B)
    pos = jnp.asarray(pos, jnp.int32).reshape(B)
    neg = jnp.asarray(neg, jnp.int32).reshape(B)
    w = W.reshape(D)
    b16 = jnp.broadcast_to(b.reshape(1), (16,)).astype(jnp.float32)
    return _lightgcn_sc(user, pos, neg, user_table, item_table, w, b16)

# --- scband reference (transcript-rebuilt; emitter-appended) ---
"""Pipeline reference for scband-light-gcn-10952166605435 (READ-ONLY COPY).

The authoritative reference and input builder live on the scoring server;
editing this copy changes nothing except your own understanding.
"""

import jax, jax.numpy as jnp
import numpy as np

B = 16384
NUM_USERS = 1000000
NUM_ITEMS = 1000000
D = 16


def setup_inputs(seed: int = 0) -> dict:
    key = jax.random.key(seed)
    ku, kp, kn, k1, k2, k3 = jax.random.split(key, 6)
    user = jax.random.randint(ku, (B, 1), 0, NUM_USERS, dtype=jnp.int64 if jax.config.jax_enable_x64 else jnp.int32)
    pos = jax.random.randint(kp, (B, 1), 0, NUM_ITEMS, dtype=jnp.int64 if jax.config.jax_enable_x64 else jnp.int32)
    neg = jax.random.randint(kn, (B, 1), 0, NUM_ITEMS, dtype=jnp.int64 if jax.config.jax_enable_x64 else jnp.int32)
    # learned parameters sized per init_kwargs
    user_table = jax.random.normal(k1, (NUM_USERS, D), dtype=jnp.float32) * 0.05  # 'random_normal' init
    item_table = jax.random.normal(k2, (NUM_ITEMS, D), dtype=jnp.float32) * 0.05
    W = jax.random.normal(k3, (D, 1), dtype=jnp.float32) * 0.1  # Dense(1) kernel
    b = jnp.zeros((1,), dtype=jnp.float32)  # Dense(1) bias
    return {"user": user, "pos": pos, "neg": neg,
            "user_table": user_table, "item_table": item_table, "W": W, "b": b}


def reference(user, pos, neg, user_table, item_table, W, b):
    # embedding lookups (gather)
    user_embed = jnp.take(user_table, user, axis=0)   # [B, 1, D]
    pos_embed = jnp.take(item_table, pos, axis=0)     # [B, 1, D]
    neg_embed = jnp.take(item_table, neg, axis=0)     # [B, 1, D]

    pos_vector = jax.nn.sigmoid(user_embed * pos_embed)
    neg_vector = jax.nn.sigmoid(user_embed * neg_embed)

    pos_logits = jnp.squeeze(pos_vector @ W + b, axis=-1)  # [B, 1]
    neg_logits = jnp.squeeze(neg_vector @ W + b, axis=-1)  # [B, 1]

    logits = jnp.concatenate([pos_logits, neg_logits], axis=-1)  # [B, 2]
    return logits

if __name__ == "__main__":
    import jax
    _d = setup_inputs()
    print(jax.jit(kernel)(*tuple(_d.values())))

</pallas_src>

<mosaic_0001>
#map = affine_map<(d0, d1) -> (0)>
#map1 = affine_map<(d0, d1) -> (0, 0)>
module attributes {stable_mosaic.version = 14 : i64} {
  func.func @_lightgcn_sc(%arg0: i32, %arg1: i32, %arg2: memref<16384xi32, #tpu.memory_space<hbm>>, %arg3: memref<16384xi32, #tpu.memory_space<hbm>>, %arg4: memref<16384xi32, #tpu.memory_space<hbm>>, %arg5: memref<1000000x16xf32, #tpu.memory_space<hbm>>, %arg6: memref<1000000x16xf32, #tpu.memory_space<hbm>>, %arg7: memref<16xf32, #tpu.memory_space<hbm>>, %arg8: memref<16xf32, #tpu.memory_space<hbm>>, %arg9: memref<16384x2xf32, #tpu.memory_space<hbm>>, %arg10: memref<512xi32, #tpu.memory_space<vmem>>, %arg11: memref<512xi32, #tpu.memory_space<vmem>>, %arg12: memref<512xi32, #tpu.memory_space<vmem>>, %arg13: memref<512x16xf32, #tpu.memory_space<vmem>>, %arg14: memref<512x16xf32, #tpu.memory_space<vmem>>, %arg15: memref<512x16xf32, #tpu.memory_space<vmem>>, %arg16: memref<16xf32, #tpu.memory_space<vmem>>, %arg17: memref<16xf32, #tpu.memory_space<vmem>>, %arg18: memref<512x2xf32, #tpu.memory_space<vmem>>, %arg19: memref<!tpu.dma_semaphore, #tpu.memory_space<semaphore_mem>>) attributes {dimension_semantics = [#tpu.dimension_semantics<core_parallel>, #tpu.dimension_semantics<subcore_parallel>], iteration_bounds = array<i64: 2, 16>, scalar_prefetch = 0 : i64, scratch_operands = 10 : i64, tpu.core_type = #tpu.core_type<sc_vector_subcore>, window_params = [{transform_indices = #map}, {transform_indices = #map}, {transform_indices = #map}, {transform_indices = #map1}, {transform_indices = #map1}, {transform_indices = #map}, {transform_indices = #map}, {transform_indices = #map1}]} {
    %mul3A = arith.constant 2 : i32
    %mul3A_0 = arith.muli %arg1, %mul3A : i32
    %add3A = arith.addi %mul3A_0, %arg0 : i32
    %mul3A_1 = arith.constant 512 : i32
    %mul3A_2 = arith.muli %add3A, %mul3A_1 : i32
    "tpu.region"() ({
      %run_scoped3A = tpu.sem_alloc : memref<!tpu.dma_semaphore, #tpu.memory_space<semaphore_mem>>
      %dma_start3A_215 = tpu.memref_slice %arg2[%mul3A_2] : memref<16384xi32, #tpu.memory_space<hbm>> -> memref<512xi32, #tpu.memory_space<hbm>>
      %dma_start3A_216 = tpu.memref_slice %arg2[%mul3A_2] : memref<16384xi32, #tpu.memory_space<hbm>> -> memref<512xi32, #tpu.memory_space<hbm>>
      tpu.enqueue_dma source(%dma_start3A_216 : memref<512xi32, #tpu.memory_space<hbm>>) target(%arg10 : memref<512xi32, #tpu.memory_space<vmem>>) target_semaphore(%run_scoped3A : memref<!tpu.dma_semaphore, #tpu.memory_space<semaphore_mem>>)
      %dma_wait3A_217 = tpu.memref_slice %arg2[%mul3A_2] : memref<16384xi32, #tpu.memory_space<hbm>> -> memref<512xi32, #tpu.memory_space<hbm>>
      %dma_wait3A_218 = tpu.memref_slice %arg2[%mul3A_2] : memref<16384xi32, #tpu.memory_space<hbm>> -> memref<512xi32, #tpu.memory_space<hbm>>
      tpu.wait_dma2 semaphore(%run_scoped3A : memref<!tpu.dma_semaphore, #tpu.memory_space<semaphore_mem>>) src(%dma_wait3A_218 : memref<512xi32, #tpu.memory_space<hbm>>) dst(%arg10 : memref<512xi32, #tpu.memory_space<vmem>>)
      tpu.yield
    }) : () -> ()
    "tpu.region"() ({
      %run_scoped3A = tpu.sem_alloc : memref<!tpu.dma_semaphore, #tpu.memory_space<semaphore_mem>>
      %dma_start3A_215 = tpu.memref_slice %arg3[%mul3A_2] : memref<16384xi32, #tpu.memory_space<hbm>> -> memref<512xi32, #tpu.memory_space<hbm>>
      %dma_start3A_216 = tpu.memref_slice %arg3[%mul3A_2] : memref<16384xi32, #tpu.memory_space<hbm>> -> memref<512xi32, #tpu.memory_space<hbm>>
      tpu.enqueue_dma source(%dma_start3A_216 : memref<512xi32, #tpu.memory_space<hbm>>) target(%arg11 : memref<512xi32, #tpu.memory_space<vmem>>) target_semaphore(%run_scoped3A : memref<!tpu.dma_semaphore, #tpu.memory_space<semaphore_mem>>)
      %dma_wait3A_217 = tpu.memref_slice %arg3[%mul3A_2] : memref<16384xi32, #tpu.memory_space<hbm>> -> memref<512xi32, #tpu.memory_space<hbm>>
      %dma_wait3A_218 = tpu.memref_slice %arg3[%mul3A_2] : memref<16384xi32, #tpu.memory_space<hbm>> -> memref<512xi32, #tpu.memory_space<hbm>>
      tpu.wait_dma2 semaphore(%run_scoped3A : memref<!tpu.dma_semaphore, #tpu.memory_space<semaphore_mem>>) src(%dma_wait3A_218 : memref<512xi32, #tpu.memory_space<hbm>>) dst(%arg11 : memref<512xi32, #tpu.memory_space<vmem>>)
      tpu.yield
    }) : () -> ()
    "tpu.region"() ({
      %run_scoped3A = tpu.sem_alloc : memref<!tpu.dma_semaphore, #tpu.memory_space<semaphore_mem>>
      %dma_start3A_215 = tpu.memref_slice %arg4[%mul3A_2] : memref<16384xi32, #tpu.memory_space<hbm>> -> memref<512xi32, #tpu.memory_space<hbm>>
      %dma_start3A_216 = tpu.memref_slice %arg4[%mul3A_2] : memref<16384xi32, #tpu.memory_space<hbm>> -> memref<512xi32, #tpu.memory_space<hbm>>
      tpu.enqueue_dma source(%dma_start3A_216 : memref<512xi32, #tpu.memory_space<hbm>>) target(%arg12 : memref<512xi32, #tpu.memory_space<vmem>>) target_semaphore(%run_scoped3A : memref<!tpu.dma_semaphore, #tpu.memory_space<semaphore_mem>>)
      %dma_wait3A_217 = tpu.memref_slice %arg4[%mul3A_2] : memref<16384xi32, #tpu.memory_space<hbm>> -> memref<512xi32, #tpu.memory_space<hbm>>
      %dma_wait3A_218 = tpu.memref_slice %arg4[%mul3A_2] : memref<16384xi32, #tpu.memory_space<hbm>> -> memref<512xi32, #tpu.memory_space<hbm>>
      tpu.wait_dma2 semaphore(%run_scoped3A : memref<!tpu.dma_semaphore, #tpu.memory_space<semaphore_mem>>) src(%dma_wait3A_218 : memref<512xi32, #tpu.memory_space<hbm>>) dst(%arg12 : memref<512xi32, #tpu.memory_space<vmem>>)
      tpu.yield
    }) : () -> ()
    "tpu.region"() ({
      %run_scoped3A = tpu.sem_alloc : memref<!tpu.dma_semaphore, #tpu.memory_space<semaphore_mem>>
      tpu.enqueue_dma source(%arg7 : memref<16xf32, #tpu.memory_space<hbm>>) target(%arg16 : memref<16xf32, #tpu.memory_space<vmem>>) target_semaphore(%run_scoped3A : memref<!tpu.dma_semaphore, #tpu.memory_space<semaphore_mem>>)
      tpu.wait_dma2 semaphore(%run_scoped3A : memref<!tpu.dma_semaphore, #tpu.memory_space<semaphore_mem>>) src(%arg7 : memref<16xf32, #tpu.memory_space<hbm>>) dst(%arg16 : memref<16xf32, #tpu.memory_space<vmem>>)
      tpu.yield
    }) : () -> ()
    "tpu.region"() ({
      %run_scoped3A = tpu.sem_alloc : memref<!tpu.dma_semaphore, #tpu.memory_space<semaphore_mem>>
      tpu.enqueue_dma source(%arg8 : memref<16xf32, #tpu.memory_space<hbm>>) target(%arg17 : memref<16xf32, #tpu.memory_space<vmem>>) target_semaphore(%run_scoped3A : memref<!tpu.dma_semaphore, #tpu.memory_space<semaphore_mem>>)
      tpu.wait_dma2 semaphore(%run_scoped3A : memref<!tpu.dma_semaphore, #tpu.memory_space<semaphore_mem>>) src(%arg8 : memref<16xf32, #tpu.memory_space<hbm>>) dst(%arg17 : memref<16xf32, #tpu.memory_space<vmem>>)
      tpu.yield
    }) : () -> ()
    %dma_start3A = arith.constant 0 : i32
    %dma_start3A_3 = arith.constant 0 : i32
    %dma_start3A_4 = tpu.memref_slice %arg13[%dma_start3A, %dma_start3A_3] : memref<512x16xf32, #tpu.memory_space<vmem>> -> memref<128x16xf32, #tpu.memory_space<vmem>>
    %dma_start3A_5 = arith.constant 0 : i32
    %dma_start3A_6 = tpu.memref_slice %arg10[%dma_start3A_5] : memref<512xi32, #tpu.memory_space<vmem>> -> memref<128xi32, #tpu.memory_space<vmem>>
    %dma_start3A_7 = arith.constant 0 : i32
    %dma_start3A_8 = arith.constant 0 : i32
    %dma_start3A_9 = tpu.memref_slice %arg5[%dma_start3A_7, %dma_start3A_8] : memref<1000000x16xf32, #tpu.memory_space<hbm>> -> memref<1000000x16xf32, #tpu.memory_space<hbm>>
    tpu.enqueue_indirect_dma source(%dma_start3A_9 : memref<1000000x16xf32, #tpu.memory_space<hbm>>) target(%dma_start3A_4 : memref<128x16xf32, #tpu.memory_space<vmem>>) offsets(%dma_start3A_6 : memref<128xi32, #tpu.memory_space<vmem>>) semaphore(%arg19 : memref<!tpu.dma_semaphore, #tpu.memory_space<semaphore_mem>>)
    %dma_start3A_10 = arith.constant 0 : i32
    %dma_start3A_11 = arith.constant 0 : i32
    %dma_start3A_12 = tpu.memref_slice %arg14[%dma_start3A_10, %dma_start3A_11] : memref<512x16xf32, #tpu.memory_space<vmem>> -> memref<128x16xf32, #tpu.memory_space<vmem>>
    %dma_start3A_13 = arith.constant 0 : i32
    %dma_start3A_14 = tpu.memref_slice %arg11[%dma_start3A_13] : memref<512xi32, #tpu.memory_space<vmem>> -> memref<128xi32, #tpu.memory_space<vmem>>
    %dma_start3A_15 = arith.constant 0 : i32
    %dma_start3A_16 = arith.constant 0 : i32
    %dma_start3A_17 = tpu.memref_slice %arg6[%dma_start3A_15, %dma_start3A_16] : memref<1000000x16xf32, #tpu.memory_space<hbm>> -> memref<1000000x16xf32, #tpu.memory_space<hbm>>
    tpu.enqueue_indirect_dma source(%dma_start3A_17 : memref<1000000x16xf32, #tpu.memory_space<hbm>>) target(%dma_start3A_12 : memref<128x16xf32, #tpu.memory_space<vmem>>) offsets(%dma_start3A_14 : memref<128xi32, #tpu.memory_space<vmem>>) semaphore(%arg19 : memref<!tpu.dma_semaphore, #tpu.memory_space<semaphore_mem>>)
    %dma_start3A_18 = arith.constant 0 : i32
    %dma_start3A_19 = arith.constant 0 : i32
    %dma_start3A_20 = tpu.memref_slice %arg15[%dma_start3A_18, %dma_start3A_19] : memref<512x16xf32, #tpu.memory_space<vmem>> -> memref<128x16xf32, #tpu.memory_space<vmem>>
    %dma_start3A_21 = arith.constant 0 : i32
    %dma_start3A_22 = tpu.memref_slice %arg12[%dma_start3A_21] : memref<512xi32, #tpu.memory_space<vmem>> -> memref<128xi32, #tpu.memory_space<vmem>>
    %dma_start3A_23 = arith.constant 0 : i32
    %dma_start3A_24 = arith.constant 0 : i32
    %dma_start3A_25 = tpu.memref_slice %arg6[%dma_start3A_23, %dma_start3A_24] : memref<1000000x16xf32, #tpu.memory_space<hbm>> -> memref<1000000x16xf32, #tpu.memory_space<hbm>>
    tpu.enqueue_indirect_dma source(%dma_start3A_25 : memref<1000000x16xf32, #tpu.memory_space<hbm>>) target(%dma_start3A_20 : memref<128x16xf32, #tpu.memory_space<vmem>>) offsets(%dma_start3A_22 : memref<128xi32, #tpu.memory_space<vmem>>) semaphore(%arg19 : memref<!tpu.dma_semaphore, #tpu.memory_space<semaphore_mem>>)
    %dma_start3A_26 = arith.constant 128 : i32
    %dma_start3A_27 = arith.constant 0 : i32
    %dma_start3A_28 = tpu.memref_slice %arg13[%dma_start3A_26, %dma_start3A_27] : memref<512x16xf32, #tpu.memory_space<vmem>> -> memref<128x16xf32, #tpu.memory_space<vmem>>
    %dma_start3A_29 = arith.constant 128 : i32
    %dma_start3A_30 = tpu.memref_slice %arg10[%dma_start3A_29] : memref<512xi32, #tpu.memory_space<vmem>> -> memref<128xi32, #tpu.memory_space<vmem>>
    %dma_start3A_31 = arith.constant 0 : i32
    %dma_start3A_32 = arith.constant 0 : i32
    %dma_start3A_33 = tpu.memref_slice %arg5[%dma_start3A_31, %dma_start3A_32] : memref<1000000x16xf32, #tpu.memory_space<hbm>> -> memref<1000000x16xf32, #tpu.memory_space<hbm>>
    tpu.enqueue_indirect_dma source(%dma_start3A_33 : memref<1000000x16xf32, #tpu.memory_space<hbm>>) target(%dma_start3A_28 : memref<128x16xf32, #tpu.memory_space<vmem>>) offsets(%dma_start3A_30 : memref<128xi32, #tpu.memory_space<vmem>>) semaphore(%arg19 : memref<!tpu.dma_semaphore, #tpu.memory_space<semaphore_mem>>)
    %dma_start3A_34 = arith.constant 128 : i32
    %dma_start3A_35 = arith.constant 0 : i32
    %dma_start3A_36 = tpu.memref_slice %arg14[%dma_start3A_34, %dma_start3A_35] : memref<512x16xf32, #tpu.memory_space<vmem>> -> memref<128x16xf32, #tpu.memory_space<vmem>>
    %dma_start3A_37 = arith.constant 128 : i32
    %dma_start3A_38 = tpu.memref_slice %arg11[%dma_start3A_37] : memref<512xi32, #tpu.memory_space<vmem>> -> memref<128xi32, #tpu.memory_space<vmem>>
    %dma_start3A_39 = arith.constant 0 : i32
    %dma_start3A_40 = arith.constant 0 : i32
    %dma_start3A_41 = tpu.memref_slice %arg6[%dma_start3A_39, %dma_start3A_40] : memref<1000000x16xf32, #tpu.memory_space<hbm>> -> memref<1000000x16xf32, #tpu.memory_space<hbm>>
    tpu.enqueue_indirect_dma source(%dma_start3A_41 : memref<1000000x16xf32, #tpu.memory_space<hbm>>) target(%dma_start3A_36 : memref<128x16xf32, #tpu.memory_space<vmem>>) offsets(%dma_start3A_38 : memref<128xi32, #tpu.memory_space<vmem>>) semaphore(%arg19 : memref<!tpu.dma_semaphore, #tpu.memory_space<semaphore_mem>>)
    %dma_start3A_42 = arith.constant 128 : i32
    %dma_start3A_43 = arith.constant 0 : i32
    %dma_start3A_44 = tpu.memref_slice %arg15[%dma_start3A_42, %dma_start3A_43] : memref<512x16xf32, #tpu.memory_space<vmem>> -> memref<128x16xf32, #tpu.memory_space<vmem>>
    %dma_start3A_45 = arith.constant 128 : i32
    %dma_start3A_46 = tpu.memref_slice %arg12[%dma_start3A_45] : memref<512xi32, #tpu.memory_space<vmem>> -> memref<128xi32, #tpu.memory_space<vmem>>
    %dma_start3A_47 = arith.constant 0 : i32
    %dma_start3A_48 = arith.constant 0 : i32
    %dma_start3A_49 = tpu.memref_slice %arg6[%dma_start3A_47, %dma_start3A_48] : memref<1000000x16xf32, #tpu.memory_space<hbm>> -> memref<1000000x16xf32, #tpu.memory_space<hbm>>
    tpu.enqueue_indirect_dma source(%dma_start3A_49 : memref<1000000x16xf32, #tpu.memory_space<hbm>>) target(%dma_start3A_44 : memref<128x16xf32, #tpu.memory_space<vmem>>) offsets(%dma_start3A_46 : memref<128xi32, #tpu.memory_space<vmem>>) semaphore(%arg19 : memref<!tpu.dma_semaphore, #tpu.memory_space<semaphore_mem>>)
    %dma_start3A_50 = arith.constant 256 : i32
    %dma_start3A_51 = arith.constant 0 : i32
    %dma_start3A_52 = tpu.memref_slice %arg13[%dma_start3A_50, %dma_start3A_51] : memref<512x16xf32, #tpu.memory_space<vmem>> -> memref<128x16xf32, #tpu.memory_space<vmem>>
    %dma_start3A_53 = arith.constant 256 : i32
    %dma_start3A_54 = tpu.memref_slice %arg10[%dma_start3A_53] : memref<512xi32, #tpu.memory_space<vmem>> -> memref<128xi32, #tpu.memory_space<vmem>>
    %dma_start3A_55 = arith.constant 0 : i32
    %dma_start3A_56 = arith.constant 0 : i32
    %dma_start3A_57 = tpu.memref_slice %arg5[%dma_start3A_55, %dma_start3A_56] : memref<1000000x16xf32, #tpu.memory_space<hbm>> -> memref<1000000x16xf32, #tpu.memory_space<hbm>>
    tpu.enqueue_indirect_dma source(%dma_start3A_57 : memref<1000000x16xf32, #tpu.memory_space<hbm>>) target(%dma_start3A_52 : memref<128x16xf32, #tpu.memory_space<vmem>>) offsets(%dma_start3A_54 : memref<128xi32, #tpu.memory_space<vmem>>) semaphore(%arg19 : memref<!tpu.dma_semaphore, #tpu.memory_space<semaphore_mem>>)
    %dma_start3A_58 = arith.constant 256 : i32
    %dma_start3A_59 = arith.constant 0 : i32
    %dma_start3A_60 = tpu.memref_slice %arg14[%dma_start3A_58, %dma_start3A_59] : memref<512x16xf32, #tpu.memory_space<vmem>> -> memref<128x16xf32, #tpu.memory_space<vmem>>
    %dma_start3A_61 = arith.constant 256 : i32
    %dma_start3A_62 = tpu.memref_slice %arg11[%dma_start3A_61] : memref<512xi32, #tpu.memory_space<vmem>> -> memref<128xi32, #tpu.memory_space<vmem>>
    %dma_start3A_63 = arith.constant 0 : i32
    %dma_start3A_64 = arith.constant 0 : i32
    %dma_start3A_65 = tpu.memref_slice %arg6[%dma_start3A_63, %dma_start3A_64] : memref<1000000x16xf32, #tpu.memory_space<hbm>> -> memref<1000000x16xf32, #tpu.memory_space<hbm>>
    tpu.enqueue_indirect_dma source(%dma_start3A_65 : memref<1000000x16xf32, #tpu.memory_space<hbm>>) target(%dma_start3A_60 : memref<128x16xf32, #tpu.memory_space<vmem>>) offsets(%dma_start3A_62 : memref<128xi32, #tpu.memory_space<vmem>>) semaphore(%arg19 : memref<!tpu.dma_semaphore, #tpu.memory_space<semaphore_mem>>)
    %dma_start3A_66 = arith.constant 256 : i32
    %dma_start3A_67 = arith.constant 0 : i32
    %dma_start3A_68 = tpu.memref_slice %arg15[%dma_start3A_66, %dma_start3A_67] : memref<512x16xf32, #tpu.memory_space<vmem>> -> memref<128x16xf32, #tpu.memory_space<vmem>>
    %dma_start3A_69 = arith.constant 256 : i32
    %dma_start3A_70 = tpu.memref_slice %arg12[%dma_start3A_69] : memref<512xi32, #tpu.memory_space<vmem>> -> memref<128xi32, #tpu.memory_space<vmem>>
    %dma_start3A_71 = arith.constant 0 : i32
    %dma_start3A_72 = arith.constant 0 : i32
    %dma_start3A_73 = tpu.memref_slice %arg6[%dma_start3A_71, %dma_start3A_72] : memref<1000000x16xf32, #tpu.memory_space<hbm>> -> memref<1000000x16xf32, #tpu.memory_space<hbm>>
    tpu.enqueue_indirect_dma source(%dma_start3A_73 : memref<1000000x16xf32, #tpu.memory_space<hbm>>) target(%dma_start3A_68 : memref<128x16xf32, #tpu.memory_space<vmem>>) offsets(%dma_start3A_70 : memref<128xi32, #tpu.memory_space<vmem>>) semaphore(%arg19 : memref<!tpu.dma_semaphore, #tpu.memory_space<semaphore_mem>>)
    %dma_start3A_74 = arith.constant 384 : i32
    %dma_start3A_75 = arith.constant 0 : i32
    %dma_start3A_76 = tpu.memref_slice %arg13[%dma_start3A_74, %dma_start3A_75] : memref<512x16xf32, #tpu.memory_space<vmem>> -> memref<128x16xf32, #tpu.memory_space<vmem>>
    %dma_start3A_77 = arith.constant 384 : i32
    %dma_start3A_78 = tpu.memref_slice %arg10[%dma_start3A_77] : memref<512xi32, #tpu.memory_space<vmem>> -> memref<128xi32, #tpu.memory_space<vmem>>
    %dma_start3A_79 = arith.constant 0 : i32
    %dma_start3A_80 = arith.constant 0 : i32
    %dma_start3A_81 = tpu.memref_slice %arg5[%dma_start3A_79, %dma_start3A_80] : memref<1000000x16xf32, #tpu.memory_space<hbm>> -> memref<1000000x16xf32, #tpu.memory_space<hbm>>
    tpu.enqueue_indirect_dma source(%dma_start3A_81 : memref<1000000x16xf32, #tpu.memory_space<hbm>>) target(%dma_start3A_76 : memref<128x16xf32, #tpu.memory_space<vmem>>) offsets(%dma_start3A_78 : memref<128xi32, #tpu.memory_space<vmem>>) semaphore(%arg19 : memref<!tpu.dma_semaphore, #tpu.memory_space<semaphore_mem>>)
    %dma_start3A_82 = arith.constant 384 : i32
    %dma_start3A_83 = arith.constant 0 : i32
    %dma_start3A_84 = tpu.memref_slice %arg14[%dma_start3A_82, %dma_start3A_83] : memref<512x16xf32, #tpu.memory_space<vmem>> -> memref<128x16xf32, #tpu.memory_space<vmem>>
    %dma_start3A_85 = arith.constant 384 : i32
    %dma_start3A_86 = tpu.memref_slice %arg11[%dma_start3A_85] : memref<512xi32, #tpu.memory_space<vmem>> -> memref<128xi32, #tpu.memory_space<vmem>>
    %dma_start3A_87 = arith.constant 0 : i32
    %dma_start3A_88 = arith.constant 0 : i32
    %dma_start3A_89 = tpu.memref_slice %arg6[%dma_start3A_87, %dma_start3A_88] : memref<1000000x16xf32, #tpu.memory_space<hbm>> -> memref<1000000x16xf32, #tpu.memory_space<hbm>>
    tpu.enqueue_indirect_dma source(%dma_start3A_89 : memref<1000000x16xf32, #tpu.memory_space<hbm>>) target(%dma_start3A_84 : memref<128x16xf32, #tpu.memory_space<vmem>>) offsets(%dma_start3A_86 : memref<128xi32, #tpu.memory_space<vmem>>) semaphore(%arg19 : memref<!tpu.dma_semaphore, #tpu.memory_space<semaphore_mem>>)
    %dma_start3A_90 = arith.constant 384 : i32
    %dma_start3A_91 = arith.constant 0 : i32
    %dma_start3A_92 = tpu.memref_slice %arg15[%dma_start3A_90, %dma_start3A_91] : memref<512x16xf32, #tpu.memory_space<vmem>> -> memref<128x16xf32, #tpu.memory_space<vmem>>
    %dma_start3A_93 = arith.constant 384 : i32
    %dma_start3A_94 = tpu.memref_slice %arg12[%dma_start3A_93] : memref<512xi32, #tpu.memory_space<vmem>> -> memref<128xi32, #tpu.memory_space<vmem>>
    %dma_start3A_95 = arith.constant 0 : i32
    %dma_start3A_96 = arith.constant 0 : i32
    %dma_start3A_97 = tpu.memref_slice %arg6[%dma_start3A_95, %dma_start3A_96] : memref<1000000x16xf32, #tpu.memory_space<hbm>> -> memref<1000000x16xf32, #tpu.memory_space<hbm>>
    tpu.enqueue_indirect_dma source(%dma_start3A_97 : memref<1000000x16xf32, #tpu.memory_space<hbm>>) target(%dma_start3A_92 : memref<128x16xf32, #tpu.memory_space<vmem>>) offsets(%dma_start3A_94 : memref<128xi32, #tpu.memory_space<vmem>>) semaphore(%arg19 : memref<!tpu.dma_semaphore, #tpu.memory_space<semaphore_mem>>)
    %dma_wait3A = arith.constant 0 : i32
    %dma_wait3A_98 = arith.constant 0 : i32
    %dma_wait3A_99 = tpu.memref_slice %arg13[%dma_wait3A, %dma_wait3A_98] : memref<512x16xf32, #tpu.memory_space<vmem>> -> memref<128x16xf32, #tpu.memory_space<vmem>>
    %dma_wait3A_100 = arith.constant 0 : i32
    %dma_wait3A_101 = tpu.memref_slice %arg10[%dma_wait3A_100] : memref<512xi32, #tpu.memory_space<vmem>> -> memref<128xi32, #tpu.memory_space<vmem>>
    %dma_wait3A_102 = arith.constant 0 : i32
    %dma_wait3A_103 = arith.constant 0 : i32
    %dma_wait3A_104 = tpu.memref_slice %arg5[%dma_wait3A_102, %dma_wait3A_103] : memref<1000000x16xf32, #tpu.memory_space<hbm>> -> memref<1000000x16xf32, #tpu.memory_space<hbm>>
    tpu.wait_indirect_dma semaphore(%arg19 : memref<!tpu.dma_semaphore, #tpu.memory_space<semaphore_mem>>) src(%dma_wait3A_104 : memref<1000000x16xf32, #tpu.memory_space<hbm>>) dst(%dma_wait3A_99 : memref<128x16xf32, #tpu.memory_space<vmem>>)
    %dma_wait3A_105 = arith.constant 0 : i32
    %dma_wait3A_106 = arith.constant 0 : i32
    %dma_wait3A_107 = tpu.memref_slice %arg14[%dma_wait3A_105, %dma_wait3A_106] : memref<512x16xf32, #tpu.memory_space<vmem>> -> memref<128x16xf32, #tpu.memory_space<vmem>>
    %dma_wait3A_108 = arith.constant 0 : i32
    %dma_wait3A_109 = tpu.memref_slice %arg11[%dma_wait3A_108] : memref<512xi32, #tpu.memory_space<vmem>> -> memref<128xi32, #tpu.memory_space<vmem>>
    %dma_wait3A_110 = arith.constant 0 : i32
    %dma_wait3A_111 = arith.constant 0 : i32
    %dma_wait3A_112 = tpu.memref_slice %arg6[%dma_wait3A_110, %dma_wait3A_111] : memref<1000000x16xf32, #tpu.memory_space<hbm>> -> memref<1000000x16xf32, #tpu.memory_space<hbm>>
    tpu.wait_indirect_dma semaphore(%arg19 : memref<!tpu.dma_semaphore, #tpu.memory_space<semaphore_mem>>) src(%dma_wait3A_112 : memref<1000000x16xf32, #tpu.memory_space<hbm>>) dst(%dma_wait3A_107 : memref<128x16xf32, #tpu.memory_space<vmem>>)
    %dma_wait3A_113 = arith.constant 0 : i32
    %dma_wait3A_114 = arith.constant 0 : i32
    %dma_wait3A_115 = tpu.memref_slice %arg15[%dma_wait3A_113, %dma_wait3A_114] : memref<512x16xf32, #tpu.memory_space<vmem>> -> memref<128x16xf32, #tpu.memory_space<vmem>>
    %dma_wait3A_116 = arith.constant 0 : i32
    %dma_wait3A_117 = tpu.memref_slice %arg12[%dma_wait3A_116] : memref<512xi32, #tpu.memory_space<vmem>> -> memref<128xi32, #tpu.memory_space<vmem>>
    %dma_wait3A_118 = arith.constant 0 : i32
    %dma_wait3A_119 = arith.constant 0 : i32
    %dma_wait3A_120 = tpu.memref_slice %arg6[%dma_wait3A_118, %dma_wait3A_119] : memref<1000000x16xf32, #tpu.memory_space<hbm>> -> memref<1000000x16xf32, #tpu.memory_space<hbm>>
    tpu.wait_indirect_dma semaphore(%arg19 : memref<!tpu.dma_semaphore, #tpu.memory_space<semaphore_mem>>) src(%dma_wait3A_120 : memref<1000000x16xf32, #tpu.memory_space<hbm>>) dst(%dma_wait3A_115 : memref<128x16xf32, #tpu.memory_space<vmem>>)
    %dma_wait3A_121 = arith.constant 128 : i32
    %dma_wait3A_122 = arith.constant 0 : i32
    %dma_wait3A_123 = tpu.memref_slice %arg13[%dma_wait3A_121, %dma_wait3A_122] : memref<512x16xf32, #tpu.memory_space<vmem>> -> memref<128x16xf32, #tpu.memory_space<vmem>>
    %dma_wait3A_124 = arith.constant 128 : i32
    %dma_wait3A_125 = tpu.memref_slice %arg10[%dma_wait3A_124] : memref<512xi32, #tpu.memory_space<vmem>> -> memref<128xi32, #tpu.memory_space<vmem>>
    %dma_wait3A_126 = arith.constant 0 : i32
    %dma_wait3A_127 = arith.constant 0 : i32
    %dma_wait3A_128 = tpu.memref_slice %arg5[%dma_wait3A_126, %dma_wait3A_127] : memref<1000000x16xf32, #tpu.memory_space<hbm>> -> memref<1000000x16xf32, #tpu.memory_space<hbm>>
    tpu.wait_indirect_dma semaphore(%arg19 : memref<!tpu.dma_semaphore, #tpu.memory_space<semaphore_mem>>) src(%dma_wait3A_128 : memref<1000000x16xf32, #tpu.memory_space<hbm>>) dst(%dma_wait3A_123 : memref<128x16xf32, #tpu.memory_space<vmem>>)
    %dma_wait3A_129 = arith.constant 128 : i32
    %dma_wait3A_130 = arith.constant 0 : i32
    %dma_wait3A_131 = tpu.memref_slice %arg14[%dma_wait3A_129, %dma_wait3A_130] : memref<512x16xf32, #tpu.memory_space<vmem>> -> memref<128x16xf32, #tpu.memory_space<vmem>>
    %dma_wait3A_132 = arith.constant 128 : i32
    %dma_wait3A_133 = tpu.memref_slice %arg11[%dma_wait3A_132] : memref<512xi32, #tpu.memory_space<vmem>> -> memref<128xi32, #tpu.memory_space<vmem>>
    %dma_wait3A_134 = arith.constant 0 : i32
    %dma_wait3A_135 = arith.constant 0 : i32
    %dma_wait3A_136 = tpu.memref_slice %arg6[%dma_wait3A_134, %dma_wait3A_135] : memref<1000000x16xf32, #tpu.memory_space<hbm>> -> memref<1000000x16xf32, #tpu.memory_space<hbm>>
    tpu.wait_indirect_dma semaphore(%arg19 : memref<!tpu.dma_semaphore, #tpu.memory_space<semaphore_mem>>) src(%dma_wait3A_136 : memref<1000000x16xf32, #tpu.memory_space<hbm>>) dst(%dma_wait3A_131 : memref<128x16xf32, #tpu.memory_space<vmem>>)
    %dma_wait3A_137 = arith.constant 128 : i32
    %dma_wait3A_138 = arith.constant 0 : i32
    %dma_wait3A_139 = tpu.memref_slice %arg15[%dma_wait3A_137, %dma_wait3A_138] : memref<512x16xf32, #tpu.memory_space<vmem>> -> memref<128x16xf32, #tpu.memory_space<vmem>>
    %dma_wait3A_140 = arith.constant 128 : i32
    %dma_wait3A_141 = tpu.memref_slice %arg12[%dma_wait3A_140] : memref<512xi32, #tpu.memory_space<vmem>> -> memref<128xi32, #tpu.memory_space<vmem>>
    %dma_wait3A_142 = arith.constant 0 : i32
    %dma_wait3A_143 = arith.constant 0 : i32
    %dma_wait3A_144 = tpu.memref_slice %arg6[%dma_wait3A_142, %dma_wait3A_143] : memref<1000000x16xf32, #tpu.memory_space<hbm>> -> memref<1000000x16xf32, #tpu.memory_space<hbm>>
    tpu.wait_indirect_dma semaphore(%arg19 : memref<!tpu.dma_semaphore, #tpu.memory_space<semaphore_mem>>) src(%dma_wait3A_144 : memref<1000000x16xf32, #tpu.memory_space<hbm>>) dst(%dma_wait3A_139 : memref<128x16xf32, #tpu.memory_space<vmem>>)
    %dma_wait3A_145 = arith.constant 256 : i32
    %dma_wait3A_146 = arith.constant 0 : i32
    %dma_wait3A_147 = tpu.memref_slice %arg13[%dma_wait3A_145, %dma_wait3A_146] : memref<512x16xf32, #tpu.memory_space<vmem>> -> memref<128x16xf32, #tpu.memory_space<vmem>>
    %dma_wait3A_148 = arith.constant 256 : i32
    %dma_wait3A_149 = tpu.memref_slice %arg10[%dma_wait3A_148] : memref<512xi32, #tpu.memory_space<vmem>> -> memref<128xi32, #tpu.memory_space<vmem>>
    %dma_wait3A_150 = arith.constant 0 : i32
    %dma_wait3A_151 = arith.constant 0 : i32
    %dma_wait3A_152 = tpu.memref_slice %arg5[%dma_wait3A_150, %dma_wait3A_151] : memref<1000000x16xf32, #tpu.memory_space<hbm>> -> memref<1000000x16xf32, #tpu.memory_space<hbm>>
    tpu.wait_indirect_dma semaphore(%arg19 : memref<!tpu.dma_semaphore, #tpu.memory_space<semaphore_mem>>) src(%dma_wait3A_152 : memref<1000000x16xf32, #tpu.memory_space<hbm>>) dst(%dma_wait3A_147 : memref<128x16xf32, #tpu.memory_space<vmem>>)
    %dma_wait3A_153 = arith.constant 256 : i32
    %dma_wait3A_154 = arith.constant 0 : i32
    %dma_wait3A_155 = tpu.memref_slice %arg14[%dma_wait3A_153, %dma_wait3A_154] : memref<512x16xf32, #tpu.memory_space<vmem>> -> memref<128x16xf32, #tpu.memory_space<vmem>>
    %dma_wait3A_156 = arith.constant 256 : i32
    %dma_wait3A_157 = tpu.memref_slice %arg11[%dma_wait3A_156] : memref<512xi32, #tpu.memory_space<vmem>> -> memref<128xi32, #tpu.memory_space<vmem>>
    %dma_wait3A_158 = arith.constant 0 : i32
    %dma_wait3A_159 = arith.constant 0 : i32
    %dma_wait3A_160 = tpu.memref_slice %arg6[%dma_wait3A_158, %dma_wait3A_159] : memref<1000000x16xf32, #tpu.memory_space<hbm>> -> memref<1000000x16xf32, #tpu.memory_space<hbm>>
    tpu.wait_indirect_dma semaphore(%arg19 : memref<!tpu.dma_semaphore, #tpu.memory_space<semaphore_mem>>) src(%dma_wait3A_160 : memref<1000000x16xf32, #tpu.memory_space<hbm>>) dst(%dma_wait3A_155 : memref<128x16xf32, #tpu.memory_space<vmem>>)
    %dma_wait3A_161 = arith.constant 256 : i32
    %dma_wait3A_162 = arith.constant 0 : i32
    %dma_wait3A_163 = tpu.memref_slice %arg15[%dma_wait3A_161, %dma_wait3A_162] : memref<512x16xf32, #tpu.memory_space<vmem>> -> memref<128x16xf32, #tpu.memory_space<vmem>>
    %dma_wait3A_164 = arith.constant 256 : i32
    %dma_wait3A_165 = tpu.memref_slice %arg12[%dma_wait3A_164] : memref<512xi32, #tpu.memory_space<vmem>> -> memref<128xi32, #tpu.memory_space<vmem>>
    %dma_wait3A_166 = arith.constant 0 : i32
    %dma_wait3A_167 = arith.constant 0 : i32
    %dma_wait3A_168 = tpu.memref_slice %arg6[%dma_wait3A_166, %dma_wait3A_167] : memref<1000000x16xf32, #tpu.memory_space<hbm>> -> memref<1000000x16xf32, #tpu.memory_space<hbm>>
    tpu.wait_indirect_dma semaphore(%arg19 : memref<!tpu.dma_semaphore, #tpu.memory_space<semaphore_mem>>) src(%dma_wait3A_168 : memref<1000000x16xf32, #tpu.memory_space<hbm>>) dst(%dma_wait3A_163 : memref<128x16xf32, #tpu.memory_space<vmem>>)
    %dma_wait3A_169 = arith.constant 384 : i32
    %dma_wait3A_170 = arith.constant 0 : i32
    %dma_wait3A_171 = tpu.memref_slice %arg13[%dma_wait3A_169, %dma_wait3A_170] : memref<512x16xf32, #tpu.memory_space<vmem>> -> memref<128x16xf32, #tpu.memory_space<vmem>>
    %dma_wait3A_172 = arith.constant 384 : i32
    %dma_wait3A_173 = tpu.memref_slice %arg10[%dma_wait3A_172] : memref<512xi32, #tpu.memory_space<vmem>> -> memref<128xi32, #tpu.memory_space<vmem>>
    %dma_wait3A_174 = arith.constant 0 : i32
    %dma_wait3A_175 = arith.constant 0 : i32
    %dma_wait3A_176 = tpu.memref_slice %arg5[%dma_wait3A_174, %dma_wait3A_175] : memref<1000000x16xf32, #tpu.memory_space<hbm>> -> memref<1000000x16xf32, #tpu.memory_space<hbm>>
    tpu.wait_indirect_dma semaphore(%arg19 : memref<!tpu.dma_semaphore, #tpu.memory_space<semaphore_mem>>) src(%dma_wait3A_176 : memref<1000000x16xf32, #tpu.memory_space<hbm>>) dst(%dma_wait3A_171 : memref<128x16xf32, #tpu.memory_space<vmem>>)
    %dma_wait3A_177 = arith.constant 384 : i32
    %dma_wait3A_178 = arith.constant 0 : i32
    %dma_wait3A_179 = tpu.memref_slice %arg14[%dma_wait3A_177, %dma_wait3A_178] : memref<512x16xf32, #tpu.memory_space<vmem>> -> memref<128x16xf32, #tpu.memory_space<vmem>>
    %dma_wait3A_180 = arith.constant 384 : i32
    %dma_wait3A_181 = tpu.memref_slice %arg11[%dma_wait3A_180] : memref<512xi32, #tpu.memory_space<vmem>> -> memref<128xi32, #tpu.memory_space<vmem>>
    %dma_wait3A_182 = arith.constant 0 : i32
    %dma_wait3A_183 = arith.constant 0 : i32
    %dma_wait3A_184 = tpu.memref_slice %arg6[%dma_wait3A_182, %dma_wait3A_183] : memref<1000000x16xf32, #tpu.memory_space<hbm>> -> memref<1000000x16xf32, #tpu.memory_space<hbm>>
    tpu.wait_indirect_dma semaphore(%arg19 : memref<!tpu.dma_semaphore, #tpu.memory_space<semaphore_mem>>) src(%dma_wait3A_184 : memref<1000000x16xf32, #tpu.memory_space<hbm>>) dst(%dma_wait3A_179 : memref<128x16xf32, #tpu.memory_space<vmem>>)
    %dma_wait3A_185 = arith.constant 384 : i32
    %dma_wait3A_186 = arith.constant 0 : i32
    %dma_wait3A_187 = tpu.memref_slice %arg15[%dma_wait3A_185, %dma_wait3A_186] : memref<512x16xf32, #tpu.memory_space<vmem>> -> memref<128x16xf32, #tpu.memory_space<vmem>>
    %dma_wait3A_188 = arith.constant 384 : i32
    %dma_wait3A_189 = tpu.memref_slice %arg12[%dma_wait3A_188] : memref<512xi32, #tpu.memory_space<vmem>> -> memref<128xi32, #tpu.memory_space<vmem>>
    %dma_wait3A_190 = arith.constant 0 : i32
    %dma_wait3A_191 = arith.constant 0 : i32
    %dma_wait3A_192 = tpu.memref_slice %arg6[%dma_wait3A_190, %dma_wait3A_191] : memref<1000000x16xf32, #tpu.memory_space<hbm>> -> memref<1000000x16xf32, #tpu.memory_space<hbm>>
    tpu.wait_indirect_dma semaphore(%arg19 : memref<!tpu.dma_semaphore, #tpu.memory_space<semaphore_mem>>) src(%dma_wait3A_192 : memref<1000000x16xf32, #tpu.memory_space<hbm>>) dst(%dma_wait3A_187 : memref<128x16xf32, #tpu.memory_space<vmem>>)
    %iota3A = tpu.iota {dimensions = array<i32: 0>} : vector<16xi32>
    %broadcast_in_dim3A = arith.constant 0 : i32
    %broadcast_in_dim3A_193 = vector.broadcast %broadcast_in_dim3A : i32 to vector<16xi32>
    %broadcast_in_dim3A_194 = arith.constant 1 : i32
    %broadcast_in_dim3A_195 = vector.broadcast %broadcast_in_dim3A_194 : i32 to vector<16xi32>
    %get3A = arith.constant 0 : index
    %get3A_196 = tpu.vector_load %arg17[%get3A] {strides = array<i32>} : memref<16xf32, #tpu.memory_space<vmem>>, vector<16xf32>,
    %get3A_197 = arith.constant 0 : index
    %get3A_198 = tpu.vector_load %arg16[%get3A_197] {strides = array<i32>} : memref<16xf32, #tpu.memory_space<vmem>>, vector<16xf32>,
    %bitcast_convert_type3A = tpu.bitcast %get3A_198 : vector<16xf32> -> vector<16xi32>
    %add3A_199 = arith.constant 32767 : i32
    %add3A_200 = vector.broadcast %add3A_199 : i32 to vector<16xi32>
    %add3A_201 = arith.addi %bitcast_convert_type3A, %add3A_200 : vector<16xi32>
    %shift_right_arithmetic3A = arith.constant 16 : i32
    %shift_right_arithmetic3A_202 = vector.broadcast %shift_right_arithmetic3A : i32 to vector<16xi32>
    %shift_right_arithmetic3A_203 = arith.shrsi %bitcast_convert_type3A, %shift_right_arithmetic3A_202 : vector<16xi32>
    %and3A = arith.constant 1 : i32
    %and3A_204 = vector.broadcast %and3A : i32 to vector<16xi32>
    %and3A_205 = arith.andi %shift_right_arithmetic3A_203, %and3A_204 : vector<16xi32>
    %add3A_206 = arith.addi %add3A_201, %and3A_205 : vector<16xi32>
    %and3A_207 = arith.constant -65536 : i32
    %and3A_208 = vector.broadcast %and3A_207 : i32 to vector<16xi32>
    %and3A_209 = arith.andi %add3A_206, %and3A_208 : vector<16xi32>
    %bitcast_convert_type3A_210 = tpu.bitcast %and3A_209 : vector<16xi32> -> vector<16xf32>
    %scan3A = arith.constant 0 : i32
    %scan3A_211 = arith.constant 32 : i32
    %scan3A_212 = arith.addi %scan3A, %scan3A_211 : i32
    %scan3A_213 = arith.constant 1 : i32
    scf.for %scan3A_215 = %scan3A to %scan3A_212 step %scan3A_213  : i32 {
      %mul3A_216 = arith.constant 16 : i32
      %mul3A_217 = arith.muli %scan3A_215, %mul3A_216 : i32
      %add3A_218 = vector.broadcast %mul3A_217 : i32 to vector<16xi32>
      %add3A_219 = arith.addi %add3A_218, %iota3A : vector<16xi32>
      %broadcast_in_dim3A_220 = arith.constant 0 : i32
      %broadcast_in_dim3A_221 = vector.broadcast %broadcast_in_dim3A_220 : i32 to vector<16xi32>
      %gather3A = tpu.vector_load_idx %arg13[%add3A_219, %broadcast_in_dim3A_221] : memref<512x16xf32, #tpu.memory_space<vmem>>[vector<16xi32>, vector<16xi32>], vector<16xf32>,
      %gather3A_222 = tpu.vector_load_idx %arg14[%add3A_219, %broadcast_in_dim3A_221] : memref<512x16xf32, #tpu.memory_space<vmem>>[vector<16xi32>, vector<16xi32>], vector<16xf32>,
      %gather3A_223 = tpu.vector_load_idx %arg15[%add3A_219, %broadcast_in_dim3A_221] : memref<512x16xf32, #tpu.memory_space<vmem>>[vector<16xi32>, vector<16xi32>], vector<16xf32>,
      %slice3A = vector.extract_strided_slice %bitcast_convert_type3A_210 {offsets = [0], sizes = [1], strides = [1]} : vector<16xf32> to vector<1xf32>
      %squeeze3A = vector.extract %slice3A[0] : f32 from vector<1xf32>
      %mul3A_224 = arith.mulf %gather3A, %gather3A_222 : vector<16xf32>
      %neg3A = arith.constant 0.000000e+00 : f32
      %neg3A_225 = vector.broadcast %neg3A : f32 to vector<16xf32>
      %neg3A_226 = arith.subf %neg3A_225, %mul3A_224 : vector<16xf32>
      %mul3A_227 = arith.constant 1.44269502 : f32
      %mul3A_228 = vector.broadcast %mul3A_227 : f32 to vector<16xf32>
      %mul3A_229 = arith.mulf %neg3A_226, %mul3A_228 : vector<16xf32>
      %jit3A = arith.constant -1.260000e+02 : f32
      %jit3A_230 = arith.constant 1.260000e+02 : f32
      %max3A = vector.broadcast %jit3A : f32 to vector<16xf32>
      %max3A_231 = arith.maximumf %max3A, %mul3A_229 : vector<16xf32>
      %min3A = vector.broadcast %jit3A_230 : f32 to vector<16xf32>
      %min3A_232 = arith.minimumf %min3A, %max3A_231 : vector<16xf32>
      %convert_element_type3A = arith.fptosi %min3A_232 : vector<16xf32> to vector<16xi32>
      %convert_element_type3A_233 = arith.sitofp %convert_element_type3A : vector<16xi32> to vector<16xf32>
      %sub3A = arith.subf %min3A_232, %convert_element_type3A_233 : vector<16xf32>
      %mul3A_234 = arith.constant 0.693147182 : f32
      %mul3A_235 = vector.broadcast %mul3A_234 : f32 to vector<16xf32>
      %mul3A_236 = arith.mulf %sub3A, %mul3A_235 : vector<16xf32>
      %mul3A_237 = arith.constant 1.98412701E-4 : f32
      %mul3A_238 = vector.broadcast %mul3A_237 : f32 to vector<16xf32>
      %mul3A_239 = arith.mulf %mul3A_238, %mul3A_236 : vector<16xf32>
      %add3A_240 = arith.constant 0.00138888892 : f32
      %add3A_241 = vector.broadcast %add3A_240 : f32 to vector<16xf32>
      %add3A_242 = arith.addf %mul3A_239, %add3A_241 : vector<16xf32>
      %mul3A_243 = arith.mulf %add3A_242, %mul3A_236 : vector<16xf32>
      %add3A_244 = arith.constant 0.00833333377 : f32
      %add3A_245 = vector.broadcast %add3A_244 : f32 to vector<16xf32>
      %add3A_246 = arith.addf %mul3A_243, %add3A_245 : vector<16xf32>
      %mul3A_247 = arith.mulf %add3A_246, %mul3A_236 : vector<16xf32>
      %add3A_248 = arith.constant 0.0416666679 : f32
      %add3A_249 = vector.broadcast %add3A_248 : f32 to vector<16xf32>
      %add3A_250 = arith.addf %mul3A_247, %add3A_249 : vector<16xf32>
      %mul3A_251 = arith.mulf %add3A_250, %mul3A_236 : vector<16xf32>
      %add3A_252 = arith.constant 0.166666672 : f32
      %add3A_253 = vector.broadcast %add3A_252 : f32 to vector<16xf32>
      %add3A_254 = arith.addf %mul3A_251, %add3A_253 : vector<16xf32>
      %mul3A_255 = arith.mulf %add3A_254, %mul3A_236 : vector<16xf32>
      %add3A_256 = arith.constant 5.000000e-01 : f32
      %add3A_257 = vector.broadcast %add3A_256 : f32 to vector<16xf32>
      %add3A_258 = arith.addf %mul3A_255, %add3A_257 : vector<16xf32>
      %mul3A_259 = arith.mulf %add3A_258, %mul3A_236 : vector<16xf32>
      %add3A_260 = arith.constant 1.000000e+00 : f32
      %add3A_261 = vector.broadcast %add3A_260 : f32 to vector<16xf32>
      %add3A_262 = arith.addf %mul3A_259, %add3A_261 : vector<16xf32>
      %mul3A_263 = arith.mulf %add3A_262, %mul3A_236 : vector<16xf32>
      %add3A_264 = arith.constant 1.000000e+00 : f32
      %add3A_265 = vector.broadcast %add3A_264 : f32 to vector<16xf32>
      %add3A_266 = arith.addf %mul3A_263, %add3A_265 : vector<16xf32>
      %add3A_267 = arith.constant 127 : i32
      %add3A_268 = vector.broadcast %add3A_267 : i32 to vector<16xi32>
      %add3A_269 = arith.addi %convert_element_type3A, %add3A_268 : vector<16xi32>
      %shift_left3A = arith.constant 23 : i32
      %shift_left3A_270 = vector.broadcast %shift_left3A : i32 to vector<16xi32>
      %shift_left3A_271 = arith.shli %add3A_269, %shift_left3A_270 : vector<16xi32>
      %bitcast_convert_type3A_272 = tpu.bitcast %shift_left3A_271 : vector<16xi32> -> vector<16xf32>
      %mul3A_273 = arith.mulf %add3A_266, %bitcast_convert_type3A_272 : vector<16xf32>
      %add3A_274 = arith.constant 1.000000e+00 : f32
      %add3A_275 = vector.broadcast %add3A_274 : f32 to vector<16xf32>
      %add3A_276 = arith.addf %add3A_275, %mul3A_273 : vector<16xf32>
      %div3A = arith.constant 1.000000e+00 : f32
      %div3A_277 = vector.broadcast %div3A : f32 to vector<16xf32>
      %div3A_278 = arith.divf %div3A_277, %add3A_276 : vector<16xf32>
      %mul3A_279 = arith.mulf %add3A_276, %div3A_278 : vector<16xf32>
      %sub3A_280 = arith.constant 2.000000e+00 : f32
      %sub3A_281 = vector.broadcast %sub3A_280 : f32 to vector<16xf32>
      %sub3A_282 = arith.subf %sub3A_281, %mul3A_279 : vector<16xf32>
      %mul3A_283 = arith.mulf %div3A_278, %sub3A_282 : vector<16xf32>
      %bitcast_convert_type3A_284 = tpu.bitcast %mul3A_283 : vector<16xf32> -> vector<16xi32>
      %add3A_285 = arith.constant 32767 : i32
      %add3A_286 = vector.broadcast %add3A_285 : i32 to vector<16xi32>
      %add3A_287 = arith.addi %bitcast_convert_type3A_284, %add3A_286 : vector<16xi32>
      %shift_right_arithmetic3A_288 = arith.constant 16 : i32
      %shift_right_arithmetic3A_289 = vector.broadcast %shift_right_arithmetic3A_288 : i32 to vector<16xi32>
      %shift_right_arithmetic3A_290 = arith.shrsi %bitcast_convert_type3A_284, %shift_right_arithmetic3A_289 : vector<16xi32>
      %and3A_291 = arith.constant 1 : i32
      %and3A_292 = vector.broadcast %and3A_291 : i32 to vector<16xi32>
      %and3A_293 = arith.andi %shift_right_arithmetic3A_290, %and3A_292 : vector<16xi32>
      %add3A_294 = arith.addi %add3A_287, %and3A_293 : vector<16xi32>
      %and3A_295 = arith.constant -65536 : i32
      %and3A_296 = vector.broadcast %and3A_295 : i32 to vector<16xi32>
      %and3A_297 = arith.andi %add3A_294, %and3A_296 : vector<16xi32>
      %bitcast_convert_type3A_298 = tpu.bitcast %and3A_297 : vector<16xi32> -> vector<16xf32>
      %mul3A_299 = vector.broadcast %squeeze3A : f32 to vector<16xf32>
      %mul3A_300 = arith.mulf %bitcast_convert_type3A_298, %mul3A_299 : vector<16xf32>
      %add3A_301 = arith.addf %get3A_196, %mul3A_300 : vector<16xf32>
      %mul3A_302 = arith.mulf %gather3A, %gather3A_223 : vector<16xf32>
      %neg3A_303 = arith.constant 0.000000e+00 : f32
      %neg3A_304 = vector.broadcast %neg3A_303 : f32 to vector<16xf32>
      %neg3A_305 = arith.subf %neg3A_304, %mul3A_302 : vector<16xf32>
      %mul3A_306 = arith.constant 1.44269502 : f32
      %mul3A_307 = vector.broadcast %mul3A_306 : f32 to vector<16xf32>
      %mul3A_308 = arith.mulf %neg3A_305, %mul3A_307 : vector<16xf32>
      %jit3A_309 = arith.constant -1.260000e+02 : f32
      %jit3A_310 = arith.constant 1.260000e+02 : f32
      %max3A_311 = vector.broadcast %jit3A_309 : f32 to vector<16xf32>
      %max3A_312 = arith.maximumf %max3A_311, %mul3A_308 : vector<16xf32>
      %min3A_313 = vector.broadcast %jit3A_310 : f32 to vector<16xf32>
      %min3A_314 = arith.minimumf %min3A_313, %max3A_312 : vector<16xf32>
      %convert_element_type3A_315 = arith.fptosi %min3A_314 : vector<16xf32> to vector<16xi32>
      %convert_element_type3A_316 = arith.sitofp %convert_element_type3A_315 : vector<16xi32> to vector<16xf32>
      %sub3A_317 = arith.subf %min3A_314, %convert_element_type3A_316 : vector<16xf32>
      %mul3A_318 = arith.constant 0.693147182 : f32
      %mul3A_319 = vector.broadcast %mul3A_318 : f32 to vector<16xf32>
      %mul3A_320 = arith.mulf %sub3A_317, %mul3A_319 : vector<16xf32>
      %mul3A_321 = arith.constant 1.98412701E-4 : f32
      %mul3A_322 = vector.broadcast %mul3A_321 : f32 to vector<16xf32>
      %mul3A_323 = arith.mulf %mul3A_322, %mul3A_320 : vector<16xf32>
      %add3A_324 = arith.constant 0.00138888892 : f32
      %add3A_325 = vector.broadcast %add3A_324 : f32 to vector<16xf32>
      %add3A_326 = arith.addf %mul3A_323, %add3A_325 : vector<16xf32>
      %mul3A_327 = arith.mulf %add3A_326, %mul3A_320 : vector<16xf32>
      %add3A_328 = arith.constant 0.00833333377 : f32
      %add3A_329 = vector.broadcast %add3A_328 : f32 to vector<16xf32>
      %add3A_330 = arith.addf %mul3A_327, %add3A_329 : vector<16xf32>
      %mul3A_331 = arith.mulf %add3A_330, %mul3A_320 : vector<16xf32>
      %add3A_332 = arith.constant 0.0416666679 : f32
      %add3A_333 = vector.broadcast %add3A_332 : f32 to vector<16xf32>
      %add3A_334 = arith.addf %mul3A_331, %add3A_333 : vector<16xf32>
      %mul3A_335 = arith.mulf %add3A_334, %mul3A_320 : vector<16xf32>
      %add3A_336 = arith.constant 0.166666672 : f32
      %add3A_337 = vector.broadcast %add3A_336 : f32 to vector<16xf32>
      %add3A_338 = arith.addf %mul3A_335, %add3A_337 : vector<16xf32>
      %mul3A_339 = arith.mulf %add3A_338, %mul3A_320 : vector<16xf32>
      %add3A_340 = arith.constant 5.000000e-01 : f32
      %add3A_341 = vector.broadcast %add3A_340 : f32 to vector<16xf32>
      %add3A_342 = arith.addf %mul3A_339, %add3A_341 : vector<16xf32>
      %mul3A_343 = arith.mulf %add3A_342, %mul3A_320 : vector<16xf32>
      %add3A_344 = arith.constant 1.000000e+00 : f32
      %add3A_345 = vector.broadcast %add3A_344 : f32 to vector<16xf32>
      %add3A_346 = arith.addf %mul3A_343, %add3A_345 : vector<16xf32>
      %mul3A_347 = arith.mulf %add3A_346, %mul3A_320 : vector<16xf32>
      %add3A_348 = arith.constant 1.000000e+00 : f32
      %add3A_349 = vector.broadcast %add3A_348 : f32 to vector<16xf32>
      %add3A_350 = arith.addf %mul3A_347, %add3A_349 : vector<16xf32>
      %add3A_351 = arith.constant 127 : i32
      %add3A_352 = vector.broadcast %add3A_351 : i32 to vector<16xi32>
      %add3A_353 = arith.addi %convert_element_type3A_315, %add3A_352 : vector<16xi32>
      %shift_left3A_354 = arith.constant 23 : i32
      %shift_left3A_355 = vector.broadcast %shift_left3A_354 : i32 to vector<16xi32>
      %shift_left3A_356 = arith.shli %add3A_353, %shift_left3A_355 : vector<16xi32>
      %bitcast_convert_type3A_357 = tpu.bitcast %shift_left3A_356 : vector<16xi32> -> vector<16xf32>
      %mul3A_358 = arith.mulf %add3A_350, %bitcast_convert_type3A_357 : vector<16xf32>
      %add3A_359 = arith.constant 1.000000e+00 : f32
      %add3A_360 = vector.broadcast %add3A_359 : f32 to vector<16xf32>
      %add3A_361 = arith.addf %add3A_360, %mul3A_358 : vector<16xf32>
      %div3A_362 = arith.constant 1.000000e+00 : f32
      %div3A_363 = vector.broadcast %div3A_362 : f32 to vector<16xf32>
      %div3A_364 = arith.divf %div3A_363, %add3A_361 : vector<16xf32>
      %mul3A_365 = arith.mulf %add3A_361, %div3A_364 : vector<16xf32>
      %sub3A_366 = arith.constant 2.000000e+00 : f32
      %sub3A_367 = vector.broadcast %sub3A_366 : f32 to vector<16xf32>
      %sub3A_368 = arith.subf %sub3A_367, %mul3A_365 : vector<16xf32>
      %mul3A_369 = arith.mulf %div3A_364, %sub3A_368 : vector<16xf32>
      %bitcast_convert_type3A_370 = tpu.bitcast %mul3A_369 : vector<16xf32> -> vector<16xi32>
      %add3A_371 = arith.constant 32767 : i32
      %add3A_372 = vector.broadcast %add3A_371 : i32 to vector<16xi32>
      %add3A_373 = arith.addi %bitcast_convert_type3A_370, %add3A_372 : vector<16xi32>
      %shift_right_arithmetic3A_374 = arith.constant 16 : i32
      %shift_right_arithmetic3A_375 = vector.broadcast %shift_right_arithmetic3A_374 : i32 to vector<16xi32>
      %shift_right_arithmetic3A_376 = arith.shrsi %bitcast_convert_type3A_370, %shift_right_arithmetic3A_375 : vector<16xi32>
      %and3A_377 = arith.constant 1 : i32
      %and3A_378 = vector.broadcast %and3A_377 : i32 to vector<16xi32>
      %and3A_379 = arith.andi %shift_right_arithmetic3A_376, %and3A_378 : vector<16xi32>
      %add3A_380 = arith.addi %add3A_373, %and3A_379 : vector<16xi32>
      %and3A_381 = arith.constant -65536 : i32
      %and3A_382 = vector.broadcast %and3A_381 : i32 to vector<16xi32>
      %and3A_383 = arith.andi %add3A_380, %and3A_382 : vector<16xi32>
      %bitcast_convert_type3A_384 = tpu.bitcast %and3A_383 : vector<16xi32> -> vector<16xf32>
      %mul3A_385 = vector.broadcast %squeeze3A : f32 to vector<16xf32>
      %mul3A_386 = arith.mulf %bitcast_convert_type3A_384, %mul3A_385 : vector<16xf32>
      %add3A_387 = arith.addf %get3A_196, %mul3A_386 : vector<16xf32>
      %broadcast_in_dim3A_388 = arith.constant 1 : i32
      %broadcast_in_dim3A_389 = vector.broadcast %broadcast_in_dim3A_388 : i32 to vector<16xi32>
      %gather3A_390 = tpu.vector_load_idx %arg13[%add3A_219, %broadcast_in_dim3A_389] : memref<512x16xf32, #tpu.memory_space<vmem>>[vector<16xi32>, vector<16xi32>], vector<16xf32>,
      %gather3A_391 = tpu.vector_load_idx %arg14[%add3A_219, %broadcast_in_dim3A_389] : memref<512x16xf32, #tpu.memory_space<vmem>>[vector<16xi32>, vector<16xi32>], vector<16xf32>,
      %gather3A_392 = tpu.vector_load_idx %arg15[%add3A_219, %broadcast_in_dim3A_389] : memref<512x16xf32, #tpu.memory_space<vmem>>[vector<16xi32>, vector<16xi32>], vector<16xf32>,
      %slice3A_393 = vector.extract_strided_slice %bitcast_convert_type3A_210 {offsets = [1], sizes = [1], strides = [1]} : vector<16xf32> to vector<1xf32>
      %squeeze3A_394 = vector.extract %slice3A_393[0] : f32 from vector<1xf32>
      %mul3A_395 = arith.mulf %gather3A_390, %gather3A_391 : vector<16xf32>
      %neg3A_396 = arith.constant 0.000000e+00 : f32
      %neg3A_397 = vector.broadcast %neg3A_396 : f32 to vector<16xf32>
      %neg3A_398 = arith.subf %neg3A_397, %mul3A_395 : vector<16xf32>
      %mul3A_399 = arith.constant 1.44269502 : f32
      %mul3A_400 = vector.broadcast %mul3A_399 : f32 to vector<16xf32>
      %mul3A_401 = arith.mulf %neg3A_398, %mul3A_400 : vector<16xf32>
      %jit3A_402 = arith.constant -1.260000e+02 : f32
      %jit3A_403 = arith.constant 1.260000e+02 : f32
      %max3A_404 = vector.broadcast %jit3A_402 : f32 to vector<16xf32>
      %max3A_405 = arith.maximumf %max3A_404, %mul3A_401 : vector<16xf32>
      %min3A_406 = vector.broadcast %jit3A_403 : f32 to vector<16xf32>
      %min3A_407 = arith.minimumf %min3A_406, %max3A_405 : vector<16xf32>
      %convert_element_type3A_408 = arith.fptosi %min3A_407 : vector<16xf32> to vector<16xi32>
      %convert_element_type3A_409 = arith.sitofp %convert_element_type3A_408 : vector<16xi32> to vector<16xf32>
      %sub3A_410 = arith.subf %min3A_407, %convert_element_type3A_409 : vector<16xf32>
      %mul3A_411 = arith.constant 0.693147182 : f32
      %mul3A_412 = vector.broadcast %mul3A_411 : f32 to vector<16xf32>
      %mul3A_413 = arith.mulf %sub3A_410, %mul3A_412 : vector<16xf32>
      %mul3A_414 = arith.constant 1.98412701E-4 : f32
      %mul3A_415 = vector.broadcast %mul3A_414 : f32 to vector<16xf32>
      %mul3A_416 = arith.mulf %mul3A_415, %mul3A_413 : vector<16xf32>
      %add3A_417 = arith.constant 0.00138888892 : f32
      %add3A_418 = vector.broadcast %add3A_417 : f32 to vector<16xf32>
      %add3A_419 = arith.addf %mul3A_416, %add3A_418 : vector<16xf32>
      %mul3A_420 = arith.mulf %add3A_419, %mul3A_413 : vector<16xf32>
      %add3A_421 = arith.constant 0.00833333377 : f32
      %add3A_422 = vector.broadcast %add3A_421 : f32 to vector<16xf32>
      %add3A_423 = arith.addf %mul3A_420, %add3A_422 : vector<16xf32>
      %mul3A_424 = arith.mulf %add3A_423, %mul3A_413 : vector<16xf32>
      %add3A_425 = arith.constant 0.0416666679 : f32
      %add3A_426 = vector.broadcast %add3A_425 : f32 to vector<16xf32>
      %add3A_427 = arith.addf %mul3A_424, %add3A_426 : vector<16xf32>
      %mul3A_428 = arith.mulf %add3A_427, %mul3A_413 : vector<16xf32>
      %add3A_429 = arith.constant 0.166666672 : f32
      %add3A_430 = vector.broadcast %add3A_429 : f32 to vector<16xf32>
      %add3A_431 = arith.addf %mul3A_428, %add3A_430 : vector<16xf32>
      %mul3A_432 = arith.mulf %add3A_431, %mul3A_413 : vector<16xf32>
      %add3A_433 = arith.constant 5.000000e-01 : f32
      %add3A_434 = vector.broadcast %add3A_433 : f32 to vector<16xf32>
      %add3A_435 = arith.addf %mul3A_432, %add3A_434 : vector<16xf32>
      %mul3A_436 = arith.mulf %add3A_435, %mul3A_413 : vector<16xf32>
      %add3A_437 = arith.constant 1.000000e+00 : f32
      %add3A_438 = vector.broadcast %add3A_437 : f32 to vector<16xf32>
      %add3A_439 = arith.addf %mul3A_436, %add3A_438 : vector<16xf32>
      %mul3A_440 = arith.mulf %add3A_439, %mul3A_413 : vector<16xf32>
      %add3A_441 = arith.constant 1.000000e+00 : f32
      %add3A_442 = vector.broadcast %add3A_441 : f32 to vector<16xf32>
      %add3A_443 = arith.addf %mul3A_440, %add3A_442 : vector<16xf32>
      %add3A_444 = arith.constant 127 : i32
      %add3A_445 = vector.broadcast %add3A_444 : i32 to vector<16xi32>
      %add3A_446 = arith.addi %convert_element_type3A_408, %add3A_445 : vector<16xi32>
      %shift_left3A_447 = arith.constant 23 : i32
      %shift_left3A_448 = vector.broadcast %shift_left3A_447 : i32 to vector<16xi32>
      %shift_left3A_449 = arith.shli %add3A_446, %shift_left3A_448 : vector<16xi32>
      %bitcast_convert_type3A_450 = tpu.bitcast %shift_left3A_449 : vector<16xi32> -> vector<16xf32>
      %mul3A_451 = arith.mulf %add3A_443, %bitcast_convert_type3A_450 : vector<16xf32>
      %add3A_452 = arith.constant 1.000000e+00 : f32
      %add3A_453 = vector.broadcast %add3A_452 : f32 to vector<16xf32>
      %add3A_454 = arith.addf %add3A_453, %mul3A_451 : vector<16xf32>
      %div3A_455 = arith.constant 1.000000e+00 : f32
      %div3A_456 = vector.broadcast %div3A_455 : f32 to vector<16xf32>
      %div3A_457 = arith.divf %div3A_456, %add3A_454 : vector<16xf32>
      %mul3A_458 = arith.mulf %add3A_454, %div3A_457 : vector<16xf32>
      %sub3A_459 = arith.constant 2.000000e+00 : f32
      %sub3A_460 = vector.broadcast %sub3A_459 : f32 to vector<16xf32>
      %sub3A_461 = arith.subf %sub3A_460, %mul3A_458 : vector<16xf32>
      %mul3A_462 = arith.mulf %div3A_457, %sub3A_461 : vector<16xf32>
      %bitcast_convert_type3A_463 = tpu.bitcast %mul3A_462 : vector<16xf32> -> vector<16xi32>
      %add3A_464 = arith.constant 32767 : i32
      %add3A_465 = vector.broadcast %add3A_464 : i32 to vector<16xi32>
      %add3A_466 = arith.addi %bitcast_convert_type3A_463, %add3A_465 : vector<16xi32>
      %shift_right_arithmetic3A_467 = arith.constant 16 : i32
      %shift_right_arithmetic3A_468 = vector.broadcast %shift_right_arithmetic3A_467 : i32 to vector<16xi32>
      %shift_right_arithmetic3A_469 = arith.shrsi %bitcast_convert_type3A_463, %shift_right_arithmetic3A_468 : vector<16xi32>
      %and3A_470 = arith.constant 1 : i32
      %and3A_471 = vector.broadcast %and3A_470 : i32 to vector<16xi32>
      %and3A_472 = arith.andi %shift_right_arithmetic3A_469, %and3A_471 : vector<16xi32>
      %add3A_473 = arith.addi %add3A_466, %and3A_472 : vector<16xi32>
      %and3A_474 = arith.constant -65536 : i32
      %and3A_475 = vector.broadcast %and3A_474 : i32 to vector<16xi32>
      %and3A_476 = arith.andi %add3A_473, %and3A_475 : vector<16xi32>
      %bitcast_convert_type3A_477 = tpu.bitcast %and3A_476 : vector<16xi32> -> vector<16xf32>
      %mul3A_478 = vector.broadcast %squeeze3A_394 : f32 to vector<16xf32>
      %mul3A_479 = arith.mulf %bitcast_convert_type3A_477, %mul3A_478 : vector<16xf32>
      %add3A_480 = arith.addf %add3A_301, %mul3A_479 : vector<16xf32>
      %mul3A_481 = arith.mulf %gather3A_390, %gather3A_392 : vector<16xf32>
      %neg3A_482 = arith.constant 0.000000e+00 : f32
      %neg3A_483 = vector.broadcast %neg3A_482 : f32 to vector<16xf32>
      %neg3A_484 = arith.subf %neg3A_483, %mul3A_481 : vector<16xf32>
      %mul3A_485 = arith.constant 1.44269502 : f32
      %mul3A_486 = vector.broadcast %mul3A_485 : f32 to vector<16xf32>
      %mul3A_487 = arith.mulf %neg3A_484, %mul3A_486 : vector<16xf32>
      %jit3A_488 = arith.constant -1.260000e+02 : f32
      %jit3A_489 = arith.constant 1.260000e+02 : f32
      %max3A_490 = vector.broadcast %jit3A_488 : f32 to vector<16xf32>
      %max3A_491 = arith.maximumf %max3A_490, %mul3A_487 : vector<16xf32>
      %min3A_492 = vector.broadcast %jit3A_489 : f32 to vector<16xf32>
      %min3A_493 = arith.minimumf %min3A_492, %max3A_491 : vector<16xf32>
      %convert_element_type3A_494 = arith.fptosi %min3A_493 : vector<16xf32> to vector<16xi32>
      %convert_element_type3A_495 = arith.sitofp %convert_element_type3A_494 : vector<16xi32> to vector<16xf32>
      %sub3A_496 = arith.subf %min3A_493, %convert_element_type3A_495 : vector<16xf32>
      %mul3A_497 = arith.constant 0.693147182 : f32
      %mul3A_498 = vector.broadcast %mul3A_497 : f32 to vector<16xf32>
      %mul3A_499 = arith.mulf %sub3A_496, %mul3A_498 : vector<16xf32>
      %mul3A_500 = arith.constant 1.98412701E-4 : f32
      %mul3A_501 = vector.broadcast %mul3A_500 : f32 to vector<16xf32>
      %mul3A_502 = arith.mulf %mul3A_501, %mul3A_499 : vector<16xf32>
      %add3A_503 = arith.constant 0.00138888892 : f32
      %add3A_504 = vector.broadcast %add3A_503 : f32 to vector<16xf32>
      %add3A_505 = arith.addf %mul3A_502, %add3A_504 : vector<16xf32>
      %mul3A_506 = arith.mulf %add3A_505, %mul3A_499 : vector<16xf32>
      %add3A_507 = arith.constant 0.00833333377 : f32
      %add3A_508 = vector.broadcast %add3A_507 : f32 to vector<16xf32>
      %add3A_509 = arith.addf %mul3A_506, %add3A_508 : vector<16xf32>
      %mul3A_510 = arith.mulf %add3A_509, %mul3A_499 : vector<16xf32>
      %add3A_511 = arith.constant 0.0416666679 : f32
      %add3A_512 = vector.broadcast %add3A_511 : f32 to vector<16xf32>
      %add3A_513 = arith.addf %mul3A_510, %add3A_512 : vector<16xf32>
      %mul3A_514 = arith.mulf %add3A_513, %mul3A_499 : vector<16xf32>
      %add3A_515 = arith.constant 0.166666672 : f32
      %add3A_516 = vector.broadcast %add3A_515 : f32 to vector<16xf32>
      %add3A_517 = arith.addf %mul3A_514, %add3A_516 : vector<16xf32>
      %mul3A_518 = arith.mulf %add3A_517, %mul3A_499 : vector<16xf32>
      %add3A_519 = arith.constant 5.000000e-01 : f32
      %add3A_520 = vector.broadcast %add3A_519 : f32 to vector<16xf32>
      %add3A_521 = arith.addf %mul3A_518, %add3A_520 : vector<16xf32>
      %mul3A_522 = arith.mulf %add3A_521, %mul3A_499 : vector<16xf32>
      %add3A_523 = arith.constant 1.000000e+00 : f32
      %add3A_524 = vector.broadcast %add3A_523 : f32 to vector<16xf32>
      %add3A_525 = arith.addf %mul3A_522, %add3A_524 : vector<16xf32>
      %mul3A_526 = arith.mulf %add3A_525, %mul3A_499 : vector<16xf32>
      %add3A_527 = arith.constant 1.000000e+00 : f32
      %add3A_528 = vector.broadcast %add3A_527 : f32 to vector<16xf32>
      %add3A_529 = arith.addf %mul3A_526, %add3A_528 : vector<16xf32>
      %add3A_530 = arith.constant 127 : i32
      %add3A_531 = vector.broadcast %add3A_530 : i32 to vector<16xi32>
      %add3A_532 = arith.addi %convert_element_type3A_494, %add3A_531 : vector<16xi32>
      %shift_left3A_533 = arith.constant 23 : i32
      %shift_left3A_534 = vector.broadcast %shift_left3A_533 : i32 to vector<16xi32>
      %shift_left3A_535 = arith.shli %add3A_532, %shift_left3A_534 : vector<16xi32>
      %bitcast_convert_type3A_536 = tpu.bitcast %shift_left3A_535 : vector<16xi32> -> vector<16xf32>
      %mul3A_537 = arith.mulf %add3A_529, %bitcast_convert_type3A_536 : vector<16xf32>
      %add3A_538 = arith.constant 1.000000e+00 : f32
      %add3A_539 = vector.broadcast %add3A_538 : f32 to vector<16xf32>
      %add3A_540 = arith.addf %add3A_539, %mul3A_537 : vector<16xf32>
      %div3A_541 = arith.constant 1.000000e+00 : f32
      %div3A_542 = vector.broadcast %div3A_541 : f32 to vector<16xf32>
      %div3A_543 = arith.divf %div3A_542, %add3A_540 : vector<16xf32>
      %mul3A_544 = arith.mulf %add3A_540, %div3A_543 : vector<16xf32>
      %sub3A_545 = arith.constant 2.000000e+00 : f32
      %sub3A_546 = vector.broadcast %sub3A_545 : f32 to vector<16xf32>
      %sub3A_547 = arith.subf %sub3A_546, %mul3A_544 : vector<16xf32>
      %mul3A_548 = arith.mulf %div3A_543, %sub3A_547 : vector<16xf32>
      %bitcast_convert_type3A_549 = tpu.bitcast %mul3A_548 : vector<16xf32> -> vector<16xi32>
      %add3A_550 = arith.constant 32767 : i32
      %add3A_551 = vector.broadcast %add3A_550 : i32 to vector<16xi32>
      %add3A_552 = arith.addi %bitcast_convert_type3A_549, %add3A_551 : vector<16xi32>
      %shift_right_arithmetic3A_553 = arith.constant 16 : i32
      %shift_right_arithmetic3A_554 = vector.broadcast %shift_right_arithmetic3A_553 : i32 to vector<16xi32>
      %shift_right_arithmetic3A_555 = arith.shrsi %bitcast_convert_type3A_549, %shift_right_arithmetic3A_554 : vector<16xi32>
      %and3A_556 = arith.constant 1 : i32
      %and3A_557 = vector.broadcast %and3A_556 : i32 to vector<16xi32>
      %and3A_558 = arith.andi %shift_right_arithmetic3A_555, %and3A_557 : vector<16xi32>
      %add3A_559 = arith.addi %add3A_552, %and3A_558 : vector<16xi32>
      %and3A_560 = arith.constant -65536 : i32
      %and3A_561 = vector.broadcast %and3A_560 : i32 to vector<16xi32>
      %and3A_562 = arith.andi %add3A_559, %and3A_561 : vector<16xi32>
      %bitcast_convert_type3A_563 = tpu.bitcast %and3A_562 : vector<16xi32> -> vector<16xf32>
      %mul3A_564 = vector.broadcast %squeeze3A_394 : f32 to vector<16xf32>
      %mul3A_565 = arith.mulf %bitcast_convert_type3A_563, %mul3A_564 : vector<16xf32>
      %add3A_566 = arith.addf %add3A_387, %mul3A_565 : vector<16xf32>
      %broadcast_in_dim3A_567 = arith.constant 2 : i32
      %broadcast_in_dim3A_568 = vector.broadcast %broadcast_in_dim3A_567 : i32 to vector<16xi32>
      %gather3A_569 = tpu.vector_load_idx %arg13[%add3A_219, %broadcast_in_dim3A_568] : memref<512x16xf32, #tpu.memory_space<vmem>>[vector<16xi32>, vector<16xi32>], vector<16xf32>,
      %gather3A_570 = tpu.vector_load_idx %arg14[%add3A_219, %broadcast_in_dim3A_568] : memref<512x16xf32, #tpu.memory_space<vmem>>[vector<16xi32>, vector<16xi32>], vector<16xf32>,
      %gather3A_571 = tpu.vector_load_idx %arg15[%add3A_219, %broadcast_in_dim3A_568] : memref<512x16xf32, #tpu.memory_space<vmem>>[vector<16xi32>, vector<16xi32>], vector<16xf32>,
      %slice3A_572 = vector.extract_strided_slice %bitcast_convert_type3A_210 {offsets = [2], sizes = [1], strides = [1]} : vector<16xf32> to vector<1xf32>
      %squeeze3A_573 = vector.extract %slice3A_572[0] : f32 from vector<1xf32>
      %mul3A_574 = arith.mulf %gather3A_569, %gather3A_570 : vector<16xf32>
      %neg3A_575 = arith.constant 0.000000e+00 : f32
      %neg3A_576 = vector.broadcast %neg3A_575 : f32 to vector<16xf32>
      %neg3A_577 = arith.subf %neg3A_576, %mul3A_574 : vector<16xf32>
      %mul3A_578 = arith.constant 1.44269502 : f32
      %mul3A_579 = vector.broadcast %mul3A_578 : f32 to vector<16xf32>
      %mul3A_580 = arith.mulf %neg3A_577, %mul3A_579 : vector<16xf32>
      %jit3A_581 = arith.constant -1.260000e+02 : f32
      %jit3A_582 = arith.constant 1.260000e+02 : f32
      %max3A_583 = vector.broadcast %jit3A_581 : f32 to vector<16xf32>
      %max3A_584 = arith.maximumf %max3A_583, %mul3A_580 : vector<16xf32>
      %min3A_585 = vector.broadcast %jit3A_582 : f32 to vector<16xf32>
      %min3A_586 = arith.minimumf %min3A_585, %max3A_584 : vector<16xf32>
      %convert_element_type3A_587 = arith.fptosi %min3A_586 : vector<16xf32> to vector<16xi32>
      %convert_element_type3A_588 = arith.sitofp %convert_element_type3A_587 : vector<16xi32> to vector<16xf32>
      %sub3A_589 = arith.subf %min3A_586, %convert_element_type3A_588 : vector<16xf32>
      %mul3A_590 = arith.constant 0.693147182 : f32
      %mul3A_591 = vector.broadcast %mul3A_590 : f32 to vector<16xf32>
      %mul3A_592 = arith.mulf %sub3A_589, %mul3A_591 : vector<16xf32>
      %mul3A_593 = arith.constant 1.98412701E-4 : f32
      %mul3A_594 = vector.broadcast %mul3A_593 : f32 to vector<16xf32>
      %mul3A_595 = arith.mulf %mul3A_594, %mul3A_592 : vector<16xf32>
      %add3A_596 = arith.constant 0.00138888892 : f32
      %add3A_597 = vector.broadcast %add3A_596 : f32 to vector<16xf32>
      %add3A_598 = arith.addf %mul3A_595, %add3A_597 : vector<16xf32>
      %mul3A_599 = arith.mulf %add3A_598, %mul3A_592 : vector<16xf32>
      %add3A_600 = arith.constant 0.00833333377 : f32
      %add3A_601 = vector.broadcast %add3A_600 : f32 to vector<16xf32>
      %add3A_602 = arith.addf %mul3A_599, %add3A_601 : vector<16xf32>
      %mul3A_603 = arith.mulf %add3A_602, %mul3A_592 : vector<16xf32>
      %add3A_604 = arith.constant 0.0416666679 : f32
      %add3A_605 = vector.broadcast %add3A_604 : f32 to vector<16xf32>
      %add3A_606 = arith.addf %mul3A_603, %add3A_605 : vector<16xf32>
      %mul3A_607 = arith.mulf %add3A_606, %mul3A_592 : vector<16xf32>
      %add3A_608 = arith.constant 0.166666672 : f32
      %add3A_609 = vector.broadcast %add3A_608 : f32 to vector<16xf32>
      %add3A_610 = arith.addf %mul3A_607, %add3A_609 : vector<16xf32>
      %mul3A_611 = arith.mulf %add3A_610, %mul3A_592 : vector<16xf32>
      %add3A_612 = arith.constant 5.000000e-01 : f32
      %add3A_613 = vector.broadcast %add3A_612 : f32 to vector<16xf32>
      %add3A_614 = arith.addf %mul3A_611, %add3A_613 : vector<16xf32>
      %mul3A_615 = arith.mulf %add3A_614, %mul3A_592 : vector<16xf32>
      %add3A_616 = arith.constant 1.000000e+00 : f32
      %add3A_617 = vector.broadcast %add3A_616 : f32 to vector<16xf32>
      %add3A_618 = arith.addf %mul3A_615, %add3A_617 : vector<16xf32>
      %mul3A_619 = arith.mulf %add3A_618, %mul3A_592 : vector<16xf32>
      %add3A_620 = arith.constant 1.000000e+00 : f32
      %add3A_621 = vector.broadcast %add3A_620 : f32 to vector<16xf32>
      %add3A_622 = arith.addf %mul3A_619, %add3A_621 : vector<16xf32>
      %add3A_623 = arith.constant 127 : i32
      %add3A_624 = vector.broadcast %add3A_623 : i32 to vector<16xi32>
      %add3A_625 = arith.addi %convert_element_type3A_587, %add3A_624 : vector<16xi32>
      %shift_left3A_626 = arith.constant 23 : i32
      %shift_left3A_627 = vector.broadcast %shift_left3A_626 : i32 to vector<16xi32>
      %shift_left3A_628 = arith.shli %add3A_625, %shift_left3A_627 : vector<16xi32>
      %bitcast_convert_type3A_629 = tpu.bitcast %shift_left3A_628 : vector<16xi32> -> vector<16xf32>
      %mul3A_630 = arith.mulf %add3A_622, %bitcast_convert_type3A_629 : vector<16xf32>
      %add3A_631 = arith.constant 1.000000e+00 : f32
      %add3A_632 = vector.broadcast %add3A_631 : f32 to vector<16xf32>
      %add3A_633 = arith.addf %add3A_632, %mul3A_630 : vector<16xf32>
      %div3A_634 = arith.constant 1.000000e+00 : f32
      %div3A_635 = vector.broadcast %div3A_634 : f32 to vector<16xf32>
      %div3A_636 = arith.divf %div3A_635, %add3A_633 : vector<16xf32>
      %mul3A_637 = arith.mulf %add3A_633, %div3A_636 : vector<16xf32>
      %sub3A_638 = arith.constant 2.000000e+00 : f32
      %sub3A_639 = vector.broadcast %sub3A_638 : f32 to vector<16xf32>
      %sub3A_640 = arith.subf %sub3A_639, %mul3A_637 : vector<16xf32>
      %mul3A_641 = arith.mulf %div3A_636, %sub3A_640 : vector<16xf32>
      %bitcast_convert_type3A_642 = tpu.bitcast %mul3A_641 : vector<16xf32> -> vector<16xi32>
      %add3A_643 = arith.constant 32767 : i32
      %add3A_644 = vector.broadcast %add3A_643 : i32 to vector<16xi32>
      %add3A_645 = arith.addi %bitcast_convert_type3A_642, %add3A_644 : vector<16xi32>
      %shift_right_arithmetic3A_646 = arith.constant 16 : i32
      %shift_right_arithmetic3A_647 = vector.broadcast %shift_right_arithmetic3A_646 : i32 to vector<16xi32>
      %shift_right_arithmetic3A_648 = arith.shrsi %bitcast_convert_type3A_642, %shift_right_arithmetic3A_647 : vector<16xi32>
      %and3A_649 = arith.constant 1 : i32
      %and3A_650 = vector.broadcast %and3A_649 : i32 to vector<16xi32>
      %and3A_651 = arith.andi %shift_right_arithmetic3A_648, %and3A_650 : vector<16xi32>
      %add3A_652 = arith.addi %add3A_645, %and3A_651 : vector<16xi32>
      %and3A_653 = arith.constant -65536 : i32
      %and3A_654 = vector.broadcast %and3A_653 : i32 to vector<16xi32>
      %and3A_655 = arith.andi %add3A_652, %and3A_654 : vector<16xi32>
      %bitcast_convert_type3A_656 = tpu.bitcast %and3A_655 : vector<16xi32> -> vector<16xf32>
      %mul3A_657 = vector.broadcast %squeeze3A_573 : f32 to vector<16xf32>
      %mul3A_658 = arith.mulf %bitcast_convert_type3A_656, %mul3A_657 : vector<16xf32>
      %add3A_659 = arith.addf %add3A_480, %mul3A_658 : vector<16xf32>
      %mul3A_660 = arith.mulf %gather3A_569, %gather3A_571 : vector<16xf32>
      %neg3A_661 = arith.constant 0.000000e+00 : f32
      %neg3A_662 = vector.broadcast %neg3A_661 : f32 to vector<16xf32>
      %neg3A_663 = arith.subf %neg3A_662, %mul3A_660 : vector<16xf32>
      %mul3A_664 = arith.constant 1.44269502 : f32
      %mul3A_665 = vector.broadcast %mul3A_664 : f32 to vector<16xf32>
      %mul3A_666 = arith.mulf %neg3A_663, %mul3A_665 : vector<16xf32>
      %jit3A_667 = arith.constant -1.260000e+02 : f32
      %jit3A_668 = arith.constant 1.260000e+02 : f32
      %max3A_669 = vector.broadcast %jit3A_667 : f32 to vector<16xf32>
      %max3A_670 = arith.maximumf %max3A_669, %mul3A_666 : vector<16xf32>
      %min3A_671 = vector.broadcast %jit3A_668 : f32 to vector<16xf32>
      %min3A_672 = arith.minimumf %min3A_671, %max3A_670 : vector<16xf32>
      %convert_element_type3A_673 = arith.fptosi %min3A_672 : vector<16xf32> to vector<16xi32>
      %convert_element_type3A_674 = arith.sitofp %convert_element_type3A_673 : vector<16xi32> to vector<16xf32>
      %sub3A_675 = arith.subf %min3A_672, %convert_element_type3A_674 : vector<16xf32>
      %mul3A_676 = arith.constant 0.693147182 : f32
      %mul3A_677 = vector.broadcast %mul3A_676 : f32 to vector<16xf32>
      %mul3A_678 = arith.mulf %sub3A_675, %mul3A_677 : vector<16xf32>
      %mul3A_679 = arith.constant 1.98412701E-4 : f32
      %mul3A_680 = vector.broadcast %mul3A_679 : f32 to vector<16xf32>
      %mul3A_681 = arith.mulf %mul3A_680, %mul3A_678 : vector<16xf32>
      %add3A_682 = arith.constant 0.00138888892 : f32
      %add3A_683 = vector.broadcast %add3A_682 : f32 to vector<16xf32>
      %add3A_684 = arith.addf %mul3A_681, %add3A_683 : vector<16xf32>
      %mul3A_685 = arith.mulf %add3A_684, %mul3A_678 : vector<16xf32>
      %add3A_686 = arith.constant 0.00833333377 : f32
      %add3A_687 = vector.broadcast %add3A_686 : f32 to vector<16xf32>
      %add3A_688 = arith.addf %mul3A_685, %add3A_687 : vector<16xf32>
      %mul3A_689 = arith.mulf %add3A_688, %mul3A_678 : vector<16xf32>
      %add3A_690 = arith.constant 0.0416666679 : f32
      %add3A_691 = vector.broadcast %add3A_690 : f32 to vector<16xf32>
      %add3A_692 = arith.addf %mul3A_689, %add3A_691 : vector<16xf32>
      %mul3A_693 = arith.mulf %add3A_692, %mul3A_678 : vector<16xf32>
      %add3A_694 = arith.constant 0.166666672 : f32
      %add3A_695 = vector.broadcast %add3A_694 : f32 to vector<16xf32>
      %add3A_696 = arith.addf %mul3A_693, %add3A_695 : vector<16xf32>
      %mul3A_697 = arith.mulf %add3A_696, %mul3A_678 : vector<16xf32>
      %add3A_698 = arith.constant 5.000000e-01 : f32
      %add3A_699 = vector.broadcast %add3A_698 : f32 to vector<16xf32>
      %add3A_700 = arith.addf %mul3A_697, %add3A_699 : vector<16xf32>
      %mul3A_701 = arith.mulf %add3A_700, %mul3A_678 : vector<16xf32>
      %add3A_702 = arith.constant 1.000000e+00 : f32
      %add3A_703 = vector.broadcast %add3A_702 : f32 to vector<16xf32>
      %add3A_704 = arith.addf %mul3A_701, %add3A_703 : vector<16xf32>
      %mul3A_705 = arith.mulf %add3A_704, %mul3A_678 : vector<16xf32>
      %add3A_706 = arith.constant 1.000000e+00 : f32
      %add3A_707 = vector.broadcast %add3A_706 : f32 to vector<16xf32>
      %add3A_708 = arith.addf %mul3A_705, %add3A_707 : vector<16xf32>
      %add3A_709 = arith.constant 127 : i32
      %add3A_710 = vector.broadcast %add3A_709 : i32 to vector<16xi32>
      %add3A_711 = arith.addi %convert_element_type3A_673, %add3A_710 : vector<16xi32>
      %shift_left3A_712 = arith.constant 23 : i32
      %shift_left3A_713 = vector.broadcast %shift_left3A_712 : i32 to vector<16xi32>
      %shift_left3A_714 = arith.shli %add3A_711, %shift_left3A_713 : vector<16xi32>
      %bitcast_convert_type3A_715 = tpu.bitcast %shift_left3A_714 : vector<16xi32> -> vector<16xf32>
      %mul3A_716 = arith.mulf %add3A_708, %bitcast_convert_type3A_715 : vector<16xf32>
      %add3A_717 = arith.constant 1.000000e+00 : f32
      %add3A_718 = vector.broadcast %add3A_717 : f32 to vector<16xf32>
      %add3A_719 = arith.addf %add3A_718, %mul3A_716 : vector<16xf32>
      %div3A_720 = arith.constant 1.000000e+00 : f32
      %div3A_721 = vector.broadcast %div3A_720 : f32 to vector<16xf32>
      %div3A_722 = arith.divf %div3A_721, %add3A_719 : vector<16xf32>
      %mul3A_723 = arith.mulf %add3A_719, %div3A_722 : vector<16xf32>
      %sub3A_724 = arith.constant 2.000000e+00 : f32
      %sub3A_725 = vector.broadcast %sub3A_724 : f32 to vector<16xf32>
      %sub3A_726 = arith.subf %sub3A_725, %mul3A_723 : vector<16xf32>
      %mul3A_727 = arith.mulf %div3A_722, %sub3A_726 : vector<16xf32>
      %bitcast_convert_type3A_728 = tpu.bitcast %mul3A_727 : vector<16xf32> -> vector<16xi32>
      %add3A_729 = arith.constant 32767 : i32
      %add3A_730 = vector.broadcast %add3A_729 : i32 to vector<16xi32>
      %add3A_731 = arith.addi %bitcast_convert_type3A_728, %add3A_730 : vector<16xi32>
      %shift_right_arithmetic3A_732 = arith.constant 16 : i32
      %shift_right_arithmetic3A_733 = vector.broadcast %shift_right_arithmetic3A_732 : i32 to vector<16xi32>
      %shift_right_arithmetic3A_734 = arith.shrsi %bitcast_convert_type3A_728, %shift_right_arithmetic3A_733 : vector<16xi32>
      %and3A_735 = arith.constant 1 : i32
      %and3A_736 = vector.broadcast %and3A_735 : i32 to vector<16xi32>
      %and3A_737 = arith.andi %shift_right_arithmetic3A_734, %and3A_736 : vector<16xi32>
      %add3A_738 = arith.addi %add3A_731, %and3A_737 : vector<16xi32>
      %and3A_739 = arith.constant -65536 : i32
      %and3A_740 = vector.broadcast %and3A_739 : i32 to vector<16xi32>
      %and3A_741 = arith.andi %add3A_738, %and3A_740 : vector<16xi32>
      %bitcast_convert_type3A_742 = tpu.bitcast %and3A_741 : vector<16xi32> -> vector<16xf32>
      %mul3A_743 = vector.broadcast %squeeze3A_573 : f32 to vector<16xf32>
      %mul3A_744 = arith.mulf %bitcast_convert_type3A_742, %mul3A_743 : vector<16xf32>
      %add3A_745 = arith.addf %add3A_566, %mul3A_744 : vector<16xf32>
      %broadcast_in_dim3A_746 = arith.constant 3 : i32
      %broadcast_in_dim3A_747 = vector.broadcast %broadcast_in_dim3A_746 : i32 to vector<16xi32>
      %gather3A_748 = tpu.vector_load_idx %arg13[%add3A_219, %broadcast_in_dim3A_747] : memref<512x16xf32, #tpu.memory_space<vmem>>[vector<16xi32>, vector<16xi32>], vector<16xf32>,
      %gather3A_749 = tpu.vector_load_idx %arg14[%add3A_219, %broadcast_in_dim3A_747] : memref<512x16xf32, #tpu.memory_space<vmem>>[vector<16xi32>, vector<16xi32>], vector<16xf32>,
      %gather3A_750 = tpu.vector_load_idx %arg15[%add3A_219, %broadcast_in_dim3A_747] : memref<512x16xf32, #tpu.memory_space<vmem>>[vector<16xi32>, vector<16xi32>], vector<16xf32>,
      %slice3A_751 = vector.extract_strided_slice %bitcast_convert_type3A_210 {offsets = [3], sizes = [1], strides = [1]} : vector<16xf32> to vector<1xf32>
      %squeeze3A_752 = vector.extract %slice3A_751[0] : f32 from vector<1xf32>
      %mul3A_753 = arith.mulf %gather3A_748, %gather3A_749 : vector<16xf32>
      %neg3A_754 = arith.constant 0.000000e+00 : f32
      %neg3A_755 = vector.broadcast %neg3A_754 : f32 to vector<16xf32>
      %neg3A_756 = arith.subf %neg3A_755, %mul3A_753 : vector<16xf32>
      %mul3A_757 = arith.constant 1.44269502 : f32
      %mul3A_758 = vector.broadcast %mul3A_757 : f32 to vector<16xf32>
      %mul3A_759 = arith.mulf %neg3A_756, %mul3A_758 : vector<16xf32>
      %jit3A_760 = arith.constant -1.260000e+02 : f32
      %jit3A_761 = arith.constant 1.260000e+02 : f32
      %max3A_762 = vector.broadcast %jit3A_760 : f32 to vector<16xf32>
      %max3A_763 = arith.maximumf %max3A_762, %mul3A_759 : vector<16xf32>
      %min3A_764 = vector.broadcast %jit3A_761 : f32 to vector<16xf32>
      %min3A_765 = arith.minimumf %min3A_764, %max3A_763 : vector<16xf32>
      %convert_element_type3A_766 = arith.fptosi %min3A_765 : vector<16xf32> to vector<16xi32>
      %convert_element_type3A_767 = arith.sitofp %convert_element_type3A_766 : vector<16xi32> to vector<16xf32>
      %sub3A_768 = arith.subf %min3A_765, %convert_element_type3A_767 : vector<16xf32>
      %mul3A_769 = arith.constant 0.693147182 : f32
      %mul3A_770 = vector.broadcast %mul3A_769 : f32 to vector<16xf32>
      %mul3A_771 = arith.mulf %sub3A_768, %mul3A_770 : vector<16xf32>
      %mul3A_772 = arith.constant 1.98412701E-4 : f32
      %mul3A_773 = vector.broadcast %mul3A_772 : f32 to vector<16xf32>
      %mul3A_774 = arith.mulf %mul3A_773, %mul3A_771 : vector<16xf32>
      %add3A_775 = arith.constant 0.00138888892 : f32
      %add3A_776 = vector.broadcast %add3A_775 : f32 to vector<16xf32>
      %add3A_777 = arith.addf %mul3A_774, %add3A_776 : vector<16xf32>
      %mul3A_778 = arith.mulf %add3A_777, %mul3A_771 : vector<16xf32>
      %add3A_779 = arith.constant 0.00833333377 : f32
      %add3A_780 = vector.broadcast %add3A_779 : f32 to vector<16xf32>
      %add3A_781 = arith.addf %mul3A_778, %add3A_780 : vector<16xf32>
      %mul3A_782 = arith.mulf %add3A_781, %mul3A_771 : vector<16xf32>
      %add3A_783 = arith.constant 0.0416666679 : f32
      %add3A_784 = vector.broadcast %add3A_783 : f32 to vector<16xf32>
      %add3A_785 = arith.addf %mul3A_782, %add3A_784 : vector<16xf32>
      %mul3A_786 = arith.mulf %add3A_785, %mul3A_771 : vector<16xf32>
      %add3A_787 = arith.constant 0.166666672 : f32
      %add3A_788 = vector.broadcast %add3A_787 : f32 to vector<16xf32>
      %add3A_789 = arith.addf %mul3A_786, %add3A_788 : vector<16xf32>
      %mul3A_790 = arith.mulf %add3A_789, %mul3A_771 : vector<16xf32>
      %add3A_791 = arith.constant 5.000000e-01 : f32
      %add3A_792 = vector.broadcast %add3A_791 : f32 to vector<16xf32>
      %add3A_793 = arith.addf %mul3A_790, %add3A_792 : vector<16xf32>
      %mul3A_794 = arith.mulf %add3A_793, %mul3A_771 : vector<16xf32>
      %add3A_795 = arith.constant 1.000000e+00 : f32
      %add3A_796 = vector.broadcast %add3A_795 : f32 to vector<16xf32>
      %add3A_797 = arith.addf %mul3A_794, %add3A_796 : vector<16xf32>
      %mul3A_798 = arith.mulf %add3A_797, %mul3A_771 : vector<16xf32>
      %add3A_799 = arith.constant 1.000000e+00 : f32
      %add3A_800 = vector.broadcast %add3A_799 : f32 to vector<16xf32>
      %add3A_801 = arith.addf %mul3A_798, %add3A_800 : vector<16xf32>
      %add3A_802 = arith.constant 127 : i32
      %add3A_803 = vector.broadcast %add3A_802 : i32 to vector<16xi32>
      %add3A_804 = arith.addi %convert_element_type3A_766, %add3A_803 : vector<16xi32>
      %shift_left3A_805 = arith.constant 23 : i32
      %shift_left3A_806 = vector.broadcast %shift_left3A_805 : i32 to vector<16xi32>
      %shift_left3A_807 = arith.shli %add3A_804, %shift_left3A_806 : vector<16xi32>
      %bitcast_convert_type3A_808 = tpu.bitcast %shift_left3A_807 : vector<16xi32> -> vector<16xf32>
      %mul3A_809 = arith.mulf %add3A_801, %bitcast_convert_type3A_808 : vector<16xf32>
      %add3A_810 = arith.constant 1.000000e+00 : f32
      %add3A_811 = vector.broadcast %add3A_810 : f32 to vector<16xf32>
      %add3A_812 = arith.addf %add3A_811, %mul3A_809 : vector<16xf32>
      %div3A_813 = arith.constant 1.000000e+00 : f32
      %div3A_814 = vector.broadcast %div3A_813 : f32 to vector<16xf32>
      %div3A_815 = arith.divf %div3A_814, %add3A_812 : vector<16xf32>
      %mul3A_816 = arith.mulf %add3A_812, %div3A_815 : vector<16xf32>
      %sub3A_817 = arith.constant 2.000000e+00 : f32
      %sub3A_818 = vector.broadcast %sub3A_817 : f32 to vector<16xf32>
      %sub3A_819 = arith.subf %sub3A_818, %mul3A_816 : vector<16xf32>
      %mul3A_820 = arith.mulf %div3A_815, %sub3A_819 : vector<16xf32>
      %bitcast_convert_type3A_821 = tpu.bitcast %mul3A_820 : vector<16xf32> -> vector<16xi32>
      %add3A_822 = arith.constant 32767 : i32
      %add3A_823 = vector.broadcast %add3A_822 : i32 to vector<16xi32>
      %add3A_824 = arith.addi %bitcast_convert_type3A_821, %add3A_823 : vector<16xi32>
      %shift_right_arithmetic3A_825 = arith.constant 16 : i32
      %shift_right_arithmetic3A_826 = vector.broadcast %shift_right_arithmetic3A_825 : i32 to vector<16xi32>
      %shift_right_arithmetic3A_827 = arith.shrsi %bitcast_convert_type3A_821, %shift_right_arithmetic3A_826 : vector<16xi32>
      %and3A_828 = arith.constant 1 : i32
      %and3A_829 = vector.broadcast %and3A_828 : i32 to vector<16xi32>
      %and3A_830 = arith.andi %shift_right_arithmetic3A_827, %and3A_829 : vector<16xi32>
      %add3A_831 = arith.addi %add3A_824, %and3A_830 : vector<16xi32>
      %and3A_832 = arith.constant -65536 : i32
      %and3A_833 = vector.broadcast %and3A_832 : i32 to vector<16xi32>
      %and3A_834 = arith.andi %add3A_831, %and3A_833 : vector<16xi32>
      %bitcast_convert_type3A_835 = tpu.bitcast %and3A_834 : vector<16xi32> -> vector<16xf32>
      %mul3A_836 = vector.broadcast %squeeze3A_752 : f32 to vector<16xf32>
      %mul3A_837 = arith.mulf %bitcast_convert_type3A_835, %mul3A_836 : vector<16xf32>
      %add3A_838 = arith.addf %add3A_659, %mul3A_837 : vector<16xf32>
      %mul3A_839 = arith.mulf %gather3A_748, %gather3A_750 : vector<16xf32>
      %neg3A_840 = arith.constant 0.000000e+00 : f32
      %neg3A_841 = vector.broadcast %neg3A_840 : f32 to vector<16xf32>
      %neg3A_842 = arith.subf %neg3A_841, %mul3A_839 : vector<16xf32>
      %mul3A_843 = arith.constant 1.44269502 : f32
      %mul3A_844 = vector.broadcast %mul3A_843 : f32 to vector<16xf32>
      %mul3A_845 = arith.mulf %neg3A_842, %mul3A_844 : vector<16xf32>
      %jit3A_846 = arith.constant -1.260000e+02 : f32
      %jit3A_847 = arith.constant 1.260000e+02 : f32
      %max3A_848 = vector.broadcast %jit3A_846 : f32 to vector<16xf32>
      %max3A_849 = arith.maximumf %max3A_848, %mul3A_845 : vector<16xf32>
      %min3A_850 = vector.broadcast %jit3A_847 : f32 to vector<16xf32>
      %min3A_851 = arith.minimumf %min3A_850, %max3A_849 : vector<16xf32>
      %convert_element_type3A_852 = arith.fptosi %min3A_851 : vector<16xf32> to vector<16xi32>
      %convert_element_type3A_853 = arith.sitofp %convert_element_type3A_852 : vector<16xi32> to vector<16xf32>
      %sub3A_854 = arith.subf %min3A_851, %convert_element_type3A_853 : vector<16xf32>
      %mul3A_855 = arith.constant 0.693147182 : f32
      %mul3A_856 = vector.broadcast %mul3A_855 : f32 to vector<16xf32>
      %mul3A_857 = arith.mulf %sub3A_854, %mul3A_856 : vector<16xf32>
      %mul3A_858 = arith.constant 1.98412701E-4 : f32
      %mul3A_859 = vector.broadcast %mul3A_858 : f32 to vector<16xf32>
      %mul3A_860 = arith.mulf %mul3A_859, %mul3A_857 : vector<16xf32>
      %add3A_861 = arith.constant 0.00138888892 : f32
      %add3A_862 = vector.broadcast %add3A_861 : f32 to vector<16xf32>
      %add3A_863 = arith.addf %mul3A_860, %add3A_862 : vector<16xf32>
      %mul3A_864 = arith.mulf %add3A_863, %mul3A_857 : vector<16xf32>
      %add3A_865 = arith.constant 0.00833333377 : f32
      %add3A_866 = vector.broadcast %add3A_865 : f32 to vector<16xf32>
      %add3A_867 = arith.addf %mul3A_864, %add3A_866 : vector<16xf32>
      %mul3A_868 = arith.mulf %add3A_867, %mul3A_857 : vector<16xf32>
      %add3A_869 = arith.constant 0.0416666679 : f32
      %add3A_870 = vector.broadcast %add3A_869 : f32 to vector<16xf32>
      %add3A_871 = arith.addf %mul3A_868, %add3A_870 : vector<16xf32>
      %mul3A_872 = arith.mulf %add3A_871, %mul3A_857 : vector<16xf32>
      %add3A_873 = arith.constant 0.166666672 : f32
      %add3A_874 = vector.broadcast %add3A_873 : f32 to vector<16xf32>
      %add3A_875 = arith.addf %mul3A_872, %add3A_874 : vector<16xf32>
      %mul3A_876 = arith.mulf %add3A_875, %mul3A_857 : vector<16xf32>
      %add3A_877 = arith.constant 5.000000e-01 : f32
      %add3A_878 = vector.broadcast %add3A_877 : f32 to vector<16xf32>
      %add3A_879 = arith.addf %mul3A_876, %add3A_878 : vector<16xf32>
      %mul3A_880 = arith.mulf %add3A_879, %mul3A_857 : vector<16xf32>
      %add3A_881 = arith.constant 1.000000e+00 : f32
      %add3A_882 = vector.broadcast %add3A_881 : f32 to vector<16xf32>
      %add3A_883 = arith.addf %mul3A_880, %add3A_882 : vector<16xf32>
      %mul3A_884 = arith.mulf %add3A_883, %mul3A_857 : vector<16xf32>
      %add3A_885 = arith.constant 1.000000e+00 : f32
      %add3A_886 = vector.broadcast %add3A_885 : f32 to vector<16xf32>
      %add3A_887 = arith.addf %mul3A_884, %add3A_886 : vector<16xf32>
      %add3A_888 = arith.constant 127 : i32
      %add3A_889 = vector.broadcast %add3A_888 : i32 to vector<16xi32>
      %add3A_890 = arith.addi %convert_element_type3A_852, %add3A_889 : vector<16xi32>
      %shift_left3A_891 = arith.constant 23 : i32
      %shift_left3A_892 = vector.broadcast %shift_left3A_891 : i32 to vector<16xi32>
      %shift_left3A_893 = arith.shli %add3A_890, %shift_left3A_892 : vector<16xi32>
      %bitcast_convert_type3A_894 = tpu.bitcast %shift_left3A_893 : vector<16xi32> -> vector<16xf32>
      %mul3A_895 = arith.mulf %add3A_887, %bitcast_convert_type3A_894 : vector<16xf32>
      %add3A_896 = arith.constant 1.000000e+00 : f32
      %add3A_897 = vector.broadcast %add3A_896 : f32 to vector<16xf32>
      %add3A_898 = arith.addf %add3A_897, %mul3A_895 : vector<16xf32>
      %div3A_899 = arith.constant 1.000000e+00 : f32
      %div3A_900 = vector.broadcast %div3A_899 : f32 to vector<16xf32>
      %div3A_901 = arith.divf %div3A_900, %add3A_898 : vector<16xf32>
      %mul3A_902 = arith.mulf %add3A_898, %div3A_901 : vector<16xf32>
      %sub3A_903 = arith.constant 2.000000e+00 : f32
      %sub3A_904 = vector.broadcast %sub3A_903 : f32 to vector<16xf32>
      %sub3A_905 = arith.subf %sub3A_904, %mul3A_902 : vector<16xf32>
      %mul3A_906 = arith.mulf %div3A_901, %sub3A_905 : vector<16xf32>
      %bitcast_convert_type3A_907 = tpu.bitcast %mul3A_906 : vector<16xf32> -> vector<16xi32>
      %add3A_908 = arith.constant 32767 : i32
      %add3A_909 = vector.broadcast %add3A_908 : i32 to vector<16xi32>
      %add3A_910 = arith.addi %bitcast_convert_type3A_907, %add3A_909 : vector<16xi32>
      %shift_right_arithmetic3A_911 = arith.constant 16 : i32
      %shift_right_arithmetic3A_912 = vector.broadcast %shift_right_arithmetic3A_911 : i32 to vector<16xi32>
      %shift_right_arithmetic3A_913 = arith.shrsi %bitcast_convert_type3A_907, %shift_right_arithmetic3A_912 : vector<16xi32>
      %and3A_914 = arith.constant 1 : i32
      %and3A_915 = vector.broadcast %and3A_914 : i32 to vector<16xi32>
      %and3A_916 = arith.andi %shift_right_arithmetic3A_913, %and3A_915 : vector<16xi32>
      %add3A_917 = arith.addi %add3A_910, %and3A_916 : vector<16xi32>
      %and3A_918 = arith.constant -65536 : i32
      %and3A_919 = vector.broadcast %and3A_918 : i32 to vector<16xi32>
      %and3A_920 = arith.andi %add3A_917, %and3A_919 : vector<16xi32>
      %bitcast_convert_type3A_921 = tpu.bitcast %and3A_920 : vector<16xi32> -> vector<16xf32>
      %mul3A_922 = vector.broadcast %squeeze3A_752 : f32 to vector<16xf32>
      %mul3A_923 = arith.mulf %bitcast_convert_type3A_921, %mul3A_922 : vector<16xf32>
      %add3A_924 = arith.addf %add3A_745, %mul3A_923 : vector<16xf32>
      %broadcast_in_dim3A_925 = arith.constant 4 : i32
      %broadcast_in_dim3A_926 = vector.broadcast %broadcast_in_dim3A_925 : i32 to vector<16xi32>
      %gather3A_927 = tpu.vector_load_idx %arg13[%add3A_219, %broadcast_in_dim3A_926] : memref<512x16xf32, #tpu.memory_space<vmem>>[vector<16xi32>, vector<16xi32>], vector<16xf32>,
      %gather3A_928 = tpu.vector_load_idx %arg14[%add3A_219, %broadcast_in_dim3A_926] : memref<512x16xf32, #tpu.memory_space<vmem>>[vector<16xi32>, vector<16xi32>], vector<16xf32>,
      %gather3A_929 = tpu.vector_load_idx %arg15[%add3A_219, %broadcast_in_dim3A_926] : memref<512x16xf32, #tpu.memory_space<vmem>>[vector<16xi32>, vector<16xi32>], vector<16xf32>,
      %slice3A_930 = vector.extract_strided_slice %bitcast_convert_type3A_210 {offsets = [4], sizes = [1], strides = [1]} : vector<16xf32> to vector<1xf32>
      %squeeze3A_931 = vector.extract %slice3A_930[0] : f32 from vector<1xf32>
      %mul3A_932 = arith.mulf %gather3A_927, %gather3A_928 : vector<16xf32>
      %neg3A_933 = arith.constant 0.000000e+00 : f32
      %neg3A_934 = vector.broadcast %neg3A_933 : f32 to vector<16xf32>
      %neg3A_935 = arith.subf %neg3A_934, %mul3A_932 : vector<16xf32>
      %mul3A_936 = arith.constant 1.44269502 : f32
      %mul3A_937 = vector.broadcast %mul3A_936 : f32 to vector<16xf32>
      %mul3A_938 = arith.mulf %neg3A_935, %mul3A_937 : vector<16xf32>
      %jit3A_939 = arith.constant -1.260000e+02 : f32
      %jit3A_940 = arith.constant 1.260000e+02 : f32
      %max3A_941 = vector.broadcast %jit3A_939 : f32 to vector<16xf32>
      %max3A_942 = arith.maximumf %max3A_941, %mul3A_938 : vector<16xf32>
      %min3A_943 = vector.broadcast %jit3A_940 : f32 to vector<16xf32>
      %min3A_944 = arith.minimumf %min3A_943, %max3A_942 : vector<16xf32>
      %convert_element_type3A_945 = arith.fptosi %min3A_944 : vector<16xf32> to vector<16xi32>
      %convert_element_type3A_946 = arith.sitofp %convert_element_type3A_945 : vector<16xi32> to vector<16xf32>
      %sub3A_947 = arith.subf %min3A_944, %convert_element_type3A_946 : vector<16xf32>
      %mul3A_948 = arith.constant 0.693147182 : f32
      %mul3A_949 = vector.broadcast %mul3A_948 : f32 to vector<16xf32>
      %mul3A_950 = arith.mulf %sub3A_947, %mul3A_949 : vector<16xf32>
      %mul3A_951 = arith.constant 1.98412701E-4 : f32
      %mul3A_952 = vector.broadcast %mul3A_951 : f32 to vector<16xf32>
      %mul3A_953 = arith.mulf %mul3A_952, %mul3A_950 : vector<16xf32>
      %add3A_954 = arith.constant 0.00138888892 : f32
      %add3A_955 = vector.broadcast %add3A_954 : f32 to vector<16xf32>
      %add3A_956 = arith.addf %mul3A_953, %add3A_955 : vector<16xf32>
      %mul3A_957 = arith.mulf %add3A_956, %mul3A_950 : vector<16xf32>
      %add3A_958 = arith.constant 0.00833333377 : f32
      %add3A_959 = vector.broadcast %add3A_958 : f32 to vector<16xf32>
      %add3A_960 = arith.addf %mul3A_957, %add3A_959 : vector<16xf32>
      %mul3A_961 = arith.mulf %add3A_960, %mul3A_950 : vector<16xf32>
      %add3A_962 = arith.constant 0.0416666679 : f32
      %add3A_963 = vector.broadcast %add3A_962 : f32 to vector<16xf32>
      %add3A_964 = arith.addf %mul3A_961, %add3A_963 : vector<16xf32>
      %mul3A_965 = arith.mulf %add3A_964, %mul3A_950 : vector<16xf32>
      %add3A_966 = arith.constant 0.166666672 : f32
      %add3A_967 = vector.broadcast %add3A_966 : f32 to vector<16xf32>
      %add3A_968 = arith.addf %mul3A_965, %add3A_967 : vector<16xf32>
      %mul3A_969 = arith.mulf %add3A_968, %mul3A_950 : vector<16xf32>
      %add3A_970 = arith.constant 5.000000e-01 : f32
      %add3A_971 = vector.broadcast %add3A_970 : f32 to vector<16xf32>
      %add3A_972 = arith.addf %mul3A_969, %add3A_971 : vector<16xf32>
      %mul3A_973 = arith.mulf %add3A_972, %mul3A_950 : vector<16xf32>
      %add3A_974 = arith.constant 1.000000e+00 : f32
      %add3A_975 = vector.broadcast %add3A_974 : f32 to vector<16xf32>
      %add3A_976 = arith.addf %mul3A_973, %add3A_975 : vector<16xf32>
      %mul3A_977 = arith.mulf %add3A_976, %mul3A_950 : vector<16xf32>
      %add3A_978 = arith.constant 1.000000e+00 : f32
      %add3A_979 = vector.broadcast %add3A_978 : f32 to vector<16xf32>
      %add3A_980 = arith.addf %mul3A_977, %add3A_979 : vector<16xf32>
      %add3A_981 = arith.constant 127 : i32
      %add3A_982 = vector.broadcast %add3A_981 : i32 to vector<16xi32>
      %add3A_983 = arith.addi %convert_element_type3A_945, %add3A_982 : vector<16xi32>
      %shift_left3A_984 = arith.constant 23 : i32
      %shift_left3A_985 = vector.broadcast %shift_left3A_984 : i32 to vector<16xi32>
      %shift_left3A_986 = arith.shli %add3A_983, %shift_left3A_985 : vector<16xi32>
      %bitcast_convert_type3A_987 = tpu.bitcast %shift_left3A_986 : vector<16xi32> -> vector<16xf32>
      %mul3A_988 = arith.mulf %add3A_980, %bitcast_convert_type3A_987 : vector<16xf32>
      %add3A_989 = arith.constant 1.000000e+00 : f32
      %add3A_990 = vector.broadcast %add3A_989 : f32 to vector<16xf32>
      %add3A_991 = arith.addf %add3A_990, %mul3A_988 : vector<16xf32>
      %div3A_992 = arith.constant 1.000000e+00 : f32
      %div3A_993 = vector.broadcast %div3A_992 : f32 to vector<16xf32>
      %div3A_994 = arith.divf %div3A_993, %add3A_991 : vector<16xf32>
      %mul3A_995 = arith.mulf %add3A_991, %div3A_994 : vector<16xf32>
      %sub3A_996 = arith.constant 2.000000e+00 : f32
      %sub3A_997 = vector.broadcast %sub3A_996 : f32 to vector<16xf32>
      %sub3A_998 = arith.subf %sub3A_997, %mul3A_995 : vector<16xf32>
      %mul3A_999 = arith.mulf %div3A_994, %sub3A_998 : vector<16xf32>
      %bitcast_convert_type3A_1000 = tpu.bitcast %mul3A_999 : vector<16xf32> -> vector<16xi32>
      %add3A_1001 = arith.constant 32767 : i32
      %add3A_1002 = vector.broadcast %add3A_1001 : i32 to vector<16xi32>
      %add3A_1003 = arith.addi %bitcast_convert_type3A_1000, %add3A_1002 : vector<16xi32>
      %shift_right_arithmetic3A_1004 = arith.constant 16 : i32
      %shift_right_arithmetic3A_1005 = vector.broadcast %shift_right_arithmetic3A_1004 : i32 to vector<16xi32>
      %shift_right_arithmetic3A_1006 = arith.shrsi %bitcast_convert_type3A_1000, %shift_right_arithmetic3A_1005 : vector<16xi32>
      %and3A_1007 = arith.constant 1 : i32
      %and3A_1008 = vector.broadcast %and3A_1007 : i32 to vector<16xi32>
      %and3A_1009 = arith.andi %shift_right_arithmetic3A_1006, %and3A_1008 : vector<16xi32>
      %add3A_1010 = arith.addi %add3A_1003, %and3A_1009 : vector<16xi32>
      %and3A_1011 = arith.constant -65536 : i32
      %and3A_1012 = vector.broadcast %and3A_1011 : i32 to vector<16xi32>
      %and3A_1013 = arith.andi %add3A_1010, %and3A_1012 : vector<16xi32>
      %bitcast_convert_type3A_1014 = tpu.bitcast %and3A_1013 : vector<16xi32> -> vector<16xf32>
      %mul3A_1015 = vector.broadcast %squeeze3A_931 : f32 to vector<16xf32>
      %mul3A_1016 = arith.mulf %bitcast_convert_type3A_1014, %mul3A_1015 : vector<16xf32>
      %add3A_1017 = arith.addf %add3A_838, %mul3A_1016 : vector<16xf32>
      %mul3A_1018 = arith.mulf %gather3A_927, %gather3A_929 : vector<16xf32>
      %neg3A_1019 = arith.constant 0.000000e+00 : f32
      %neg3A_1020 = vector.broadcast %neg3A_1019 : f32 to vector<16xf32>
      %neg3A_1021 = arith.subf %neg3A_1020, %mul3A_1018 : vector<16xf32>
      %mul3A_1022 = arith.constant 1.44269502 : f32
      %mul3A_1023 = vector.broadcast %mul3A_1022 : f32 to vector<16xf32>
      %mul3A_1024 = arith.mulf %neg3A_1021, %mul3A_1023 : vector<16xf32>
      %jit3A_1025 = arith.constant -1.260000e+02 : f32
      %jit3A_1026 = arith.constant 1.260000e+02 : f32
      %max3A_1027 = vector.broadcast %jit3A_1025 : f32 to vector<16xf32>
      %max3A_1028 = arith.maximumf %max3A_1027, %mul3A_1024 : vector<16xf32>
      %min3A_1029 = vector.broadcast %jit3A_1026 : f32 to vector<16xf32>
      %min3A_1030 = arith.minimumf %min3A_1029, %max3A_1028 : vector<16xf32>
      %convert_element_type3A_1031 = arith.fptosi %min3A_1030 : vector<16xf32> to vector<16xi32>
      %convert_element_type3A_1032 = arith.sitofp %convert_element_type3A_1031 : vector<16xi32> to vector<16xf32>
      %sub3A_1033 = arith.subf %min3A_1030, %convert_element_type3A_1032 : vector<16xf32>
      %mul3A_1034 = arith.constant 0.693147182 : f32
      %mul3A_1035 = vector.broadcast %mul3A_1034 : f32 to vector<16xf32>
      %mul3A_1036 = arith.mulf %sub3A_1033, %mul3A_1035 : vector<16xf32>
      %mul3A_1037 = arith.constant 1.98412701E-4 : f32
      %mul3A_1038 = vector.broadcast %mul3A_1037 : f32 to vector<16xf32>
      %mul3A_1039 = arith.mulf %mul3A_1038, %mul3A_1036 : vector<16xf32>
      %add3A_1040 = arith.constant 0.00138888892 : f32
      %add3A_1041 = vector.broadcast %add3A_1040 : f32 to vector<16xf32>
      %add3A_1042 = arith.addf %mul3A_1039, %add3A_1041 : vector<16xf32>
      %mul3A_1043 = arith.mulf %add3A_1042, %mul3A_1036 : vector<16xf32>
      %add3A_1044 = arith.constant 0.00833333377 : f32
      %add3A_1045 = vector.broadcast %add3A_1044 : f32 to vector<16xf32>
      %add3A_1046 = arith.addf %mul3A_1043, %add3A_1045 : vector<16xf32>
      %mul3A_1047 = arith.mulf %add3A_1046, %mul3A_1036 : vector<16xf32>
      %add3A_1048 = arith.constant 0.0416666679 : f32
      %add3A_1049 = vector.broadcast %add3A_1048 : f32 to vector<16xf32>
      %add3A_1050 = arith.addf %mul3A_1047, %add3A_1049 : vector<16xf32>
      %mul3A_1051 = arith.mulf %add3A_1050, %mul3A_1036 : vector<16xf32>
      %add3A_1052 = arith.constant 0.166666672 : f32
      %add3A_1053 = vector.broadcast %add3A_1052 : f32 to vector<16xf32>
      %add3A_1054 = arith.addf %mul3A_1051, %add3A_1053 : vector<16xf32>
      %mul3A_1055 = arith.mulf %add3A_1054, %mul3A_1036 : vector<16xf32>
      %add3A_1056 = arith.constant 5.000000e-01 : f32
      %add3A_1057 = vector.broadcast %add3A_1056 : f32 to vector<16xf32>
      %add3A_1058 = arith.addf %mul3A_1055, %add3A_1057 : vector<16xf32>
      %mul3A_1059 = arith.mulf %add3A_1058, %mul3A_1036 : vector<16xf32>
      %add3A_1060 = arith.constant 1.000000e+00 : f32
      %add3A_1061 = vector.broadcast %add3A_1060 : f32 to vector<16xf32>
      %add3A_1062 = arith.addf %mul3A_1059, %add3A_1061 : vector<16xf32>
      %mul3A_1063 = arith.mulf %add3A_1062, %mul3A_1036 : vector<16xf32>
      %add3A_1064 = arith.constant 1.000000e+00 : f32
      %add3A_1065 = vector.broadcast %add3A_1064 : f32 to vector<16xf32>
      %add3A_1066 = arith.addf %mul3A_1063, %add3A_1065 : vector<16xf32>
      %add3A_1067 = arith.constant 127 : i32
      %add3A_1068 = vector.broadcast %add3A_1067 : i32 to vector<16xi32>
      %add3A_1069 = arith.addi %convert_element_type3A_1031, %add3A_1068 : vector<16xi32>
      %shift_left3A_1070 = arith.constant 23 : i32
      %shift_left3A_1071 = vector.broadcast %shift_left3A_1070 : i32 to vector<16xi32>
      %shift_left3A_1072 = arith.shli %add3A_1069, %shift_left3A_1071 : vector<16xi32>
      %bitcast_convert_type3A_1073 = tpu.bitcast %shift_left3A_1072 : vector<16xi32> -> vector<16xf32>
      %mul3A_1074 = arith.mulf %add3A_1066, %bitcast_convert_type3A_1073 : vector<16xf32>
      %add3A_1075 = arith.constant 1.000000e+00 : f32
      %add3A_1076 = vector.broadcast %add3A_1075 : f32 to vector<16xf32>
      %add3A_1077 = arith.addf %add3A_1076, %mul3A_1074 : vector<16xf32>
      %div3A_1078 = arith.constant 1.000000e+00 : f32
      %div3A_1079 = vector.broadcast %div3A_1078 : f32 to vector<16xf32>
      %div3A_1080 = arith.divf %div3A_1079, %add3A_1077 : vector<16xf32>
      %mul3A_1081 = arith.mulf %add3A_1077, %div3A_1080 : vector<16xf32>
      %sub3A_1082 = arith.constant 2.000000e+00 : f32
      %sub3A_1083 = vector.broadcast %sub3A_1082 : f32 to vector<16xf32>
      %sub3A_1084 = arith.subf %sub3A_1083, %mul3A_1081 : vector<16xf32>
      %mul3A_1085 = arith.mulf %div3A_1080, %sub3A_1084 : vector<16xf32>
      %bitcast_convert_type3A_1086 = tpu.bitcast %mul3A_1085 : vector<16xf32> -> vector<16xi32>
      %add3A_1087 = arith.constant 32767 : i32
      %add3A_1088 = vector.broadcast %add3A_1087 : i32 to vector<16xi32>
      %add3A_1089 = arith.addi %bitcast_convert_type3A_1086, %add3A_1088 : vector<16xi32>
      %shift_right_arithmetic3A_1090 = arith.constant 16 : i32
      %shift_right_arithmetic3A_1091 = vector.broadcast %shift_right_arithmetic3A_1090 : i32 to vector<16xi32>
      %shift_right_arithmetic3A_1092 = arith.shrsi %bitcast_convert_type3A_1086, %shift_right_arithmetic3A_1091 : vector<16xi32>
      %and3A_1093 = arith.constant 1 : i32
      %and3A_1094 = vector.broadcast %and3A_1093 : i32 to vector<16xi32>
      %and3A_1095 = arith.andi %shift_right_arithmetic3A_1092, %and3A_1094 : vector<16xi32>
      %add3A_1096 = arith.addi %add3A_1089, %and3A_1095 : vector<16xi32>
      %and3A_1097 = arith.constant -65536 : i32
      %and3A_1098 = vector.broadcast %and3A_1097 : i32 to vector<16xi32>
      %and3A_1099 = arith.andi %add3A_1096, %and3A_1098 : vector<16xi32>
      %bitcast_convert_type3A_1100 = tpu.bitcast %and3A_1099 : vector<16xi32> -> vector<16xf32>
      %mul3A_1101 = vector.broadcast %squeeze3A_931 : f32 to vector<16xf32>
      %mul3A_1102 = arith.mulf %bitcast_convert_type3A_1100, %mul3A_1101 : vector<16xf32>
      %add3A_1103 = arith.addf %add3A_924, %mul3A_1102 : vector<16xf32>
      %broadcast_in_dim3A_1104 = arith.constant 5 : i32
      %broadcast_in_dim3A_1105 = vector.broadcast %broadcast_in_dim3A_1104 : i32 to vector<16xi32>
      %gather3A_1106 = tpu.vector_load_idx %arg13[%add3A_219, %broadcast_in_dim3A_1105] : memref<512x16xf32, #tpu.memory_space<vmem>>[vector<16xi32>, vector<16xi32>], vector<16xf32>,
      %gather3A_1107 = tpu.vector_load_idx %arg14[%add3A_219, %broadcast_in_dim3A_1105] : memref<512x16xf32, #tpu.memory_space<vmem>>[vector<16xi32>, vector<16xi32>], vector<16xf32>,
      %gather3A_1108 = tpu.vector_load_idx %arg15[%add3A_219, %broadcast_in_dim3A_1105] : memref<512x16xf32, #tpu.memory_space<vmem>>[vector<16xi32>, vector<16xi32>], vector<16xf32>,
      %slice3A_1109 = vector.extract_strided_slice %bitcast_convert_type3A_210 {offsets = [5], sizes = [1], strides = [1]} : vector<16xf32> to vector<1xf32>
      %squeeze3A_1110 = vector.extract %slice3A_1109[0] : f32 from vector<1xf32>
      %mul3A_1111 = arith.mulf %gather3A_1106, %gather3A_1107 : vector<16xf32>
      %neg3A_1112 = arith.constant 0.000000e+00 : f32
      %neg3A_1113 = vector.broadcast %neg3A_1112 : f32 to vector<16xf32>
      %neg3A_1114 = arith.subf %neg3A_1113, %mul3A_1111 : vector<16xf32>
      %mul3A_1115 = arith.constant 1.44269502 : f32
      %mul3A_1116 = vector.broadcast %mul3A_1115 : f32 to vector<16xf32>
      %mul3A_1117 = arith.mulf %neg3A_1114, %mul3A_1116 : vector<16xf32>
      %jit3A_1118 = arith.constant -1.260000e+02 : f32
      %jit3A_1119 = arith.constant 1.260000e+02 : f32
      %max3A_1120 = vector.broadcast %jit3A_1118 : f32 to vector<16xf32>
      %max3A_1121 = arith.maximumf %max3A_1120, %mul3A_1117 : vector<16xf32>
      %min3A_1122 = vector.broadcast %jit3A_1119 : f32 to vector<16xf32>
      %min3A_1123 = arith.minimumf %min3A_1122, %max3A_1121 : vector<16xf32>
      %convert_element_type3A_1124 = arith.fptosi %min3A_1123 : vector<16xf32> to vector<16xi32>
      %convert_element_type3A_1125 = arith.sitofp %convert_element_type3A_1124 : vector<16xi32> to vector<16xf32>
      %sub3A_1126 = arith.subf %min3A_1123, %convert_element_type3A_1125 : vector<16xf32>
      %mul3A_1127 = arith.constant 0.693147182 : f32
      %mul3A_1128 = vector.broadcast %mul3A_1127 : f32 to vector<16xf32>
      %mul3A_1129 = arith.mulf %sub3A_1126, %mul3A_1128 : vector<16xf32>
      %mul3A_1130 = arith.constant 1.98412701E-4 : f32
      %mul3A_1131 = vector.broadcast %mul3A_1130 : f32 to vector<16xf32>
      %mul3A_1132 = arith.mulf %mul3A_1131, %mul3A_1129 : vector<16xf32>
      %add3A_1133 = arith.constant 0.00138888892 : f32
      %add3A_1134 = vector.broadcast %add3A_1133 : f32 to vector<16xf32>
      %add3A_1135 = arith.addf %mul3A_1132, %add3A_1134 : vector<16xf32>
      %mul3A_1136 = arith.mulf %add3A_1135, %mul3A_1129 : vector<16xf32>
      %add3A_1137 = arith.constant 0.00833333377 : f32
      %add3A_1138 = vector.broadcast %add3A_1137 : f32 to vector<16xf32>
      %add3A_1139 = arith.addf %mul3A_1136, %add3A_1138 : vector<16xf32>
      %mul3A_1140 = arith.mulf %add3A_1139, %mul3A_1129 : vector<16xf32>
      %add3A_1141 = arith.constant 0.0416666679 : f32
      %add3A_1142 = vector.broadcast %add3A_1141 : f32 to vector<16xf32>
      %add3A_1143 = arith.addf %mul3A_1140, %add3A_1142 : vector<16xf32>
      %mul3A_1144 = arith.mulf %add3A_1143, %mul3A_1129 : vector<16xf32>
      %add3A_1145 = arith.constant 0.166666672 : f32
      %add3A_1146 = vector.broadcast %add3A_1145 : f32 to vector<16xf32>
      %add3A_1147 = arith.addf %mul3A_1144, %add3A_1146 : vector<16xf32>
      %mul3A_1148 = arith.mulf %add3A_1147, %mul3A_1129 : vector<16xf32>
      %add3A_1149 = arith.constant 5.000000e-01 : f32
      %add3A_1150 = vector.broadcast %add3A_1149 : f32 to vector<16xf32>
      %add3A_1151 = arith.addf %mul3A_1148, %add3A_1150 : vector<16xf32>
      %mul3A_1152 = arith.mulf %add3A_1151, %mul3A_1129 : vector<16xf32>
      %add3A_1153 = arith.constant 1.000000e+00 : f32
      %add3A_1154 = vector.broadcast %add3A_1153 : f32 to vector<16xf32>
      %add3A_1155 = arith.addf %mul3A_1152, %add3A_1154 : vector<16xf32>
      %mul3A_1156 = arith.mulf %add3A_1155, %mul3A_1129 : vector<16xf32>
      %add3A_1157 = arith.constant 1.000000e+00 : f32
      %add3A_1158 = vector.broadcast %add3A_1157 : f32 to vector<16xf32>
      %add3A_1159 = arith.addf %mul3A_1156, %add3A_1158 : vector<16xf32>
      %add3A_1160 = arith.constant 127 : i32
      %add3A_1161 = vector.broadcast %add3A_1160 : i32 to vector<16xi32>
      %add3A_1162 = arith.addi %convert_element_type3A_1124, %add3A_1161 : vector<16xi32>
      %shift_left3A_1163 = arith.constant 23 : i32
      %shift_left3A_1164 = vector.broadcast %shift_left3A_1163 : i32 to vector<16xi32>
      %shift_left3A_1165 = arith.shli %add3A_1162, %shift_left3A_1164 : vector<16xi32>
      %bitcast_convert_type3A_1166 = tpu.bitcast %shift_left3A_1165 : vector<16xi32> -> vector<16xf32>
      %mul3A_1167 = arith.mulf %add3A_1159, %bitcast_convert_type3A_1166 : vector<16xf32>
      %add3A_1168 = arith.constant 1.000000e+00 : f32
      %add3A_1169 = vector.broadcast %add3A_1168 : f32 to vector<16xf32>
      %add3A_1170 = arith.addf %add3A_1169, %mul3A_1167 : vector<16xf32>
      %div3A_1171 = arith.constant 1.000000e+00 : f32
      %div3A_1172 = vector.broadcast %div3A_1171 : f32 to vector<16xf32>
      %div3A_1173 = arith.divf %div3A_1172, %add3A_1170 : vector<16xf32>
      %mul3A_1174 = arith.mulf %add3A_1170, %div3A_1173 : vector<16xf32>
      %sub3A_1175 = arith.constant 2.000000e+00 : f32
      %sub3A_1176 = vector.broadcast %sub3A_1175 : f32 to vector<16xf32>
      %sub3A_1177 = arith.subf %sub3A_1176, %mul3A_1174 : vector<16xf32>
      %mul3A_1178 = arith.mulf %div3A_1173, %sub3A_1177 : vector<16xf32>
      %bitcast_convert_type3A_1179 = tpu.bitcast %mul3A_1178 : vector<16xf32> -> vector<16xi32>
      %add3A_1180 = arith.constant 32767 : i32
      %add3A_1181 = vector.broadcast %add3A_1180 : i32 to vector<16xi32>
      %add3A_1182 = arith.addi %bitcast_convert_type3A_1179, %add3A_1181 : vector<16xi32>
      %shift_right_arithmetic3A_1183 = arith.constant 16 : i32
      %shift_right_arithmetic3A_1184 = vector.broadcast %shift_right_arithmetic3A_1183 : i32 to vector<16xi32>
      %shift_right_arithmetic3A_1185 = arith.shrsi %bitcast_convert_type3A_1179, %shift_right_arithmetic3A_1184 : vector<16xi32>
      %and3A_1186 = arith.constant 1 : i32
      %and3A_1187 = vector.broadcast %and3A_1186 : i32 to vector<16xi32>
      %and3A_1188 = arith.andi %shift_right_arithmetic3A_1185, %and3A_1187 : vector<16xi32>
      %add3A_1189 = arith.addi %add3A_1182, %and3A_1188 : vector<16xi32>
      %and3A_1190 = arith.constant -65536 : i32
      %and3A_1191 = vector.broadcast %and3A_1190 : i32 to vector<16xi32>
      %and3A_1192 = arith.andi %add3A_1189, %and3A_1191 : vector<16xi32>
      %bitcast_convert_type3A_1193 = tpu.bitcast %and3A_1192 : vector<16xi32> -> vector<16xf32>
      %mul3A_1194 = vector.broadcast %squeeze3A_1110 : f32 to vector<16xf32>
      %mul3A_1195 = arith.mulf %bitcast_convert_type3A_1193, %mul3A_1194 : vector<16xf32>
      %add3A_1196 = arith.addf %add3A_1017, %mul3A_1195 : vector<16xf32>
      %mul3A_1197 = arith.mulf %gather3A_1106, %gather3A_1108 : vector<16xf32>
      %neg3A_1198 = arith.constant 0.000000e+00 : f32
      %neg3A_1199 = vector.broadcast %neg3A_1198 : f32 to vector<16xf32>
      %neg3A_1200 = arith.subf %neg3A_1199, %mul3A_1197 : vector<16xf32>
      %mul3A_1201 = arith.constant 1.44269502 : f32
      %mul3A_1202 = vector.broadcast %mul3A_1201 : f32 to vector<16xf32>
      %mul3A_1203 = arith.mulf %neg3A_1200, %mul3A_1202 : vector<16xf32>
      %jit3A_1204 = arith.constant -1.260000e+02 : f32
      %jit3A_1205 = arith.constant 1.260000e+02 : f32
      %max3A_1206 = vector.broadcast %jit3A_1204 : f32 to vector<16xf32>
      %max3A_1207 = arith.maximumf %max3A_1206, %mul3A_1203 : vector<16xf32>
      %min3A_1208 = vector.broadcast %jit3A_1205 : f32 to vector<16xf32>
      %min3A_1209 = arith.minimumf %min3A_1208, %max3A_1207 : vector<16xf32>
      %convert_element_type3A_1210 = arith.fptosi %min3A_1209 : vector<16xf32> to vector<16xi32>
      %convert_element_type3A_1211 = arith.sitofp %convert_element_type3A_1210 : vector<16xi32> to vector<16xf32>
      %sub3A_1212 = arith.subf %min3A_1209, %convert_element_type3A_1211 : vector<16xf32>
      %mul3A_1213 = arith.constant 0.693147182 : f32
      %mul3A_1214 = vector.broadcast %mul3A_1213 : f32 to vector<16xf32>
      %mul3A_1215 = arith.mulf %sub3A_1212, %mul3A_1214 : vector<16xf32>
      %mul3A_1216 = arith.constant 1.98412701E-4 : f32
      %mul3A_1217 = vector.broadcast %mul3A_1216 : f32 to vector<16xf32>
      %mul3A_1218 = arith.mulf %mul3A_1217, %mul3A_1215 : vector<16xf32>
      %add3A_1219 = arith.constant 0.00138888892 : f32
      %add3A_1220 = vector.broadcast %add3A_1219 : f32 to vector<16xf32>
      %add3A_1221 = arith.addf %mul3A_1218, %add3A_1220 : vector<16xf32>
      %mul3A_1222 = arith.mulf %add3A_1221, %mul3A_1215 : vector<16xf32>
      %add3A_1223 = arith.constant 0.00833333377 : f32
      %add3A_1224 = vector.broadcast %add3A_1223 : f32 to vector<16xf32>
      %add3A_1225 = arith.addf %mul3A_1222, %add3A_1224 : vector<16xf32>
      %mul3A_1226 = arith.mulf %add3A_1225, %mul3A_1215 : vector<16xf32>
      %add3A_1227 = arith.constant 0.0416666679 : f32
      %add3A_1228 = vector.broadcast %add3A_1227 : f32 to vector<16xf32>
      %add3A_1229 = arith.addf %mul3A_1226, %add3A_1228 : vector<16xf32>
      %mul3A_1230 = arith.mulf %add3A_1229, %mul3A_1215 : vector<16xf32>
      %add3A_1231 = arith.constant 0.166666672 : f32
      %add3A_1232 = vector.broadcast %add3A_1231 : f32 to vector<16xf32>
      %add3A_1233 = arith.addf %mul3A_1230, %add3A_1232 : vector<16xf32>
      %mul3A_1234 = arith.mulf %add3A_1233, %mul3A_1215 : vector<16xf32>
      %add3A_1235 = arith.constant 5.000000e-01 : f32
      %add3A_1236 = vector.broadcast %add3A_1235 : f32 to vector<16xf32>
      %add3A_1237 = arith.addf %mul3A_1234, %add3A_1236 : vector<16xf32>
      %mul3A_1238 = arith.mulf %add3A_1237, %mul3A_1215 : vector<16xf32>
      %add3A_1239 = arith.constant 1.000000e+00 : f32
      %add3A_1240 = vector.broadcast %add3A_1239 : f32 to vector<16xf32>
      %add3A_1241 = arith.addf %mul3A_1238, %add3A_1240 : vector<16xf32>
      %mul3A_1242 = arith.mulf %add3A_1241, %mul3A_1215 : vector<16xf32>
      %add3A_1243 = arith.constant 1.000000e+00 : f32
      %add3A_1244 = vector.broadcast %add3A_1243 : f32 to vector<16xf32>
      %add3A_1245 = arith.addf %mul3A_1242, %add3A_1244 : vector<16xf32>
      %add3A_1246 = arith.constant 127 : i32
      %add3A_1247 = vector.broadcast %add3A_1246 : i32 to vector<16xi32>
      %add3A_1248 = arith.addi %convert_element_type3A_1210, %add3A_1247 : vector<16xi32>
      %shift_left3A_1249 = arith.constant 23 : i32
      %shift_left3A_1250 = vector.broadcast %shift_left3A_1249 : i32 to vector<16xi32>
      %shift_left3A_1251 = arith.shli %add3A_1248, %shift_left3A_1250 : vector<16xi32>
      %bitcast_convert_type3A_1252 = tpu.bitcast %shift_left3A_1251 : vector<16xi32> -> vector<16xf32>
      %mul3A_1253 = arith.mulf %add3A_1245, %bitcast_convert_type3A_1252 : vector<16xf32>
      %add3A_1254 = arith.constant 1.000000e+00 : f32
      %add3A_1255 = vector.broadcast %add3A_1254 : f32 to vector<16xf32>
      %add3A_1256 = arith.addf %add3A_1255, %mul3A_1253 : vector<16xf32>
      %div3A_1257 = arith.constant 1.000000e+00 : f32
      %div3A_1258 = vector.broadcast %div3A_1257 : f32 to vector<16xf32>
      %div3A_1259 = arith.divf %div3A_1258, %add3A_1256 : vector<16xf32>
      %mul3A_1260 = arith.mulf %add3A_1256, %div3A_1259 : vector<16xf32>
      %sub3A_1261 = arith.constant 2.000000e+00 : f32
      %sub3A_1262 = vector.broadcast %sub3A_1261 : f32 to vector<16xf32>
      %sub3A_1263 = arith.subf %sub3A_1262, %mul3A_1260 : vector<16xf32>
      %mul3A_1264 = arith.mulf %div3A_1259, %sub3A_1263 : vector<16xf32>
      %bitcast_convert_type3A_1265 = tpu.bitcast %mul3A_1264 : vector<16xf32> -> vector<16xi32>
      %add3A_1266 = arith.constant 32767 : i32
      %add3A_1267 = vector.broadcast %add3A_1266 : i32 to vector<16xi32>
      %add3A_1268 = arith.addi %bitcast_convert_type3A_1265, %add3A_1267 : vector<16xi32>
      %shift_right_arithmetic3A_1269 = arith.constant 16 : i32
      %shift_right_arithmetic3A_1270 = vector.broadcast %shift_right_arithmetic3A_1269 : i32 to vector<16xi32>
      %shift_right_arithmetic3A_1271 = arith.shrsi %bitcast_convert_type3A_1265, %shift_right_arithmetic3A_1270 : vector<16xi32>
      %and3A_1272 = arith.constant 1 : i32
      %and3A_1273 = vector.broadcast %and3A_1272 : i32 to vector<16xi32>
      %and3A_1274 = arith.andi %shift_right_arithmetic3A_1271, %and3A_1273 : vector<16xi32>
      %add3A_1275 = arith.addi %add3A_1268, %and3A_1274 : vector<16xi32>
      %and3A_1276 = arith.constant -65536 : i32
      %and3A_1277 = vector.broadcast %and3A_1276 : i32 to vector<16xi32>
      %and3A_1278 = arith.andi %add3A_1275, %and3A_1277 : vector<16xi32>
      %bitcast_convert_type3A_1279 = tpu.bitcast %and3A_1278 : vector<16xi32> -> vector<16xf32>
      %mul3A_1280 = vector.broadcast %squeeze3A_1110 : f32 to vector<16xf32>
      %mul3A_1281 = arith.mulf %bitcast_convert_type3A_1279, %mul3A_1280 : vector<16xf32>
      %add3A_1282 = arith.addf %add3A_1103, %mul3A_1281 : vector<16xf32>
      %broadcast_in_dim3A_1283 = arith.constant 6 : i32
      %broadcast_in_dim3A_1284 = vector.broadcast %broadcast_in_dim3A_1283 : i32 to vector<16xi32>
      %gather3A_1285 = tpu.vector_load_idx %arg13[%add3A_219, %broadcast_in_dim3A_1284] : memref<512x16xf32, #tpu.memory_space<vmem>>[vector<16xi32>, vector<16xi32>], vector<16xf32>,
      %gather3A_1286 = tpu.vector_load_idx %arg14[%add3A_219, %broadcast_in_dim3A_1284] : memref<512x16xf32, #tpu.memory_space<vmem>>[vector<16xi32>, vector<16xi32>], vector<16xf32>,
      %gather3A_1287 = tpu.vector_load_idx %arg15[%add3A_219, %broadcast_in_dim3A_1284] : memref<512x16xf32, #tpu.memory_space<vmem>>[vector<16xi32>, vector<16xi32>], vector<16xf32>,
      %slice3A_1288 = vector.extract_strided_slice %bitcast_convert_type3A_210 {offsets = [6], sizes = [1], strides = [1]} : vector<16xf32> to vector<1xf32>
      %squeeze3A_1289 = vector.extract %slice3A_1288[0] : f32 from vector<1xf32>
      %mul3A_1290 = arith.mulf %gather3A_1285, %gather3A_1286 : vector<16xf32>
      %neg3A_1291 = arith.constant 0.000000e+00 : f32
      %neg3A_1292 = vector.broadcast %neg3A_1291 : f32 to vector<16xf32>
      %neg3A_1293 = arith.subf %neg3A_1292, %mul3A_1290 : vector<16xf32>
      %mul3A_1294 = arith.constant 1.44269502 : f32
      %mul3A_1295 = vector.broadcast %mul3A_1294 : f32 to vector<16xf32>
      %mul3A_1296 = arith.mulf %neg3A_1293, %mul3A_1295 : vector<16xf32>
      %jit3A_1297 = arith.constant -1.260000e+02 : f32
      %jit3A_1298 = arith.constant 1.260000e+02 : f32
      %max3A_1299 = vector.broadcast %jit3A_1297 : f32 to vector<16xf32>
      %max3A_1300 = arith.maximumf %max3A_1299, %mul3A_1296 : vector<16xf32>
      %min3A_1301 = vector.broadcast %jit3A_1298 : f32 to vector<16xf32>
      %min3A_1302 = arith.minimumf %min3A_1301, %max3A_1300 : vector<16xf32>
      %convert_element_type3A_1303 = arith.fptosi %min3A_1302 : vector<16xf32> to vector<16xi32>
      %convert_element_type3A_1304 = arith.sitofp %convert_element_type3A_1303 : vector<16xi32> to vector<16xf32>
      %sub3A_1305 = arith.subf %min3A_1302, %convert_element_type3A_1304 : vector<16xf32>
      %mul3A_1306 = arith.constant 0.693147182 : f32
      %mul3A_1307 = vector.broadcast %mul3A_1306 : f32 to vector<16xf32>
      %mul3A_1308 = arith.mulf %sub3A_1305, %mul3A_1307 : vector<16xf32>
      %mul3A_1309 = arith.constant 1.98412701E-4 : f32
      %mul3A_1310 = vector.broadcast %mul3A_1309 : f32 to vector<16xf32>
      %mul3A_1311 = arith.mulf %mul3A_1310, %mul3A_1308 : vector<16xf32>
      %add3A_1312 = arith.constant 0.00138888892 : f32
      %add3A_1313 = vector.broadcast %add3A_1312 : f32 to vector<16xf32>
      %add3A_1314 = arith.addf %mul3A_1311, %add3A_1313 : vector<16xf32>
      %mul3A_1315 = arith.mulf %add3A_1314, %mul3A_1308 : vector<16xf32>
      %add3A_1316 = arith.constant 0.00833333377 : f32
      %add3A_1317 = vector.broadcast %add3A_1316 : f32 to vector<16xf32>
      %add3A_1318 = arith.addf %mul3A_1315, %add3A_1317 : vector<16xf32>
      %mul3A_1319 = arith.mulf %add3A_1318, %mul3A_1308 : vector<16xf32>
      %add3A_1320 = arith.constant 0.0416666679 : f32
      %add3A_1321 = vector.broadcast %add3A_1320 : f32 to vector<16xf32>
      %add3A_1322 = arith.addf %mul3A_1319, %add3A_1321 : vector<16xf32>
      %mul3A_1323 = arith.mulf %add3A_1322, %mul3A_1308 : vector<16xf32>
      %add3A_1324 = arith.constant 0.166666672 : f32
      %add3A_1325 = vector.broadcast %add3A_1324 : f32 to vector<16xf32>
      %add3A_1326 = arith.addf %mul3A_1323, %add3A_1325 : vector<16xf32>
      %mul3A_1327 = arith.mulf %add3A_1326, %mul3A_1308 : vector<16xf32>
      %add3A_1328 = arith.constant 5.000000e-01 : f32
      %add3A_1329 = vector.broadcast %add3A_1328 : f32 to vector<16xf32>
      %add3A_1330 = arith.addf %mul3A_1327, %add3A_1329 : vector<16xf32>
      %mul3A_1331 = arith.mulf %add3A_1330, %mul3A_1308 : vector<16xf32>
      %add3A_1332 = arith.constant 1.000000e+00 : f32
      %add3A_1333 = vector.broadcast %add3A_1332 : f32 to vector<16xf32>
      %add3A_1334 = arith.addf %mul3A_1331, %add3A_1333 : vector<16xf32>
      %mul3A_1335 = arith.mulf %add3A_1334, %mul3A_1308 : vector<16xf32>
      %add3A_1336 = arith.constant 1.000000e+00 : f32
      %add3A_1337 = vector.broadcast %add3A_1336 : f32 to vector<16xf32>
      %add3A_1338 = arith.addf %mul3A_1335, %add3A_1337 : vector<16xf32>
      %add3A_1339 = arith.constant 127 : i32
      %add3A_1340 = vector.broadcast %add3A_1339 : i32 to vector<16xi32>
      %add3A_1341 = arith.addi %convert_element_type3A_1303, %add3A_1340 : vector<16xi32>
      %shift_left3A_1342 = arith.constant 23 : i32
      %shift_left3A_1343 = vector.broadcast %shift_left3A_1342 : i32 to vector<16xi32>
      %shift_left3A_1344 = arith.shli %add3A_1341, %shift_left3A_1343 : vector<16xi32>
      %bitcast_convert_type3A_1345 = tpu.bitcast %shift_left3A_1344 : vector<16xi32> -> vector<16xf32>
      %mul3A_1346 = arith.mulf %add3A_1338, %bitcast_convert_type3A_1345 : vector<16xf32>
      %add3A_1347 = arith.constant 1.000000e+00 : f32
      %add3A_1348 = vector.broadcast %add3A_1347 : f32 to vector<16xf32>
      %add3A_1349 = arith.addf %add3A_1348, %mul3A_1346 : vector<16xf32>
      %div3A_1350 = arith.constant 1.000000e+00 : f32
      %div3A_1351 = vector.broadcast %div3A_1350 : f32 to vector<16xf32>
      %div3A_1352 = arith.divf %div3A_1351, %add3A_1349 : vector<16xf32>
      %mul3A_1353 = arith.mulf %add3A_1349, %div3A_1352 : vector<16xf32>
      %sub3A_1354 = arith.constant 2.000000e+00 : f32
      %sub3A_1355 = vector.broadcast %sub3A_1354 : f32 to vector<16xf32>
      %sub3A_1356 = arith.subf %sub3A_1355, %mul3A_1353 : vector<16xf32>
      %mul3A_1357 = arith.mulf %div3A_1352, %sub3A_1356 : vector<16xf32>
      %bitcast_convert_type3A_1358 = tpu.bitcast %mul3A_1357 : vector<16xf32> -> vector<16xi32>
      %add3A_1359 = arith.constant 32767 : i32
      %add3A_1360 = vector.broadcast %add3A_1359 : i32 to vector<16xi32>
      %add3A_1361 = arith.addi %bitcast_convert_type3A_1358, %add3A_1360 : vector<16xi32>
      %shift_right_arithmetic3A_1362 = arith.constant 16 : i32
      %shift_right_arithmetic3A_1363 = vector.broadcast %shift_right_arithmetic3A_1362 : i32 to vector<16xi32>
      %shift_right_arithmetic3A_1364 = arith.shrsi %bitcast_convert_type3A_1358, %shift_right_arithmetic3A_1363 : vector<16xi32>
      %and3A_1365 = arith.constant 1 : i32
      %and3A_1366 = vector.broadcast %and3A_1365 : i32 to vector<16xi32>
      %and3A_1367 = arith.andi %shift_right_arithmetic3A_1364, %and3A_1366 : vector<16xi32>
      %add3A_1368 = arith.addi %add3A_1361, %and3A_1367 : vector<16xi32>
      %and3A_1369 = arith.constant -65536 : i32
      %and3A_1370 = vector.broadcast %and3A_1369 : i32 to vector<16xi32>
      %and3A_1371 = arith.andi %add3A_1368, %and3A_1370 : vector<16xi32>
      %bitcast_convert_type3A_1372 = tpu.bitcast %and3A_1371 : vector<16xi32> -> vector<16xf32>
      %mul3A_1373 = vector.broadcast %squeeze3A_1289 : f32 to vector<16xf32>
      %mul3A_1374 = arith.mulf %bitcast_convert_type3A_1372, %mul3A_1373 : vector<16xf32>
      %add3A_1375 = arith.addf %add3A_1196, %mul3A_1374 : vector<16xf32>
      %mul3A_1376 = arith.mulf %gather3A_1285, %gather3A_1287 : vector<16xf32>
      %neg3A_1377 = arith.constant 0.000000e+00 : f32
      %neg3A_1378 = vector.broadcast %neg3A_1377 : f32 to vector<16xf32>
      %neg3A_1379 = arith.subf %neg3A_1378, %mul3A_1376 : vector<16xf32>
      %mul3A_1380 = arith.constant 1.44269502 : f32
      %mul3A_1381 = vector.broadcast %mul3A_1380 : f32 to vector<16xf32>
      %mul3A_1382 = arith.mulf %neg3A_1379, %mul3A_1381 : vector<16xf32>
      %jit3A_1383 = arith.constant -1.260000e+02 : f32
      %jit3A_1384 = arith.constant 1.260000e+02 : f32
      %max3A_1385 = vector.broadcast %jit3A_1383 : f32 to vector<16xf32>
      %max3A_1386 = arith.maximumf %max3A_1385, %mul3A_1382 : vector<16xf32>
      %min3A_1387 = vector.broadcast %jit3A_1384 : f32 to vector<16xf32>
      %min3A_1388 = arith.minimumf %min3A_1387, %max3A_1386 : vector<16xf32>
      %convert_element_type3A_1389 = arith.fptosi %min3A_1388 : vector<16xf32> to vector<16xi32>
      %convert_element_type3A_1390 = arith.sitofp %convert_element_type3A_1389 : vector<16xi32> to vector<16xf32>
      %sub3A_1391 = arith.subf %min3A_1388, %convert_element_type3A_1390 : vector<16xf32>
      %mul3A_1392 = arith.constant 0.693147182 : f32
      %mul3A_1393 = vector.broadcast %mul3A_1392 : f32 to vector<16xf32>
      %mul3A_1394 = arith.mulf %sub3A_1391, %mul3A_1393 : vector<16xf32>
      %mul3A_1395 = arith.constant 1.98412701E-4 : f32
      %mul3A_1396 = vector.broadcast %mul3A_1395 : f32 to vector<16xf32>
      %mul3A_1397 = arith.mulf %mul3A_1396, %mul3A_1394 : vector<16xf32>
      %add3A_1398 = arith.constant 0.00138888892 : f32
      %add3A_1399 = vector.broadcast %add3A_1398 : f32 to vector<16xf32>
      %add3A_1400 = arith.addf %mul3A_1397, %add3A_1399 : vector<16xf32>
      %mul3A_1401 = arith.mulf %add3A_1400, %mul3A_1394 : vector<16xf32>
      %add3A_1402 = arith.constant 0.00833333377 : f32
      %add3A_1403 = vector.broadcast %add3A_1402 : f32 to vector<16xf32>
      %add3A_1404 = arith.addf %mul3A_1401, %add3A_1403 : vector<16xf32>
      %mul3A_1405 = arith.mulf %add3A_1404, %mul3A_1394 : vector<16xf32>
      %add3A_1406 = arith.constant 0.0416666679 : f32
      %add3A_1407 = vector.broadcast %add3A_1406 : f32 to vector<16xf32>
      %add3A_1408 = arith.addf %mul3A_1405, %add3A_1407 : vector<16xf32>
      %mul3A_1409 = arith.mulf %add3A_1408, %mul3A_1394 : vector<16xf32>
      %add3A_1410 = arith.constant 0.166666672 : f32
      %add3A_1411 = vector.broadcast %add3A_1410 : f32 to vector<16xf32>
      %add3A_1412 = arith.addf %mul3A_1409, %add3A_1411 : vector<16xf32>
      %mul3A_1413 = arith.mulf %add3A_1412, %mul3A_1394 : vector<16xf32>
      %add3A_1414 = arith.constant 5.000000e-01 : f32
      %add3A_1415 = vector.broadcast %add3A_1414 : f32 to vector<16xf32>
      %add3A_1416 = arith.addf %mul3A_1413, %add3A_1415 : vector<16xf32>
      %mul3A_1417 = arith.mulf %add3A_1416, %mul3A_1394 : vector<16xf32>
      %add3A_1418 = arith.constant 1.000000e+00 : f32
      %add3A_1419 = vector.broadcast %add3A_1418 : f32 to vector<16xf32>
      %add3A_1420 = arith.addf %mul3A_1417, %add3A_1419 : vector<16xf32>
      %mul3A_1421 = arith.mulf %add3A_1420, %mul3A_1394 : vector<16xf32>
      %add3A_1422 = arith.constant 1.000000e+00 : f32
      %add3A_1423 = vector.broadcast %add3A_1422 : f32 to vector<16xf32>
      %add3A_1424 = arith.addf %mul3A_1421, %add3A_1423 : vector<16xf32>
      %add3A_1425 = arith.constant 127 : i32
      %add3A_1426 = vector.broadcast %add3A_1425 : i32 to vector<16xi32>
      %add3A_1427 = arith.addi %convert_element_type3A_1389, %add3A_1426 : vector<16xi32>
      %shift_left3A_1428 = arith.constant 23 : i32
      %shift_left3A_1429 = vector.broadcast %shift_left3A_1428 : i32 to vector<16xi32>
      %shift_left3A_1430 = arith.shli %add3A_1427, %shift_left3A_1429 : vector<16xi32>
      %bitcast_convert_type3A_1431 = tpu.bitcast %shift_left3A_1430 : vector<16xi32> -> vector<16xf32>
      %mul3A_1432 = arith.mulf %add3A_1424, %bitcast_convert_type3A_1431 : vector<16xf32>
      %add3A_1433 = arith.constant 1.000000e+00 : f32
      %add3A_1434 = vector.broadcast %add3A_1433 : f32 to vector<16xf32>
      %add3A_1435 = arith.addf %add3A_1434, %mul3A_1432 : vector<16xf32>
      %div3A_1436 = arith.constant 1.000000e+00 : f32
      %div3A_1437 = vector.broadcast %div3A_1436 : f32 to vector<16xf32>
      %div3A_1438 = arith.divf %div3A_1437, %add3A_1435 : vector<16xf32>
      %mul3A_1439 = arith.mulf %add3A_1435, %div3A_1438 : vector<16xf32>
      %sub3A_1440 = arith.constant 2.000000e+00 : f32
      %sub3A_1441 = vector.broadcast %sub3A_1440 : f32 to vector<16xf32>
      %sub3A_1442 = arith.subf %sub3A_1441, %mul3A_1439 : vector<16xf32>
      %mul3A_1443 = arith.mulf %div3A_1438, %sub3A_1442 : vector<16xf32>
      %bitcast_convert_type3A_1444 = tpu.bitcast %mul3A_1443 : vector<16xf32> -> vector<16xi32>
      %add3A_1445 = arith.constant 32767 : i32
      %add3A_1446 = vector.broadcast %add3A_1445 : i32 to vector<16xi32>
      %add3A_1447 = arith.addi %bitcast_convert_type3A_1444, %add3A_1446 : vector<16xi32>
      %shift_right_arithmetic3A_1448 = arith.constant 16 : i32
      %shift_right_arithmetic3A_1449 = vector.broadcast %shift_right_arithmetic3A_1448 : i32 to vector<16xi32>
      %shift_right_arithmetic3A_1450 = arith.shrsi %bitcast_convert_type3A_1444, %shift_right_arithmetic3A_1449 : vector<16xi32>
      %and3A_1451 = arith.constant 1 : i32
      %and3A_1452 = vector.broadcast %and3A_1451 : i32 to vector<16xi32>
      %and3A_1453 = arith.andi %shift_right_arithmetic3A_1450, %and3A_1452 : vector<16xi32>
      %add3A_1454 = arith.addi %add3A_1447, %and3A_1453 : vector<16xi32>
      %and3A_1455 = arith.constant -65536 : i32
      %and3A_1456 = vector.broadcast %and3A_1455 : i32 to vector<16xi32>
      %and3A_1457 = arith.andi %add3A_1454, %and3A_1456 : vector<16xi32>
      %bitcast_convert_type3A_1458 = tpu.bitcast %and3A_1457 : vector<16xi32> -> vector<16xf32>
      %mul3A_1459 = vector.broadcast %squeeze3A_1289 : f32 to vector<16xf32>
      %mul3A_1460 = arith.mulf %bitcast_convert_type3A_1458, %mul3A_1459 : vector<16xf32>
      %add3A_1461 = arith.addf %add3A_1282, %mul3A_1460 : vector<16xf32>
      %broadcast_in_dim3A_1462 = arith.constant 7 : i32
      %broadcast_in_dim3A_1463 = vector.broadcast %broadcast_in_dim3A_1462 : i32 to vector<16xi32>
      %gather3A_1464 = tpu.vector_load_idx %arg13[%add3A_219, %broadcast_in_dim3A_1463] : memref<512x16xf32, #tpu.memory_space<vmem>>[vector<16xi32>, vector<16xi32>], vector<16xf32>,
      %gather3A_1465 = tpu.vector_load_idx %arg14[%add3A_219, %broadcast_in_dim3A_1463] : memref<512x16xf32, #tpu.memory_space<vmem>>[vector<16xi32>, vector<16xi32>], vector<16xf32>,
      %gather3A_1466 = tpu.vector_load_idx %arg15[%add3A_219, %broadcast_in_dim3A_1463] : memref<512x16xf32, #tpu.memory_space<vmem>>[vector<16xi32>, vector<16xi32>], vector<16xf32>,
      %slice3A_1467 = vector.extract_strided_slice %bitcast_convert_type3A_210 {offsets = [7], sizes = [1], strides = [1]} : vector<16xf32> to vector<1xf32>
      %squeeze3A_1468 = vector.extract %slice3A_1467[0] : f32 from vector<1xf32>
      %mul3A_1469 = arith.mulf %gather3A_1464, %gather3A_1465 : vector<16xf32>
      %neg3A_1470 = arith.constant 0.000000e+00 : f32
      %neg3A_1471 = vector.broadcast %neg3A_1470 : f32 to vector<16xf32>
      %neg3A_1472 = arith.subf %neg3A_1471, %mul3A_1469 : vector<16xf32>
      %mul3A_1473 = arith.constant 1.44269502 : f32
      %mul3A_1474 = vector.broadcast %mul3A_1473 : f32 to vector<16xf32>
      %mul3A_1475 = arith.mulf %neg3A_1472, %mul3A_1474 : vector<16xf32>
      %jit3A_1476 = arith.constant -1.260000e+02 : f32
      %jit3A_1477 = arith.constant 1.260000e+02 : f32
      %max3A_1478 = vector.broadcast %jit3A_1476 : f32 to vector<16xf32>
      %max3A_1479 = arith.maximumf %max3A_1478, %mul3A_1475 : vector<16xf32>
      %min3A_1480 = vector.broadcast %jit3A_1477 : f32 to vector<16xf32>
      %min3A_1481 = arith.minimumf %min3A_1480, %max3A_1479 : vector<16xf32>
      %convert_element_type3A_1482 = arith.fptosi %min3A_1481 : vector<16xf32> to vector<16xi32>
      %convert_element_type3A_1483 = arith.sitofp %convert_element_type3A_1482 : vector<16xi32> to vector<16xf32>
      %sub3A_1484 = arith.subf %min3A_1481, %convert_element_type3A_1483 : vector<16xf32>
      %mul3A_1485 = arith.constant 0.693147182 : f32
      %mul3A_1486 = vector.broadcast %mul3A_1485 : f32 to vector<16xf32>
      %mul3A_1487 = arith.mulf %sub3A_1484, %mul3A_1486 : vector<16xf32>
      %mul3A_1488 = arith.constant 1.98412701E-4 : f32
      %mul3A_1489 = vector.broadcast %mul3A_1488 : f32 to vector<16xf32>
      %mul3A_1490 = arith.mulf %mul3A_1489, %mul3A_1487 : vector<16xf32>
      %add3A_1491 = arith.constant 0.00138888892 : f32
      %add3A_1492 = vector.broadcast %add3A_1491 : f32 to vector<16xf32>
      %add3A_1493 = arith.addf %mul3A_1490, %add3A_1492 : vector<16xf32>
      %mul3A_1494 = arith.mulf %add3A_1493, %mul3A_1487 : vector<16xf32>
      %add3A_1495 = arith.constant 0.00833333377 : f32
      %add3A_1496 = vector.broadcast %add3A_1495 : f32 to vector<16xf32>
      %add3A_1497 = arith.addf %mul3A_1494, %add3A_1496 : vector<16xf32>
      %mul3A_1498 = arith.mulf %add3A_1497, %mul3A_1487 : vector<16xf32>
      %add3A_1499 = arith.constant 0.0416666679 : f32
      %add3A_1500 = vector.broadcast %add3A_1499 : f32 to vector<16xf32>
      %add3A_1501 = arith.addf %mul3A_1498, %add3A_1500 : vector<16xf32>
      %mul3A_1502 = arith.mulf %add3A_1501, %mul3A_1487 : vector<16xf32>
      %add3A_1503 = arith.constant 0.166666672 : f32
      %add3A_1504 = vector.broadcast %add3A_1503 : f32 to vector<16xf32>
      %add3A_1505 = arith.addf %mul3A_1502, %add3A_1504 : vector<16xf32>
      %mul3A_1506 = arith.mulf %add3A_1505, %mul3A_1487 : vector<16xf32>
      %add3A_1507 = arith.constant 5.000000e-01 : f32
      %add3A_1508 = vector.broadcast %add3A_1507 : f32 to vector<16xf32>
      %add3A_1509 = arith.addf %mul3A_1506, %add3A_1508 : vector<16xf32>
      %mul3A_1510 = arith.mulf %add3A_1509, %mul3A_1487 : vector<16xf32>
      %add3A_1511 = arith.constant 1.000000e+00 : f32
      %add3A_1512 = vector.broadcast %add3A_1511 : f32 to vector<16xf32>
      %add3A_1513 = arith.addf %mul3A_1510, %add3A_1512 : vector<16xf32>
      %mul3A_1514 = arith.mulf %add3A_1513, %mul3A_1487 : vector<16xf32>
      %add3A_1515 = arith.constant 1.000000e+00 : f32
      %add3A_1516 = vector.broadcast %add3A_1515 : f32 to vector<16xf32>
      %add3A_1517 = arith.addf %mul3A_1514, %add3A_1516 : vector<16xf32>
      %add3A_1518 = arith.constant 127 : i32
      %add3A_1519 = vector.broadcast %add3A_1518 : i32 to vector<16xi32>
      %add3A_1520 = arith.addi %convert_element_type3A_1482, %add3A_1519 : vector<16xi32>
      %shift_left3A_1521 = arith.constant 23 : i32
      %shift_left3A_1522 = vector.broadcast %shift_left3A_1521 : i32 to vector<16xi32>
      %shift_left3A_1523 = arith.shli %add3A_1520, %shift_left3A_1522 : vector<16xi32>
      %bitcast_convert_type3A_1524 = tpu.bitcast %shift_left3A_1523 : vector<16xi32> -> vector<16xf32>
      %mul3A_1525 = arith.mulf %add3A_1517, %bitcast_convert_type3A_1524 : vector<16xf32>
      %add3A_1526 = arith.constant 1.000000e+00 : f32
      %add3A_1527 = vector.broadcast %add3A_1526 : f32 to vector<16xf32>
      %add3A_1528 = arith.addf %add3A_1527, %mul3A_1525 : vector<16xf32>
      %div3A_1529 = arith.constant 1.000000e+00 : f32
      %div3A_1530 = vector.broadcast %div3A_1529 : f32 to vector<16xf32>
      %div3A_1531 = arith.divf %div3A_1530, %add3A_1528 : vector<16xf32>
      %mul3A_1532 = arith.mulf %add3A_1528, %div3A_1531 : vector<16xf32>
      %sub3A_1533 = arith.constant 2.000000e+00 : f32
      %sub3A_1534 = vector.broadcast %sub3A_1533 : f32 to vector<16xf32>
      %sub3A_1535 = arith.subf %sub3A_1534, %mul3A_1532 : vector<16xf32>
      %mul3A_1536 = arith.mulf %div3A_1531, %sub3A_1535 : vector<16xf32>
      %bitcast_convert_type3A_1537 = tpu.bitcast %mul3A_1536 : vector<16xf32> -> vector<16xi32>
      %add3A_1538 = arith.constant 32767 : i32
      %add3A_1539 = vector.broadcast %add3A_1538 : i32 to vector<16xi32>
      %add3A_1540 = arith.addi %bitcast_convert_type3A_1537, %add3A_1539 : vector<16xi32>
      %shift_right_arithmetic3A_1541 = arith.constant 16 : i32
      %shift_right_arithmetic3A_1542 = vector.broadcast %shift_right_arithmetic3A_1541 : i32 to vector<16xi32>
      %shift_right_arithmetic3A_1543 = arith.shrsi %bitcast_convert_type3A_1537, %shift_right_arithmetic3A_1542 : vector<16xi32>
      %and3A_1544 = arith.constant 1 : i32
      %and3A_1545 = vector.broadcast %and3A_1544 : i32 to vector<16xi32>
      %and3A_1546 = arith.andi %shift_right_arithmetic3A_1543, %and3A_1545 : vector<16xi32>
      %add3A_1547 = arith.addi %add3A_1540, %and3A_1546 : vector<16xi32>
      %and3A_1548 = arith.constant -65536 : i32
      %and3A_1549 = vector.broadcast %and3A_1548 : i32 to vector<16xi32>
      %and3A_1550 = arith.andi %add3A_1547, %and3A_1549 : vector<16xi32>
      %bitcast_convert_type3A_1551 = tpu.bitcast %and3A_1550 : vector<16xi32> -> vector<16xf32>
      %mul3A_1552 = vector.broadcast %squeeze3A_1468 : f32 to vector<16xf32>
      %mul3A_1553 = arith.mulf %bitcast_convert_type3A_1551, %mul3A_1552 : vector<16xf32>
      %add3A_1554 = arith.addf %add3A_1375, %mul3A_1553 : vector<16xf32>
      %mul3A_1555 = arith.mulf %gather3A_1464, %gather3A_1466 : vector<16xf32>
      %neg3A_1556 = arith.constant 0.000000e+00 : f32
      %neg3A_1557 = vector.broadcast %neg3A_1556 : f32 to vector<16xf32>
      %neg3A_1558 = arith.subf %neg3A_1557, %mul3A_1555 : vector<16xf32>
      %mul3A_1559 = arith.constant 1.44269502 : f32
      %mul3A_1560 = vector.broadcast %mul3A_1559 : f32 to vector<16xf32>
      %mul3A_1561 = arith.mulf %neg3A_1558, %mul3A_1560 : vector<16xf32>
      %jit3A_1562 = arith.constant -1.260000e+02 : f32
      %jit3A_1563 = arith.constant 1.260000e+02 : f32
      %max3A_1564 = vector.broadcast %jit3A_1562 : f32 to vector<16xf32>
      %max3A_1565 = arith.maximumf %max3A_1564, %mul3A_1561 : vector<16xf32>
      %min3A_1566 = vector.broadcast %jit3A_1563 : f32 to vector<16xf32>
      %min3A_1567 = arith.minimumf %min3A_1566, %max3A_1565 : vector<16xf32>
      %convert_element_type3A_1568 = arith.fptosi %min3A_1567 : vector<16xf32> to vector<16xi32>
      %convert_element_type3A_1569 = arith.sitofp %convert_element_type3A_1568 : vector<16xi32> to vector<16xf32>
      %sub3A_1570 = arith.subf %min3A_1567, %convert_element_type3A_1569 : vector<16xf32>
      %mul3A_1571 = arith.constant 0.693147182 : f32
      %mul3A_1572 = vector.broadcast %mul3A_1571 : f32 to vector<16xf32>
      %mul3A_1573 = arith.mulf %sub3A_1570, %mul3A_1572 : vector<16xf32>
      %mul3A_1574 = arith.constant 1.98412701E-4 : f32
      %mul3A_1575 = vector.broadcast %mul3A_1574 : f32 to vector<16xf32>
      %mul3A_1576 = arith.mulf %mul3A_1575, %mul3A_1573 : vector<16xf32>
      %add3A_1577 = arith.constant 0.00138888892 : f32
      %add3A_1578 = vector.broadcast %add3A_1577 : f32 to vector<16xf32>
      %add3A_1579 = arith.addf %mul3A_1576, %add3A_1578 : vector<16xf32>
      %mul3A_1580 = arith.mulf %add3A_1579, %mul3A_1573 : vector<16xf32>
      %add3A_1581 = arith.constant 0.00833333377 : f32
      %add3A_1582 = vector.broadcast %add3A_1581 : f32 to vector<16xf32>
      %add3A_1583 = arith.addf %mul3A_1580, %add3A_1582 : vector<16xf32>
      %mul3A_1584 = arith.mulf %add3A_1583, %mul3A_1573 : vector<16xf32>
      %add3A_1585 = arith.constant 0.0416666679 : f32
      %add3A_1586 = vector.broadcast %add3A_1585 : f32 to vector<16xf32>
      %add3A_1587 = arith.addf %mul3A_1584, %add3A_1586 : vector<16xf32>
      %mul3A_1588 = arith.mulf %add3A_1587, %mul3A_1573 : vector<16xf32>
      %add3A_1589 = arith.constant 0.166666672 : f32
      %add3A_1590 = vector.broadcast %add3A_1589 : f32 to vector<16xf32>
      %add3A_1591 = arith.addf %mul3A_1588, %add3A_1590 : vector<16xf32>
      %mul3A_1592 = arith.mulf %add3A_1591, %mul3A_1573 : vector<16xf32>
      %add3A_1593 = arith.constant 5.000000e-01 : f32
      %add3A_1594 = vector.broadcast %add3A_1593 : f32 to vector<16xf32>
      %add3A_1595 = arith.addf %mul3A_1592, %add3A_1594 : vector<16xf32>
      %mul3A_1596 = arith.mulf %add3A_1595, %mul3A_1573 : vector<16xf32>
      %add3A_1597 = arith.constant 1.000000e+00 : f32
      %add3A_1598 = vector.broadcast %add3A_1597 : f32 to vector<16xf32>
      %add3A_1599 = arith.addf %mul3A_1596, %add3A_1598 : vector<16xf32>
      %mul3A_1600 = arith.mulf %add3A_1599, %mul3A_1573 : vector<16xf32>
      %add3A_1601 = arith.constant 1.000000e+00 : f32
      %add3A_1602 = vector.broadcast %add3A_1601 : f32 to vector<16xf32>
      %add3A_1603 = arith.addf %mul3A_1600, %add3A_1602 : vector<16xf32>
      %add3A_1604 = arith.constant 127 : i32
      %add3A_1605 = vector.broadcast %add3A_1604 : i32 to vector<16xi32>
      %add3A_1606 = arith.addi %convert_element_type3A_1568, %add3A_1605 : vector<16xi32>
      %shift_left3A_1607 = arith.constant 23 : i32
      %shift_left3A_1608 = vector.broadcast %shift_left3A_1607 : i32 to vector<16xi32>
      %shift_left3A_1609 = arith.shli %add3A_1606, %shift_left3A_1608 : vector<16xi32>
      %bitcast_convert_type3A_1610 = tpu.bitcast %shift_left3A_1609 : vector<16xi32> -> vector<16xf32>
      %mul3A_1611 = arith.mulf %add3A_1603, %bitcast_convert_type3A_1610 : vector<16xf32>
      %add3A_1612 = arith.constant 1.000000e+00 : f32
      %add3A_1613 = vector.broadcast %add3A_1612 : f32 to vector<16xf32>
      %add3A_1614 = arith.addf %add3A_1613, %mul3A_1611 : vector<16xf32>
      %div3A_1615 = arith.constant 1.000000e+00 : f32
      %div3A_1616 = vector.broadcast %div3A_1615 : f32 to vector<16xf32>
      %div3A_1617 = arith.divf %div3A_1616, %add3A_1614 : vector<16xf32>
      %mul3A_1618 = arith.mulf %add3A_1614, %div3A_1617 : vector<16xf32>
      %sub3A_1619 = arith.constant 2.000000e+00 : f32
      %sub3A_1620 = vector.broadcast %sub3A_1619 : f32 to vector<16xf32>
      %sub3A_1621 = arith.subf %sub3A_1620, %mul3A_1618 : vector<16xf32>
      %mul3A_1622 = arith.mulf %div3A_1617, %sub3A_1621 : vector<16xf32>
      %bitcast_convert_type3A_1623 = tpu.bitcast %mul3A_1622 : vector<16xf32> -> vector<16xi32>
      %add3A_1624 = arith.constant 32767 : i32
      %add3A_1625 = vector.broadcast %add3A_1624 : i32 to vector<16xi32>
      %add3A_1626 = arith.addi %bitcast_convert_type3A_1623, %add3A_1625 : vector<16xi32>
      %shift_right_arithmetic3A_1627 = arith.constant 16 : i32
      %shift_right_arithmetic3A_1628 = vector.broadcast %shift_right_arithmetic3A_1627 : i32 to vector<16xi32>
      %shift_right_arithmetic3A_1629 = arith.shrsi %bitcast_convert_type3A_1623, %shift_right_arithmetic3A_1628 : vector<16xi32>
      %and3A_1630 = arith.constant 1 : i32
      %and3A_1631 = vector.broadcast %and3A_1630 : i32 to vector<16xi32>
      %and3A_1632 = arith.andi %shift_right_arithmetic3A_1629, %and3A_1631 : vector<16xi32>
      %add3A_1633 = arith.addi %add3A_1626, %and3A_1632 : vector<16xi32>
      %and3A_1634 = arith.constant -65536 : i32
      %and3A_1635 = vector.broadcast %and3A_1634 : i32 to vector<16xi32>
      %and3A_1636 = arith.andi %add3A_1633, %and3A_1635 : vector<16xi32>
      %bitcast_convert_type3A_1637 = tpu.bitcast %and3A_1636 : vector<16xi32> -> vector<16xf32>
      %mul3A_1638 = vector.broadcast %squeeze3A_1468 : f32 to vector<16xf32>
      %mul3A_1639 = arith.mulf %bitcast_convert_type3A_1637, %mul3A_1638 : vector<16xf32>
      %add3A_1640 = arith.addf %add3A_1461, %mul3A_1639 : vector<16xf32>
      %broadcast_in_dim3A_1641 = arith.constant 8 : i32
      %broadcast_in_dim3A_1642 = vector.broadcast %broadcast_in_dim3A_1641 : i32 to vector<16xi32>
      %gather3A_1643 = tpu.vector_load_idx %arg13[%add3A_219, %broadcast_in_dim3A_1642] : memref<512x16xf32, #tpu.memory_space<vmem>>[vector<16xi32>, vector<16xi32>], vector<16xf32>,
      %gather3A_1644 = tpu.vector_load_idx %arg14[%add3A_219, %broadcast_in_dim3A_1642] : memref<512x16xf32, #tpu.memory_space<vmem>>[vector<16xi32>, vector<16xi32>], vector<16xf32>,
      %gather3A_1645 = tpu.vector_load_idx %arg15[%add3A_219, %broadcast_in_dim3A_1642] : memref<512x16xf32, #tpu.memory_space<vmem>>[vector<16xi32>, vector<16xi32>], vector<16xf32>,
      %slice3A_1646 = vector.extract_strided_slice %bitcast_convert_type3A_210 {offsets = [8], sizes = [1], strides = [1]} : vector<16xf32> to vector<1xf32>
      %squeeze3A_1647 = vector.extract %slice3A_1646[0] : f32 from vector<1xf32>
      %mul3A_1648 = arith.mulf %gather3A_1643, %gather3A_1644 : vector<16xf32>
      %neg3A_1649 = arith.constant 0.000000e+00 : f32
      %neg3A_1650 = vector.broadcast %neg3A_1649 : f32 to vector<16xf32>
      %neg3A_1651 = arith.subf %neg3A_1650, %mul3A_1648 : vector<16xf32>
      %mul3A_1652 = arith.constant 1.44269502 : f32
      %mul3A_1653 = vector.broadcast %mul3A_1652 : f32 to vector<16xf32>
      %mul3A_1654 = arith.mulf %neg3A_1651, %mul3A_1653 : vector<16xf32>
      %jit3A_1655 = arith.constant -1.260000e+02 : f32
      %jit3A_1656 = arith.constant 1.260000e+02 : f32
      %max3A_1657 = vector.broadcast %jit3A_1655 : f32 to vector<16xf32>
      %max3A_1658 = arith.maximumf %max3A_1657, %mul3A_1654 : vector<16xf32>
      %min3A_1659 = vector.broadcast %jit3A_1656 : f32 to vector<16xf32>
      %min3A_1660 = arith.minimumf %min3A_1659, %max3A_1658 : vector<16xf32>
      %convert_element_type3A_1661 = arith.fptosi %min3A_1660 : vector<16xf32> to vector<16xi32>
      %convert_element_type3A_1662 = arith.sitofp %convert_element_type3A_1661 : vector<16xi32> to vector<16xf32>
      %sub3A_1663 = arith.subf %min3A_1660, %convert_element_type3A_1662 : vector<16xf32>
      %mul3A_1664 = arith.constant 0.693147182 : f32
      %mul3A_1665 = vector.broadcast %mul3A_1664 : f32 to vector<16xf32>
      %mul3A_1666 = arith.mulf %sub3A_1663, %mul3A_1665 : vector<16xf32>
      %mul3A_1667 = arith.constant 1.98412701E-4 : f32
      %mul3A_1668 = vector.broadcast %mul3A_1667 : f32 to vector<16xf32>
      %mul3A_1669 = arith.mulf %mul3A_1668, %mul3A_1666 : vector<16xf32>
      %add3A_1670 = arith.constant 0.00138888892 : f32
      %add3A_1671 = vector.broadcast %add3A_1670 : f32 to vector<16xf32>
      %add3A_1672 = arith.addf %mul3A_1669, %add3A_1671 : vector<16xf32>
      %mul3A_1673 = arith.mulf %add3A_1672, %mul3A_1666 : vector<16xf32>
      %add3A_1674 = arith.constant 0.00833333377 : f32
      %add3A_1675 = vector.broadcast %add3A_1674 : f32 to vector<16xf32>
      %add3A_1676 = arith.addf %mul3A_1673, %add3A_1675 : vector<16xf32>
      %mul3A_1677 = arith.mulf %add3A_1676, %mul3A_1666 : vector<16xf32>
      %add3A_1678 = arith.constant 0.0416666679 : f32
      %add3A_1679 = vector.broadcast %add3A_1678 : f32 to vector<16xf32>
      %add3A_1680 = arith.addf %mul3A_1677, %add3A_1679 : vector<16xf32>
      %mul3A_1681 = arith.mulf %add3A_1680, %mul3A_1666 : vector<16xf32>
      %add3A_1682 = arith.constant 0.166666672 : f32
      %add3A_1683 = vector.broadcast %add3A_1682 : f32 to vector<16xf32>
      %add3A_1684 = arith.addf %mul3A_1681, %add3A_1683 : vector<16xf32>
      %mul3A_1685 = arith.mulf %add3A_1684, %mul3A_1666 : vector<16xf32>
      %add3A_1686 = arith.constant 5.000000e-01 : f32
      %add3A_1687 = vector.broadcast %add3A_1686 : f32 to vector<16xf32>
      %add3A_1688 = arith.addf %mul3A_1685, %add3A_1687 : vector<16xf32>
      %mul3A_1689 = arith.mulf %add3A_1688, %mul3A_1666 : vector<16xf32>
      %add3A_1690 = arith.constant 1.000000e+00 : f32
      %add3A_1691 = vector.broadcast %add3A_1690 : f32 to vector<16xf32>
      %add3A_1692 = arith.addf %mul3A_1689, %add3A_1691 : vector<16xf32>
      %mul3A_1693 = arith.mulf %add3A_1692, %mul3A_1666 : vector<16xf32>
      %add3A_1694 = arith.constant 1.000000e+00 : f32
      %add3A_1695 = vector.broadcast %add3A_1694 : f32 to vector<16xf32>
      %add3A_1696 = arith.addf %mul3A_1693, %add3A_1695 : vector<16xf32>
      %add3A_1697 = arith.constant 127 : i32
      %add3A_1698 = vector.broadcast %add3A_1697 : i32 to vector<16xi32>
      %add3A_1699 = arith.addi %convert_element_type3A_1661, %add3A_1698 : vector<16xi32>
      %shift_left3A_1700 = arith.constant 23 : i32
      %shift_left3A_1701 = vector.broadcast %shift_left3A_1700 : i32 to vector<16xi32>
      %shift_left3A_1702 = arith.shli %add3A_1699, %shift_left3A_1701 : vector<16xi32>
      %bitcast_convert_type3A_1703 = tpu.bitcast %shift_left3A_1702 : vector<16xi32> -> vector<16xf32>
      %mul3A_1704 = arith.mulf %add3A_1696, %bitcast_convert_type3A_1703 : vector<16xf32>
      %add3A_1705 = arith.constant 1.000000e+00 : f32
      %add3A_1706 = vector.broadcast %add3A_1705 : f32 to vector<16xf32>
      %add3A_1707 = arith.addf %add3A_1706, %mul3A_1704 : vector<16xf32>
      %div3A_1708 = arith.constant 1.000000e+00 : f32
      %div3A_1709 = vector.broadcast %div3A_1708 : f32 to vector<16xf32>
      %div3A_1710 = arith.divf %div3A_1709, %add3A_1707 : vector<16xf32>
      %mul3A_1711 = arith.mulf %add3A_1707, %div3A_1710 : vector<16xf32>
      %sub3A_1712 = arith.constant 2.000000e+00 : f32
      %sub3A_1713 = vector.broadcast %sub3A_1712 : f32 to vector<16xf32>
      %sub3A_1714 = arith.subf %sub3A_1713, %mul3A_1711 : vector<16xf32>
      %mul3A_1715 = arith.mulf %div3A_1710, %sub3A_1714 : vector<16xf32>
      %bitcast_convert_type3A_1716 = tpu.bitcast %mul3A_1715 : vector<16xf32> -> vector<16xi32>
      %add3A_1717 = arith.constant 32767 : i32
      %add3A_1718 = vector.broadcast %add3A_1717 : i32 to vector<16xi32>
      %add3A_1719 = arith.addi %bitcast_convert_type3A_1716, %add3A_1718 : vector<16xi32>
      %shift_right_arithmetic3A_1720 = arith.constant 16 : i32
      %shift_right_arithmetic3A_1721 = vector.broadcast %shift_right_arithmetic3A_1720 : i32 to vector<16xi32>
      %shift_right_arithmetic3A_1722 = arith.shrsi %bitcast_convert_type3A_1716, %shift_right_arithmetic3A_1721 : vector<16xi32>
      %and3A_1723 = arith.constant 1 : i32
      %and3A_1724 = vector.broadcast %and3A_1723 : i32 to vector<16xi32>
      %and3A_1725 = arith.andi %shift_right_arithmetic3A_1722, %and3A_1724 : vector<16xi32>
      %add3A_1726 = arith.addi %add3A_1719, %and3A_1725 : vector<16xi32>
      %and3A_1727 = arith.constant -65536 : i32
      %and3A_1728 = vector.broadcast %and3A_1727 : i32 to vector<16xi32>
      %and3A_1729 = arith.andi %add3A_1726, %and3A_1728 : vector<16xi32>
      %bitcast_convert_type3A_1730 = tpu.bitcast %and3A_1729 : vector<16xi32> -> vector<16xf32>
      %mul3A_1731 = vector.broadcast %squeeze3A_1647 : f32 to vector<16xf32>
      %mul3A_1732 = arith.mulf %bitcast_convert_type3A_1730, %mul3A_1731 : vector<16xf32>
      %add3A_1733 = arith.addf %add3A_1554, %mul3A_1732 : vector<16xf32>
      %mul3A_1734 = arith.mulf %gather3A_1643, %gather3A_1645 : vector<16xf32>
      %neg3A_1735 = arith.constant 0.000000e+00 : f32
      %neg3A_1736 = vector.broadcast %neg3A_1735 : f32 to vector<16xf32>
      %neg3A_1737 = arith.subf %neg3A_1736, %mul3A_1734 : vector<16xf32>
      %mul3A_1738 = arith.constant 1.44269502 : f32
      %mul3A_1739 = vector.broadcast %mul3A_1738 : f32 to vector<16xf32>
      %mul3A_1740 = arith.mulf %neg3A_1737, %mul3A_1739 : vector<16xf32>
      %jit3A_1741 = arith.constant -1.260000e+02 : f32
      %jit3A_1742 = arith.constant 1.260000e+02 : f32
      %max3A_1743 = vector.broadcast %jit3A_1741 : f32 to vector<16xf32>
      %max3A_1744 = arith.maximumf %max3A_1743, %mul3A_1740 : vector<16xf32>
      %min3A_1745 = vector.broadcast %jit3A_1742 : f32 to vector<16xf32>
      %min3A_1746 = arith.minimumf %min3A_1745, %max3A_1744 : vector<16xf32>
      %convert_element_type3A_1747 = arith.fptosi %min3A_1746 : vector<16xf32> to vector<16xi32>
      %convert_element_type3A_1748 = arith.sitofp %convert_element_type3A_1747 : vector<16xi32> to vector<16xf32>
      %sub3A_1749 = arith.subf %min3A_1746, %convert_element_type3A_1748 : vector<16xf32>
      %mul3A_1750 = arith.constant 0.693147182 : f32
      %mul3A_1751 = vector.broadcast %mul3A_1750 : f32 to vector<16xf32>
      %mul3A_1752 = arith.mulf %sub3A_1749, %mul3A_1751 : vector<16xf32>
      %mul3A_1753 = arith.constant 1.98412701E-4 : f32
      %mul3A_1754 = vector.broadcast %mul3A_1753 : f32 to vector<16xf32>
      %mul3A_1755 = arith.mulf %mul3A_1754, %mul3A_1752 : vector<16xf32>
      %add3A_1756 = arith.constant 0.00138888892 : f32
      %add3A_1757 = vector.broadcast %add3A_1756 : f32 to vector<16xf32>
      %add3A_1758 = arith.addf %mul3A_1755, %add3A_1757 : vector<16xf32>
      %mul3A_1759 = arith.mulf %add3A_1758, %mul3A_1752 : vector<16xf32>
      %add3A_1760 = arith.constant 0.00833333377 : f32
      %add3A_1761 = vector.broadcast %add3A_1760 : f32 to vector<16xf32>
      %add3A_1762 = arith.addf %mul3A_1759, %add3A_1761 : vector<16xf32>
      %mul3A_1763 = arith.mulf %add3A_1762, %mul3A_1752 : vector<16xf32>
      %add3A_1764 = arith.constant 0.0416666679 : f32
      %add3A_1765 = vector.broadcast %add3A_1764 : f32 to vector<16xf32>
      %add3A_1766 = arith.addf %mul3A_1763, %add3A_1765 : vector<16xf32>
      %mul3A_1767 = arith.mulf %add3A_1766, %mul3A_1752 : vector<16xf32>
      %add3A_1768 = arith.constant 0.166666672 : f32
      %add3A_1769 = vector.broadcast %add3A_1768 : f32 to vector<16xf32>
      %add3A_1770 = arith.addf %mul3A_1767, %add3A_1769 : vector<16xf32>
      %mul3A_1771 = arith.mulf %add3A_1770, %mul3A_1752 : vector<16xf32>
      %add3A_1772 = arith.constant 5.000000e-01 : f32
      %add3A_1773 = vector.broadcast %add3A_1772 : f32 to vector<16xf32>
      %add3A_1774 = arith.addf %mul3A_1771, %add3A_1773 : vector<16xf32>
      %mul3A_1775 = arith.mulf %add3A_1774, %mul3A_1752 : vector<16xf32>
      %add3A_1776 = arith.constant 1.000000e+00 : f32
      %add3A_1777 = vector.broadcast %add3A_1776 : f32 to vector<16xf32>
      %add3A_1778 = arith.addf %mul3A_1775, %add3A_1777 : vector<16xf32>
      %mul3A_1779 = arith.mulf %add3A_1778, %mul3A_1752 : vector<16xf32>
      %add3A_1780 = arith.constant 1.000000e+00 : f32
      %add3A_1781 = vector.broadcast %add3A_1780 : f32 to vector<16xf32>
      %add3A_1782 = arith.addf %mul3A_1779, %add3A_1781 : vector<16xf32>
      %add3A_1783 = arith.constant 127 : i32
      %add3A_1784 = vector.broadcast %add3A_1783 : i32 to vector<16xi32>
      %add3A_1785 = arith.addi %convert_element_type3A_1747, %add3A_1784 : vector<16xi32>
      %shift_left3A_1786 = arith.constant 23 : i32
      %shift_left3A_1787 = vector.broadcast %shift_left3A_1786 : i32 to vector<16xi32>
      %shift_left3A_1788 = arith.shli %add3A_1785, %shift_left3A_1787 : vector<16xi32>
      %bitcast_convert_type3A_1789 = tpu.bitcast %shift_left3A_1788 : vector<16xi32> -> vector<16xf32>
      %mul3A_1790 = arith.mulf %add3A_1782, %bitcast_convert_type3A_1789 : vector<16xf32>
      %add3A_1791 = arith.constant 1.000000e+00 : f32
      %add3A_1792 = vector.broadcast %add3A_1791 : f32 to vector<16xf32>
      %add3A_1793 = arith.addf %add3A_1792, %mul3A_1790 : vector<16xf32>
      %div3A_1794 = arith.constant 1.000000e+00 : f32
      %div3A_1795 = vector.broadcast %div3A_1794 : f32 to vector<16xf32>
      %div3A_1796 = arith.divf %div3A_1795, %add3A_1793 : vector<16xf32>
      %mul3A_1797 = arith.mulf %add3A_1793, %div3A_1796 : vector<16xf32>
      %sub3A_1798 = arith.constant 2.000000e+00 : f32
      %sub3A_1799 = vector.broadcast %sub3A_1798 : f32 to vector<16xf32>
      %sub3A_1800 = arith.subf %sub3A_1799, %mul3A_1797 : vector<16xf32>
      %mul3A_1801 = arith.mulf %div3A_1796, %sub3A_1800 : vector<16xf32>
      %bitcast_convert_type3A_1802 = tpu.bitcast %mul3A_1801 : vector<16xf32> -> vector<16xi32>
      %add3A_1803 = arith.constant 32767 : i32
      %add3A_1804 = vector.broadcast %add3A_1803 : i32 to vector<16xi32>
      %add3A_1805 = arith.addi %bitcast_convert_type3A_1802, %add3A_1804 : vector<16xi32>
      %shift_right_arithmetic3A_1806 = arith.constant 16 : i32
      %shift_right_arithmetic3A_1807 = vector.broadcast %shift_right_arithmetic3A_1806 : i32 to vector<16xi32>
      %shift_right_arithmetic3A_1808 = arith.shrsi %bitcast_convert_type3A_1802, %shift_right_arithmetic3A_1807 : vector<16xi32>
      %and3A_1809 = arith.constant 1 : i32
      %and3A_1810 = vector.broadcast %and3A_1809 : i32 to vector<16xi32>
      %and3A_1811 = arith.andi %shift_right_arithmetic3A_1808, %and3A_1810 : vector<16xi32>
      %add3A_1812 = arith.addi %add3A_1805, %and3A_1811 : vector<16xi32>
      %and3A_1813 = arith.constant -65536 : i32
      %and3A_1814 = vector.broadcast %and3A_1813 : i32 to vector<16xi32>
      %and3A_1815 = arith.andi %add3A_1812, %and3A_1814 : vector<16xi32>
      %bitcast_convert_type3A_1816 = tpu.bitcast %and3A_1815 : vector<16xi32> -> vector<16xf32>
      %mul3A_1817 = vector.broadcast %squeeze3A_1647 : f32 to vector<16xf32>
      %mul3A_1818 = arith.mulf %bitcast_convert_type3A_1816, %mul3A_1817 : vector<16xf32>
      %add3A_1819 = arith.addf %add3A_1640, %mul3A_1818 : vector<16xf32>
      %broadcast_in_dim3A_1820 = arith.constant 9 : i32
      %broadcast_in_dim3A_1821 = vector.broadcast %broadcast_in_dim3A_1820 : i32 to vector<16xi32>
      %gather3A_1822 = tpu.vector_load_idx %arg13[%add3A_219, %broadcast_in_dim3A_1821] : memref<512x16xf32, #tpu.memory_space<vmem>>[vector<16xi32>, vector<16xi32>], vector<16xf32>,
      %gather3A_1823 = tpu.vector_load_idx %arg14[%add3A_219, %broadcast_in_dim3A_1821] : memref<512x16xf32, #tpu.memory_space<vmem>>[vector<16xi32>, vector<16xi32>], vector<16xf32>,
      %gather3A_1824 = tpu.vector_load_idx %arg15[%add3A_219, %broadcast_in_dim3A_1821] : memref<512x16xf32, #tpu.memory_space<vmem>>[vector<16xi32>, vector<16xi32>], vector<16xf32>,
      %slice3A_1825 = vector.extract_strided_slice %bitcast_convert_type3A_210 {offsets = [9], sizes = [1], strides = [1]} : vector<16xf32> to vector<1xf32>
      %squeeze3A_1826 = vector.extract %slice3A_1825[0] : f32 from vector<1xf32>
      %mul3A_1827 = arith.mulf %gather3A_1822, %gather3A_1823 : vector<16xf32>
      %neg3A_1828 = arith.constant 0.000000e+00 : f32
      %neg3A_1829 = vector.broadcast %neg3A_1828 : f32 to vector<16xf32>
      %neg3A_1830 = arith.subf %neg3A_1829, %mul3A_1827 : vector<16xf32>
      %mul3A_1831 = arith.constant 1.44269502 : f32
      %mul3A_1832 = vector.broadcast %mul3A_1831 : f32 to vector<16xf32>
      %mul3A_1833 = arith.mulf %neg3A_1830, %mul3A_1832 : vector<16xf32>
      %jit3A_1834 = arith.constant -1.260000e+02 : f32
      %jit3A_1835 = arith.constant 1.260000e+02 : f32
      %max3A_1836 = vector.broadcast %jit3A_1834 : f32 to vector<16xf32>
      %max3A_1837 = arith.maximumf %max3A_1836, %mul3A_1833 : vector<16xf32>
      %min3A_1838 = vector.broadcast %jit3A_1835 : f32 to vector<16xf32>
      %min3A_1839 = arith.minimumf %min3A_1838, %max3A_1837 : vector<16xf32>
      %convert_element_type3A_1840 = arith.fptosi %min3A_1839 : vector<16xf32> to vector<16xi32>
      %convert_element_type3A_1841 = arith.sitofp %convert_element_type3A_1840 : vector<16xi32> to vector<16xf32>
      %sub3A_1842 = arith.subf %min3A_1839, %convert_element_type3A_1841 : vector<16xf32>
      %mul3A_1843 = arith.constant 0.693147182 : f32
      %mul3A_1844 = vector.broadcast %mul3A_1843 : f32 to vector<16xf32>
      %mul3A_1845 = arith.mulf %sub3A_1842, %mul3A_1844 : vector<16xf32>
      %mul3A_1846 = arith.constant 1.98412701E-4 : f32
      %mul3A_1847 = vector.broadcast %mul3A_1846 : f32 to vector<16xf32>
      %mul3A_1848 = arith.mulf %mul3A_1847, %mul3A_1845 : vector<16xf32>
      %add3A_1849 = arith.constant 0.00138888892 : f32
      %add3A_1850 = vector.broadcast %add3A_1849 : f32 to vector<16xf32>
      %add3A_1851 = arith.addf %mul3A_1848, %add3A_1850 : vector<16xf32>
      %mul3A_1852 = arith.mulf %add3A_1851, %mul3A_1845 : vector<16xf32>
      %add3A_1853 = arith.constant 0.00833333377 : f32
      %add3A_1854 = vector.broadcast %add3A_1853 : f32 to vector<16xf32>
      %add3A_1855 = arith.addf %mul3A_1852, %add3A_1854 : vector<16xf32>
      %mul3A_1856 = arith.mulf %add3A_1855, %mul3A_1845 : vector<16xf32>
      %add3A_1857 = arith.constant 0.0416666679 : f32
      %add3A_1858 = vector.broadcast %add3A_1857 : f32 to vector<16xf32>
      %add3A_1859 = arith.addf %mul3A_1856, %add3A_1858 : vector<16xf32>
      %mul3A_1860 = arith.mulf %add3A_1859, %mul3A_1845 : vector<16xf32>
      %add3A_1861 = arith.constant 0.166666672 : f32
      %add3A_1862 = vector.broadcast %add3A_1861 : f32 to vector<16xf32>
      %add3A_1863 = arith.addf %mul3A_1860, %add3A_1862 : vector<16xf32>
      %mul3A_1864 = arith.mulf %add3A_1863, %mul3A_1845 : vector<16xf32>
      %add3A_1865 = arith.constant 5.000000e-01 : f32
      %add3A_1866 = vector.broadcast %add3A_1865 : f32 to vector<16xf32>
      %add3A_1867 = arith.addf %mul3A_1864, %add3A_1866 : vector<16xf32>
      %mul3A_1868 = arith.mulf %add3A_1867, %mul3A_1845 : vector<16xf32>
      %add3A_1869 = arith.constant 1.000000e+00 : f32
      %add3A_1870 = vector.broadcast %add3A_1869 : f32 to vector<16xf32>
      %add3A_1871 = arith.addf %mul3A_1868, %add3A_1870 : vector<16xf32>
      %mul3A_1872 = arith.mulf %add3A_1871, %mul3A_1845 : vector<16xf32>
      %add3A_1873 = arith.constant 1.000000e+00 : f32
      %add3A_1874 = vector.broadcast %add3A_1873 : f32 to vector<16xf32>
      %add3A_1875 = arith.addf %mul3A_1872, %add3A_1874 : vector<16xf32>
      %add3A_1876 = arith.constant 127 : i32
      %add3A_1877 = vector.broadcast %add3A_1876 : i32 to vector<16xi32>
      %add3A_1878 = arith.addi %convert_element_type3A_1840, %add3A_1877 : vector<16xi32>
      %shift_left3A_1879 = arith.constant 23 : i32
      %shift_left3A_1880 = vector.broadcast %shift_left3A_1879 : i32 to vector<16xi32>
      %shift_left3A_1881 = arith.shli %add3A_1878, %shift_left3A_1880 : vector<16xi32>
      %bitcast_convert_type3A_1882 = tpu.bitcast %shift_left3A_1881 : vector<16xi32> -> vector<16xf32>
      %mul3A_1883 = arith.mulf %add3A_1875, %bitcast_convert_type3A_1882 : vector<16xf32>
      %add3A_1884 = arith.constant 1.000000e+00 : f32
      %add3A_1885 = vector.broadcast %add3A_1884 : f32 to vector<16xf32>
      %add3A_1886 = arith.addf %add3A_1885, %mul3A_1883 : vector<16xf32>
      %div3A_1887 = arith.constant 1.000000e+00 : f32
      %div3A_1888 = vector.broadcast %div3A_1887 : f32 to vector<16xf32>
      %div3A_1889 = arith.divf %div3A_1888, %add3A_1886 : vector<16xf32>
      %mul3A_1890 = arith.mulf %add3A_1886, %div3A_1889 : vector<16xf32>
      %sub3A_1891 = arith.constant 2.000000e+00 : f32
      %sub3A_1892 = vector.broadcast %sub3A_1891 : f32 to vector<16xf32>
      %sub3A_1893 = arith.subf %sub3A_1892, %mul3A_1890 : vector<16xf32>
      %mul3A_1894 = arith.mulf %div3A_1889, %sub3A_1893 : vector<16xf32>
      %bitcast_convert_type3A_1895 = tpu.bitcast %mul3A_1894 : vector<16xf32> -> vector<16xi32>
      %add3A_1896 = arith.constant 32767 : i32
      %add3A_1897 = vector.broadcast %add3A_1896 : i32 to vector<16xi32>
      %add3A_1898 = arith.addi %bitcast_convert_type3A_1895, %add3A_1897 : vector<16xi32>
      %shift_right_arithmetic3A_1899 = arith.constant 16 : i32
      %shift_right_arithmetic3A_1900 = vector.broadcast %shift_right_arithmetic3A_1899 : i32 to vector<16xi32>
      %shift_right_arithmetic3A_1901 = arith.shrsi %bitcast_convert_type3A_1895, %shift_right_arithmetic3A_1900 : vector<16xi32>
      %and3A_1902 = arith.constant 1 : i32
      %and3A_1903 = vector.broadcast %and3A_1902 : i32 to vector<16xi32>
      %and3A_1904 = arith.andi %shift_right_arithmetic3A_1901, %and3A_1903 : vector<16xi32>
      %add3A_1905 = arith.addi %add3A_1898, %and3A_1904 : vector<16xi32>
      %and3A_1906 = arith.constant -65536 : i32
      %and3A_1907 = vector.broadcast %and3A_1906 : i32 to vector<16xi32>
      %and3A_1908 = arith.andi %add3A_1905, %and3A_1907 : vector<16xi32>
      %bitcast_convert_type3A_1909 = tpu.bitcast %and3A_1908 : vector<16xi32> -> vector<16xf32>
      %mul3A_1910 = vector.broadcast %squeeze3A_1826 : f32 to vector<16xf32>
      %mul3A_1911 = arith.mulf %bitcast_convert_type3A_1909, %mul3A_1910 : vector<16xf32>
      %add3A_1912 = arith.addf %add3A_1733, %mul3A_1911 : vector<16xf32>
      %mul3A_1913 = arith.mulf %gather3A_1822, %gather3A_1824 : vector<16xf32>
      %neg3A_1914 = arith.constant 0.000000e+00 : f32
      %neg3A_1915 = vector.broadcast %neg3A_1914 : f32 to vector<16xf32>
      %neg3A_1916 = arith.subf %neg3A_1915, %mul3A_1913 : vector<16xf32>
      %mul3A_1917 = arith.constant 1.44269502 : f32
      %mul3A_1918 = vector.broadcast %mul3A_1917 : f32 to vector<16xf32>
      %mul3A_1919 = arith.mulf %neg3A_1916, %mul3A_1918 : vector<16xf32>
      %jit3A_1920 = arith.constant -1.260000e+02 : f32
      %jit3A_1921 = arith.constant 1.260000e+02 : f32
      %max3A_1922 = vector.broadcast %jit3A_1920 : f32 to vector<16xf32>
      %max3A_1923 = arith.maximumf %max3A_1922, %mul3A_1919 : vector<16xf32>
      %min3A_1924 = vector.broadcast %jit3A_1921 : f32 to vector<16xf32>
      %min3A_1925 = arith.minimumf %min3A_1924, %max3A_1923 : vector<16xf32>
      %convert_element_type3A_1926 = arith.fptosi %min3A_1925 : vector<16xf32> to vector<16xi32>
      %convert_element_type3A_1927 = arith.sitofp %convert_element_type3A_1926 : vector<16xi32> to vector<16xf32>
      %sub3A_1928 = arith.subf %min3A_1925, %convert_element_type3A_1927 : vector<16xf32>
      %mul3A_1929 = arith.constant 0.693147182 : f32
      %mul3A_1930 = vector.broadcast %mul3A_1929 : f32 to vector<16xf32>
      %mul3A_1931 = arith.mulf %sub3A_1928, %mul3A_1930 : vector<16xf32>
      %mul3A_1932 = arith.constant 1.98412701E-4 : f32
      %mul3A_1933 = vector.broadcast %mul3A_1932 : f32 to vector<16xf32>
      %mul3A_1934 = arith.mulf %mul3A_1933, %mul3A_1931 : vector<16xf32>
      %add3A_1935 = arith.constant 0.00138888892 : f32
      %add3A_1936 = vector.broadcast %add3A_1935 : f32 to vector<16xf32>
      %add3A_1937 = arith.addf %mul3A_1934, %add3A_1936 : vector<16xf32>
      %mul3A_1938 = arith.mulf %add3A_1937, %mul3A_1931 : vector<16xf32>
      %add3A_1939 = arith.constant 0.00833333377 : f32
      %add3A_1940 = vector.broadcast %add3A_1939 : f32 to vector<16xf32>
      %add3A_1941 = arith.addf %mul3A_1938, %add3A_1940 : vector<16xf32>
      %mul3A_1942 = arith.mulf %add3A_1941, %mul3A_1931 : vector<16xf32>
      %add3A_1943 = arith.constant 0.0416666679 : f32
      %add3A_1944 = vector.broadcast %add3A_1943 : f32 to vector<16xf32>
      %add3A_1945 = arith.addf %mul3A_1942, %add3A_1944 : vector<16xf32>
      %mul3A_1946 = arith.mulf %add3A_1945, %mul3A_1931 : vector<16xf32>
      %add3A_1947 = arith.constant 0.166666672 : f32
      %add3A_1948 = vector.broadcast %add3A_1947 : f32 to vector<16xf32>
      %add3A_1949 = arith.addf %mul3A_1946, %add3A_1948 : vector<16xf32>
      %mul3A_1950 = arith.mulf %add3A_1949, %mul3A_1931 : vector<16xf32>
      %add3A_1951 = arith.constant 5.000000e-01 : f32
      %add3A_1952 = vector.broadcast %add3A_1951 : f32 to vector<16xf32>
      %add3A_1953 = arith.addf %mul3A_1950, %add3A_1952 : vector<16xf32>
      %mul3A_1954 = arith.mulf %add3A_1953, %mul3A_1931 : vector<16xf32>
      %add3A_1955 = arith.constant 1.000000e+00 : f32
      %add3A_1956 = vector.broadcast %add3A_1955 : f32 to vector<16xf32>
      %add3A_1957 = arith.addf %mul3A_1954, %add3A_1956 : vector<16xf32>
      %mul3A_1958 = arith.mulf %add3A_1957, %mul3A_1931 : vector<16xf32>
      %add3A_1959 = arith.constant 1.000000e+00 : f32
      %add3A_1960 = vector.broadcast %add3A_1959 : f32 to vector<16xf32>
      %add3A_1961 = arith.addf %mul3A_1958, %add3A_1960 : vector<16xf32>
      %add3A_1962 = arith.constant 127 : i32
      %add3A_1963 = vector.broadcast %add3A_1962 : i32 to vector<16xi32>
      %add3A_1964 = arith.addi %convert_element_type3A_1926, %add3A_1963 : vector<16xi32>
      %shift_left3A_1965 = arith.constant 23 : i32
      %shift_left3A_1966 = vector.broadcast %shift_left3A_1965 : i32 to vector<16xi32>
      %shift_left3A_1967 = arith.shli %add3A_1964, %shift_left3A_1966 : vector<16xi32>
      %bitcast_convert_type3A_1968 = tpu.bitcast %shift_left3A_1967 : vector<16xi32> -> vector<16xf32>
      %mul3A_1969 = arith.mulf %add3A_1961, %bitcast_convert_type3A_1968 : vector<16xf32>
      %add3A_1970 = arith.constant 1.000000e+00 : f32
      %add3A_1971 = vector.broadcast %add3A_1970 : f32 to vector<16xf32>
      %add3A_1972 = arith.addf %add3A_1971, %mul3A_1969 : vector<16xf32>
      %div3A_1973 = arith.constant 1.000000e+00 : f32
      %div3A_1974 = vector.broadcast %div3A_1973 : f32 to vector<16xf32>
      %div3A_1975 = arith.divf %div3A_1974, %add3A_1972 : vector<16xf32>
      %mul3A_1976 = arith.mulf %add3A_1972, %div3A_1975 : vector<16xf32>
      %sub3A_1977 = arith.constant 2.000000e+00 : f32
      %sub3A_1978 = vector.broadcast %sub3A_1977 : f32 to vector<16xf32>
      %sub3A_1979 = arith.subf %sub3A_1978, %mul3A_1976 : vector<16xf32>
      %mul3A_1980 = arith.mulf %div3A_1975, %sub3A_1979 : vector<16xf32>
      %bitcast_convert_type3A_1981 = tpu.bitcast %mul3A_1980 : vector<16xf32> -> vector<16xi32>
      %add3A_1982 = arith.constant 32767 : i32
      %add3A_1983 = vector.broadcast %add3A_1982 : i32 to vector<16xi32>
      %add3A_1984 = arith.addi %bitcast_convert_type3A_1981, %add3A_1983 : vector<16xi32>
      %shift_right_arithmetic3A_1985 = arith.constant 16 : i32
      %shift_right_arithmetic3A_1986 = vector.broadcast %shift_right_arithmetic3A_1985 : i32 to vector<16xi32>
      %shift_right_arithmetic3A_1987 = arith.shrsi %bitcast_convert_type3A_1981, %shift_right_arithmetic3A_1986 : vector<16xi32>
      %and3A_1988 = arith.constant 1 : i32
      %and3A_1989 = vector.broadcast %and3A_1988 : i32 to vector<16xi32>
      %and3A_1990 = arith.andi %shift_right_arithmetic3A_1987, %and3A_1989 : vector<16xi32>
      %add3A_1991 = arith.addi %add3A_1984, %and3A_1990 : vector<16xi32>
      %and3A_1992 = arith.constant -65536 : i32
      %and3A_1993 = vector.broadcast %and3A_1992 : i32 to vector<16xi32>
      %and3A_1994 = arith.andi %add3A_1991, %and3A_1993 : vector<16xi32>
      %bitcast_convert_type3A_1995 = tpu.bitcast %and3A_1994 : vector<16xi32> -> vector<16xf32>
      %mul3A_1996 = vector.broadcast %squeeze3A_1826 : f32 to vector<16xf32>
      %mul3A_1997 = arith.mulf %bitcast_convert_type3A_1995, %mul3A_1996 : vector<16xf32>
      %add3A_1998 = arith.addf %add3A_1819, %mul3A_1997 : vector<16xf32>
      %broadcast_in_dim3A_1999 = arith.constant 10 : i32
      %broadcast_in_dim3A_2000 = vector.broadcast %broadcast_in_dim3A_1999 : i32 to vector<16xi32>
      %gather3A_2001 = tpu.vector_load_idx %arg13[%add3A_219, %broadcast_in_dim3A_2000] : memref<512x16xf32, #tpu.memory_space<vmem>>[vector<16xi32>, vector<16xi32>], vector<16xf32>,
      %gather3A_2002 = tpu.vector_load_idx %arg14[%add3A_219, %broadcast_in_dim3A_2000] : memref<512x16xf32, #tpu.memory_space<vmem>>[vector<16xi32>, vector<16xi32>], vector<16xf32>,
      %gather3A_2003 = tpu.vector_load_idx %arg15[%add3A_219, %broadcast_in_dim3A_2000] : memref<512x16xf32, #tpu.memory_space<vmem>>[vector<16xi32>, vector<16xi32>], vector<16xf32>,
      %slice3A_2004 = vector.extract_strided_slice %bitcast_convert_type3A_210 {offsets = [10], sizes = [1], strides = [1]} : vector<16xf32> to vector<1xf32>
      %squeeze3A_2005 = vector.extract %slice3A_2004[0] : f32 from vector<1xf32>
      %mul3A_2006 = arith.mulf %gather3A_2001, %gather3A_2002 : vector<16xf32>
      %neg3A_2007 = arith.constant 0.000000e+00 : f32
      %neg3A_2008 = vector.broadcast %neg3A_2007 : f32 to vector<16xf32>
      %neg3A_2009 = arith.subf %neg3A_2008, %mul3A_2006 : vector<16xf32>
      %mul3A_2010 = arith.constant 1.44269502 : f32
      %mul3A_2011 = vector.broadcast %mul3A_2010 : f32 to vector<16xf32>
      %mul3A_2012 = arith.mulf %neg3A_2009, %mul3A_2011 : vector<16xf32>
      %jit3A_2013 = arith.constant -1.260000e+02 : f32
      %jit3A_2014 = arith.constant 1.260000e+02 : f32
      %max3A_2015 = vector.broadcast %jit3A_2013 : f32 to vector<16xf32>
      %max3A_2016 = arith.maximumf %max3A_2015, %mul3A_2012 : vector<16xf32>
      %min3A_2017 = vector.broadcast %jit3A_2014 : f32 to vector<16xf32>
      %min3A_2018 = arith.minimumf %min3A_2017, %max3A_2016 : vector<16xf32>
      %convert_element_type3A_2019 = arith.fptosi %min3A_2018 : vector<16xf32> to vector<16xi32>
      %convert_element_type3A_2020 = arith.sitofp %convert_element_type3A_2019 : vector<16xi32> to vector<16xf32>
      %sub3A_2021 = arith.subf %min3A_2018, %convert_element_type3A_2020 : vector<16xf32>
      %mul3A_2022 = arith.constant 0.693147182 : f32
      %mul3A_2023 = vector.broadcast %mul3A_2022 : f32 to vector<16xf32>
      %mul3A_2024 = arith.mulf %sub3A_2021, %mul3A_2023 : vector<16xf32>
      %mul3A_2025 = arith.constant 1.98412701E-4 : f32
      %mul3A_2026 = vector.broadcast %mul3A_2025 : f32 to vector<16xf32>
      %mul3A_2027 = arith.mulf %mul3A_2026, %mul3A_2024 : vector<16xf32>
      %add3A_2028 = arith.constant 0.00138888892 : f32
      %add3A_2029 = vector.broadcast %add3A_2028 : f32 to vector<16xf32>
      %add3A_2030 = arith.addf %mul3A_2027, %add3A_2029 : vector<16xf32>
      %mul3A_2031 = arith.mulf %add3A_2030, %mul3A_2024 : vector<16xf32>
      %add3A_2032 = arith.constant 0.00833333377 : f32
      %add3A_2033 = vector.broadcast %add3A_2032 : f32 to vector<16xf32>
      %add3A_2034 = arith.addf %mul3A_2031, %add3A_2033 : vector<16xf32>
      %mul3A_2035 = arith.mulf %add3A_2034, %mul3A_2024 : vector<16xf32>
      %add3A_2036 = arith.constant 0.0416666679 : f32
      %add3A_2037 = vector.broadcast %add3A_2036 : f32 to vector<16xf32>
      %add3A_2038 = arith.addf %mul3A_2035, %add3A_2037 : vector<16xf32>
      %mul3A_2039 = arith.mulf %add3A_2038, %mul3A_2024 : vector<16xf32>
      %add3A_2040 = arith.constant 0.166666672 : f32
      %add3A_2041 = vector.broadcast %add3A_2040 : f32 to vector<16xf32>
      %add3A_2042 = arith.addf %mul3A_2039, %add3A_2041 : vector<16xf32>
      %mul3A_2043 = arith.mulf %add3A_2042, %mul3A_2024 : vector<16xf32>
      %add3A_2044 = arith.constant 5.000000e-01 : f32
      %add3A_2045 = vector.broadcast %add3A_2044 : f32 to vector<16xf32>
      %add3A_2046 = arith.addf %mul3A_2043, %add3A_2045 : vector<16xf32>
      %mul3A_2047 = arith.mulf %add3A_2046, %mul3A_2024 : vector<16xf32>
      %add3A_2048 = arith.constant 1.000000e+00 : f32
      %add3A_2049 = vector.broadcast %add3A_2048 : f32 to vector<16xf32>
      %add3A_2050 = arith.addf %mul3A_2047, %add3A_2049 : vector<16xf32>
      %mul3A_2051 = arith.mulf %add3A_2050, %mul3A_2024 : vector<16xf32>
      %add3A_2052 = arith.constant 1.000000e+00 : f32
      %add3A_2053 = vector.broadcast %add3A_2052 : f32 to vector<16xf32>
      %add3A_2054 = arith.addf %mul3A_2051, %add3A_2053 : vector<16xf32>
      %add3A_2055 = arith.constant 127 : i32
      %add3A_2056 = vector.broadcast %add3A_2055 : i32 to vector<16xi32>
      %add3A_2057 = arith.addi %convert_element_type3A_2019, %add3A_2056 : vector<16xi32>
      %shift_left3A_2058 = arith.constant 23 : i32
      %shift_left3A_2059 = vector.broadcast %shift_left3A_2058 : i32 to vector<16xi32>
      %shift_left3A_2060 = arith.shli %add3A_2057, %shift_left3A_2059 : vector<16xi32>
      %bitcast_convert_type3A_2061 = tpu.bitcast %shift_left3A_2060 : vector<16xi32> -> vector<16xf32>
      %mul3A_2062 = arith.mulf %add3A_2054, %bitcast_convert_type3A_2061 : vector<16xf32>
      %add3A_2063 = arith.constant 1.000000e+00 : f32
      %add3A_2064 = vector.broadcast %add3A_2063 : f32 to vector<16xf32>
      %add3A_2065 = arith.addf %add3A_2064, %mul3A_2062 : vector<16xf32>
      %div3A_2066 = arith.constant 1.000000e+00 : f32
      %div3A_2067 = vector.broadcast %div3A_2066 : f32 to vector<16xf32>
      %div3A_2068 = arith.divf %div3A_2067, %add3A_2065 : vector<16xf32>
      %mul3A_2069 = arith.mulf %add3A_2065, %div3A_2068 : vector<16xf32>
      %sub3A_2070 = arith.constant 2.000000e+00 : f32
      %sub3A_2071 = vector.broadcast %sub3A_2070 : f32 to vector<16xf32>
      %sub3A_2072 = arith.subf %sub3A_2071, %mul3A_2069 : vector<16xf32>
      %mul3A_2073 = arith.mulf %div3A_2068, %sub3A_2072 : vector<16xf32>
      %bitcast_convert_type3A_2074 = tpu.bitcast %mul3A_2073 : vector<16xf32> -> vector<16xi32>
      %add3A_2075 = arith.constant 32767 : i32
      %add3A_2076 = vector.broadcast %add3A_2075 : i32 to vector<16xi32>
      %add3A_2077 = arith.addi %bitcast_convert_type3A_2074, %add3A_2076 : vector<16xi32>
      %shift_right_arithmetic3A_2078 = arith.constant 16 : i32
      %shift_right_arithmetic3A_2079 = vector.broadcast %shift_right_arithmetic3A_2078 : i32 to vector<16xi32>
      %shift_right_arithmetic3A_2080 = arith.shrsi %bitcast_convert_type3A_2074, %shift_right_arithmetic3A_2079 : vector<16xi32>
      %and3A_2081 = arith.constant 1 : i32
      %and3A_2082 = vector.broadcast %and3A_2081 : i32 to vector<16xi32>
      %and3A_2083 = arith.andi %shift_right_arithmetic3A_2080, %and3A_2082 : vector<16xi32>
      %add3A_2084 = arith.addi %add3A_2077, %and3A_2083 : vector<16xi32>
      %and3A_2085 = arith.constant -65536 : i32
      %and3A_2086 = vector.broadcast %and3A_2085 : i32 to vector<16xi32>
      %and3A_2087 = arith.andi %add3A_2084, %and3A_2086 : vector<16xi32>
      %bitcast_convert_type3A_2088 = tpu.bitcast %and3A_2087 : vector<16xi32> -> vector<16xf32>
      %mul3A_2089 = vector.broadcast %squeeze3A_2005 : f32 to vector<16xf32>
      %mul3A_2090 = arith.mulf %bitcast_convert_type3A_2088, %mul3A_2089 : vector<16xf32>
      %add3A_2091 = arith.addf %add3A_1912, %mul3A_2090 : vector<16xf32>
      %mul3A_2092 = arith.mulf %gather3A_2001, %gather3A_2003 : vector<16xf32>
      %neg3A_2093 = arith.constant 0.000000e+00 : f32
      %neg3A_2094 = vector.broadcast %neg3A_2093 : f32 to vector<16xf32>
      %neg3A_2095 = arith.subf %neg3A_2094, %mul3A_2092 : vector<16xf32>
      %mul3A_2096 = arith.constant 1.44269502 : f32
      %mul3A_2097 = vector.broadcast %mul3A_2096 : f32 to vector<16xf32>
      %mul3A_2098 = arith.mulf %neg3A_2095, %mul3A_2097 : vector<16xf32>
      %jit3A_2099 = arith.constant -1.260000e+02 : f32
      %jit3A_2100 = arith.constant 1.260000e+02 : f32
      %max3A_2101 = vector.broadcast %jit3A_2099 : f32 to vector<16xf32>
      %max3A_2102 = arith.maximumf %max3A_2101, %mul3A_2098 : vector<16xf32>
      %min3A_2103 = vector.broadcast %jit3A_2100 : f32 to vector<16xf32>
      %min3A_2104 = arith.minimumf %min3A_2103, %max3A_2102 : vector<16xf32>
      %convert_element_type3A_2105 = arith.fptosi %min3A_2104 : vector<16xf32> to vector<16xi32>
      %convert_element_type3A_2106 = arith.sitofp %convert_element_type3A_2105 : vector<16xi32> to vector<16xf32>
      %sub3A_2107 = arith.subf %min3A_2104, %convert_element_type3A_2106 : vector<16xf32>
      %mul3A_2108 = arith.constant 0.693147182 : f32
      %mul3A_2109 = vector.broadcast %mul3A_2108 : f32 to vector<16xf32>
      %mul3A_2110 = arith.mulf %sub3A_2107, %mul3A_2109 : vector<16xf32>
      %mul3A_2111 = arith.constant 1.98412701E-4 : f32
      %mul3A_2112 = vector.broadcast %mul3A_2111 : f32 to vector<16xf32>
      %mul3A_2113 = arith.mulf %mul3A_2112, %mul3A_2110 : vector<16xf32>
      %add3A_2114 = arith.constant 0.00138888892 : f32
      %add3A_2115 = vector.broadcast %add3A_2114 : f32 to vector<16xf32>
      %add3A_2116 = arith.addf %mul3A_2113, %add3A_2115 : vector<16xf32>
      %mul3A_2117 = arith.mulf %add3A_2116, %mul3A_2110 : vector<16xf32>
      %add3A_2118 = arith.constant 0.00833333377 : f32
      %add3A_2119 = vector.broadcast %add3A_2118 : f32 to vector<16xf32>
      %add3A_2120 = arith.addf %mul3A_2117, %add3A_2119 : vector<16xf32>
      %mul3A_2121 = arith.mulf %add3A_2120, %mul3A_2110 : vector<16xf32>
      %add3A_2122 = arith.constant 0.0416666679 : f32
      %add3A_2123 = vector.broadcast %add3A_2122 : f32 to vector<16xf32>
      %add3A_2124 = arith.addf %mul3A_2121, %add3A_2123 : vector<16xf32>
      %mul3A_2125 = arith.mulf %add3A_2124, %mul3A_2110 : vector<16xf32>
      %add3A_2126 = arith.constant 0.166666672 : f32
      %add3A_2127 = vector.broadcast %add3A_2126 : f32 to vector<16xf32>
      %add3A_2128 = arith.addf %mul3A_2125, %add3A_2127 : vector<16xf32>
      %mul3A_2129 = arith.mulf %add3A_2128, %mul3A_2110 : vector<16xf32>
      %add3A_2130 = arith.constant 5.000000e-01 : f32
      %add3A_2131 = vector.broadcast %add3A_2130 : f32 to vector<16xf32>
      %add3A_2132 = arith.addf %mul3A_2129, %add3A_2131 : vector<16xf32>
      %mul3A_2133 = arith.mulf %add3A_2132, %mul3A_2110 : vector<16xf32>
      %add3A_2134 = arith.constant 1.000000e+00 : f32
      %add3A_2135 = vector.broadcast %add3A_2134 : f32 to vector<16xf32>
      %add3A_2136 = arith.addf %mul3A_2133, %add3A_2135 : vector<16xf32>
      %mul3A_2137 = arith.mulf %add3A_2136, %mul3A_2110 : vector<16xf32>
      %add3A_2138 = arith.constant 1.000000e+00 : f32
      %add3A_2139 = vector.broadcast %add3A_2138 : f32 to vector<16xf32>
      %add3A_2140 = arith.addf %mul3A_2137, %add3A_2139 : vector<16xf32>
      %add3A_2141 = arith.constant 127 : i32
      %add3A_2142 = vector.broadcast %add3A_2141 : i32 to vector<16xi32>
      %add3A_2143 = arith.addi %convert_element_type3A_2105, %add3A_2142 : vector<16xi32>
      %shift_left3A_2144 = arith.constant 23 : i32
      %shift_left3A_2145 = vector.broadcast %shift_left3A_2144 : i32 to vector<16xi32>
      %shift_left3A_2146 = arith.shli %add3A_2143, %shift_left3A_2145 : vector<16xi32>
      %bitcast_convert_type3A_2147 = tpu.bitcast %shift_left3A_2146 : vector<16xi32> -> vector<16xf32>
      %mul3A_2148 = arith.mulf %add3A_2140, %bitcast_convert_type3A_2147 : vector<16xf32>
      %add3A_2149 = arith.constant 1.000000e+00 : f32
      %add3A_2150 = vector.broadcast %add3A_2149 : f32 to vector<16xf32>
      %add3A_2151 = arith.addf %add3A_2150, %mul3A_2148 : vector<16xf32>
      %div3A_2152 = arith.constant 1.000000e+00 : f32
      %div3A_2153 = vector.broadcast %div3A_2152 : f32 to vector<16xf32>
      %div3A_2154 = arith.divf %div3A_2153, %add3A_2151 : vector<16xf32>
      %mul3A_2155 = arith.mulf %add3A_2151, %div3A_2154 : vector<16xf32>
      %sub3A_2156 = arith.constant 2.000000e+00 : f32
      %sub3A_2157 = vector.broadcast %sub3A_2156 : f32 to vector<16xf32>
      %sub3A_2158 = arith.subf %sub3A_2157, %mul3A_2155 : vector<16xf32>
      %mul3A_2159 = arith.mulf %div3A_2154, %sub3A_2158 : vector<16xf32>
      %bitcast_convert_type3A_2160 = tpu.bitcast %mul3A_2159 : vector<16xf32> -> vector<16xi32>
      %add3A_2161 = arith.constant 32767 : i32
      %add3A_2162 = vector.broadcast %add3A_2161 : i32 to vector<16xi32>
      %add3A_2163 = arith.addi %bitcast_convert_type3A_2160, %add3A_2162 : vector<16xi32>
      %shift_right_arithmetic3A_2164 = arith.constant 16 : i32
      %shift_right_arithmetic3A_2165 = vector.broadcast %shift_right_arithmetic3A_2164 : i32 to vector<16xi32>
      %shift_right_arithmetic3A_2166 = arith.shrsi %bitcast_convert_type3A_2160, %shift_right_arithmetic3A_2165 : vector<16xi32>
      %and3A_2167 = arith.constant 1 : i32
      %and3A_2168 = vector.broadcast %and3A_2167 : i32 to vector<16xi32>
      %and3A_2169 = arith.andi %shift_right_arithmetic3A_2166, %and3A_2168 : vector<16xi32>
      %add3A_2170 = arith.addi %add3A_2163, %and3A_2169 : vector<16xi32>
      %and3A_2171 = arith.constant -65536 : i32
      %and3A_2172 = vector.broadcast %and3A_2171 : i32 to vector<16xi32>
      %and3A_2173 = arith.andi %add3A_2170, %and3A_2172 : vector<16xi32>
      %bitcast_convert_type3A_2174 = tpu.bitcast %and3A_2173 : vector<16xi32> -> vector<16xf32>
      %mul3A_2175 = vector.broadcast %squeeze3A_2005 : f32 to vector<16xf32>
      %mul3A_2176 = arith.mulf %bitcast_convert_type3A_2174, %mul3A_2175 : vector<16xf32>
      %add3A_2177 = arith.addf %add3A_1998, %mul3A_2176 : vector<16xf32>
      %broadcast_in_dim3A_2178 = arith.constant 11 : i32
      %broadcast_in_dim3A_2179 = vector.broadcast %broadcast_in_dim3A_2178 : i32 to vector<16xi32>
      %gather3A_2180 = tpu.vector_load_idx %arg13[%add3A_219, %broadcast_in_dim3A_2179] : memref<512x16xf32, #tpu.memory_space<vmem>>[vector<16xi32>, vector<16xi32>], vector<16xf32>,
      %gather3A_2181 = tpu.vector_load_idx %arg14[%add3A_219, %broadcast_in_dim3A_2179] : memref<512x16xf32, #tpu.memory_space<vmem>>[vector<16xi32>, vector<16xi32>], vector<16xf32>,
      %gather3A_2182 = tpu.vector_load_idx %arg15[%add3A_219, %broadcast_in_dim3A_2179] : memref<512x16xf32, #tpu.memory_space<vmem>>[vector<16xi32>, vector<16xi32>], vector<16xf32>,
      %slice3A_2183 = vector.extract_strided_slice %bitcast_convert_type3A_210 {offsets = [11], sizes = [1], strides = [1]} : vector<16xf32> to vector<1xf32>
      %squeeze3A_2184 = vector.extract %slice3A_2183[0] : f32 from vector<1xf32>
      %mul3A_2185 = arith.mulf %gather3A_2180, %gather3A_2181 : vector<16xf32>
      %neg3A_2186 = arith.constant 0.000000e+00 : f32
      %neg3A_2187 = vector.broadcast %neg3A_2186 : f32 to vector<16xf32>
      %neg3A_2188 = arith.subf %neg3A_2187, %mul3A_2185 : vector<16xf32>
      %mul3A_2189 = arith.constant 1.44269502 : f32
      %mul3A_2190 = vector.broadcast %mul3A_2189 : f32 to vector<16xf32>
      %mul3A_2191 = arith.mulf %neg3A_2188, %mul3A_2190 : vector<16xf32>
      %jit3A_2192 = arith.constant -1.260000e+02 : f32
      %jit3A_2193 = arith.constant 1.260000e+02 : f32
      %max3A_2194 = vector.broadcast %jit3A_2192 : f32 to vector<16xf32>
      %max3A_2195 = arith.maximumf %max3A_2194, %mul3A_2191 : vector<16xf32>
      %min3A_2196 = vector.broadcast %jit3A_2193 : f32 to vector<16xf32>
      %min3A_2197 = arith.minimumf %min3A_2196, %max3A_2195 : vector<16xf32>
      %convert_element_type3A_2198 = arith.fptosi %min3A_2197 : vector<16xf32> to vector<16xi32>
      %convert_element_type3A_2199 = arith.sitofp %convert_element_type3A_2198 : vector<16xi32> to vector<16xf32>
      %sub3A_2200 = arith.subf %min3A_2197, %convert_element_type3A_2199 : vector<16xf32>
      %mul3A_2201 = arith.constant 0.693147182 : f32
      %mul3A_2202 = vector.broadcast %mul3A_2201 : f32 to vector<16xf32>
      %mul3A_2203 = arith.mulf %sub3A_2200, %mul3A_2202 : vector<16xf32>
      %mul3A_2204 = arith.constant 1.98412701E-4 : f32
      %mul3A_2205 = vector.broadcast %mul3A_2204 : f32 to vector<16xf32>
      %mul3A_2206 = arith.mulf %mul3A_2205, %mul3A_2203 : vector<16xf32>
      %add3A_2207 = arith.constant 0.00138888892 : f32
      %add3A_2208 = vector.broadcast %add3A_2207 : f32 to vector<16xf32>
      %add3A_2209 = arith.addf %mul3A_2206, %add3A_2208 : vector<16xf32>
      %mul3A_2210 = arith.mulf %add3A_2209, %mul3A_2203 : vector<16xf32>
      %add3A_2211 = arith.constant 0.00833333377 : f32
      %add3A_2212 = vector.broadcast %add3A_2211 : f32 to vector<16xf32>
      %add3A_2213 = arith.addf %mul3A_2210, %add3A_2212 : vector<16xf32>
      %mul3A_2214 = arith.mulf %add3A_2213, %mul3A_2203 : vector<16xf32>
      %add3A_2215 = arith.constant 0.0416666679 : f32
      %add3A_2216 = vector.broadcast %add3A_2215 : f32 to vector<16xf32>
      %add3A_2217 = arith.addf %mul3A_2214, %add3A_2216 : vector<16xf32>
      %mul3A_2218 = arith.mulf %add3A_2217, %mul3A_2203 : vector<16xf32>
      %add3A_2219 = arith.constant 0.166666672 : f32
      %add3A_2220 = vector.broadcast %add3A_2219 : f32 to vector<16xf32>
      %add3A_2221 = arith.addf %mul3A_2218, %add3A_2220 : vector<16xf32>
      %mul3A_2222 = arith.mulf %add3A_2221, %mul3A_2203 : vector<16xf32>
      %add3A_2223 = arith.constant 5.000000e-01 : f32
      %add3A_2224 = vector.broadcast %add3A_2223 : f32 to vector<16xf32>
      %add3A_2225 = arith.addf %mul3A_2222, %add3A_2224 : vector<16xf32>
      %mul3A_2226 = arith.mulf %add3A_2225, %mul3A_2203 : vector<16xf32>
      %add3A_2227 = arith.constant 1.000000e+00 : f32
      %add3A_2228 = vector.broadcast %add3A_2227 : f32 to vector<16xf32>
      %add3A_2229 = arith.addf %mul3A_2226, %add3A_2228 : vector<16xf32>
      %mul3A_2230 = arith.mulf %add3A_2229, %mul3A_2203 : vector<16xf32>
      %add3A_2231 = arith.constant 1.000000e+00 : f32
      %add3A_2232 = vector.broadcast %add3A_2231 : f32 to vector<16xf32>
      %add3A_2233 = arith.addf %mul3A_2230, %add3A_2232 : vector<16xf32>
      %add3A_2234 = arith.constant 127 : i32
      %add3A_2235 = vector.broadcast %add3A_2234 : i32 to vector<16xi32>
      %add3A_2236 = arith.addi %convert_element_type3A_2198, %add3A_2235 : vector<16xi32>
      %shift_left3A_2237 = arith.constant 23 : i32
      %shift_left3A_2238 = vector.broadcast %shift_left3A_2237 : i32 to vector<16xi32>
      %shift_left3A_2239 = arith.shli %add3A_2236, %shift_left3A_2238 : vector<16xi32>
      %bitcast_convert_type3A_2240 = tpu.bitcast %shift_left3A_2239 : vector<16xi32> -> vector<16xf32>
      %mul3A_2241 = arith.mulf %add3A_2233, %bitcast_convert_type3A_2240 : vector<16xf32>
      %add3A_2242 = arith.constant 1.000000e+00 : f32
      %add3A_2243 = vector.broadcast %add3A_2242 : f32 to vector<16xf32>
      %add3A_2244 = arith.addf %add3A_2243, %mul3A_2241 : vector<16xf32>
      %div3A_2245 = arith.constant 1.000000e+00 : f32
      %div3A_2246 = vector.broadcast %div3A_2245 : f32 to vector<16xf32>
      %div3A_2247 = arith.divf %div3A_2246, %add3A_2244 : vector<16xf32>
      %mul3A_2248 = arith.mulf %add3A_2244, %div3A_2247 : vector<16xf32>
      %sub3A_2249 = arith.constant 2.000000e+00 : f32
      %sub3A_2250 = vector.broadcast %sub3A_2249 : f32 to vector<16xf32>
      %sub3A_2251 = arith.subf %sub3A_2250, %mul3A_2248 : vector<16xf32>
      %mul3A_2252 = arith.mulf %div3A_2247, %sub3A_2251 : vector<16xf32>
      %bitcast_convert_type3A_2253 = tpu.bitcast %mul3A_2252 : vector<16xf32> -> vector<16xi32>
      %add3A_2254 = arith.constant 32767 : i32
      %add3A_2255 = vector.broadcast %add3A_2254 : i32 to vector<16xi32>
      %add3A_2256 = arith.addi %bitcast_convert_type3A_2253, %add3A_2255 : vector<16xi32>
      %shift_right_arithmetic3A_2257 = arith.constant 16 : i32
      %shift_right_arithmetic3A_2258 = vector.broadcast %shift_right_arithmetic3A_2257 : i32 to vector<16xi32>
      %shift_right_arithmetic3A_2259 = arith.shrsi %bitcast_convert_type3A_2253, %shift_right_arithmetic3A_2258 : vector<16xi32>
      %and3A_2260 = arith.constant 1 : i32
      %and3A_2261 = vector.broadcast %and3A_2260 : i32 to vector<16xi32>
      %and3A_2262 = arith.andi %shift_right_arithmetic3A_2259, %and3A_2261 : vector<16xi32>
      %add3A_2263 = arith.addi %add3A_2256, %and3A_2262 : vector<16xi32>
      %and3A_2264 = arith.constant -65536 : i32
      %and3A_2265 = vector.broadcast %and3A_2264 : i32 to vector<16xi32>
      %and3A_2266 = arith.andi %add3A_2263, %and3A_2265 : vector<16xi32>
      %bitcast_convert_type3A_2267 = tpu.bitcast %and3A_2266 : vector<16xi32> -> vector<16xf32>
      %mul3A_2268 = vector.broadcast %squeeze3A_2184 : f32 to vector<16xf32>
      %mul3A_2269 = arith.mulf %bitcast_convert_type3A_2267, %mul3A_2268 : vector<16xf32>
      %add3A_2270 = arith.addf %add3A_2091, %mul3A_2269 : vector<16xf32>
      %mul3A_2271 = arith.mulf %gather3A_2180, %gather3A_2182 : vector<16xf32>
      %neg3A_2272 = arith.constant 0.000000e+00 : f32
      %neg3A_2273 = vector.broadcast %neg3A_2272 : f32 to vector<16xf32>
      %neg3A_2274 = arith.subf %neg3A_2273, %mul3A_2271 : vector<16xf32>
      %mul3A_2275 = arith.constant 1.44269502 : f32
      %mul3A_2276 = vector.broadcast %mul3A_2275 : f32 to vector<16xf32>
      %mul3A_2277 = arith.mulf %neg3A_2274, %mul3A_2276 : vector<16xf32>
      %jit3A_2278 = arith.constant -1.260000e+02 : f32
      %jit3A_2279 = arith.constant 1.260000e+02 : f32
      %max3A_2280 = vector.broadcast %jit3A_2278 : f32 to vector<16xf32>
      %max3A_2281 = arith.maximumf %max3A_2280, %mul3A_2277 : vector<16xf32>
      %min3A_2282 = vector.broadcast %jit3A_2279 : f32 to vector<16xf32>
      %min3A_2283 = arith.minimumf %min3A_2282, %max3A_2281 : vector<16xf32>
      %convert_element_type3A_2284 = arith.fptosi %min3A_2283 : vector<16xf32> to vector<16xi32>
      %convert_element_type3A_2285 = arith.sitofp %convert_element_type3A_2284 : vector<16xi32> to vector<16xf32>
      %sub3A_2286 = arith.subf %min3A_2283, %convert_element_type3A_2285 : vector<16xf32>
      %mul3A_2287 = arith.constant 0.693147182 : f32
      %mul3A_2288 = vector.broadcast %mul3A_2287 : f32 to vector<16xf32>
      %mul3A_2289 = arith.mulf %sub3A_2286, %mul3A_2288 : vector<16xf32>
      %mul3A_2290 = arith.constant 1.98412701E-4 : f32
      %mul3A_2291 = vector.broadcast %mul3A_2290 : f32 to vector<16xf32>
      %mul3A_2292 = arith.mulf %mul3A_2291, %mul3A_2289 : vector<16xf32>
      %add3A_2293 = arith.constant 0.00138888892 : f32
      %add3A_2294 = vector.broadcast %add3A_2293 : f32 to vector<16xf32>
      %add3A_2295 = arith.addf %mul3A_2292, %add3A_2294 : vector<16xf32>
      %mul3A_2296 = arith.mulf %add3A_2295, %mul3A_2289 : vector<16xf32>
      %add3A_2297 = arith.constant 0.00833333377 : f32
      %add3A_2298 = vector.broadcast %add3A_2297 : f32 to vector<16xf32>
      %add3A_2299 = arith.addf %mul3A_2296, %add3A_2298 : vector<16xf32>
      %mul3A_2300 = arith.mulf %add3A_2299, %mul3A_2289 : vector<16xf32>
      %add3A_2301 = arith.constant 0.0416666679 : f32
      %add3A_2302 = vector.broadcast %add3A_2301 : f32 to vector<16xf32>
      %add3A_2303 = arith.addf %mul3A_2300, %add3A_2302 : vector<16xf32>
      %mul3A_2304 = arith.mulf %add3A_2303, %mul3A_2289 : vector<16xf32>
      %add3A_2305 = arith.constant 0.166666672 : f32
      %add3A_2306 = vector.broadcast %add3A_2305 : f32 to vector<16xf32>
      %add3A_2307 = arith.addf %mul3A_2304, %add3A_2306 : vector<16xf32>
      %mul3A_2308 = arith.mulf %add3A_2307, %mul3A_2289 : vector<16xf32>
      %add3A_2309 = arith.constant 5.000000e-01 : f32
      %add3A_2310 = vector.broadcast %add3A_2309 : f32 to vector<16xf32>
      %add3A_2311 = arith.addf %mul3A_2308, %add3A_2310 : vector<16xf32>
      %mul3A_2312 = arith.mulf %add3A_2311, %mul3A_2289 : vector<16xf32>
      %add3A_2313 = arith.constant 1.000000e+00 : f32
      %add3A_2314 = vector.broadcast %add3A_2313 : f32 to vector<16xf32>
      %add3A_2315 = arith.addf %mul3A_2312, %add3A_2314 : vector<16xf32>
      %mul3A_2316 = arith.mulf %add3A_2315, %mul3A_2289 : vector<16xf32>
      %add3A_2317 = arith.constant 1.000000e+00 : f32
      %add3A_2318 = vector.broadcast %add3A_2317 : f32 to vector<16xf32>
      %add3A_2319 = arith.addf %mul3A_2316, %add3A_2318 : vector<16xf32>
      %add3A_2320 = arith.constant 127 : i32
      %add3A_2321 = vector.broadcast %add3A_2320 : i32 to vector<16xi32>
      %add3A_2322 = arith.addi %convert_element_type3A_2284, %add3A_2321 : vector<16xi32>
      %shift_left3A_2323 = arith.constant 23 : i32
      %shift_left3A_2324 = vector.broadcast %shift_left3A_2323 : i32 to vector<16xi32>
      %shift_left3A_2325 = arith.shli %add3A_2322, %shift_left3A_2324 : vector<16xi32>
      %bitcast_convert_type3A_2326 = tpu.bitcast %shift_left3A_2325 : vector<16xi32> -> vector<16xf32>
      %mul3A_2327 = arith.mulf %add3A_2319, %bitcast_convert_type3A_2326 : vector<16xf32>
      %add3A_2328 = arith.constant 1.000000e+00 : f32
      %add3A_2329 = vector.broadcast %add3A_2328 : f32 to vector<16xf32>
      %add3A_2330 = arith.addf %add3A_2329, %mul3A_2327 : vector<16xf32>
      %div3A_2331 = arith.constant 1.000000e+00 : f32
      %div3A_2332 = vector.broadcast %div3A_2331 : f32 to vector<16xf32>
      %div3A_2333 = arith.divf %div3A_2332, %add3A_2330 : vector<16xf32>
      %mul3A_2334 = arith.mulf %add3A_2330, %div3A_2333 : vector<16xf32>
      %sub3A_2335 = arith.constant 2.000000e+00 : f32
      %sub3A_2336 = vector.broadcast %sub3A_2335 : f32 to vector<16xf32>
      %sub3A_2337 = arith.subf %sub3A_2336, %mul3A_2334 : vector<16xf32>
      %mul3A_2338 = arith.mulf %div3A_2333, %sub3A_2337 : vector<16xf32>
      %bitcast_convert_type3A_2339 = tpu.bitcast %mul3A_2338 : vector<16xf32> -> vector<16xi32>
      %add3A_2340 = arith.constant 32767 : i32
      %add3A_2341 = vector.broadcast %add3A_2340 : i32 to vector<16xi32>
      %add3A_2342 = arith.addi %bitcast_convert_type3A_2339, %add3A_2341 : vector<16xi32>
      %shift_right_arithmetic3A_2343 = arith.constant 16 : i32
      %shift_right_arithmetic3A_2344 = vector.broadcast %shift_right_arithmetic3A_2343 : i32 to vector<16xi32>
      %shift_right_arithmetic3A_2345 = arith.shrsi %bitcast_convert_type3A_2339, %shift_right_arithmetic3A_2344 : vector<16xi32>
      %and3A_2346 = arith.constant 1 : i32
      %and3A_2347 = vector.broadcast %and3A_2346 : i32 to vector<16xi32>
      %and3A_2348 = arith.andi %shift_right_arithmetic3A_2345, %and3A_2347 : vector<16xi32>
      %add3A_2349 = arith.addi %add3A_2342, %and3A_2348 : vector<16xi32>
      %and3A_2350 = arith.constant -65536 : i32
      %and3A_2351 = vector.broadcast %and3A_2350 : i32 to vector<16xi32>
      %and3A_2352 = arith.andi %add3A_2349, %and3A_2351 : vector<16xi32>
      %bitcast_convert_type3A_2353 = tpu.bitcast %and3A_2352 : vector<16xi32> -> vector<16xf32>
      %mul3A_2354 = vector.broadcast %squeeze3A_2184 : f32 to vector<16xf32>
      %mul3A_2355 = arith.mulf %bitcast_convert_type3A_2353, %mul3A_2354 : vector<16xf32>
      %add3A_2356 = arith.addf %add3A_2177, %mul3A_2355 : vector<16xf32>
      %broadcast_in_dim3A_2357 = arith.constant 12 : i32
      %broadcast_in_dim3A_2358 = vector.broadcast %broadcast_in_dim3A_2357 : i32 to vector<16xi32>
      %gather3A_2359 = tpu.vector_load_idx %arg13[%add3A_219, %broadcast_in_dim3A_2358] : memref<512x16xf32, #tpu.memory_space<vmem>>[vector<16xi32>, vector<16xi32>], vector<16xf32>,
      %gather3A_2360 = tpu.vector_load_idx %arg14[%add3A_219, %broadcast_in_dim3A_2358] : memref<512x16xf32, #tpu.memory_space<vmem>>[vector<16xi32>, vector<16xi32>], vector<16xf32>,
      %gather3A_2361 = tpu.vector_load_idx %arg15[%add3A_219, %broadcast_in_dim3A_2358] : memref<512x16xf32, #tpu.memory_space<vmem>>[vector<16xi32>, vector<16xi32>], vector<16xf32>,
      %slice3A_2362 = vector.extract_strided_slice %bitcast_convert_type3A_210 {offsets = [12], sizes = [1], strides = [1]} : vector<16xf32> to vector<1xf32>
      %squeeze3A_2363 = vector.extract %slice3A_2362[0] : f32 from vector<1xf32>
      %mul3A_2364 = arith.mulf %gather3A_2359, %gather3A_2360 : vector<16xf32>
      %neg3A_2365 = arith.constant 0.000000e+00 : f32
      %neg3A_2366 = vector.broadcast %neg3A_2365 : f32 to vector<16xf32>
      %neg3A_2367 = arith.subf %neg3A_2366, %mul3A_2364 : vector<16xf32>
      %mul3A_2368 = arith.constant 1.44269502 : f32
      %mul3A_2369 = vector.broadcast %mul3A_2368 : f32 to vector<16xf32>
      %mul3A_2370 = arith.mulf %neg3A_2367, %mul3A_2369 : vector<16xf32>
      %jit3A_2371 = arith.constant -1.260000e+02 : f32
      %jit3A_2372 = arith.constant 1.260000e+02 : f32
      %max3A_2373 = vector.broadcast %jit3A_2371 : f32 to vector<16xf32>
      %max3A_2374 = arith.maximumf %max3A_2373, %mul3A_2370 : vector<16xf32>
      %min3A_2375 = vector.broadcast %jit3A_2372 : f32 to vector<16xf32>
      %min3A_2376 = arith.minimumf %min3A_2375, %max3A_2374 : vector<16xf32>
      %convert_element_type3A_2377 = arith.fptosi %min3A_2376 : vector<16xf32> to vector<16xi32>
      %convert_element_type3A_2378 = arith.sitofp %convert_element_type3A_2377 : vector<16xi32> to vector<16xf32>
      %sub3A_2379 = arith.subf %min3A_2376, %convert_element_type3A_2378 : vector<16xf32>
      %mul3A_2380 = arith.constant 0.693147182 : f32
      %mul3A_2381 = vector.broadcast %mul3A_2380 : f32 to vector<16xf32>
      %mul3A_2382 = arith.mulf %sub3A_2379, %mul3A_2381 : vector<16xf32>
      %mul3A_2383 = arith.constant 1.98412701E-4 : f32
      %mul3A_2384 = vector.broadcast %mul3A_2383 : f32 to vector<16xf32>
      %mul3A_2385 = arith.mulf %mul3A_2384, %mul3A_2382 : vector<16xf32>
      %add3A_2386 = arith.constant 0.00138888892 : f32
      %add3A_2387 = vector.broadcast %add3A_2386 : f32 to vector<16xf32>
      %add3A_2388 = arith.addf %mul3A_2385, %add3A_2387 : vector<16xf32>
      %mul3A_2389 = arith.mulf %add3A_2388, %mul3A_2382 : vector<16xf32>
      %add3A_2390 = arith.constant 0.00833333377 : f32
      %add3A_2391 = vector.broadcast %add3A_2390 : f32 to vector<16xf32>
      %add3A_2392 = arith.addf %mul3A_2389, %add3A_2391 : vector<16xf32>
      %mul3A_2393 = arith.mulf %add3A_2392, %mul3A_2382 : vector<16xf32>
      %add3A_2394 = arith.constant 0.0416666679 : f32
      %add3A_2395 = vector.broadcast %add3A_2394 : f32 to vector<16xf32>
      %add3A_2396 = arith.addf %mul3A_2393, %add3A_2395 : vector<16xf32>
      %mul3A_2397 = arith.mulf %add3A_2396, %mul3A_2382 : vector<16xf32>
      %add3A_2398 = arith.constant 0.166666672 : f32
      %add3A_2399 = vector.broadcast %add3A_2398 : f32 to vector<16xf32>
      %add3A_2400 = arith.addf %mul3A_2397, %add3A_2399 : vector<16xf32>
      %mul3A_2401 = arith.mulf %add3A_2400, %mul3A_2382 : vector<16xf32>
      %add3A_2402 = arith.constant 5.000000e-01 : f32
      %add3A_2403 = vector.broadcast %add3A_2402 : f32 to vector<16xf32>
      %add3A_2404 = arith.addf %mul3A_2401, %add3A_2403 : vector<16xf32>
      %mul3A_2405 = arith.mulf %add3A_2404, %mul3A_2382 : vector<16xf32>
      %add3A_2406 = arith.constant 1.000000e+00 : f32
      %add3A_2407 = vector.broadcast %add3A_2406 : f32 to vector<16xf32>
      %add3A_2408 = arith.addf %mul3A_2405, %add3A_2407 : vector<16xf32>
      %mul3A_2409 = arith.mulf %add3A_2408, %mul3A_2382 : vector<16xf32>
      %add3A_2410 = arith.constant 1.000000e+00 : f32
      %add3A_2411 = vector.broadcast %add3A_2410 : f32 to vector<16xf32>
      %add3A_2412 = arith.addf %mul3A_2409, %add3A_2411 : vector<16xf32>
      %add3A_2413 = arith.constant 127 : i32
      %add3A_2414 = vector.broadcast %add3A_2413 : i32 to vector<16xi32>
      %add3A_2415 = arith.addi %convert_element_type3A_2377, %add3A_2414 : vector<16xi32>
      %shift_left3A_2416 = arith.constant 23 : i32
      %shift_left3A_2417 = vector.broadcast %shift_left3A_2416 : i32 to vector<16xi32>
      %shift_left3A_2418 = arith.shli %add3A_2415, %shift_left3A_2417 : vector<16xi32>
      %bitcast_convert_type3A_2419 = tpu.bitcast %shift_left3A_2418 : vector<16xi32> -> vector<16xf32>
      %mul3A_2420 = arith.mulf %add3A_2412, %bitcast_convert_type3A_2419 : vector<16xf32>
      %add3A_2421 = arith.constant 1.000000e+00 : f32
      %add3A_2422 = vector.broadcast %add3A_2421 : f32 to vector<16xf32>
      %add3A_2423 = arith.addf %add3A_2422, %mul3A_2420 : vector<16xf32>
      %div3A_2424 = arith.constant 1.000000e+00 : f32
      %div3A_2425 = vector.broadcast %div3A_2424 : f32 to vector<16xf32>
      %div3A_2426 = arith.divf %div3A_2425, %add3A_2423 : vector<16xf32>
      %mul3A_2427 = arith.mulf %add3A_2423, %div3A_2426 : vector<16xf32>
      %sub3A_2428 = arith.constant 2.000000e+00 : f32
      %sub3A_2429 = vector.broadcast %sub3A_2428 : f32 to vector<16xf32>
      %sub3A_2430 = arith.subf %sub3A_2429, %mul3A_2427 : vector<16xf32>
      %mul3A_2431 = arith.mulf %div3A_2426, %sub3A_2430 : vector<16xf32>
      %bitcast_convert_type3A_2432 = tpu.bitcast %mul3A_2431 : vector<16xf32> -> vector<16xi32>
      %add3A_2433 = arith.constant 32767 : i32
      %add3A_2434 = vector.broadcast %add3A_2433 : i32 to vector<16xi32>
      %add3A_2435 = arith.addi %bitcast_convert_type3A_2432, %add3A_2434 : vector<16xi32>
      %shift_right_arithmetic3A_2436 = arith.constant 16 : i32
      %shift_right_arithmetic3A_2437 = vector.broadcast %shift_right_arithmetic3A_2436 : i32 to vector<16xi32>
      %shift_right_arithmetic3A_2438 = arith.shrsi %bitcast_convert_type3A_2432, %shift_right_arithmetic3A_2437 : vector<16xi32>
      %and3A_2439 = arith.constant 1 : i32
      %and3A_2440 = vector.broadcast %and3A_2439 : i32 to vector<16xi32>
      %and3A_2441 = arith.andi %shift_right_arithmetic3A_2438, %and3A_2440 : vector<16xi32>
      %add3A_2442 = arith.addi %add3A_2435, %and3A_2441 : vector<16xi32>
      %and3A_2443 = arith.constant -65536 : i32
      %and3A_2444 = vector.broadcast %and3A_2443 : i32 to vector<16xi32>
      %and3A_2445 = arith.andi %add3A_2442, %and3A_2444 : vector<16xi32>
      %bitcast_convert_type3A_2446 = tpu.bitcast %and3A_2445 : vector<16xi32> -> vector<16xf32>
      %mul3A_2447 = vector.broadcast %squeeze3A_2363 : f32 to vector<16xf32>
      %mul3A_2448 = arith.mulf %bitcast_convert_type3A_2446, %mul3A_2447 : vector<16xf32>
      %add3A_2449 = arith.addf %add3A_2270, %mul3A_2448 : vector<16xf32>
      %mul3A_2450 = arith.mulf %gather3A_2359, %gather3A_2361 : vector<16xf32>
      %neg3A_2451 = arith.constant 0.000000e+00 : f32
      %neg3A_2452 = vector.broadcast %neg3A_2451 : f32 to vector<16xf32>
      %neg3A_2453 = arith.subf %neg3A_2452, %mul3A_2450 : vector<16xf32>
      %mul3A_2454 = arith.constant 1.44269502 : f32
      %mul3A_2455 = vector.broadcast %mul3A_2454 : f32 to vector<16xf32>
      %mul3A_2456 = arith.mulf %neg3A_2453, %mul3A_2455 : vector<16xf32>
      %jit3A_2457 = arith.constant -1.260000e+02 : f32
      %jit3A_2458 = arith.constant 1.260000e+02 : f32
      %max3A_2459 = vector.broadcast %jit3A_2457 : f32 to vector<16xf32>
      %max3A_2460 = arith.maximumf %max3A_2459, %mul3A_2456 : vector<16xf32>
      %min3A_2461 = vector.broadcast %jit3A_2458 : f32 to vector<16xf32>
      %min3A_2462 = arith.minimumf %min3A_2461, %max3A_2460 : vector<16xf32>
      %convert_element_type3A_2463 = arith.fptosi %min3A_2462 : vector<16xf32> to vector<16xi32>
      %convert_element_type3A_2464 = arith.sitofp %convert_element_type3A_2463 : vector<16xi32> to vector<16xf32>
      %sub3A_2465 = arith.subf %min3A_2462, %convert_element_type3A_2464 : vector<16xf32>
      %mul3A_2466 = arith.constant 0.693147182 : f32
      %mul3A_2467 = vector.broadcast %mul3A_2466 : f32 to vector<16xf32>
      %mul3A_2468 = arith.mulf %sub3A_2465, %mul3A_2467 : vector<16xf32>
      %mul3A_2469 = arith.constant 1.98412701E-4 : f32
      %mul3A_2470 = vector.broadcast %mul3A_2469 : f32 to vector<16xf32>
      %mul3A_2471 = arith.mulf %mul3A_2470, %mul3A_2468 : vector<16xf32>
      %add3A_2472 = arith.constant 0.00138888892 : f32
      %add3A_2473 = vector.broadcast %add3A_2472 : f32 to vector<16xf32>
      %add3A_2474 = arith.addf %mul3A_2471, %add3A_2473 : vector<16xf32>
      %mul3A_2475 = arith.mulf %add3A_2474, %mul3A_2468 : vector<16xf32>
      %add3A_2476 = arith.constant 0.00833333377 : f32
      %add3A_2477 = vector.broadcast %add3A_2476 : f32 to vector<16xf32>
      %add3A_2478 = arith.addf %mul3A_2475, %add3A_2477 : vector<16xf32>
      %mul3A_2479 = arith.mulf %add3A_2478, %mul3A_2468 : vector<16xf32>
      %add3A_2480 = arith.constant 0.0416666679 : f32
      %add3A_2481 = vector.broadcast %add3A_2480 : f32 to vector<16xf32>
      %add3A_2482 = arith.addf %mul3A_2479, %add3A_2481 : vector<16xf32>
      %mul3A_2483 = arith.mulf %add3A_2482, %mul3A_2468 : vector<16xf32>
      %add3A_2484 = arith.constant 0.166666672 : f32
      %add3A_2485 = vector.broadcast %add3A_2484 : f32 to vector<16xf32>
      %add3A_2486 = arith.addf %mul3A_2483, %add3A_2485 : vector<16xf32>
      %mul3A_2487 = arith.mulf %add3A_2486, %mul3A_2468 : vector<16xf32>
      %add3A_2488 = arith.constant 5.000000e-01 : f32
      %add3A_2489 = vector.broadcast %add3A_2488 : f32 to vector<16xf32>
      %add3A_2490 = arith.addf %mul3A_2487, %add3A_2489 : vector<16xf32>
      %mul3A_2491 = arith.mulf %add3A_2490, %mul3A_2468 : vector<16xf32>
      %add3A_2492 = arith.constant 1.000000e+00 : f32
      %add3A_2493 = vector.broadcast %add3A_2492 : f32 to vector<16xf32>
      %add3A_2494 = arith.addf %mul3A_2491, %add3A_2493 : vector<16xf32>
      %mul3A_2495 = arith.mulf %add3A_2494, %mul3A_2468 : vector<16xf32>
      %add3A_2496 = arith.constant 1.000000e+00 : f32
      %add3A_2497 = vector.broadcast %add3A_2496 : f32 to vector<16xf32>
      %add3A_2498 = arith.addf %mul3A_2495, %add3A_2497 : vector<16xf32>
      %add3A_2499 = arith.constant 127 : i32
      %add3A_2500 = vector.broadcast %add3A_2499 : i32 to vector<16xi32>
      %add3A_2501 = arith.addi %convert_element_type3A_2463, %add3A_2500 : vector<16xi32>
      %shift_left3A_2502 = arith.constant 23 : i32
      %shift_left3A_2503 = vector.broadcast %shift_left3A_2502 : i32 to vector<16xi32>
      %shift_left3A_2504 = arith.shli %add3A_2501, %shift_left3A_2503 : vector<16xi32>
      %bitcast_convert_type3A_2505 = tpu.bitcast %shift_left3A_2504 : vector<16xi32> -> vector<16xf32>
      %mul3A_2506 = arith.mulf %add3A_2498, %bitcast_convert_type3A_2505 : vector<16xf32>
      %add3A_2507 = arith.constant 1.000000e+00 : f32
      %add3A_2508 = vector.broadcast %add3A_2507 : f32 to vector<16xf32>
      %add3A_2509 = arith.addf %add3A_2508, %mul3A_2506 : vector<16xf32>
      %div3A_2510 = arith.constant 1.000000e+00 : f32
      %div3A_2511 = vector.broadcast %div3A_2510 : f32 to vector<16xf32>
      %div3A_2512 = arith.divf %div3A_2511, %add3A_2509 : vector<16xf32>
      %mul3A_2513 = arith.mulf %add3A_2509, %div3A_2512 : vector<16xf32>
      %sub3A_2514 = arith.constant 2.000000e+00 : f32
      %sub3A_2515 = vector.broadcast %sub3A_2514 : f32 to vector<16xf32>
      %sub3A_2516 = arith.subf %sub3A_2515, %mul3A_2513 : vector<16xf32>
      %mul3A_2517 = arith.mulf %div3A_2512, %sub3A_2516 : vector<16xf32>
      %bitcast_convert_type3A_2518 = tpu.bitcast %mul3A_2517 : vector<16xf32> -> vector<16xi32>
      %add3A_2519 = arith.constant 32767 : i32
      %add3A_2520 = vector.broadcast %add3A_2519 : i32 to vector<16xi32>
      %add3A_2521 = arith.addi %bitcast_convert_type3A_2518, %add3A_2520 : vector<16xi32>
      %shift_right_arithmetic3A_2522 = arith.constant 16 : i32
      %shift_right_arithmetic3A_2523 = vector.broadcast %shift_right_arithmetic3A_2522 : i32 to vector<16xi32>
      %shift_right_arithmetic3A_2524 = arith.shrsi %bitcast_convert_type3A_2518, %shift_right_arithmetic3A_2523 : vector<16xi32>
      %and3A_2525 = arith.constant 1 : i32
      %and3A_2526 = vector.broadcast %and3A_2525 : i32 to vector<16xi32>
      %and3A_2527 = arith.andi %shift_right_arithmetic3A_2524, %and3A_2526 : vector<16xi32>
      %add3A_2528 = arith.addi %add3A_2521, %and3A_2527 : vector<16xi32>
      %and3A_2529 = arith.constant -65536 : i32
      %and3A_2530 = vector.broadcast %and3A_2529 : i32 to vector<16xi32>
      %and3A_2531 = arith.andi %add3A_2528, %and3A_2530 : vector<16xi32>
      %bitcast_convert_type3A_2532 = tpu.bitcast %and3A_2531 : vector<16xi32> -> vector<16xf32>
      %mul3A_2533 = vector.broadcast %squeeze3A_2363 : f32 to vector<16xf32>
      %mul3A_2534 = arith.mulf %bitcast_convert_type3A_2532, %mul3A_2533 : vector<16xf32>
      %add3A_2535 = arith.addf %add3A_2356, %mul3A_2534 : vector<16xf32>
      %broadcast_in_dim3A_2536 = arith.constant 13 : i32
      %broadcast_in_dim3A_2537 = vector.broadcast %broadcast_in_dim3A_2536 : i32 to vector<16xi32>
      %gather3A_2538 = tpu.vector_load_idx %arg13[%add3A_219, %broadcast_in_dim3A_2537] : memref<512x16xf32, #tpu.memory_space<vmem>>[vector<16xi32>, vector<16xi32>], vector<16xf32>,
      %gather3A_2539 = tpu.vector_load_idx %arg14[%add3A_219, %broadcast_in_dim3A_2537] : memref<512x16xf32, #tpu.memory_space<vmem>>[vector<16xi32>, vector<16xi32>], vector<16xf32>,
      %gather3A_2540 = tpu.vector_load_idx %arg15[%add3A_219, %broadcast_in_dim3A_2537] : memref<512x16xf32, #tpu.memory_space<vmem>>[vector<16xi32>, vector<16xi32>], vector<16xf32>,
      %slice3A_2541 = vector.extract_strided_slice %bitcast_convert_type3A_210 {offsets = [13], sizes = [1], strides = [1]} : vector<16xf32> to vector<1xf32>
      %squeeze3A_2542 = vector.extract %slice3A_2541[0] : f32 from vector<1xf32>
      %mul3A_2543 = arith.mulf %gather3A_2538, %gather3A_2539 : vector<16xf32>
      %neg3A_2544 = arith.constant 0.000000e+00 : f32
      %neg3A_2545 = vector.broadcast %neg3A_2544 : f32 to vector<16xf32>
      %neg3A_2546 = arith.subf %neg3A_2545, %mul3A_2543 : vector<16xf32>
      %mul3A_2547 = arith.constant 1.44269502 : f32
      %mul3A_2548 = vector.broadcast %mul3A_2547 : f32 to vector<16xf32>
      %mul3A_2549 = arith.mulf %neg3A_2546, %mul3A_2548 : vector<16xf32>
      %jit3A_2550 = arith.constant -1.260000e+02 : f32
      %jit3A_2551 = arith.constant 1.260000e+02 : f32
      %max3A_2552 = vector.broadcast %jit3A_2550 : f32 to vector<16xf32>
      %max3A_2553 = arith.maximumf %max3A_2552, %mul3A_2549 : vector<16xf32>
      %min3A_2554 = vector.broadcast %jit3A_2551 : f32 to vector<16xf32>
      %min3A_2555 = arith.minimumf %min3A_2554, %max3A_2553 : vector<16xf32>
      %convert_element_type3A_2556 = arith.fptosi %min3A_2555 : vector<16xf32> to vector<16xi32>
      %convert_element_type3A_2557 = arith.sitofp %convert_element_type3A_2556 : vector<16xi32> to vector<16xf32>
      %sub3A_2558 = arith.subf %min3A_2555, %convert_element_type3A_2557 : vector<16xf32>
      %mul3A_2559 = arith.constant 0.693147182 : f32
      %mul3A_2560 = vector.broadcast %mul3A_2559 : f32 to vector<16xf32>
      %mul3A_2561 = arith.mulf %sub3A_2558, %mul3A_2560 : vector<16xf32>
      %mul3A_2562 = arith.constant 1.98412701E-4 : f32
      %mul3A_2563 = vector.broadcast %mul3A_2562 : f32 to vector<16xf32>
      %mul3A_2564 = arith.mulf %mul3A_2563, %mul3A_2561 : vector<16xf32>
      %add3A_2565 = arith.constant 0.00138888892 : f32
      %add3A_2566 = vector.broadcast %add3A_2565 : f32 to vector<16xf32>
      %add3A_2567 = arith.addf %mul3A_2564, %add3A_2566 : vector<16xf32>
      %mul3A_2568 = arith.mulf %add3A_2567, %mul3A_2561 : vector<16xf32>
      %add3A_2569 = arith.constant 0.00833333377 : f32
      %add3A_2570 = vector.broadcast %add3A_2569 : f32 to vector<16xf32>
      %add3A_2571 = arith.addf %mul3A_2568, %add3A_2570 : vector<16xf32>
      %mul3A_2572 = arith.mulf %add3A_2571, %mul3A_2561 : vector<16xf32>
      %add3A_2573 = arith.constant 0.0416666679 : f32
      %add3A_2574 = vector.broadcast %add3A_2573 : f32 to vector<16xf32>
      %add3A_2575 = arith.addf %mul3A_2572, %add3A_2574 : vector<16xf32>
      %mul3A_2576 = arith.mulf %add3A_2575, %mul3A_2561 : vector<16xf32>
      %add3A_2577 = arith.constant 0.166666672 : f32
      %add3A_2578 = vector.broadcast %add3A_2577 : f32 to vector<16xf32>
      %add3A_2579 = arith.addf %mul3A_2576, %add3A_2578 : vector<16xf32>
      %mul3A_2580 = arith.mulf %add3A_2579, %mul3A_2561 : vector<16xf32>
      %add3A_2581 = arith.constant 5.000000e-01 : f32
      %add3A_2582 = vector.broadcast %add3A_2581 : f32 to vector<16xf32>
      %add3A_2583 = arith.addf %mul3A_2580, %add3A_2582 : vector<16xf32>
      %mul3A_2584 = arith.mulf %add3A_2583, %mul3A_2561 : vector<16xf32>
      %add3A_2585 = arith.constant 1.000000e+00 : f32
      %add3A_2586 = vector.broadcast %add3A_2585 : f32 to vector<16xf32>
      %add3A_2587 = arith.addf %mul3A_2584, %add3A_2586 : vector<16xf32>
      %mul3A_2588 = arith.mulf %add3A_2587, %mul3A_2561 : vector<16xf32>
      %add3A_2589 = arith.constant 1.000000e+00 : f32
      %add3A_2590 = vector.broadcast %add3A_2589 : f32 to vector<16xf32>
      %add3A_2591 = arith.addf %mul3A_2588, %add3A_2590 : vector<16xf32>
      %add3A_2592 = arith.constant 127 : i32
      %add3A_2593 = vector.broadcast %add3A_2592 : i32 to vector<16xi32>
      %add3A_2594 = arith.addi %convert_element_type3A_2556, %add3A_2593 : vector<16xi32>
      %shift_left3A_2595 = arith.constant 23 : i32
      %shift_left3A_2596 = vector.broadcast %shift_left3A_2595 : i32 to vector<16xi32>
      %shift_left3A_2597 = arith.shli %add3A_2594, %shift_left3A_2596 : vector<16xi32>
      %bitcast_convert_type3A_2598 = tpu.bitcast %shift_left3A_2597 : vector<16xi32> -> vector<16xf32>
      %mul3A_2599 = arith.mulf %add3A_2591, %bitcast_convert_type3A_2598 : vector<16xf32>
      %add3A_2600 = arith.constant 1.000000e+00 : f32
      %add3A_2601 = vector.broadcast %add3A_2600 : f32 to vector<16xf32>
      %add3A_2602 = arith.addf %add3A_2601, %mul3A_2599 : vector<16xf32>
      %div3A_2603 = arith.constant 1.000000e+00 : f32
      %div3A_2604 = vector.broadcast %div3A_2603 : f32 to vector<16xf32>
      %div3A_2605 = arith.divf %div3A_2604, %add3A_2602 : vector<16xf32>
      %mul3A_2606 = arith.mulf %add3A_2602, %div3A_2605 : vector<16xf32>
      %sub3A_2607 = arith.constant 2.000000e+00 : f32
      %sub3A_2608 = vector.broadcast %sub3A_2607 : f32 to vector<16xf32>
      %sub3A_2609 = arith.subf %sub3A_2608, %mul3A_2606 : vector<16xf32>
      %mul3A_2610 = arith.mulf %div3A_2605, %sub3A_2609 : vector<16xf32>
      %bitcast_convert_type3A_2611 = tpu.bitcast %mul3A_2610 : vector<16xf32> -> vector<16xi32>
      %add3A_2612 = arith.constant 32767 : i32
      %add3A_2613 = vector.broadcast %add3A_2612 : i32 to vector<16xi32>
      %add3A_2614 = arith.addi %bitcast_convert_type3A_2611, %add3A_2613 : vector<16xi32>
      %shift_right_arithmetic3A_2615 = arith.constant 16 : i32
      %shift_right_arithmetic3A_2616 = vector.broadcast %shift_right_arithmetic3A_2615 : i32 to vector<16xi32>
      %shift_right_arithmetic3A_2617 = arith.shrsi %bitcast_convert_type3A_2611, %shift_right_arithmetic3A_2616 : vector<16xi32>
      %and3A_2618 = arith.constant 1 : i32
      %and3A_2619 = vector.broadcast %and3A_2618 : i32 to vector<16xi32>
      %and3A_2620 = arith.andi %shift_right_arithmetic3A_2617, %and3A_2619 : vector<16xi32>
      %add3A_2621 = arith.addi %add3A_2614, %and3A_2620 : vector<16xi32>
      %and3A_2622 = arith.constant -65536 : i32
      %and3A_2623 = vector.broadcast %and3A_2622 : i32 to vector<16xi32>
      %and3A_2624 = arith.andi %add3A_2621, %and3A_2623 : vector<16xi32>
      %bitcast_convert_type3A_2625 = tpu.bitcast %and3A_2624 : vector<16xi32> -> vector<16xf32>
      %mul3A_2626 = vector.broadcast %squeeze3A_2542 : f32 to vector<16xf32>
      %mul3A_2627 = arith.mulf %bitcast_convert_type3A_2625, %mul3A_2626 : vector<16xf32>
      %add3A_2628 = arith.addf %add3A_2449, %mul3A_2627 : vector<16xf32>
      %mul3A_2629 = arith.mulf %gather3A_2538, %gather3A_2540 : vector<16xf32>
      %neg3A_2630 = arith.constant 0.000000e+00 : f32
      %neg3A_2631 = vector.broadcast %neg3A_2630 : f32 to vector<16xf32>
      %neg3A_2632 = arith.subf %neg3A_2631, %mul3A_2629 : vector<16xf32>
      %mul3A_2633 = arith.constant 1.44269502 : f32
      %mul3A_2634 = vector.broadcast %mul3A_2633 : f32 to vector<16xf32>
      %mul3A_2635 = arith.mulf %neg3A_2632, %mul3A_2634 : vector<16xf32>
      %jit3A_2636 = arith.constant -1.260000e+02 : f32
      %jit3A_2637 = arith.constant 1.260000e+02 : f32
      %max3A_2638 = vector.broadcast %jit3A_2636 : f32 to vector<16xf32>
      %max3A_2639 = arith.maximumf %max3A_2638, %mul3A_2635 : vector<16xf32>
      %min3A_2640 = vector.broadcast %jit3A_2637 : f32 to vector<16xf32>
      %min3A_2641 = arith.minimumf %min3A_2640, %max3A_2639 : vector<16xf32>
      %convert_element_type3A_2642 = arith.fptosi %min3A_2641 : vector<16xf32> to vector<16xi32>
      %convert_element_type3A_2643 = arith.sitofp %convert_element_type3A_2642 : vector<16xi32> to vector<16xf32>
      %sub3A_2644 = arith.subf %min3A_2641, %convert_element_type3A_2643 : vector<16xf32>
      %mul3A_2645 = arith.constant 0.693147182 : f32
      %mul3A_2646 = vector.broadcast %mul3A_2645 : f32 to vector<16xf32>
      %mul3A_2647 = arith.mulf %sub3A_2644, %mul3A_2646 : vector<16xf32>
      %mul3A_2648 = arith.constant 1.98412701E-4 : f32
      %mul3A_2649 = vector.broadcast %mul3A_2648 : f32 to vector<16xf32>
      %mul3A_2650 = arith.mulf %mul3A_2649, %mul3A_2647 : vector<16xf32>
      %add3A_2651 = arith.constant 0.00138888892 : f32
      %add3A_2652 = vector.broadcast %add3A_2651 : f32 to vector<16xf32>
      %add3A_2653 = arith.addf %mul3A_2650, %add3A_2652 : vector<16xf32>
      %mul3A_2654 = arith.mulf %add3A_2653, %mul3A_2647 : vector<16xf32>
      %add3A_2655 = arith.constant 0.00833333377 : f32
      %add3A_2656 = vector.broadcast %add3A_2655 : f32 to vector<16xf32>
      %add3A_2657 = arith.addf %mul3A_2654, %add3A_2656 : vector<16xf32>
      %mul3A_2658 = arith.mulf %add3A_2657, %mul3A_2647 : vector<16xf32>
      %add3A_2659 = arith.constant 0.0416666679 : f32
      %add3A_2660 = vector.broadcast %add3A_2659 : f32 to vector<16xf32>
      %add3A_2661 = arith.addf %mul3A_2658, %add3A_2660 : vector<16xf32>
      %mul3A_2662 = arith.mulf %add3A_2661, %mul3A_2647 : vector<16xf32>
      %add3A_2663 = arith.constant 0.166666672 : f32
      %add3A_2664 = vector.broadcast %add3A_2663 : f32 to vector<16xf32>
      %add3A_2665 = arith.addf %mul3A_2662, %add3A_2664 : vector<16xf32>
      %mul3A_2666 = arith.mulf %add3A_2665, %mul3A_2647 : vector<16xf32>
      %add3A_2667 = arith.constant 5.000000e-01 : f32
      %add3A_2668 = vector.broadcast %add3A_2667 : f32 to vector<16xf32>
      %add3A_2669 = arith.addf %mul3A_2666, %add3A_2668 : vector<16xf32>
      %mul3A_2670 = arith.mulf %add3A_2669, %mul3A_2647 : vector<16xf32>
      %add3A_2671 = arith.constant 1.000000e+00 : f32
      %add3A_2672 = vector.broadcast %add3A_2671 : f32 to vector<16xf32>
      %add3A_2673 = arith.addf %mul3A_2670, %add3A_2672 : vector<16xf32>
      %mul3A_2674 = arith.mulf %add3A_2673, %mul3A_2647 : vector<16xf32>
      %add3A_2675 = arith.constant 1.000000e+00 : f32
      %add3A_2676 = vector.broadcast %add3A_2675 : f32 to vector<16xf32>
      %add3A_2677 = arith.addf %mul3A_2674, %add3A_2676 : vector<16xf32>
      %add3A_2678 = arith.constant 127 : i32
      %add3A_2679 = vector.broadcast %add3A_2678 : i32 to vector<16xi32>
      %add3A_2680 = arith.addi %convert_element_type3A_2642, %add3A_2679 : vector<16xi32>
      %shift_left3A_2681 = arith.constant 23 : i32
      %shift_left3A_2682 = vector.broadcast %shift_left3A_2681 : i32 to vector<16xi32>
      %shift_left3A_2683 = arith.shli %add3A_2680, %shift_left3A_2682 : vector<16xi32>
      %bitcast_convert_type3A_2684 = tpu.bitcast %shift_left3A_2683 : vector<16xi32> -> vector<16xf32>
      %mul3A_2685 = arith.mulf %add3A_2677, %bitcast_convert_type3A_2684 : vector<16xf32>
      %add3A_2686 = arith.constant 1.000000e+00 : f32
      %add3A_2687 = vector.broadcast %add3A_2686 : f32 to vector<16xf32>
      %add3A_2688 = arith.addf %add3A_2687, %mul3A_2685 : vector<16xf32>
      %div3A_2689 = arith.constant 1.000000e+00 : f32
      %div3A_2690 = vector.broadcast %div3A_2689 : f32 to vector<16xf32>
      %div3A_2691 = arith.divf %div3A_2690, %add3A_2688 : vector<16xf32>
      %mul3A_2692 = arith.mulf %add3A_2688, %div3A_2691 : vector<16xf32>
      %sub3A_2693 = arith.constant 2.000000e+00 : f32
      %sub3A_2694 = vector.broadcast %sub3A_2693 : f32 to vector<16xf32>
      %sub3A_2695 = arith.subf %sub3A_2694, %mul3A_2692 : vector<16xf32>
      %mul3A_2696 = arith.mulf %div3A_2691, %sub3A_2695 : vector<16xf32>
      %bitcast_convert_type3A_2697 = tpu.bitcast %mul3A_2696 : vector<16xf32> -> vector<16xi32>
      %add3A_2698 = arith.constant 32767 : i32
      %add3A_2699 = vector.broadcast %add3A_2698 : i32 to vector<16xi32>
      %add3A_2700 = arith.addi %bitcast_convert_type3A_2697, %add3A_2699 : vector<16xi32>
      %shift_right_arithmetic3A_2701 = arith.constant 16 : i32
      %shift_right_arithmetic3A_2702 = vector.broadcast %shift_right_arithmetic3A_2701 : i32 to vector<16xi32>
      %shift_right_arithmetic3A_2703 = arith.shrsi %bitcast_convert_type3A_2697, %shift_right_arithmetic3A_2702 : vector<16xi32>
      %and3A_2704 = arith.constant 1 : i32
      %and3A_2705 = vector.broadcast %and3A_2704 : i32 to vector<16xi32>
      %and3A_2706 = arith.andi %shift_right_arithmetic3A_2703, %and3A_2705 : vector<16xi32>
      %add3A_2707 = arith.addi %add3A_2700, %and3A_2706 : vector<16xi32>
      %and3A_2708 = arith.constant -65536 : i32
      %and3A_2709 = vector.broadcast %and3A_2708 : i32 to vector<16xi32>
      %and3A_2710 = arith.andi %add3A_2707, %and3A_2709 : vector<16xi32>
      %bitcast_convert_type3A_2711 = tpu.bitcast %and3A_2710 : vector<16xi32> -> vector<16xf32>
      %mul3A_2712 = vector.broadcast %squeeze3A_2542 : f32 to vector<16xf32>
      %mul3A_2713 = arith.mulf %bitcast_convert_type3A_2711, %mul3A_2712 : vector<16xf32>
      %add3A_2714 = arith.addf %add3A_2535, %mul3A_2713 : vector<16xf32>
      %broadcast_in_dim3A_2715 = arith.constant 14 : i32
      %broadcast_in_dim3A_2716 = vector.broadcast %broadcast_in_dim3A_2715 : i32 to vector<16xi32>
      %gather3A_2717 = tpu.vector_load_idx %arg13[%add3A_219, %broadcast_in_dim3A_2716] : memref<512x16xf32, #tpu.memory_space<vmem>>[vector<16xi32>, vector<16xi32>], vector<16xf32>,
      %gather3A_2718 = tpu.vector_load_idx %arg14[%add3A_219, %broadcast_in_dim3A_2716] : memref<512x16xf32, #tpu.memory_space<vmem>>[vector<16xi32>, vector<16xi32>], vector<16xf32>,
      %gather3A_2719 = tpu.vector_load_idx %arg15[%add3A_219, %broadcast_in_dim3A_2716] : memref<512x16xf32, #tpu.memory_space<vmem>>[vector<16xi32>, vector<16xi32>], vector<16xf32>,
      %slice3A_2720 = vector.extract_strided_slice %bitcast_convert_type3A_210 {offsets = [14], sizes = [1], strides = [1]} : vector<16xf32> to vector<1xf32>
      %squeeze3A_2721 = vector.extract %slice3A_2720[0] : f32 from vector<1xf32>
      %mul3A_2722 = arith.mulf %gather3A_2717, %gather3A_2718 : vector<16xf32>
      %neg3A_2723 = arith.constant 0.000000e+00 : f32
      %neg3A_2724 = vector.broadcast %neg3A_2723 : f32 to vector<16xf32>
      %neg3A_2725 = arith.subf %neg3A_2724, %mul3A_2722 : vector<16xf32>
      %mul3A_2726 = arith.constant 1.44269502 : f32
      %mul3A_2727 = vector.broadcast %mul3A_2726 : f32 to vector<16xf32>
      %mul3A_2728 = arith.mulf %neg3A_2725, %mul3A_2727 : vector<16xf32>
      %jit3A_2729 = arith.constant -1.260000e+02 : f32
      %jit3A_2730 = arith.constant 1.260000e+02 : f32
      %max3A_2731 = vector.broadcast %jit3A_2729 : f32 to vector<16xf32>
      %max3A_2732 = arith.maximumf %max3A_2731, %mul3A_2728 : vector<16xf32>
      %min3A_2733 = vector.broadcast %jit3A_2730 : f32 to vector<16xf32>
      %min3A_2734 = arith.minimumf %min3A_2733, %max3A_2732 : vector<16xf32>
      %convert_element_type3A_2735 = arith.fptosi %min3A_2734 : vector<16xf32> to vector<16xi32>
      %convert_element_type3A_2736 = arith.sitofp %convert_element_type3A_2735 : vector<16xi32> to vector<16xf32>
      %sub3A_2737 = arith.subf %min3A_2734, %convert_element_type3A_2736 : vector<16xf32>
      %mul3A_2738 = arith.constant 0.693147182 : f32
      %mul3A_2739 = vector.broadcast %mul3A_2738 : f32 to vector<16xf32>
      %mul3A_2740 = arith.mulf %sub3A_2737, %mul3A_2739 : vector<16xf32>
      %mul3A_2741 = arith.constant 1.98412701E-4 : f32
      %mul3A_2742 = vector.broadcast %mul3A_2741 : f32 to vector<16xf32>
      %mul3A_2743 = arith.mulf %mul3A_2742, %mul3A_2740 : vector<16xf32>
      %add3A_2744 = arith.constant 0.00138888892 : f32
      %add3A_2745 = vector.broadcast %add3A_2744 : f32 to vector<16xf32>
      %add3A_2746 = arith.addf %mul3A_2743, %add3A_2745 : vector<16xf32>
      %mul3A_2747 = arith.mulf %add3A_2746, %mul3A_2740 : vector<16xf32>
      %add3A_2748 = arith.constant 0.00833333377 : f32
      %add3A_2749 = vector.broadcast %add3A_2748 : f32 to vector<16xf32>
      %add3A_2750 = arith.addf %mul3A_2747, %add3A_2749 : vector<16xf32>
      %mul3A_2751 = arith.mulf %add3A_2750, %mul3A_2740 : vector<16xf32>
      %add3A_2752 = arith.constant 0.0416666679 : f32
      %add3A_2753 = vector.broadcast %add3A_2752 : f32 to vector<16xf32>
      %add3A_2754 = arith.addf %mul3A_2751, %add3A_2753 : vector<16xf32>
      %mul3A_2755 = arith.mulf %add3A_2754, %mul3A_2740 : vector<16xf32>
      %add3A_2756 = arith.constant 0.166666672 : f32
      %add3A_2757 = vector.broadcast %add3A_2756 : f32 to vector<16xf32>
      %add3A_2758 = arith.addf %mul3A_2755, %add3A_2757 : vector<16xf32>
      %mul3A_2759 = arith.mulf %add3A_2758, %mul3A_2740 : vector<16xf32>
      %add3A_2760 = arith.constant 5.000000e-01 : f32
      %add3A_2761 = vector.broadcast %add3A_2760 : f32 to vector<16xf32>
      %add3A_2762 = arith.addf %mul3A_2759, %add3A_2761 : vector<16xf32>
      %mul3A_2763 = arith.mulf %add3A_2762, %mul3A_2740 : vector<16xf32>
      %add3A_2764 = arith.constant 1.000000e+00 : f32
      %add3A_2765 = vector.broadcast %add3A_2764 : f32 to vector<16xf32>
      %add3A_2766 = arith.addf %mul3A_2763, %add3A_2765 : vector<16xf32>
      %mul3A_2767 = arith.mulf %add3A_2766, %mul3A_2740 : vector<16xf32>
      %add3A_2768 = arith.constant 1.000000e+00 : f32
      %add3A_2769 = vector.broadcast %add3A_2768 : f32 to vector<16xf32>
      %add3A_2770 = arith.addf %mul3A_2767, %add3A_2769 : vector<16xf32>
      %add3A_2771 = arith.constant 127 : i32
      %add3A_2772 = vector.broadcast %add3A_2771 : i32 to vector<16xi32>
      %add3A_2773 = arith.addi %convert_element_type3A_2735, %add3A_2772 : vector<16xi32>
      %shift_left3A_2774 = arith.constant 23 : i32
      %shift_left3A_2775 = vector.broadcast %shift_left3A_2774 : i32 to vector<16xi32>
      %shift_left3A_2776 = arith.shli %add3A_2773, %shift_left3A_2775 : vector<16xi32>
      %bitcast_convert_type3A_2777 = tpu.bitcast %shift_left3A_2776 : vector<16xi32> -> vector<16xf32>
      %mul3A_2778 = arith.mulf %add3A_2770, %bitcast_convert_type3A_2777 : vector<16xf32>
      %add3A_2779 = arith.constant 1.000000e+00 : f32
      %add3A_2780 = vector.broadcast %add3A_2779 : f32 to vector<16xf32>
      %add3A_2781 = arith.addf %add3A_2780, %mul3A_2778 : vector<16xf32>
      %div3A_2782 = arith.constant 1.000000e+00 : f32
      %div3A_2783 = vector.broadcast %div3A_2782 : f32 to vector<16xf32>
      %div3A_2784 = arith.divf %div3A_2783, %add3A_2781 : vector<16xf32>
      %mul3A_2785 = arith.mulf %add3A_2781, %div3A_2784 : vector<16xf32>
      %sub3A_2786 = arith.constant 2.000000e+00 : f32
      %sub3A_2787 = vector.broadcast %sub3A_2786 : f32 to vector<16xf32>
      %sub3A_2788 = arith.subf %sub3A_2787, %mul3A_2785 : vector<16xf32>
      %mul3A_2789 = arith.mulf %div3A_2784, %sub3A_2788 : vector<16xf32>
      %bitcast_convert_type3A_2790 = tpu.bitcast %mul3A_2789 : vector<16xf32> -> vector<16xi32>
      %add3A_2791 = arith.constant 32767 : i32
      %add3A_2792 = vector.broadcast %add3A_2791 : i32 to vector<16xi32>
      %add3A_2793 = arith.addi %bitcast_convert_type3A_2790, %add3A_2792 : vector<16xi32>
      %shift_right_arithmetic3A_2794 = arith.constant 16 : i32
      %shift_right_arithmetic3A_2795 = vector.broadcast %shift_right_arithmetic3A_2794 : i32 to vector<16xi32>
      %shift_right_arithmetic3A_2796 = arith.shrsi %bitcast_convert_type3A_2790, %shift_right_arithmetic3A_2795 : vector<16xi32>
      %and3A_2797 = arith.constant 1 : i32
      %and3A_2798 = vector.broadcast %and3A_2797 : i32 to vector<16xi32>
      %and3A_2799 = arith.andi %shift_right_arithmetic3A_2796, %and3A_2798 : vector<16xi32>
      %add3A_2800 = arith.addi %add3A_2793, %and3A_2799 : vector<16xi32>
      %and3A_2801 = arith.constant -65536 : i32
      %and3A_2802 = vector.broadcast %and3A_2801 : i32 to vector<16xi32>
      %and3A_2803 = arith.andi %add3A_2800, %and3A_2802 : vector<16xi32>
      %bitcast_convert_type3A_2804 = tpu.bitcast %and3A_2803 : vector<16xi32> -> vector<16xf32>
      %mul3A_2805 = vector.broadcast %squeeze3A_2721 : f32 to vector<16xf32>
      %mul3A_2806 = arith.mulf %bitcast_convert_type3A_2804, %mul3A_2805 : vector<16xf32>
      %add3A_2807 = arith.addf %add3A_2628, %mul3A_2806 : vector<16xf32>
      %mul3A_2808 = arith.mulf %gather3A_2717, %gather3A_2719 : vector<16xf32>
      %neg3A_2809 = arith.constant 0.000000e+00 : f32
      %neg3A_2810 = vector.broadcast %neg3A_2809 : f32 to vector<16xf32>
      %neg3A_2811 = arith.subf %neg3A_2810, %mul3A_2808 : vector<16xf32>
      %mul3A_2812 = arith.constant 1.44269502 : f32
      %mul3A_2813 = vector.broadcast %mul3A_2812 : f32 to vector<16xf32>
      %mul3A_2814 = arith.mulf %neg3A_2811, %mul3A_2813 : vector<16xf32>
      %jit3A_2815 = arith.constant -1.260000e+02 : f32
      %jit3A_2816 = arith.constant 1.260000e+02 : f32
      %max3A_2817 = vector.broadcast %jit3A_2815 : f32 to vector<16xf32>
      %max3A_2818 = arith.maximumf %max3A_2817, %mul3A_2814 : vector<16xf32>
      %min3A_2819 = vector.broadcast %jit3A_2816 : f32 to vector<16xf32>
      %min3A_2820 = arith.minimumf %min3A_2819, %max3A_2818 : vector<16xf32>
      %convert_element_type3A_2821 = arith.fptosi %min3A_2820 : vector<16xf32> to vector<16xi32>
      %convert_element_type3A_2822 = arith.sitofp %convert_element_type3A_2821 : vector<16xi32> to vector<16xf32>
      %sub3A_2823 = arith.subf %min3A_2820, %convert_element_type3A_2822 : vector<16xf32>
      %mul3A_2824 = arith.constant 0.693147182 : f32
      %mul3A_2825 = vector.broadcast %mul3A_2824 : f32 to vector<16xf32>
      %mul3A_2826 = arith.mulf %sub3A_2823, %mul3A_2825 : vector<16xf32>
      %mul3A_2827 = arith.constant 1.98412701E-4 : f32
      %mul3A_2828 = vector.broadcast %mul3A_2827 : f32 to vector<16xf32>
      %mul3A_2829 = arith.mulf %mul3A_2828, %mul3A_2826 : vector<16xf32>
      %add3A_2830 = arith.constant 0.00138888892 : f32
      %add3A_2831 = vector.broadcast %add3A_2830 : f32 to vector<16xf32>
      %add3A_2832 = arith.addf %mul3A_2829, %add3A_2831 : vector<16xf32>
      %mul3A_2833 = arith.mulf %add3A_2832, %mul3A_2826 : vector<16xf32>
      %add3A_2834 = arith.constant 0.00833333377 : f32
      %add3A_2835 = vector.broadcast %add3A_2834 : f32 to vector<16xf32>
      %add3A_2836 = arith.addf %mul3A_2833, %add3A_2835 : vector<16xf32>
      %mul3A_2837 = arith.mulf %add3A_2836, %mul3A_2826 : vector<16xf32>
      %add3A_2838 = arith.constant 0.0416666679 : f32
      %add3A_2839 = vector.broadcast %add3A_2838 : f32 to vector<16xf32>
      %add3A_2840 = arith.addf %mul3A_2837, %add3A_2839 : vector<16xf32>
      %mul3A_2841 = arith.mulf %add3A_2840, %mul3A_2826 : vector<16xf32>
      %add3A_2842 = arith.constant 0.166666672 : f32
      %add3A_2843 = vector.broadcast %add3A_2842 : f32 to vector<16xf32>
      %add3A_2844 = arith.addf %mul3A_2841, %add3A_2843 : vector<16xf32>
      %mul3A_2845 = arith.mulf %add3A_2844, %mul3A_2826 : vector<16xf32>
      %add3A_2846 = arith.constant 5.000000e-01 : f32
      %add3A_2847 = vector.broadcast %add3A_2846 : f32 to vector<16xf32>
      %add3A_2848 = arith.addf %mul3A_2845, %add3A_2847 : vector<16xf32>
      %mul3A_2849 = arith.mulf %add3A_2848, %mul3A_2826 : vector<16xf32>
      %add3A_2850 = arith.constant 1.000000e+00 : f32
      %add3A_2851 = vector.broadcast %add3A_2850 : f32 to vector<16xf32>
      %add3A_2852 = arith.addf %mul3A_2849, %add3A_2851 : vector<16xf32>
      %mul3A_2853 = arith.mulf %add3A_2852, %mul3A_2826 : vector<16xf32>
      %add3A_2854 = arith.constant 1.000000e+00 : f32
      %add3A_2855 = vector.broadcast %add3A_2854 : f32 to vector<16xf32>
      %add3A_2856 = arith.addf %mul3A_2853, %add3A_2855 : vector<16xf32>
      %add3A_2857 = arith.constant 127 : i32
      %add3A_2858 = vector.broadcast %add3A_2857 : i32 to vector<16xi32>
      %add3A_2859 = arith.addi %convert_element_type3A_2821, %add3A_2858 : vector<16xi32>
      %shift_left3A_2860 = arith.constant 23 : i32
      %shift_left3A_2861 = vector.broadcast %shift_left3A_2860 : i32 to vector<16xi32>
      %shift_left3A_2862 = arith.shli %add3A_2859, %shift_left3A_2861 : vector<16xi32>
      %bitcast_convert_type3A_2863 = tpu.bitcast %shift_left3A_2862 : vector<16xi32> -> vector<16xf32>
      %mul3A_2864 = arith.mulf %add3A_2856, %bitcast_convert_type3A_2863 : vector<16xf32>
      %add3A_2865 = arith.constant 1.000000e+00 : f32
      %add3A_2866 = vector.broadcast %add3A_2865 : f32 to vector<16xf32>
      %add3A_2867 = arith.addf %add3A_2866, %mul3A_2864 : vector<16xf32>
      %div3A_2868 = arith.constant 1.000000e+00 : f32
      %div3A_2869 = vector.broadcast %div3A_2868 : f32 to vector<16xf32>
      %div3A_2870 = arith.divf %div3A_2869, %add3A_2867 : vector<16xf32>
      %mul3A_2871 = arith.mulf %add3A_2867, %div3A_2870 : vector<16xf32>
      %sub3A_2872 = arith.constant 2.000000e+00 : f32
      %sub3A_2873 = vector.broadcast %sub3A_2872 : f32 to vector<16xf32>
      %sub3A_2874 = arith.subf %sub3A_2873, %mul3A_2871 : vector<16xf32>
      %mul3A_2875 = arith.mulf %div3A_2870, %sub3A_2874 : vector<16xf32>
      %bitcast_convert_type3A_2876 = tpu.bitcast %mul3A_2875 : vector<16xf32> -> vector<16xi32>
      %add3A_2877 = arith.constant 32767 : i32
      %add3A_2878 = vector.broadcast %add3A_2877 : i32 to vector<16xi32>
      %add3A_2879 = arith.addi %bitcast_convert_type3A_2876, %add3A_2878 : vector<16xi32>
      %shift_right_arithmetic3A_2880 = arith.constant 16 : i32
      %shift_right_arithmetic3A_2881 = vector.broadcast %shift_right_arithmetic3A_2880 : i32 to vector<16xi32>
      %shift_right_arithmetic3A_2882 = arith.shrsi %bitcast_convert_type3A_2876, %shift_right_arithmetic3A_2881 : vector<16xi32>
      %and3A_2883 = arith.constant 1 : i32
      %and3A_2884 = vector.broadcast %and3A_2883 : i32 to vector<16xi32>
      %and3A_2885 = arith.andi %shift_right_arithmetic3A_2882, %and3A_2884 : vector<16xi32>
      %add3A_2886 = arith.addi %add3A_2879, %and3A_2885 : vector<16xi32>
      %and3A_2887 = arith.constant -65536 : i32
      %and3A_2888 = vector.broadcast %and3A_2887 : i32 to vector<16xi32>
      %and3A_2889 = arith.andi %add3A_2886, %and3A_2888 : vector<16xi32>
      %bitcast_convert_type3A_2890 = tpu.bitcast %and3A_2889 : vector<16xi32> -> vector<16xf32>
      %mul3A_2891 = vector.broadcast %squeeze3A_2721 : f32 to vector<16xf32>
      %mul3A_2892 = arith.mulf %bitcast_convert_type3A_2890, %mul3A_2891 : vector<16xf32>
      %add3A_2893 = arith.addf %add3A_2714, %mul3A_2892 : vector<16xf32>
      %broadcast_in_dim3A_2894 = arith.constant 15 : i32
      %broadcast_in_dim3A_2895 = vector.broadcast %broadcast_in_dim3A_2894 : i32 to vector<16xi32>
      %gather3A_2896 = tpu.vector_load_idx %arg13[%add3A_219, %broadcast_in_dim3A_2895] : memref<512x16xf32, #tpu.memory_space<vmem>>[vector<16xi32>, vector<16xi32>], vector<16xf32>,
      %gather3A_2897 = tpu.vector_load_idx %arg14[%add3A_219, %broadcast_in_dim3A_2895] : memref<512x16xf32, #tpu.memory_space<vmem>>[vector<16xi32>, vector<16xi32>], vector<16xf32>,
      %gather3A_2898 = tpu.vector_load_idx %arg15[%add3A_219, %broadcast_in_dim3A_2895] : memref<512x16xf32, #tpu.memory_space<vmem>>[vector<16xi32>, vector<16xi32>], vector<16xf32>,
      %slice3A_2899 = vector.extract_strided_slice %bitcast_convert_type3A_210 {offsets = [15], sizes = [1], strides = [1]} : vector<16xf32> to vector<1xf32>
      %squeeze3A_2900 = vector.extract %slice3A_2899[0] : f32 from vector<1xf32>
      %mul3A_2901 = arith.mulf %gather3A_2896, %gather3A_2897 : vector<16xf32>
      %neg3A_2902 = arith.constant 0.000000e+00 : f32
      %neg3A_2903 = vector.broadcast %neg3A_2902 : f32 to vector<16xf32>
      %neg3A_2904 = arith.subf %neg3A_2903, %mul3A_2901 : vector<16xf32>
      %mul3A_2905 = arith.constant 1.44269502 : f32
      %mul3A_2906 = vector.broadcast %mul3A_2905 : f32 to vector<16xf32>
      %mul3A_2907 = arith.mulf %neg3A_2904, %mul3A_2906 : vector<16xf32>
      %jit3A_2908 = arith.constant -1.260000e+02 : f32
      %jit3A_2909 = arith.constant 1.260000e+02 : f32
      %max3A_2910 = vector.broadcast %jit3A_2908 : f32 to vector<16xf32>
      %max3A_2911 = arith.maximumf %max3A_2910, %mul3A_2907 : vector<16xf32>
      %min3A_2912 = vector.broadcast %jit3A_2909 : f32 to vector<16xf32>
      %min3A_2913 = arith.minimumf %min3A_2912, %max3A_2911 : vector<16xf32>
      %convert_element_type3A_2914 = arith.fptosi %min3A_2913 : vector<16xf32> to vector<16xi32>
      %convert_element_type3A_2915 = arith.sitofp %convert_element_type3A_2914 : vector<16xi32> to vector<16xf32>
      %sub3A_2916 = arith.subf %min3A_2913, %convert_element_type3A_2915 : vector<16xf32>
      %mul3A_2917 = arith.constant 0.693147182 : f32
      %mul3A_2918 = vector.broadcast %mul3A_2917 : f32 to vector<16xf32>
      %mul3A_2919 = arith.mulf %sub3A_2916, %mul3A_2918 : vector<16xf32>
      %mul3A_2920 = arith.constant 1.98412701E-4 : f32
      %mul3A_2921 = vector.broadcast %mul3A_2920 : f32 to vector<16xf32>
      %mul3A_2922 = arith.mulf %mul3A_2921, %mul3A_2919 : vector<16xf32>
      %add3A_2923 = arith.constant 0.00138888892 : f32
      %add3A_2924 = vector.broadcast %add3A_2923 : f32 to vector<16xf32>
      %add3A_2925 = arith.addf %mul3A_2922, %add3A_2924 : vector<16xf32>
      %mul3A_2926 = arith.mulf %add3A_2925, %mul3A_2919 : vector<16xf32>
      %add3A_2927 = arith.constant 0.00833333377 : f32
      %add3A_2928 = vector.broadcast %add3A_2927 : f32 to vector<16xf32>
      %add3A_2929 = arith.addf %mul3A_2926, %add3A_2928 : vector<16xf32>
      %mul3A_2930 = arith.mulf %add3A_2929, %mul3A_2919 : vector<16xf32>
      %add3A_2931 = arith.constant 0.0416666679 : f32
      %add3A_2932 = vector.broadcast %add3A_2931 : f32 to vector<16xf32>
      %add3A_2933 = arith.addf %mul3A_2930, %add3A_2932 : vector<16xf32>
      %mul3A_2934 = arith.mulf %add3A_2933, %mul3A_2919 : vector<16xf32>
      %add3A_2935 = arith.constant 0.166666672 : f32
      %add3A_2936 = vector.broadcast %add3A_2935 : f32 to vector<16xf32>
      %add3A_2937 = arith.addf %mul3A_2934, %add3A_2936 : vector<16xf32>
      %mul3A_2938 = arith.mulf %add3A_2937, %mul3A_2919 : vector<16xf32>
      %add3A_2939 = arith.constant 5.000000e-01 : f32
      %add3A_2940 = vector.broadcast %add3A_2939 : f32 to vector<16xf32>
      %add3A_2941 = arith.addf %mul3A_2938, %add3A_2940 : vector<16xf32>
      %mul3A_2942 = arith.mulf %add3A_2941, %mul3A_2919 : vector<16xf32>
      %add3A_2943 = arith.constant 1.000000e+00 : f32
      %add3A_2944 = vector.broadcast %add3A_2943 : f32 to vector<16xf32>
      %add3A_2945 = arith.addf %mul3A_2942, %add3A_2944 : vector<16xf32>
      %mul3A_2946 = arith.mulf %add3A_2945, %mul3A_2919 : vector<16xf32>
      %add3A_2947 = arith.constant 1.000000e+00 : f32
      %add3A_2948 = vector.broadcast %add3A_2947 : f32 to vector<16xf32>
      %add3A_2949 = arith.addf %mul3A_2946, %add3A_2948 : vector<16xf32>
      %add3A_2950 = arith.constant 127 : i32
      %add3A_2951 = vector.broadcast %add3A_2950 : i32 to vector<16xi32>
      %add3A_2952 = arith.addi %convert_element_type3A_2914, %add3A_2951 : vector<16xi32>
      %shift_left3A_2953 = arith.constant 23 : i32
      %shift_left3A_2954 = vector.broadcast %shift_left3A_2953 : i32 to vector<16xi32>
      %shift_left3A_2955 = arith.shli %add3A_2952, %shift_left3A_2954 : vector<16xi32>
      %bitcast_convert_type3A_2956 = tpu.bitcast %shift_left3A_2955 : vector<16xi32> -> vector<16xf32>
      %mul3A_2957 = arith.mulf %add3A_2949, %bitcast_convert_type3A_2956 : vector<16xf32>
      %add3A_2958 = arith.constant 1.000000e+00 : f32
      %add3A_2959 = vector.broadcast %add3A_2958 : f32 to vector<16xf32>
      %add3A_2960 = arith.addf %add3A_2959, %mul3A_2957 : vector<16xf32>
      %div3A_2961 = arith.constant 1.000000e+00 : f32
      %div3A_2962 = vector.broadcast %div3A_2961 : f32 to vector<16xf32>
      %div3A_2963 = arith.divf %div3A_2962, %add3A_2960 : vector<16xf32>
      %mul3A_2964 = arith.mulf %add3A_2960, %div3A_2963 : vector<16xf32>
      %sub3A_2965 = arith.constant 2.000000e+00 : f32
      %sub3A_2966 = vector.broadcast %sub3A_2965 : f32 to vector<16xf32>
      %sub3A_2967 = arith.subf %sub3A_2966, %mul3A_2964 : vector<16xf32>
      %mul3A_2968 = arith.mulf %div3A_2963, %sub3A_2967 : vector<16xf32>
      %bitcast_convert_type3A_2969 = tpu.bitcast %mul3A_2968 : vector<16xf32> -> vector<16xi32>
      %add3A_2970 = arith.constant 32767 : i32
      %add3A_2971 = vector.broadcast %add3A_2970 : i32 to vector<16xi32>
      %add3A_2972 = arith.addi %bitcast_convert_type3A_2969, %add3A_2971 : vector<16xi32>
      %shift_right_arithmetic3A_2973 = arith.constant 16 : i32
      %shift_right_arithmetic3A_2974 = vector.broadcast %shift_right_arithmetic3A_2973 : i32 to vector<16xi32>
      %shift_right_arithmetic3A_2975 = arith.shrsi %bitcast_convert_type3A_2969, %shift_right_arithmetic3A_2974 : vector<16xi32>
      %and3A_2976 = arith.constant 1 : i32
      %and3A_2977 = vector.broadcast %and3A_2976 : i32 to vector<16xi32>
      %and3A_2978 = arith.andi %shift_right_arithmetic3A_2975, %and3A_2977 : vector<16xi32>
      %add3A_2979 = arith.addi %add3A_2972, %and3A_2978 : vector<16xi32>
      %and3A_2980 = arith.constant -65536 : i32
      %and3A_2981 = vector.broadcast %and3A_2980 : i32 to vector<16xi32>
      %and3A_2982 = arith.andi %add3A_2979, %and3A_2981 : vector<16xi32>
      %bitcast_convert_type3A_2983 = tpu.bitcast %and3A_2982 : vector<16xi32> -> vector<16xf32>
      %mul3A_2984 = vector.broadcast %squeeze3A_2900 : f32 to vector<16xf32>
      %mul3A_2985 = arith.mulf %bitcast_convert_type3A_2983, %mul3A_2984 : vector<16xf32>
      %add3A_2986 = arith.addf %add3A_2807, %mul3A_2985 : vector<16xf32>
      %mul3A_2987 = arith.mulf %gather3A_2896, %gather3A_2898 : vector<16xf32>
      %neg3A_2988 = arith.constant 0.000000e+00 : f32
      %neg3A_2989 = vector.broadcast %neg3A_2988 : f32 to vector<16xf32>
      %neg3A_2990 = arith.subf %neg3A_2989, %mul3A_2987 : vector<16xf32>
      %mul3A_2991 = arith.constant 1.44269502 : f32
      %mul3A_2992 = vector.broadcast %mul3A_2991 : f32 to vector<16xf32>
      %mul3A_2993 = arith.mulf %neg3A_2990, %mul3A_2992 : vector<16xf32>
      %jit3A_2994 = arith.constant -1.260000e+02 : f32
      %jit3A_2995 = arith.constant 1.260000e+02 : f32
      %max3A_2996 = vector.broadcast %jit3A_2994 : f32 to vector<16xf32>
      %max3A_2997 = arith.maximumf %max3A_2996, %mul3A_2993 : vector<16xf32>
      %min3A_2998 = vector.broadcast %jit3A_2995 : f32 to vector<16xf32>
      %min3A_2999 = arith.minimumf %min3A_2998, %max3A_2997 : vector<16xf32>
      %convert_element_type3A_3000 = arith.fptosi %min3A_2999 : vector<16xf32> to vector<16xi32>
      %convert_element_type3A_3001 = arith.sitofp %convert_element_type3A_3000 : vector<16xi32> to vector<16xf32>
      %sub3A_3002 = arith.subf %min3A_2999, %convert_element_type3A_3001 : vector<16xf32>
      %mul3A_3003 = arith.constant 0.693147182 : f32
      %mul3A_3004 = vector.broadcast %mul3A_3003 : f32 to vector<16xf32>
      %mul3A_3005 = arith.mulf %sub3A_3002, %mul3A_3004 : vector<16xf32>
      %mul3A_3006 = arith.constant 1.98412701E-4 : f32
      %mul3A_3007 = vector.broadcast %mul3A_3006 : f32 to vector<16xf32>
      %mul3A_3008 = arith.mulf %mul3A_3007, %mul3A_3005 : vector<16xf32>
      %add3A_3009 = arith.constant 0.00138888892 : f32
      %add3A_3010 = vector.broadcast %add3A_3009 : f32 to vector<16xf32>
      %add3A_3011 = arith.addf %mul3A_3008, %add3A_3010 : vector<16xf32>
      %mul3A_3012 = arith.mulf %add3A_3011, %mul3A_3005 : vector<16xf32>
      %add3A_3013 = arith.constant 0.00833333377 : f32
      %add3A_3014 = vector.broadcast %add3A_3013 : f32 to vector<16xf32>
      %add3A_3015 = arith.addf %mul3A_3012, %add3A_3014 : vector<16xf32>
      %mul3A_3016 = arith.mulf %add3A_3015, %mul3A_3005 : vector<16xf32>
      %add3A_3017 = arith.constant 0.0416666679 : f32
      %add3A_3018 = vector.broadcast %add3A_3017 : f32 to vector<16xf32>
      %add3A_3019 = arith.addf %mul3A_3016, %add3A_3018 : vector<16xf32>
      %mul3A_3020 = arith.mulf %add3A_3019, %mul3A_3005 : vector<16xf32>
      %add3A_3021 = arith.constant 0.166666672 : f32
      %add3A_3022 = vector.broadcast %add3A_3021 : f32 to vector<16xf32>
      %add3A_3023 = arith.addf %mul3A_3020, %add3A_3022 : vector<16xf32>
      %mul3A_3024 = arith.mulf %add3A_3023, %mul3A_3005 : vector<16xf32>
      %add3A_3025 = arith.constant 5.000000e-01 : f32
      %add3A_3026 = vector.broadcast %add3A_3025 : f32 to vector<16xf32>
      %add3A_3027 = arith.addf %mul3A_3024, %add3A_3026 : vector<16xf32>
      %mul3A_3028 = arith.mulf %add3A_3027, %mul3A_3005 : vector<16xf32>
      %add3A_3029 = arith.constant 1.000000e+00 : f32
      %add3A_3030 = vector.broadcast %add3A_3029 : f32 to vector<16xf32>
      %add3A_3031 = arith.addf %mul3A_3028, %add3A_3030 : vector<16xf32>
      %mul3A_3032 = arith.mulf %add3A_3031, %mul3A_3005 : vector<16xf32>
      %add3A_3033 = arith.constant 1.000000e+00 : f32
      %add3A_3034 = vector.broadcast %add3A_3033 : f32 to vector<16xf32>
      %add3A_3035 = arith.addf %mul3A_3032, %add3A_3034 : vector<16xf32>
      %add3A_3036 = arith.constant 127 : i32
      %add3A_3037 = vector.broadcast %add3A_3036 : i32 to vector<16xi32>
      %add3A_3038 = arith.addi %convert_element_type3A_3000, %add3A_3037 : vector<16xi32>
      %shift_left3A_3039 = arith.constant 23 : i32
      %shift_left3A_3040 = vector.broadcast %shift_left3A_3039 : i32 to vector<16xi32>
      %shift_left3A_3041 = arith.shli %add3A_3038, %shift_left3A_3040 : vector<16xi32>
      %bitcast_convert_type3A_3042 = tpu.bitcast %shift_left3A_3041 : vector<16xi32> -> vector<16xf32>
      %mul3A_3043 = arith.mulf %add3A_3035, %bitcast_convert_type3A_3042 : vector<16xf32>
      %add3A_3044 = arith.constant 1.000000e+00 : f32
      %add3A_3045 = vector.broadcast %add3A_3044 : f32 to vector<16xf32>
      %add3A_3046 = arith.addf %add3A_3045, %mul3A_3043 : vector<16xf32>
      %div3A_3047 = arith.constant 1.000000e+00 : f32
      %div3A_3048 = vector.broadcast %div3A_3047 : f32 to vector<16xf32>
      %div3A_3049 = arith.divf %div3A_3048, %add3A_3046 : vector<16xf32>
      %mul3A_3050 = arith.mulf %add3A_3046, %div3A_3049 : vector<16xf32>
      %sub3A_3051 = arith.constant 2.000000e+00 : f32
      %sub3A_3052 = vector.broadcast %sub3A_3051 : f32 to vector<16xf32>
      %sub3A_3053 = arith.subf %sub3A_3052, %mul3A_3050 : vector<16xf32>
      %mul3A_3054 = arith.mulf %div3A_3049, %sub3A_3053 : vector<16xf32>
      %bitcast_convert_type3A_3055 = tpu.bitcast %mul3A_3054 : vector<16xf32> -> vector<16xi32>
      %add3A_3056 = arith.constant 32767 : i32
      %add3A_3057 = vector.broadcast %add3A_3056 : i32 to vector<16xi32>
      %add3A_3058 = arith.addi %bitcast_convert_type3A_3055, %add3A_3057 : vector<16xi32>
      %shift_right_arithmetic3A_3059 = arith.constant 16 : i32
      %shift_right_arithmetic3A_3060 = vector.broadcast %shift_right_arithmetic3A_3059 : i32 to vector<16xi32>
      %shift_right_arithmetic3A_3061 = arith.shrsi %bitcast_convert_type3A_3055, %shift_right_arithmetic3A_3060 : vector<16xi32>
      %and3A_3062 = arith.constant 1 : i32
      %and3A_3063 = vector.broadcast %and3A_3062 : i32 to vector<16xi32>
      %and3A_3064 = arith.andi %shift_right_arithmetic3A_3061, %and3A_3063 : vector<16xi32>
      %add3A_3065 = arith.addi %add3A_3058, %and3A_3064 : vector<16xi32>
      %and3A_3066 = arith.constant -65536 : i32
      %and3A_3067 = vector.broadcast %and3A_3066 : i32 to vector<16xi32>
      %and3A_3068 = arith.andi %add3A_3065, %and3A_3067 : vector<16xi32>
      %bitcast_convert_type3A_3069 = tpu.bitcast %and3A_3068 : vector<16xi32> -> vector<16xf32>
      %mul3A_3070 = vector.broadcast %squeeze3A_2900 : f32 to vector<16xf32>
      %mul3A_3071 = arith.mulf %bitcast_convert_type3A_3069, %mul3A_3070 : vector<16xf32>
      %add3A_3072 = arith.addf %add3A_2893, %mul3A_3071 : vector<16xf32>
      tpu.vector_store_idx %arg18[%add3A_219, %broadcast_in_dim3A_193], %add3A_2986 : memref<512x2xf32, #tpu.memory_space<vmem>>[vector<16xi32>, vector<16xi32>], vector<16xf32>,
      tpu.vector_store_idx %arg18[%add3A_219, %broadcast_in_dim3A_195], %add3A_3072 : memref<512x2xf32, #tpu.memory_space<vmem>>[vector<16xi32>, vector<16xi32>], vector<16xf32>,
    }
    %scan3A_214 = arith.constant 32 : i32
    "tpu.region"() ({
      %run_scoped3A = tpu.sem_alloc : memref<!tpu.dma_semaphore, #tpu.memory_space<semaphore_mem>>
      %dma_start3A_215 = arith.constant 0 : i32
      %dma_start3A_216 = tpu.memref_slice %arg9[%mul3A_2, %dma_start3A_215] : memref<16384x2xf32, #tpu.memory_space<hbm>> -> memref<512x2xf32, #tpu.memory_space<hbm>>
      %dma_start3A_217 = arith.constant 0 : i32
      %dma_start3A_218 = tpu.memref_slice %arg9[%mul3A_2, %dma_start3A_217] : memref<16384x2xf32, #tpu.memory_space<hbm>> -> memref<512x2xf32, #tpu.memory_space<hbm>>
      tpu.enqueue_dma source(%arg18 : memref<512x2xf32, #tpu.memory_space<vmem>>) target(%dma_start3A_218 : memref<512x2xf32, #tpu.memory_space<hbm>>) target_semaphore(%run_scoped3A : memref<!tpu.dma_semaphore, #tpu.memory_space<semaphore_mem>>)
      %dma_wait3A_219 = arith.constant 0 : i32
      %dma_wait3A_220 = tpu.memref_slice %arg9[%mul3A_2, %dma_wait3A_219] : memref<16384x2xf32, #tpu.memory_space<hbm>> -> memref<512x2xf32, #tpu.memory_space<hbm>>
      %dma_wait3A_221 = arith.constant 0 : i32
      %dma_wait3A_222 = tpu.memref_slice %arg9[%mul3A_2, %dma_wait3A_221] : memref<16384x2xf32, #tpu.memory_space<hbm>> -> memref<512x2xf32, #tpu.memory_space<hbm>>
      tpu.wait_dma2 semaphore(%run_scoped3A : memref<!tpu.dma_semaphore, #tpu.memory_space<semaphore_mem>>) src(%arg18 : memref<512x2xf32, #tpu.memory_space<vmem>>) dst(%dma_wait3A_222 : memref<512x2xf32, #tpu.memory_space<hbm>>)
      tpu.yield
    }) : () -> ()
    return
  }
}

</mosaic_0001>

<sc_bundles>
// kernel: kernel.3.cloned.1.call-start
scs
__scs_entry_jumppad:
0x0: {  	(pc) =	sbr.rel $0x88, $3  }
0x1: {  	(tag) =	ssettag $0x0;
	lr =	simm.s32 $0x1  }
0x2: {  	[smem:$0x3F9A] =	sst lr;
	_ =	strace $0xD0000000  }
0x3: {  	_ = 	snop  }
0x4: {  	_ = 	snop  }
0x5: {  	_ = 	snop  }
0x6: {  	_ = 	snop  }
0x7: {  	_ = 	snop  }
__scs_overlays_trampoline_lowered:
0x8: {  	[smem:$0x3FA9] =	sst s0  }
0x9: {  	[smem:$0x3FAA] =	sst s1  }
0xa: {  	[smem:$0x3FAB] =	sst s2  }
0xb: {  	[smem:$0x3FAC] =	sst s3  }
0xc: {  	[smem:$0x3FAD] =	sst s4  }
0xd: {  	[smem:$0x3FAE] =	sst s5  }
0xe: {  	[smem:$0x3FAF] =	sst s6  }
0xf: {  	[smem:$0x3FB0] =	sst s7  }
0x10: {  	[smem:$0x3FB1] =	sst s8  }
0x11: {  	[smem:$0x3FB2] =	sst s9;
	s0 =	simm.s32 @!p0 $0x0  }
0x12: {  	s1 =	sld [smem:$0x3F98];
	s0 =	simm.s32 @p0 $0x1  }
0x13: {  	[smem:$0x3FB3] =	sst s0;
	s0 =	simm.s32 @!p1 $0x0  }
0x14: {  	s2 =	sld [smem:$0x3F97];
	s0 =	simm.s32 @p1 $0x1  }
0x15: {  	[smem:$0x3FB4] =	sst s0;
	s0 =	simm.s32 @!p2 $0x0  }
0x16: {  	s3 =	sld [smem:$0x3FDB];
	s0 =	simm.s32 @p2 $0x1  }
0x17: {  	s4 =	simm.s32 $0x1BF5;
	[smem:$0x3FB6] =	sst s0  }
0x18: {  	s0 =	sld [smem:$0x3F99];
	_ =	swait.ge [sflag:s4], $0x0  }
0x19: {  	s7 =	sld [smem:$0x3F9A]  }
0x1a: {  	s8 =	sadd.s32 $0xFFFFE003, lr  }
0x1b: {  	s9 =	sadd.s32 $0xFFFFFEF7, lr;
	s5 =	simm.s32 $0xFFFFFFFF;
	p2 =	slt.u32 s8, $0xFFFFF086  }
0x1c: {  	p1 =	slt.u32 s9, $0xF7A;
	s5 =	simm.s32 @!p2 $0x0  }
0x1d: {  	s5 =	simm.s32 @p1 $0x1;
	p0 =	seq.s32 s7, s2  }
0x1e: {  	s7 =	smul.u32 @!p0 $0xF7A, s2;
	p2 =	seq.s32 @!p0 s5, $0x0  }
0x1f: {  	s9 =	smul.u32 $0xF7A, s1;
	s8 =	simm.s32 @!p0 $0x1BF5;
	p2 =	por !p2, p0  }
0x20: {  	[sflag:s8] =	ssyncset.s32 @!p0 $0xFFFFF086;
	s6 =	sadd.s32 @!p0 s3, s7;
	s7 =	simm.s32 @!p0 $0x108  }
0x21: {  	s3 =	sadd.s32 s3, s9;
	s6 =	sadd.s32 @!p0 $0x88, s6;
	s7 =	simm.s32 @p2 $0x1082  }
0x22: {  	[simem:s7], [sflag:s8] =	dma.local @!p0 [hbm:s6], $0xF7A  }
0x23: {  	s9 =	sor.u32 $0xD0000000, s2;
	s6 =	simm.s32 $0x108;
	_ =	swait.ge @!p0 [sflag:s8], $0x0  }
0x24: {  	s3 =	sadd.s32 $0x88, s3;
	s6 =	simm.s32 @!p1 $0x1082;
	[sflag:s4] =	ssyncset.s32 $0xFFFFF086  }
0x25: {  	[simem:s6], [sflag:s4] =	dma.local [hbm:s3], $0xF7A  }
0x26: {  	[smem:$0x3F9A] =	sst s1;
	(tag) =	ssettag s2;
	_ =	strace s9  }
0x27: {  	s1 =	sld [smem:$0x3FAA]  }
0x28: {  	s2 =	sld [smem:$0x3FAB]  }
0x29: {  	s4 =	sld [smem:$0x3FAD]  }
0x2a: {  	p0 =	seq.s32 s5, $0x0;
	s5 =	sld [smem:$0x3FAE]  }
0x2b: {  	s6 =	sld [smem:$0x3FAF]  }
0x2c: {  	s7 =	sld [smem:$0x3FB0]  }
0x2d: {  	s3 =	simm.s32 $0x108;
	s8 =	sld [smem:$0x3FB1]  }
0x2e: {  	s3 =	simm.s32 @!p0 $0x1082;
	s9 =	sld [smem:$0x3FB2]  }
0x2f: {  	lr =	sadd.s32 s0, s3;
	s0 =	sld [smem:$0x3FA9]  }
0x30: {  	s3 =	sld [smem:$0x3FAC]  }
0x31: {  	[smem:$0x3FB5] =	sst s10  }
0x32: {  	s10 =	sld [smem:$0x3FB3];
	_ =	sdelay $0x3  }
0x33: {  	p0 =	seq.s32 s10, $0x1;
	s10 =	sld [smem:$0x3FB5];
	_ =	sdelay $0x3  }
0x34: {  	[smem:$0x3FB5] =	sst s10  }
0x35: {  	s10 =	sld [smem:$0x3FB4];
	_ =	sdelay $0x3  }
0x36: {  	p1 =	seq.s32 s10, $0x1;
	s10 =	sld [smem:$0x3FB5];
	_ =	sdelay $0x3  }
0x37: {  	[smem:$0x3FB5] =	sst s10  }
0x38: {  	s10 =	sld [smem:$0x3FB6]  }
0x39: {  	_ = 	snop;
	(pc) =	sbr.ind lr, $3  }
0x3a: {  	_ = 	snop  }
0x3b: {  	_ = 	snop  }
0x3c: {  	p2 =	seq.s32 s10, $0x1;
	s10 =	sld [smem:$0x3FB5]  }
0x3d: {  	_ =	shalt  }
0x3e: {  	_ =	shalt  }
0x3f: {  	_ =	shalt  }
0x40: {  	_ =	shalt  }
0x41: {  	_ =	shalt  }
0x42: {  	_ =	shalt  }
0x43: {  	_ =	shalt  }
0x44: {  	_ =	shalt  }
0x45: {  	_ =	shalt  }
0x46: {  	_ =	shalt  }
0x47: {  	_ =	shalt  }
0x48: {  	_ =	shalt  }
0x49: {  	_ =	shalt  }
0x4a: {  	_ =	shalt  }
0x4b: {  	_ =	shalt  }
0x4c: {  	_ =	shalt  }
0x4d: {  	_ =	shalt  }
0x4e: {  	_ =	shalt  }
0x4f: {  	_ =	shalt  }
0x50: {  	_ =	shalt  }
0x51: {  	_ =	shalt  }
0x52: {  	_ =	shalt  }
0x53: {  	_ =	shalt  }
0x54: {  	_ =	shalt  }
0x55: {  	_ =	shalt  }
0x56: {  	_ =	shalt  }
0x57: {  	_ =	shalt  }
0x58: {  	_ =	shalt  }
0x59: {  	_ =	shalt  }
0x5a: {  	_ =	shalt  }
0x5b: {  	_ =	shalt  }
0x5c: {  	_ =	shalt  }
0x5d: {  	_ =	shalt  }
0x5e: {  	_ =	shalt  }
0x5f: {  	_ =	shalt  }
0x60: {  	_ =	shalt  }
0x61: {  	_ =	shalt  }
0x62: {  	_ =	shalt  }
0x63: {  	_ =	shalt  }
0x64: {  	_ =	shalt  }
0x65: {  	_ =	shalt  }
0x66: {  	_ =	shalt  }
0x67: {  	_ =	shalt  }
0x68: {  	_ =	shalt  }
0x69: {  	_ =	shalt  }
0x6a: {  	_ =	shalt  }
0x6b: {  	_ =	shalt  }
0x6c: {  	_ =	shalt  }
0x6d: {  	_ =	shalt  }
0x6e: {  	_ =	shalt  }
0x6f: {  	_ =	shalt  }
0x70: {  	_ =	shalt  }
0x71: {  	_ =	shalt  }
0x72: {  	_ =	shalt  }
0x73: {  	_ =	shalt  }
0x74: {  	_ =	shalt  }
0x75: {  	_ =	shalt  }
0x76: {  	_ =	shalt  }
0x77: {  	_ =	shalt  }
0x78: {  	_ =	shalt  }
0x79: {  	_ =	shalt  }
0x7a: {  	_ =	shalt  }
0x7b: {  	_ =	shalt  }
0x7c: {  	_ =	shalt  }
0x7d: {  	_ =	shalt  }
0x7e: {  	_ =	shalt  }
0x7f: {  	_ =	shalt  }
0x80: {  	_ =	shalt  }
0x81: {  	_ =	shalt  }
0x82: {  	_ =	shalt  }
0x83: {  	_ =	shalt  }
0x84: {  	_ =	shalt  }
0x85: {  	_ =	shalt  }
0x86: {  	_ =	shalt  }
0x87: {  	_ =	shalt  }
.Lfunc_end0:
.L_simem_size_0:
called_computation_lowered:
.L_overlay_start_0:
0x88: {  	s2 =	sld [smem:$0x3FD9]  }
0x89: {  	s3 =	sld [smem:$0x3FFE];
	_ =	sdelay $0x1  }
0x8a: {  	s1 =	srdreg.scid  }
0x8b: {  	s0 =	sand.u32 $0x1, s1  }
0x8c: {  	s17 =	sshll.u32 s0, $0xA;
	s2 =	sadd.s32 s3, s2  }
0x8d: {  	s2 =	sadd.s32 s2, s17  }
0x8e: {  	[smem:$0x3FC1] =	sst s2  }
0x8f: {  	_ = 	snop  }
0x90: {  	s2 =	sld [smem:$0x3FC9]  }
0x91: {  	s18 =	sld [smem:$0x3FC8]  }
0x92: {  	s4 =	sld [smem:$0x3FC7]  }
0x93: {  	s5 =	sld [smem:$0x3FC4];
	(tm) =	ssettm $0x1  }
0x94: {  	s6 =	sld [smem:$0x3FFB];
	_ =	sdelay $0x3  }
0x95: {  	_ =	strace s6  }
0x96: {  	s6 =	sld [smem:$0x3FFC];
	_ =	sdelay $0x3  }
0x97: {  	_ =	strace s6  }
0x98: {  	s6 =	sld [smem:$0x3FFD];
	_ =	sdelay $0x3  }
0x99: {  	_ =	strace s6  }
0x9a: {  	_ =	strace $0x8FFFFFFF  }
0x9b: {  	s19 =	sld [smem:$0x3FDB];
	_ =	sdelay $0x1  }
0x9c: {  	s7 =	simm.s32 $_scs_section_size  }
0x9d: {  	s8 =	simm.s32 $_size__tile_overlayer_lowered;
	s9 =	simm.s32 $_tile_overlayer_lowered  }
0x9e: {  	s22 =	simm.s32 $0x1BFF;
	s21 =	sshll.u32 s9, $0x1;
	s6 =	sadd.s32 s7, s19  }
0x9f: {  	s10 =	simm.s32 $0x0;
	s20 =	sshll.u32 s8, $0x1;
	s8 =	sadd.s32 s21, s6  }
0xa0: {  	[timem:s10], [sflag:s22] =	dma.local [hbm:s8], s20  }
0xa1: {  	_ =	swait.ge [sflag:s22], s20  }
0xa2: {  	s7 =	ssub.s32 $0x0, s20;
	[sflag:s22] =	ssyncset.done $0x0  }
0xa3: {  	[sflag:s22] =	ssyncadd.s32 s7;
	_ =	sdelay $0x1  }
0xa4: {  	s23 =	simm.s32 $0x1B8B  }
0xa5: {  	_ =	swait.ge [sflag:s23], $0x1  }
0xa6: {  	[sflag:s23] =	ssyncset.done $0x0  }
0xa7: {  	s25 =	simm.s32 $0x1B8E;
	s24 =	sld [smem:$0x3FFE];
	[sflag:s23] =	ssyncadd.s32 $0xFFFFFFFF  }
0xa8: {  	s26 =	simm.s32 $execute0_lowered;
	[smem:$0x3FD2] =	sst s25  }
0xa9: {  	s8 =	sshll.u32 s26, $0x1;
	_ =	strace $0x80000046;
	[dreg:$0x1] =	wrdreg $0xFFFFFFFF  }
0xaa: {  	s28 =	simm.s32 $_size_execute0_lowered;
	s6 =	sadd.s32 s6, s8;
	[dreg:$0x0] =	wrdreg $0x0  }
0xab: {  	s8 =	sshll.u32 s28, $0x1;
	[dreg:$0x2] =	wrdreg s6  }
0xac: {  	[dreg:$0x3] =	wrdreg s8  }
0xad: {  	[dreg:$0x4] =	wrdreg $0xC0  }
0xae: {  	_ =	task [dreg:s10], $0x5FFFF  }
0xaf: {  	[dreg:$0x1] =	wrdreg $0xFFFFFFFF  }
0xb0: {  	[dreg:$0x0] =	wrdreg $0x60  }
0xb1: {  	[dreg:$0x2] =	wrdreg s2  }
0xb2: {  	[dreg:$0x3] =	wrdreg s18  }
0xb3: {  	[dreg:$0x4] =	wrdreg s4  }
0xb4: {  	[dreg:$0x5] =	wrdreg s24  }
0xb5: {  	[dreg:$0x6] =	wrdreg s5  }
0xb6: {  	[dreg:$0x7] =	wrdreg $0x9  }
0xb7: {  	_ =	task.clear_ibuf [dreg:s10], $0x8FFFF;
	_ =	strace $0x90000046  }
0xb8: {  	s29 =	simm.s32 $0x9;
	_ =	strace $0x80000048  }
0xb9: {  	_ =	swait.ge [sflag:s29], $0x1  }
0xba: {  	[sflag:s29] =	ssyncadd.s32 $0xFFFFFFFF  }
0xbb: {  	_ =	strace $0x90000048  }
0xbc: {  	_ =	sfence  }
0xbd: {  	s30 =	sld [smem:$0x0];
	_ =	sdelay $0x2  }
0xbe: {  	s31 =	sshll.u32 s1, $0xD;
	s1 =	sshrl.u32 s1, $0x2  }
0xbf: {  	s3 =	sand.u32 $0x4000, s31;
	s1 =	sadd.s32 s1, s30  }
0xc0: {  	s0 =	sor.u32 s3, s0;
	s1 =	sshll.u32 s1, $0x11  }
0xc1: {  	s0 =	sor.u32 s1, s0  }
0xc2: {  	s0 =	sadd.s32 $0x8F2B, s0  }
0xc3: {  	[sflag:s0] =	ssyncadd.remote.s32 $0x1  }
0xc4: {  	_ =	sfence.sel $0xFFFF  }
0xc5: {  	[dreg:$0x0] =	wrdreg $0xFFFFFFFF;
	(pc) =	sbr.abs _section_cstart, $3  }
0xc6: {  	[dreg:$0x1] =	wrdreg $0xFFFFFFFF  }
0xc7: {  	_ =	task.clear_ibuf [dreg:s10], $0x2FFFF;
	_ =	strace $0x9FFFFFFF  }
0xc8: {  	(tm) =	ssettm $0x7FFFFFFF  }
0xc9: {  	_ =	shalt  }
tec
execute0_lowered:
.L_overlay_start_1:
0x0: {  	(tag) =	ssettag $0x1  }
0x1: {  	s0 =	rddreg [dreg:$0x0]  }
0x2: {  	s1 =	rddreg [dreg:$0x1]  }
0x3: {  	s2 =	rddreg [dreg:$0x2]  }
0x4: {  	s7 =	rddreg [dreg:$0x3]  }
0x5: {  	s3 =	simm.s32 $0x0;
	s4 =	srdreg.scid;
	s5 =	stileid.u32  }
0x6: {  	s14 =	simm.s32 $0x400;
	s17 =	simm.s32 $0x80;
	s18 =	simm.s32 $0x600  }
0x7: {  	s19 =	simm.s32 $0x2600;
	s20 =	simm.s32 $0x4600;
	s29 =	simm.s32 $0x300  }
0x8: {  	s30 =	simm.s32 $0x3600;
	s31 =	simm.s32 $0x500;
	s15 =	simm.s32 $0x380  }
0x9: {  	s16 =	simm.s32 $0x3E00;
	s21 =	simm.s32 $0x580;
	s22 =	simm.s32 $0x5E00  }
0xa: {  	s23 =	simm.s32 $0x1;
	s24 =	simm.s32 $0x6620;
	s25 =	simm.s32 $0x0  }
0xb: {  	[smem:$0x7FF] =	sst s3;
	s6 =	sand.u32 $0x1, s4;
	s4 =	sadd.s32 $0x112AE00, s7  }
0xc: {  	s8 =	sshll.u32 s5, $0xA;
	s5 =	sadd.s32 $0xF42800, s7;
	s9 =	sshll.u32 s6, $0x9  }
0xd: {  	_ =	strace $0x80000047;
	s28 =	ssub.s32 $0x2, s6;
	s8 =	sor.u32 s9, s8  }
0xe: {  	s6 =	sadd.s32 $0x400, s7;
	s10 =	sshrl.u32 s28, $0x1;
	s11 =	sshrl.u32 s8, $0x3  }
0xf: {  	s12 =	sadd.s32 s8, s7;
	s13 =	ssub.s32 s28, s10;
	s7 =	sadd.s32 s0, s11  }
0x10: {  	s8 =	sadd.s32 s1, s11;
	s9 =	sadd.s32 s2, s11;
	s10 =	sadd.s32 $0x600, s12  }
0x11: {  	s11 =	smax.u32 s13, $0x1;
	s12 =	simm.s32 $0x2;
	s13 =	simm.s32 $0x200  }
0x12: {  	v0 =	vlaneseq.u32;
	s0 =	simm.s32 $0x5600;
	s2 =	simm.s32 $0x180;
	s1 =	simm.s32 $0x1E00  }
.LBB2_1:
0x13: {  	[tilespmem:s3], [sflag:$0x2] =	stream.linear.gather [hbm4b:s7+s3], $0x200, $0x38;
	[tilespmem:$0x7620] =	vst v63  }
0x14: {  	_ =	swait.ge [sflag:s12], $0x200  }
0x15: {  	[sflag:s12] =	ssyncset.done $0x0  }
0x16: {  	[sflag:s12] =	ssyncadd.s32 $0xFFFFFE00  }
0x17: {  	[tilespmem:s13], [sflag:$0x2] =	stream.linear.gather [hbm4b:s8+s3], $0x200, $0x38;
	[tilespmem:$0x7620] =	vst v63  }
0x18: {  	_ =	swait.ge [sflag:s12], $0x200  }
0x19: {  	[sflag:s12] =	ssyncset.done $0x0  }
0x1a: {  	[sflag:s12] =	ssyncadd.s32 $0xFFFFFE00  }
0x1b: {  	[tilespmem:s14], [sflag:$0x2] =	stream.linear.gather [hbm4b:s9+s3], $0x200, $0x38;
	[tilespmem:$0x7620] =	vst v63  }
0x1c: {  	_ =	swait.ge [sflag:s12], $0x200  }
0x1d: {  	[sflag:s12] =	ssyncset.done $0x0  }
0x1e: {  	[sflag:s12] =	ssyncadd.s32 $0xFFFFFE00  }
0x1f: {  	s28 =	simm.s32 $0x6600;
	s26 =	rddreg [dreg:$0x4]  }
0x20: {  	[tilespmem:s28], [sflag:$0x2] =	stream.linear.gather [hbm4b:s26+s3], $0x10, $0x38;
	[tilespmem:$0x7620] =	vst v63  }
0x21: {  	_ =	swait.ge [sflag:s12], $0x10  }
0x22: {  	[sflag:s12] =	ssyncset.done $0x0  }
0x23: {  	s28 =	simm.s32 $0x6610;
	[sflag:s12] =	ssyncadd.s32 $0xFFFFFFF0  }
0x24: {  	[tilespmem:s28], [sflag:$0x2] =	stream.linear.gather [hbm4b:s6+s3], $0x10, $0x38;
	[tilespmem:$0x7620] =	vst v63  }
0x25: {  	_ =	swait.ge [sflag:s12], $0x10  }
0x26: {  	[sflag:s12] =	ssyncset.done $0x0  }
0x27: {  	[sflag:s12] =	ssyncadd.s32 $0xFFFFFFF0  }
0x28: {  	[tilespmem:s18], [sflag:$0x1] =	stream.indirect.gather [hbm4b:s4+s17], $0x10, s3, s17, $0xb8;
	[tilespmem:$0x7620] =	vst v63  }
0x29: {  	_ = 	snop  }
0x2a: {  	[tilespmem:s19], [sflag:$0x1] =	stream.indirect.gather [hbm4b:s5+s17], $0x10, s13, s17, $0xb8;
	[tilespmem:$0x7620] =	vst v63  }
0x2b: {  	_ = 	snop  }
0x2c: {  	[tilespmem:s20], [sflag:$0x1] =	stream.indirect.gather [hbm4b:s5+s17], $0x10, s14, s17, $0xb8;
	[tilespmem:$0x7620] =	vst v63  }
0x2d: {  	s28 =	simm.s32 $0xE00  }
0x2e: {  	[tilespmem:s28], [sflag:$0x1] =	stream.indirect.gather [hbm4b:s4+s17], $0x10, s17, s17, $0xb8;
	[tilespmem:$0x7620] =	vst v63  }
0x2f: {  	s26 =	simm.s32 $0x280;
	s28 =	simm.s32 $0x2E00  }
0x30: {  	[tilespmem:s28], [sflag:$0x1] =	stream.indirect.gather [hbm4b:s5+s17], $0x10, s26, s17, $0xb8;
	[tilespmem:$0x7620] =	vst v63  }
0x31: {  	s26 =	simm.s32 $0x480;
	s28 =	simm.s32 $0x4E00  }
0x32: {  	[tilespmem:s28], [sflag:$0x1] =	stream.indirect.gather [hbm4b:s5+s17], $0x10, s26, s17, $0xb8;
	[tilespmem:$0x7620] =	vst v63  }
0x33: {  	s26 =	simm.s32 $0x100;
	s28 =	simm.s32 $0x1600  }
0x34: {  	[tilespmem:s28], [sflag:$0x1] =	stream.indirect.gather [hbm4b:s4+s17], $0x10, s26, s17, $0xb8;
	[tilespmem:$0x7620] =	vst v63  }
0x35: {  	_ = 	snop  }
0x36: {  	[tilespmem:s30], [sflag:$0x1] =	stream.indirect.gather [hbm4b:s5+s17], $0x10, s29, s17, $0xb8;
	[tilespmem:$0x7620] =	vst v63  }
0x37: {  	_ = 	snop  }
0x38: {  	[tilespmem:s0], [sflag:$0x1] =	stream.indirect.gather [hbm4b:s5+s17], $0x10, s31, s17, $0xb8;
	[tilespmem:$0x7620] =	vst v63  }
0x39: {  	_ = 	snop  }
0x3a: {  	[tilespmem:s1], [sflag:$0x1] =	stream.indirect.gather [hbm4b:s4+s17], $0x10, s2, s17, $0xb8;
	[tilespmem:$0x7620] =	vst v63  }
0x3b: {  	_ = 	snop  }
0x3c: {  	[tilespmem:s16], [sflag:$0x1] =	stream.indirect.gather [hbm4b:s5+s17], $0x10, s15, s17, $0xb8;
	[tilespmem:$0x7620] =	vst v63  }
0x3d: {  	_ = 	snop  }
0x3e: {  	[tilespmem:s22], [sflag:$0x1] =	stream.indirect.gather [hbm4b:s5+s17], $0x10, s21, s17, $0xb8;
	[tilespmem:$0x7620] =	vst v63  }
0x3f: {  	_ =	swait.ge [sflag:s23], $0x800  }
0x40: {  	[sflag:s23] =	ssyncset.done $0x0  }
0x41: {  	[sflag:s23] =	ssyncadd.s32 $0xFFFFF800  }
0x42: {  	_ =	swait.ge [sflag:s23], $0x800  }
0x43: {  	[sflag:s23] =	ssyncset.done $0x0  }
0x44: {  	[sflag:s23] =	ssyncadd.s32 $0xFFFFF800  }
0x45: {  	_ =	swait.ge [sflag:s23], $0x800  }
0x46: {  	[sflag:s23] =	ssyncset.done $0x0  }
0x47: {  	[sflag:s23] =	ssyncadd.s32 $0xFFFFF800  }
0x48: {  	_ =	swait.ge [sflag:s23], $0x800  }
0x49: {  	[sflag:s23] =	ssyncset.done $0x0  }
0x4a: {  	[sflag:s23] =	ssyncadd.s32 $0xFFFFF800  }
0x4b: {  	_ =	swait.ge [sflag:s23], $0x800  }
0x4c: {  	[sflag:s23] =	ssyncset.done $0x0  }
0x4d: {  	[sflag:s23] =	ssyncadd.s32 $0xFFFFF800  }
0x4e: {  	_ =	swait.ge [sflag:s23], $0x800  }
0x4f: {  	[sflag:s23] =	ssyncset.done $0x0  }
0x50: {  	[sflag:s23] =	ssyncadd.s32 $0xFFFFF800  }
0x51: {  	_ =	swait.ge [sflag:s23], $0x800  }
0x52: {  	[sflag:s23] =	ssyncset.done $0x0  }
0x53: {  	[sflag:s23] =	ssyncadd.s32 $0xFFFFF800  }
0x54: {  	_ =	swait.ge [sflag:s23], $0x800  }
0x55: {  	[sflag:s23] =	ssyncset.done $0x0  }
0x56: {  	[sflag:s23] =	ssyncadd.s32 $0xFFFFF800  }
0x57: {  	_ =	swait.ge [sflag:s23], $0x800  }
0x58: {  	[sflag:s23] =	ssyncset.done $0x0  }
0x59: {  	[sflag:s23] =	ssyncadd.s32 $0xFFFFF800  }
0x5a: {  	_ =	swait.ge [sflag:s23], $0x800  }
0x5b: {  	[sflag:s23] =	ssyncset.done $0x0  }
0x5c: {  	[sflag:s23] =	ssyncadd.s32 $0xFFFFF800  }
0x5d: {  	_ =	swait.ge [sflag:s23], $0x800  }
0x5e: {  	[sflag:s23] =	ssyncset.done $0x0  }
0x5f: {  	[sflag:s23] =	ssyncadd.s32 $0xFFFFF800  }
0x60: {  	_ =	swait.ge [sflag:s23], $0x800  }
0x61: {  	[sflag:s23] =	ssyncset.done $0x0  }
0x62: {  	[sflag:s23] =	ssyncadd.s32 $0xFFFFF800  }
0x63: {  	v1 =	vld [tilespmem:$0x6600];
	_ =	sdelay $0x4  }
0x64: {  	v2 =	vshrl.u32 v1, $0x10  }
0x65: {  	v2 =	vand.u32 $0x1, v2  }
0x66: {  	v1 =	vadd.s32 v2, v1  }
0x67: {  	v1 =	vadd.s32 $0x7FFF, v1  }
0x68: {  	v17 =	vand.u32 $0xFFFF0000, v1  }
0x69: {  	v1 =	vbroadcast v17, $0x0;
	v2 =	vbroadcast v17, $0x1  }
0x6a: {  	v3 =	vbroadcast v17, $0x2;
	v4 =	vbroadcast v17, $0x3  }
0x6b: {  	v5 =	vbroadcast v17, $0x4;
	v6 =	vbroadcast v17, $0x5  }
0x6c: {  	v7 =	vbroadcast v17, $0x6;
	v8 =	vbroadcast v17, $0x7  }
0x6d: {  	v9 =	vbroadcast v17, $0x8;
	v10 =	vbroadcast v17, $0x9  }
0x6e: {  	v11 =	vbroadcast v17, $0xA;
	v12 =	vbroadcast v17, $0xB  }
0x6f: {  	v13 =	vbroadcast v17, $0xC;
	v14 =	vbroadcast v17, $0xD  }
0x70: {  	s26 =	simm.s32 $0x0;
	v15 =	vld [tilespmem:$0x6610];
	v16 =	vbroadcast v17, $0xE;
	v17 =	vbroadcast v17, $0xF  }
.LBB2_2:
0x71: {  	v18 =	vor.u32 s26, v0  }
0x72: {  	v19 =	vshll.u32 v18, $0x4;
	_ =	sdelay $0x4  }
0x73: {  	v20 =	vld.idx.msk [tilespmem:v19+s18+$0x0], $0xffff  }
0x74: {  	v21 =	vld.idx.msk [tilespmem:v19+s19+$0x0], $0xffff;
	_ =	sdelay $0x3  }
0x75: {  	v23 =	vld.idx.msk [tilespmem:v19+s20+$0x0], $0xffff  }
0x76: {  	v21 =	vmul.f32 v21, v20;
	_ =	sdelay $0x1  }
0x77: {  	v21 =	vsub.f32 $0.0e+00, v21;
	_ =	sdelay $0x1  }
0x78: {  	v20 =	vmul.f32 v23, v20;
	v21 =	vmul.f32 $1.442695020e+00, v21;
	_ =	sdelay $0x1  }
0x79: {  	v20 =	vsub.f32 $0.0e+00, v20;
	v21 =	vmax.f32 v21, $-1.260000000e+02  }
0x7a: {  	v21 =	vmin.f32 v21, $1.260000000e+02  }
0x7b: {  	v20 =	vmul.f32 $1.442695020e+00, v20;
	v22 =	vtrunc.f32 v21  }
0x7c: {  	v22 =	vcvt.f32.s32 v22  }
0x7d: {  	v20 =	vmax.f32 v20, $-1.260000000e+02  }
0x7e: {  	v41 =	vor.u32 $0x1, v19;
	v20 =	vmin.f32 v20, $1.260000000e+02;
	v24 =	vcvt.s32.f32 v22  }
0x7f: {  	v25 =	vtrunc.f32 v20  }
0x80: {  	v25 =	vcvt.f32.s32 v25;
	v21 =	vsub.f32 v21, v24;
	_ =	sdelay $0x1  }
0x81: {  	v28 =	vcvt.s32.f32 v25;
	v21 =	vmul.f32 $6.931471820e-01, v21  }
0x82: {  	v26 =	vld.idx.msk [tilespmem:v41+s18+$0x0], $0xffff  }
0x83: {  	v27 =	vld.idx.msk [tilespmem:v41+s19+$0x0], $0xffff;
	v20 =	vsub.f32 v20, v28;
	v40 =	vmul.f32 $1.984127010e-04, v21;
	_ =	sdelay $0x1  }
0x84: {  	v20 =	vmul.f32 $6.931471820e-01, v20;
	v23 =	vadd.f32 $1.388888920e-03, v40;
	_ =	sdelay $0x1  }
0x85: {  	v42 =	vmul.f32 $1.984127010e-04, v20;
	v23 =	vmul.f32 v23, v21  }
0x86: {  	v44 =	vor.u32 $0x2, v19;
	v27 =	vmul.f32 v27, v26  }
0x87: {  	v28 =	vadd.f32 $1.388888920e-03, v42;
	v23 =	vadd.f32 $8.333333770e-03, v23  }
0x88: {  	v53 =	vor.u32 $0x3, v19;
	v27 =	vsub.f32 $0.0e+00, v27  }
0x89: {  	v28 =	vmul.f32 v28, v20;
	v23 =	vmul.f32 v23, v21  }
0x8a: {  	v27 =	vmul.f32 $1.442695020e+00, v27  }
0x8b: {  	v47 =	vld.idx.msk [tilespmem:v44+s18+$0x0], $0xffff;
	v28 =	vadd.f32 $8.333333770e-03, v28;
	v23 =	vadd.f32 $4.166666790e-02, v23  }
0x8c: {  	v48 =	vld.idx.msk [tilespmem:v44+s19+$0x0], $0xffff;
	v27 =	vmax.f32 v27, $-1.260000000e+02  }
0x8d: {  	v57 =	vld.idx.msk [tilespmem:v53+s18+$0x0], $0xffff;
	v27 =	vmin.f32 v27, $1.260000000e+02;
	v28 =	vmul.f32 v28, v20;
	v23 =	vmul.f32 v23, v21  }
0x8e: {  	v29 =	vtrunc.f32 v27;
	v24 =	vld.idx.msk [tilespmem:v41+s20+$0x0], $0xffff  }
0x8f: {  	v29 =	vcvt.f32.s32 v29;
	v43 =	vadd.f32 $4.166666790e-02, v28;
	v28 =	vld.idx.msk [tilespmem:v44+s20+$0x0], $0xffff;
	v23 =	vadd.f32 $1.666666720e-01, v23  }
0x90: {  	v35 =	vld.idx.msk [tilespmem:v53+s19+$0x0], $0xffff  }
0x91: {  	v30 =	vcvt.s32.f32 v29;
	v23 =	vmul.f32 v23, v21;
	_ =	sdelay $0x1  }
0x92: {  	v27 =	vsub.f32 v27, v30;
	v30 =	vmul.f32 v48, v47;
	v23 =	vadd.f32 $5.000000000e-01, v23  }
0x93: {  	v24 =	vmul.f32 v24, v26;
	v26 =	vmul.f32 v28, v47  }
0x94: {  	v60 =	vmul.f32 v35, v57;
	v23 =	vmul.f32 v23, v21  }
0x95: {  	v22 =	vshll.u32 v22, $0x17;
	v30 =	vsub.f32 $0.0e+00, v30;
	v26 =	vsub.f32 $0.0e+00, v26  }
0x96: {  	v25 =	vshll.u32 v25, $0x17;
	v27 =	vmul.f32 $6.931471820e-01, v27;
	v23 =	vadd.f32 $1.000000000e+00, v23  }
0x97: {  	v22 =	vadd.s32 $0x3F800000, v22;
	v30 =	vmul.f32 $1.442695020e+00, v30;
	v26 =	vmul.f32 $1.442695020e+00, v26  }
0x98: {  	v46 =	vmul.f32 $1.984127010e-04, v27;
	v24 =	vsub.f32 $0.0e+00, v24;
	v21 =	vmul.f32 v23, v21  }
0x99: {  	v51 =	vmax.f32 v30, $-1.260000000e+02;
	v30 =	vld.idx.msk [tilespmem:v53+s20+$0x0], $0xffff;
	v26 =	vmax.f32 v26, $-1.260000000e+02;
	v23 =	vmul.f32 v43, v20  }
0x9a: {  	v24 =	vmul.f32 $1.442695020e+00, v24;
	v26 =	vmin.f32 v26, $1.260000000e+02;
	v21 =	vadd.f32 $1.000000000e+00, v21  }
0x9b: {  	v34 =	vtrunc.f32 v26;
	v45 =	vadd.f32 $1.666666720e-01, v23;
	v23 =	vadd.f32 $1.388888920e-03, v46  }
0x9c: {  	v25 =	vadd.s32 $0x3F800000, v25;
	v34 =	vcvt.f32.s32 v34;
	v21 =	vmul.f32 v22, v21  }
0x9d: {  	v24 =	vmax.f32 v24, $-1.260000000e+02;
	v22 =	vmul.f32 v45, v20;
	v23 =	vmul.f32 v23, v27  }
0x9e: {  	v24 =	vmin.f32 v24, $1.260000000e+02;
	v30 =	vmul.f32 v30, v57;
	v59 =	vcvt.s32.f32 v34  }
0x9f: {  	v50 =	vtrunc.f32 v24;
	v22 =	vadd.f32 $5.000000000e-01, v22;
	v23 =	vadd.f32 $8.333333770e-03, v23  }
0xa0: {  	v44 =	vor.u32 $0x4, v19;
	v26 =	vsub.f32 v26, v59;
	v21 =	vadd.f32 $1.000000000e+00, v21  }
0xa1: {  	v30 =	vsub.f32 $0.0e+00, v30;
	v22 =	vmul.f32 v22, v20;
	v23 =	vmul.f32 v23, v27  }
0xa2: {  	v29 =	vshll.u32 v29, $0x17;
	v26 =	vmul.f32 $6.931471820e-01, v26;
	(erf) = vrcp.f32 v21  }
0xa3: {  	v30 =	vmul.f32 $1.442695020e+00, v30;
	v22 =	vadd.f32 $1.000000000e+00, v22;
	v49 =	vadd.f32 $4.166666790e-02, v23  }
0xa4: {  	v29 =	vadd.s32 $0x3F800000, v29;
	v62 =	vmul.f32 $1.984127010e-04, v26;
	v23 =	vcvt.f32.s32 v50  }
0xa5: {  	v48 =	vld.idx.msk [tilespmem:v44+s18+$0x0], $0xffff;
	v34 =	vshll.u32 v34, $0x17;
	v20 =	vmul.f32 v22, v20;
	v22 =	vmul.f32 v49, v27  }
0xa6: {  	v34 =	vadd.s32 $0x3F800000, v34;
	v35 =	vadd.f32 $1.388888920e-03, v62;
	v50 =	vld.idx.msk [tilespmem:v44+s19+$0x0], $0xffff;
	v32 =	vcvt.s32.f32 v23  }
0xa7: {  	v62 =	vor.u32 $0x5, v19;
	v20 =	vadd.f32 $1.000000000e+00, v20;
	v22 =	vadd.f32 $1.666666720e-01, v22  }
0xa8: {  	v37 =	vmul.f32 v35, v26;
	v23 =	vshll.u32 v23, $0x17;
	v24 =	vsub.f32 v24, v32  }
0xa9: {  	v20 =	vmul.f32 v25, v20;
	v22 =	vmul.f32 v22, v27;
	v25 =	vmin.f32 v51, $1.260000000e+02  }
0xaa: {  	v49 =	vmax.f32 v30, $-1.260000000e+02;
	v24 =	vmul.f32 $6.931471820e-01, v24;
	v52 =	vtrunc.f32 v25  }
0xab: {  	v23 =	vadd.s32 $0x3F800000, v23;
	v30 =	vmul.f32 v50, v48;
	v31 =	vpop (erf);
	v28 =	vcvt.f32.s32 v52  }
0xac: {  	v21 =	vmul.f32 v31, v21;
	v54 =	vmul.f32 $1.984127010e-04, v24;
	v22 =	vadd.f32 $5.000000000e-01, v22  }
0xad: {  	v30 =	vsub.f32 $0.0e+00, v30;
	v20 =	vadd.f32 $1.000000000e+00, v20;
	v33 =	vcvt.s32.f32 v28  }
0xae: {  	v21 =	vsub.f32 $2.000000000e+00, v21;
	v55 =	vadd.f32 $1.388888920e-03, v54;
	v22 =	vmul.f32 v22, v27  }
0xaf: {  	v30 =	vmul.f32 $1.442695020e+00, v30;
	(erf) = vrcp.f32 v20;
	v25 =	vsub.f32 v25, v33  }
0xb0: {  	v21 =	vmul.f32 v21, v31;
	v31 =	vmul.f32 v55, v24;
	v22 =	vadd.f32 $1.000000000e+00, v22  }
0xb1: {  	v28 =	vshll.u32 v28, $0x17;
	v30 =	vmax.f32 v30, $-1.260000000e+02;
	v25 =	vmul.f32 $6.931471820e-01, v25  }
0xb2: {  	v56 =	vshrl.u32 v21, $0x10;
	v31 =	vadd.f32 $8.333333770e-03, v31;
	v22 =	vmul.f32 v22, v27  }
0xb3: {  	v30 =	vmin.f32 v30, $1.260000000e+02;
	v32 =	vand.u32 $0x1, v56;
	v58 =	vmul.f32 $1.984127010e-04, v25  }
0xb4: {  	v56 =	vtrunc.f32 v30;
	v31 =	vmul.f32 v31, v24;
	v22 =	vadd.f32 $1.000000000e+00, v22  }
0xb5: {  	v21 =	vadd.s32 v32, v21;
	v32 =	vsub.f32 $0.0e+00, v60;
	v27 =	vadd.f32 $1.388888920e-03, v58  }
0xb6: {  	v21 =	vadd.s32 $0x7FFF, v21;
	v31 =	vadd.f32 $4.166666790e-02, v31;
	v22 =	vmul.f32 v29, v22  }
0xb7: {  	v32 =	vmul.f32 $1.442695020e+00, v32;
	v21 =	vand.u32 $0xFFFF0000, v21;
	v27 =	vmul.f32 v27, v25  }
0xb8: {  	v28 =	vadd.s32 $0x3F800000, v28;
	v61 =	vpop (erf);
	v21 =	vmul.f32 v21, v1;
	v31 =	vmul.f32 v31, v24  }
0xb9: {  	v20 =	vmul.f32 v61, v20;
	v32 =	vmax.f32 v32, $-1.260000000e+02;
	v27 =	vadd.f32 $8.333333770e-03, v27  }
0xba: {  	v22 =	vadd.f32 $1.000000000e+00, v22;
	v63 =	vmin.f32 v32, $1.260000000e+02;
	v32 =	vadd.f32 $8.333333770e-03, v37  }
0xbb: {  	v33 =	vld.idx.msk [tilespmem:v44+s20+$0x0], $0xffff;
	v31 =	vadd.f32 $1.666666720e-01, v31;
	v38 =	vtrunc.f32 v63;
	v27 =	vmul.f32 v27, v25  }
0xbc: {  	v20 =	vsub.f32 $2.000000000e+00, v20;
	(erf) = vrcp.f32 v22;
	v35 =	vcvt.f32.s32 v38  }
0xbd: {  	v32 =	vmul.f32 v32, v26;
	v31 =	vmul.f32 v31, v24;
	v27 =	vadd.f32 $4.166666790e-02, v27  }
0xbe: {  	v21 =	vadd.f32 v21, v15;
	v20 =	vmul.f32 v20, v61;
	v37 =	vcvt.s32.f32 v35  }
0xbf: {  	v39 =	vadd.f32 $4.166666790e-02, v32;
	v31 =	vadd.f32 $5.000000000e-01, v31;
	v27 =	vmul.f32 v27, v25  }
0xc0: {  	v35 =	vshll.u32 v35, $0x17;
	v32 =	vmul.f32 v33, v48;
	v36 =	vshrl.u32 v20, $0x10  }
0xc1: {  	v60 =	vadd.s32 $0x3F800000, v35;
	v31 =	vmul.f32 v31, v24;
	v27 =	vadd.f32 $1.666666720e-01, v27  }
0xc2: {  	v36 =	vand.u32 $0x1, v36;
	v29 =	vsub.f32 v63, v37;
	v32 =	vsub.f32 $0.0e+00, v32  }
0xc3: {  	v20 =	vadd.s32 v36, v20;
	v31 =	vadd.f32 $1.000000000e+00, v31;
	v27 =	vmul.f32 v27, v25  }
0xc4: {  	v36 =	vcvt.f32.s32 v56;
	v20 =	vadd.s32 $0x7FFF, v20;
	v29 =	vmul.f32 $6.931471820e-01, v29  }
0xc5: {  	v24 =	vmul.f32 v31, v24;
	v31 =	vmul.f32 v39, v26;
	v27 =	vadd.f32 $5.000000000e-01, v27  }
0xc6: {  	v32 =	vmul.f32 $1.442695020e+00, v32;
	v20 =	vand.u32 $0xFFFF0000, v20;
	v41 =	vmul.f32 $1.984127010e-04, v29  }
0xc7: {  	v59 =	vcvt.s32.f32 v36;
	v40 =	vpop (erf);
	v31 =	vadd.f32 $1.666666720e-01, v31;
	v27 =	vmul.f32 v27, v25  }
0xc8: {  	v36 =	vshll.u32 v36, $0x17;
	v22 =	vmul.f32 v40, v22;
	v43 =	vadd.f32 $1.388888920e-03, v41  }
0xc9: {  	v24 =	vadd.f32 $1.000000000e+00, v24;
	v31 =	vmul.f32 v31, v26;
	v42 =	vadd.f32 $1.000000000e+00, v27  }
0xca: {  	v30 =	vsub.f32 v30, v59;
	v22 =	vsub.f32 $2.000000000e+00, v22;
	v45 =	vmul.f32 v43, v29  }
0xcb: {  	v23 =	vmul.f32 v23, v24;
	v46 =	vadd.f32 $5.000000000e-01, v31;
	v24 =	vmul.f32 v42, v25  }
0xcc: {  	v32 =	vmax.f32 v32, $-1.260000000e+02;
	v30 =	vmul.f32 $6.931471820e-01, v30;
	v25 =	vadd.f32 $8.333333770e-03, v45  }
0xcd: {  	v22 =	vmul.f32 v22, v40;
	v27 =	vmul.f32 v46, v26;
	v24 =	vadd.f32 $1.000000000e+00, v24  }
0xce: {  	v40 =	vmul.f32 $1.984127010e-04, v30;
	v23 =	vadd.f32 $1.000000000e+00, v23;
	v25 =	vmul.f32 v25, v29  }
0xcf: {  	v27 =	vadd.f32 $1.000000000e+00, v27;
	v24 =	vmul.f32 v28, v24;
	v28 =	vmin.f32 v49, $1.260000000e+02  }
0xd0: {  	(erf) = vrcp.f32 v23;
	v25 =	vadd.f32 $4.166666790e-02, v25;
	v51 =	vtrunc.f32 v28  }
0xd1: {  	v26 =	vmul.f32 v27, v26;
	v24 =	vadd.f32 $1.000000000e+00, v24;
	v27 =	vcvt.f32.s32 v51  }
0xd2: {  	v20 =	vmul.f32 v20, v1;
	v32 =	vmin.f32 v32, $1.260000000e+02;
	v25 =	vmul.f32 v25, v29  }
0xd3: {  	v37 =	vadd.f32 $1.388888920e-03, v40;
	(erf) = vrcp.f32 v24;
	v52 =	vcvt.s32.f32 v27  }
0xd4: {  	v47 =	vshrl.u32 v22, $0x10;
	v26 =	vadd.f32 $1.000000000e+00, v26;
	v25 =	vadd.f32 $1.666666720e-01, v25  }
0xd5: {  	v44 =	vld.idx.msk [tilespmem:v62+s19+$0x0], $0xffff;
	v31 =	vand.u32 $0x1, v47;
	v47 =	vtrunc.f32 v32;
	v28 =	vsub.f32 v28, v52  }
0xd6: {  	v22 =	vadd.s32 v31, v22;
	v42 =	vld.idx.msk [tilespmem:v62+s18+$0x0], $0xffff;
	v26 =	vmul.f32 v34, v26;
	v25 =	vmul.f32 v25, v29  }
0xd7: {  	v41 =	vmul.f32 v37, v30;
	v31 =	vld.idx.msk [tilespmem:v62+s20+$0x0], $0xffff;
	v22 =	vadd.s32 $0x7FFF, v22;
	v28 =	vmul.f32 $6.931471820e-01, v28  }
0xd8: {  	v22 =	vand.u32 $0xFFFF0000, v22;
	v26 =	vadd.f32 $1.000000000e+00, v26;
	v25 =	vadd.f32 $5.000000000e-01, v25  }
0xd9: {  	v36 =	vadd.s32 $0x3F800000, v36;
	v22 =	vmul.f32 v22, v2;
	v54 =	vmul.f32 $1.984127010e-04, v28  }
0xda: {  	v20 =	vadd.f32 v20, v15;
	v53 =	vpop (erf);
	(erf) = vrcp.f32 v26;
	v25 =	vmul.f32 v25, v29  }
0xdb: {  	v33 =	vmul.f32 v44, v42;
	v23 =	vmul.f32 v53, v23;
	v34 =	vadd.f32 $1.388888920e-03, v54  }
0xdc: {  	v21 =	vadd.f32 v22, v21;
	v31 =	vmul.f32 v31, v42;
	v25 =	vadd.f32 $1.000000000e+00, v25;
	v55 =	vpop (erf)  }
0xdd: {  	v23 =	vsub.f32 $2.000000000e+00, v23;
	v24 =	vmul.f32 v55, v24;
	v57 =	vmul.f32 v34, v28  }
0xde: {  	v33 =	vsub.f32 $0.0e+00, v33;
	v31 =	vsub.f32 $0.0e+00, v31;
	v25 =	vmul.f32 v25, v29  }
0xdf: {  	v23 =	vmul.f32 v23, v53;
	v24 =	vsub.f32 $2.000000000e+00, v24;
	v29 =	vadd.f32 $8.333333770e-03, v57  }
0xe0: {  	v27 =	vshll.u32 v27, $0x17;
	v33 =	vmul.f32 $1.442695020e+00, v33;
	v25 =	vadd.f32 $1.000000000e+00, v25  }
0xe1: {  	v58 =	vshrl.u32 v23, $0x10;
	v24 =	vmul.f32 v24, v55;
	v29 =	vmul.f32 v29, v28  }
0xe2: {  	v31 =	vmul.f32 $1.442695020e+00, v31;
	v34 =	vand.u32 $0x1, v58;
	v25 =	vmul.f32 v60, v25  }
0xe3: {  	v23 =	vadd.s32 v34, v23;
	v61 =	vpop (erf);
	v29 =	vadd.f32 $4.166666790e-02, v29;
	v63 =	vshrl.u32 v24, $0x10  }
0xe4: {  	v26 =	vmul.f32 v61, v26;
	v25 =	vadd.f32 $1.000000000e+00, v25;
	v34 =	vand.u32 $0x1, v63  }
0xe5: {  	v29 =	vmul.f32 v29, v28;
	v24 =	vadd.s32 v34, v24;
	v34 =	vadd.f32 $8.333333770e-03, v41  }
0xe6: {  	v33 =	vmax.f32 v33, $-1.260000000e+02;
	v26 =	vsub.f32 $2.000000000e+00, v26;
	(erf) = vrcp.f32 v25  }
0xe7: {  	v31 =	vmax.f32 v31, $-1.260000000e+02;
	v29 =	vadd.f32 $1.666666720e-01, v29;
	v34 =	vmul.f32 v34, v30  }
0xe8: {  	v33 =	vmin.f32 v33, $1.260000000e+02;
	v31 =	vmin.f32 v31, $1.260000000e+02;
	v26 =	vmul.f32 v26, v61  }
0xe9: {  	v23 =	vadd.s32 $0x7FFF, v23;
	v29 =	vmul.f32 v29, v28;
	v34 =	vadd.f32 $4.166666790e-02, v34  }
0xea: {  	v50 =	vtrunc.f32 v33;
	v23 =	vand.u32 $0xFFFF0000, v23;
	v43 =	vshrl.u32 v26, $0x10  }
0xeb: {  	v37 =	vand.u32 $0x1, v43;
	v29 =	vadd.f32 $5.000000000e-01, v29;
	v34 =	vmul.f32 v34, v30  }
0xec: {  	v23 =	vmul.f32 v23, v2;
	v24 =	vadd.s32 $0x7FFF, v24;
	v26 =	vadd.s32 v37, v26  }
0xed: {  	v29 =	vmul.f32 v29, v28;
	v48 =	vadd.f32 $1.666666720e-01, v34;
	v34 =	vor.u32 $0x6, v19  }
0xee: {  	v55 =	vtrunc.f32 v31;
	v24 =	vand.u32 $0xFFFF0000, v24;
	v26 =	vadd.s32 $0x7FFF, v26  }
0xef: {  	v24 =	vmul.f32 v24, v3;
	v26 =	vand.u32 $0xFFFF0000, v26;
	v45 =	vpop (erf);
	v29 =	vadd.f32 $1.000000000e+00, v29  }
0xf0: {  	v27 =	vadd.s32 $0x3F800000, v27;
	v26 =	vmul.f32 v26, v3;
	v25 =	vmul.f32 v45, v25  }
0xf1: {  	v20 =	vadd.f32 v23, v20;
	v46 =	vmul.f32 v29, v28;
	v28 =	vcvt.f32.s32 v47  }
0xf2: {  	v21 =	vadd.f32 v24, v21;
	v25 =	vsub.f32 $2.000000000e+00, v25;
	v29 =	vmul.f32 v48, v30;
	v56 =	vld.idx.msk [tilespmem:v34+s18+$0x0], $0xffff  }
0xf3: {  	v26 =	vadd.f32 v26, v20;
	v58 =	vld.idx.msk [tilespmem:v34+s19+$0x0], $0xffff;
	v22 =	vadd.f32 $1.000000000e+00, v46;
	v49 =	vcvt.s32.f32 v28  }
0xf4: {  	v29 =	vadd.f32 $5.000000000e-01, v29;
	v25 =	vmul.f32 v25, v45;
	v28 =	vshll.u32 v28, $0x17  }
0xf5: {  	v28 =	vadd.s32 $0x3F800000, v28;
	v32 =	vsub.f32 v32, v49;
	v22 =	vmul.f32 v27, v22  }
0xf6: {  	v34 =	vld.idx.msk [tilespmem:v34+s20+$0x0], $0xffff;
	v27 =	vcvt.f32.s32 v50;
	v29 =	vmul.f32 v29, v30;
	v62 =	vshrl.u32 v25, $0x10  }
0xf7: {  	v43 =	vand.u32 $0x1, v62;
	v32 =	vmul.f32 $6.931471820e-01, v32;
	v22 =	vadd.f32 $1.000000000e+00, v22  }
0xf8: {  	v51 =	vcvt.s32.f32 v27;
	v29 =	vadd.f32 $1.000000000e+00, v29;
	v42 =	vmul.f32 v58, v56  }
0xf9: {  	v25 =	vadd.s32 v43, v25;
	v52 =	vmul.f32 $1.984127010e-04, v32;
	(erf) = vrcp.f32 v22  }
0xfa: {  	v33 =	vsub.f32 v33, v51;
	v29 =	vmul.f32 v29, v30;
	v30 =	vcvt.f32.s32 v55  }
0xfb: {  	v34 =	vmul.f32 v34, v56;
	v25 =	vadd.s32 $0x7FFF, v25;
	v53 =	vadd.f32 $1.388888920e-03, v52  }
0xfc: {  	v54 =	vmul.f32 $6.931471820e-01, v33;
	v29 =	vadd.f32 $1.000000000e+00, v29;
	v38 =	vcvt.s32.f32 v30  }
0xfd: {  	v56 =	vor.u32 $0x7, v19;
	v25 =	vand.u32 $0xFFFF0000, v25;
	v57 =	vmul.f32 v53, v32  }
0xfe: {  	v59 =	vmul.f32 $1.984127010e-04, v54;
	v60 =	vmul.f32 v36, v29;
	v31 =	vsub.f32 v31, v38  }
0xff: {  	v25 =	vmul.f32 v25, v4;
	v29 =	vsub.f32 $0.0e+00, v42;
	v24 =	vadd.f32 $8.333333770e-03, v57  }
0x100: {  	v61 =	vadd.f32 $1.388888920e-03, v59;
	v63 =	vadd.f32 $1.000000000e+00, v60;
	v31 =	vmul.f32 $6.931471820e-01, v31  }
0x101: {  	v27 =	vshll.u32 v27, $0x17;
	v29 =	vmul.f32 $1.442695020e+00, v29;
	v24 =	vmul.f32 v24, v32  }
0x102: {  	v27 =	vadd.s32 $0x3F800000, v27;
	v41 =	vmul.f32 v61, v54;
	(erf) = vrcp.f32 v63  }
0x103: {  	v60 =	vld.idx.msk [tilespmem:v56+s18+$0x0], $0xffff;
	v44 =	vmul.f32 $1.984127010e-04, v31;
	v29 =	vmax.f32 v29, $-1.260000000e+02;
	v45 =	vpop (erf);
	v24 =	vadd.f32 $4.166666790e-02, v24  }
0x104: {  	v61 =	vld.idx.msk [tilespmem:v56+s19+$0x0], $0xffff;
	v29 =	vmin.f32 v29, $1.260000000e+02;
	v20 =	vadd.f32 $8.333333770e-03, v41;
	v22 =	vmul.f32 v45, v22  }
0x105: {  	v33 =	vadd.f32 $1.388888920e-03, v44;
	v46 =	vtrunc.f32 v29;
	v24 =	vmul.f32 v24, v32  }
0x106: {  	v55 =	vsub.f32 $0.0e+00, v34;
	v38 =	vcvt.f32.s32 v46;
	v20 =	vmul.f32 v20, v54  }
0x107: {  	v30 =	vshll.u32 v30, $0x17;
	v33 =	vmul.f32 v33, v31;
	v24 =	vadd.f32 $1.666666720e-01, v24  }
0x108: {  	v22 =	vsub.f32 $2.000000000e+00, v22;
	v49 =	vcvt.s32.f32 v38;
	v20 =	vadd.f32 $4.166666790e-02, v20  }
0x109: {  	v34 =	vmul.f32 v61, v60;
	v33 =	vadd.f32 $8.333333770e-03, v33;
	v24 =	vmul.f32 v24, v32  }
0x10a: {  	v30 =	vadd.s32 $0x3F800000, v30;
	v22 =	vmul.f32 v22, v45;
	v20 =	vmul.f32 v20, v54  }
0x10b: {  	v46 =	vshll.u32 v38, $0x17;
	v48 =	vmul.f32 v33, v31;
	v24 =	vadd.f32 $5.000000000e-01, v24  }
0x10c: {  	v50 =	vshrl.u32 v22, $0x10;
	v47 =	vadd.f32 $1.666666720e-01, v20;
	v20 =	vadd.f32 v25, v21  }
0x10d: {  	v33 =	vand.u32 $0x1, v50;
	v39 =	vpop (erf);
	v21 =	vadd.f32 $4.166666790e-02, v48;
	v25 =	vsub.f32 v29, v49  }
0x10e: {  	v51 =	vmul.f32 v39, v63;
	v22 =	vadd.s32 v33, v22;
	v24 =	vmul.f32 v24, v32  }
0x10f: {  	v22 =	vadd.s32 $0x7FFF, v22;
	v36 =	vmul.f32 v47, v54;
	v21 =	vmul.f32 v21, v31  }
0x110: {  	v25 =	vmul.f32 $6.931471820e-01, v25;
	v22 =	vand.u32 $0xFFFF0000, v22;
	v24 =	vadd.f32 $1.000000000e+00, v24  }
0x111: {  	v29 =	vsub.f32 $2.000000000e+00, v51;
	v22 =	vmul.f32 v22, v4;
	v36 =	vadd.f32 $5.000000000e-01, v36  }
0x112: {  	v21 =	vadd.f32 $1.666666720e-01, v21;
	v53 =	vmul.f32 $1.984127010e-04, v25;
	v24 =	vmul.f32 v24, v32  }
0x113: {  	v50 =	vor.u32 $0x8, v19;
	v29 =	vmul.f32 v29, v39;
	v52 =	vmul.f32 v36, v54  }
0x114: {  	v22 =	vadd.f32 v22, v26;
	v21 =	vmul.f32 v21, v31;
	v24 =	vadd.f32 $1.000000000e+00, v24  }
0x115: {  	v33 =	vadd.f32 $1.388888920e-03, v53;
	v63 =	vshrl.u32 v29, $0x10;
	v32 =	vadd.f32 $1.000000000e+00, v52  }
0x116: {  	v36 =	vand.u32 $0x1, v63;
	v21 =	vadd.f32 $5.000000000e-01, v21;
	v24 =	vmul.f32 v28, v24  }
0x117: {  	v37 =	vadd.s32 v36, v29;
	v23 =	vmul.f32 v32, v54;
	v54 =	vmul.f32 v33, v25  }
0x118: {  	v26 =	vadd.s32 $0x7FFF, v37;
	v21 =	vmul.f32 v21, v31;
	v32 =	vmul.f32 $1.442695020e+00, v55  }
0x119: {  	v26 =	vand.u32 $0xFFFF0000, v26;
	v33 =	vld.idx.msk [tilespmem:v56+s20+$0x0], $0xffff;
	v23 =	vadd.f32 $1.000000000e+00, v23;
	v28 =	vadd.f32 $8.333333770e-03, v54  }
0x11a: {  	v26 =	vmul.f32 v26, v5;
	v24 =	vadd.f32 $1.000000000e+00, v24;
	v21 =	vadd.f32 $1.000000000e+00, v21  }
0x11b: {  	v58 =	vmax.f32 v32, $-1.260000000e+02;
	v23 =	vmul.f32 v27, v23;
	v57 =	vmul.f32 v28, v25  }
0x11c: {  	v55 =	vld.idx.msk [tilespmem:v50+s19+$0x0], $0xffff;
	(erf) = vrcp.f32 v24;
	v28 =	vmin.f32 v58, $1.260000000e+02;
	v21 =	vmul.f32 v21, v31  }
0x11d: {  	v54 =	vld.idx.msk [tilespmem:v50+s18+$0x0], $0xffff;
	v59 =	vtrunc.f32 v28;
	v23 =	vadd.f32 $1.000000000e+00, v23;
	v27 =	vadd.f32 $4.166666790e-02, v57  }
0x11e: {  	v35 =	vadd.s32 $0x3F800000, v46;
	v32 =	vmul.f32 v33, v60;
	v31 =	vcvt.f32.s32 v59  }
0x11f: {  	v21 =	vadd.f32 $1.000000000e+00, v21;
	(erf) = vrcp.f32 v23;
	v27 =	vmul.f32 v27, v25  }
0x120: {  	v40 =	vsub.f32 $0.0e+00, v34;
	v20 =	vadd.f32 v26, v20;
	v62 =	vcvt.s32.f32 v31  }
0x121: {  	v32 =	vsub.f32 $0.0e+00, v32;
	v21 =	vmul.f32 v30, v21;
	v27 =	vadd.f32 $1.666666720e-01, v27  }
0x122: {  	v37 =	vmul.f32 v55, v54;
	v30 =	vmul.f32 $1.442695020e+00, v40;
	v28 =	vsub.f32 v28, v62  }
0x123: {  	v31 =	vshll.u32 v31, $0x17;
	v21 =	vadd.f32 $1.000000000e+00, v21;
	v27 =	vmul.f32 v27, v25  }
0x124: {  	v32 =	vmul.f32 $1.442695020e+00, v32;
	v37 =	vsub.f32 $0.0e+00, v37;
	v28 =	vmul.f32 $6.931471820e-01, v28  }
0x125: {  	v31 =	vadd.s32 $0x3F800000, v31;
	(erf) = vrcp.f32 v21;
	v39 =	vpop (erf);
	v27 =	vadd.f32 $5.000000000e-01, v27  }
0x126: {  	v30 =	vmax.f32 v30, $-1.260000000e+02;
	v24 =	vmul.f32 v39, v24;
	v41 =	vmul.f32 $1.984127010e-04, v28  }
0x127: {  	v30 =	vmin.f32 v30, $1.260000000e+02;
	v32 =	vmax.f32 v32, $-1.260000000e+02;
	v27 =	vmul.f32 v27, v25  }
0x128: {  	v62 =	vmul.f32 $1.442695020e+00, v37;
	v24 =	vsub.f32 $2.000000000e+00, v24;
	v34 =	vadd.f32 $1.388888920e-03, v41;
	v42 =	vpop (erf)  }
0x129: {  	v44 =	vtrunc.f32 v30;
	v23 =	vmul.f32 v42, v23;
	v27 =	vadd.f32 $1.000000000e+00, v27  }
0x12a: {  	v32 =	vmin.f32 v32, $1.260000000e+02;
	v24 =	vmul.f32 v24, v39;
	v43 =	vmul.f32 v34, v28  }
0x12b: {  	v57 =	vtrunc.f32 v32;
	v23 =	vsub.f32 $2.000000000e+00, v23;
	v25 =	vmul.f32 v27, v25  }
0x12c: {  	v45 =	vshrl.u32 v24, $0x10;
	v29 =	vadd.f32 $8.333333770e-03, v43;
	v27 =	vcvt.f32.s32 v44  }
0x12d: {  	v43 =	vmax.f32 v62, $-1.260000000e+02;
	v44 =	vor.u32 $0x9, v19;
	v34 =	vand.u32 $0x1, v45  }
0x12e: {  	v47 =	vpop (erf);
	v23 =	vmul.f32 v23, v42;
	v25 =	vadd.f32 $1.000000000e+00, v25;
	v29 =	vmul.f32 v29, v28  }
0x12f: {  	v48 =	vcvt.s32.f32 v27;
	v21 =	vmul.f32 v47, v21;
	v24 =	vadd.s32 v34, v24  }
0x130: {  	v27 =	vshll.u32 v27, $0x17;
	v24 =	vadd.s32 $0x7FFF, v24;
	v25 =	vmul.f32 v35, v25  }
0x131: {  	v29 =	vadd.f32 $4.166666790e-02, v29;
	v30 =	vsub.f32 v30, v48;
	v49 =	vshrl.u32 v23, $0x10  }
0x132: {  	v21 =	vsub.f32 $2.000000000e+00, v21;
	v24 =	vand.u32 $0xFFFF0000, v24;
	v34 =	vand.u32 $0x1, v49  }
0x133: {  	v24 =	vmul.f32 v24, v5;
	v49 =	vld.idx.msk [tilespmem:v44+s18+$0x0], $0xffff;
	v25 =	vadd.f32 $1.000000000e+00, v25;
	v29 =	vmul.f32 v29, v28  }
0x134: {  	v27 =	vadd.s32 $0x3F800000, v27;
	v35 =	vld.idx.msk [tilespmem:v44+s20+$0x0], $0xffff;
	v30 =	vmul.f32 $6.931471820e-01, v30;
	v21 =	vmul.f32 v21, v47  }
0x135: {  	v23 =	vadd.s32 v34, v23;
	(erf) = vrcp.f32 v25;
	v29 =	vadd.f32 $1.666666720e-01, v29  }
0x136: {  	v23 =	vadd.s32 $0x7FFF, v23;
	v51 =	vmul.f32 $1.984127010e-04, v30;
	v52 =	vshrl.u32 v21, $0x10  }
0x137: {  	v22 =	vadd.f32 v24, v22;
	v33 =	vand.u32 $0x1, v52;
	v29 =	vmul.f32 v29, v28  }
0x138: {  	v23 =	vand.u32 $0xFFFF0000, v23;
	v53 =	vadd.f32 $1.388888920e-03, v51;
	v21 =	vadd.s32 v33, v21  }
0x139: {  	v35 =	vmul.f32 v35, v49;
	v21 =	vadd.s32 $0x7FFF, v21;
	v29 =	vadd.f32 $5.000000000e-01, v29  }
0x13a: {  	v23 =	vmul.f32 v23, v6;
	v34 =	vmul.f32 v53, v30;
	v21 =	vand.u32 $0xFFFF0000, v21  }
0x13b: {  	v35 =	vsub.f32 $0.0e+00, v35;
	v21 =	vmul.f32 v21, v6;
	v29 =	vmul.f32 v29, v28  }
0x13c: {  	v61 =	vld.idx.msk [tilespmem:v50+s20+$0x0], $0xffff;
	v20 =	vadd.f32 v23, v20;
	v56 =	vadd.f32 $8.333333770e-03, v34;
	v34 =	vcvt.f32.s32 v57  }
0x13d: {  	v35 =	vmul.f32 $1.442695020e+00, v35;
	v21 =	vadd.f32 v21, v22;
	v29 =	vadd.f32 $1.000000000e+00, v29  }
0x13e: {  	v33 =	vmul.f32 v56, v30;
	v60 =	vcvt.s32.f32 v34;
	v34 =	vshll.u32 v34, $0x17;
	v58 =	vpop (erf)  }
0x13f: {  	v42 =	vmax.f32 v35, $-1.260000000e+02;
	v25 =	vmul.f32 v58, v25;
	v28 =	vmul.f32 v29, v28  }
0x140: {  	v34 =	vadd.s32 $0x3F800000, v34;
	v59 =	vadd.f32 $4.166666790e-02, v33;
	v32 =	vsub.f32 v32, v60  }
0x141: {  	v33 =	vmul.f32 v61, v54;
	v25 =	vsub.f32 $2.000000000e+00, v25;
	v28 =	vadd.f32 $1.000000000e+00, v28  }
0x142: {  	v29 =	vmul.f32 v59, v30;
	v63 =	vmul.f32 $6.931471820e-01, v32;
	v32 =	vmin.f32 v43, $1.260000000e+02  }
0x143: {  	v33 =	vsub.f32 $0.0e+00, v33;
	v46 =	vtrunc.f32 v32;
	v25 =	vmul.f32 v25, v58  }
0x144: {  	v29 =	vadd.f32 $1.666666720e-01, v29;
	v28 =	vmul.f32 v31, v28;
	v45 =	vmul.f32 $1.984127010e-04, v63  }
0x145: {  	v50 =	vld.idx.msk [tilespmem:v44+s19+$0x0], $0xffff;
	v44 =	vmin.f32 v42, $1.260000000e+02;
	v47 =	vcvt.f32.s32 v46;
	v33 =	vmul.f32 $1.442695020e+00, v33  }
0x146: {  	v46 =	vtrunc.f32 v44;
	v29 =	vmul.f32 v29, v30;
	v48 =	vshrl.u32 v25, $0x10  }
0x147: {  	v26 =	vadd.f32 $1.388888920e-03, v45;
	v37 =	vcvt.s32.f32 v47;
	v33 =	vmax.f32 v33, $-1.260000000e+02  }
0x148: {  	v28 =	vadd.f32 $1.000000000e+00, v28;
	v36 =	vand.u32 $0x1, v48;
	v51 =	vmin.f32 v33, $1.260000000e+02  }
0x149: {  	v29 =	vadd.f32 $5.000000000e-01, v29;
	v26 =	vmul.f32 v26, v63;
	v32 =	vsub.f32 v32, v37  }
0x14a: {  	(erf) = vrcp.f32 v28;
	v25 =	vadd.s32 v36, v25;
	v37 =	vmul.f32 v50, v49  }
0x14b: {  	v53 =	vtrunc.f32 v51;
	v26 =	vadd.f32 $8.333333770e-03, v26;
	v32 =	vmul.f32 $6.931471820e-01, v32  }
0x14c: {  	v36 =	vcvt.f32.s32 v53;
	v29 =	vmul.f32 v29, v30;
	v37 =	vsub.f32 $0.0e+00, v37  }
0x14d: {  	v25 =	vadd.s32 $0x7FFF, v25;
	v26 =	vmul.f32 v26, v63;
	v52 =	vmul.f32 $1.984127010e-04, v32  }
0x14e: {  	v25 =	vand.u32 $0xFFFF0000, v25;
	v29 =	vadd.f32 $1.000000000e+00, v29;
	v56 =	vmul.f32 $1.442695020e+00, v37  }
0x14f: {  	v25 =	vmul.f32 v25, v7;
	v26 =	vadd.f32 $4.166666790e-02, v26;
	v33 =	vadd.f32 $1.388888920e-03, v52  }
0x150: {  	v54 =	vcvt.s32.f32 v36;
	v29 =	vmul.f32 v29, v30;
	v30 =	vmax.f32 v56, $-1.260000000e+02  }
0x151: {  	v30 =	vmin.f32 v30, $1.260000000e+02;
	v26 =	vmul.f32 v26, v63;
	v33 =	vmul.f32 v33, v32  }
0x152: {  	v55 =	vsub.f32 v51, v54;
	v29 =	vadd.f32 $1.000000000e+00, v29;
	v58 =	vtrunc.f32 v30  }
0x153: {  	v39 =	vcvt.f32.s32 v58;
	v26 =	vadd.f32 $1.666666720e-01, v26;
	v33 =	vadd.f32 $8.333333770e-03, v33  }
0x154: {  	v43 =	vor.u32 $0xA, v19;
	v27 =	vmul.f32 v27, v29;
	v29 =	vmul.f32 $6.931471820e-01, v55  }
0x155: {  	v24 =	vshll.u32 v47, $0x17;
	v40 =	vpop (erf);
	v26 =	vmul.f32 v26, v63;
	v33 =	vmul.f32 v33, v32  }
0x156: {  	v28 =	vmul.f32 v40, v28;
	v27 =	vadd.f32 $1.000000000e+00, v27;
	v57 =	vmul.f32 $1.984127010e-04, v29  }
0x157: {  	v60 =	vcvt.s32.f32 v39;
	v26 =	vadd.f32 $5.000000000e-01, v26;
	v33 =	vadd.f32 $4.166666790e-02, v33  }
0x158: {  	v28 =	vsub.f32 $2.000000000e+00, v28;
	(erf) = vrcp.f32 v27;
	v37 =	vadd.f32 $1.388888920e-03, v57  }
0x159: {  	v48 =	vld.idx.msk [tilespmem:v43+s18+$0x0], $0xffff;
	v20 =	vadd.f32 v25, v20;
	v59 =	vmul.f32 v26, v63;
	v33 =	vmul.f32 v33, v32  }
0x15a: {  	v49 =	vld.idx.msk [tilespmem:v43+s19+$0x0], $0xffff;
	v28 =	vmul.f32 v28, v40;
	v37 =	vmul.f32 v37, v29;
	v26 =	vsub.f32 v30, v60  }
0x15b: {  	v24 =	vadd.s32 $0x3F800000, v24;
	v23 =	vadd.f32 $1.000000000e+00, v59;
	v61 =	vadd.f32 $1.666666720e-01, v33  }
0x15c: {  	v40 =	vshrl.u32 v28, $0x10;
	v62 =	vadd.f32 $8.333333770e-03, v37;
	v26 =	vmul.f32 $6.931471820e-01, v26  }
0x15d: {  	v40 =	vand.u32 $0x1, v40;
	v23 =	vmul.f32 v23, v63;
	v30 =	vmul.f32 v61, v32  }
0x15e: {  	v28 =	vadd.s32 v40, v28;
	v63 =	vmul.f32 v62, v29;
	v40 =	vmul.f32 $1.984127010e-04, v26  }
0x15f: {  	v53 =	vmul.f32 v49, v48;
	v54 =	vshll.u32 v36, $0x17;
	v30 =	vadd.f32 $5.000000000e-01, v30  }
0x160: {  	v59 =	vshll.u32 v39, $0x17;
	v37 =	vld.idx.msk [tilespmem:v43+s20+$0x0], $0xffff;
	v31 =	vadd.f32 $4.166666790e-02, v63;
	v33 =	vadd.f32 $1.388888920e-03, v40  }
0x161: {  	v28 =	vadd.s32 $0x7FFF, v28;
	v23 =	vadd.f32 $1.000000000e+00, v23;
	v30 =	vmul.f32 v30, v32  }
0x162: {  	v28 =	vand.u32 $0xFFFF0000, v28;
	v31 =	vmul.f32 v31, v29;
	v33 =	vmul.f32 v33, v26  }
0x163: {  	v28 =	vmul.f32 v28, v7;
	v41 =	vpop (erf);
	v23 =	vmul.f32 v34, v23;
	v30 =	vadd.f32 $1.000000000e+00, v30  }
0x164: {  	v27 =	vmul.f32 v41, v27;
	v31 =	vadd.f32 $1.666666720e-01, v31;
	v33 =	vadd.f32 $8.333333770e-03, v33  }
0x165: {  	v42 =	vmul.f32 v37, v48;
	v23 =	vadd.f32 $1.000000000e+00, v23;
	v30 =	vmul.f32 v30, v32  }
0x166: {  	v27 =	vsub.f32 $2.000000000e+00, v27;
	v31 =	vmul.f32 v31, v29;
	v45 =	vmul.f32 v33, v26  }
0x167: {  	v33 =	vcvt.f32.s32 v46;
	(erf) = vrcp.f32 v23;
	v30 =	vadd.f32 $1.000000000e+00, v30  }
0x168: {  	v27 =	vmul.f32 v27, v41;
	v31 =	vadd.f32 $5.000000000e-01, v31;
	v22 =	vadd.f32 $4.166666790e-02, v45  }
0x169: {  	v60 =	vadd.s32 $0x3F800000, v59;
	v47 =	vcvt.s32.f32 v33;
	v24 =	vmul.f32 v24, v30  }
0x16a: {  	v21 =	vadd.f32 v28, v21;
	v31 =	vmul.f32 v31, v29;
	v22 =	vmul.f32 v22, v26  }
0x16b: {  	v32 =	vadd.s32 $0x3F800000, v54;
	v30 =	vsub.f32 v44, v47;
	v24 =	vadd.f32 $1.000000000e+00, v24  }
0x16c: {  	v54 =	vor.u32 $0xC, v19;
	v31 =	vadd.f32 $1.000000000e+00, v31;
	v22 =	vadd.f32 $1.666666720e-01, v22  }
0x16d: {  	v52 =	vshrl.u32 v27, $0x10;
	v50 =	vmul.f32 $6.931471820e-01, v30;
	(erf) = vrcp.f32 v24  }
0x16e: {  	v45 =	vor.u32 $0xB, v19;
	v51 =	vmul.f32 v31, v29;
	v22 =	vmul.f32 v22, v26  }
0x16f: {  	v30 =	vmul.f32 $1.984127010e-04, v50;
	v31 =	vsub.f32 $0.0e+00, v53;
	v29 =	vand.u32 $0x1, v52  }
0x170: {  	v27 =	vadd.s32 v29, v27;
	v28 =	vadd.f32 $1.000000000e+00, v51;
	v22 =	vadd.f32 $5.000000000e-01, v22  }
0x171: {  	v57 =	vpop (erf);
	v30 =	vadd.f32 $1.388888920e-03, v30;
	v56 =	vmul.f32 $1.442695020e+00, v31;
	v27 =	vadd.s32 $0x7FFF, v27  }
0x172: {  	v23 =	vmul.f32 v57, v23;
	v27 =	vand.u32 $0xFFFF0000, v27;
	v28 =	vmul.f32 v32, v28  }
0x173: {  	v22 =	vmul.f32 v22, v26;
	v55 =	vmul.f32 v30, v50;
	v30 =	vmax.f32 v56, $-1.260000000e+02  }
0x174: {  	v23 =	vsub.f32 $2.000000000e+00, v23;
	v27 =	vmul.f32 v27, v8;
	v58 =	vmin.f32 v30, $1.260000000e+02  }
0x175: {  	v28 =	vadd.f32 $1.000000000e+00, v28;
	v29 =	vadd.f32 $8.333333770e-03, v55;
	v30 =	vtrunc.f32 v58  }
0x176: {  	v22 =	vadd.f32 $1.000000000e+00, v22;
	v23 =	vmul.f32 v23, v57;
	v30 =	vcvt.f32.s32 v30  }
0x177: {  	v48 =	vshll.u32 v33, $0x17;
	(erf) = vrcp.f32 v28;
	v29 =	vmul.f32 v29, v50  }
0x178: {  	v22 =	vmul.f32 v22, v26;
	v62 =	vshrl.u32 v23, $0x10;
	v61 =	vcvt.s32.f32 v30  }
0x179: {  	v27 =	vadd.f32 v27, v20;
	v32 =	vand.u32 $0x1, v62;
	v29 =	vadd.f32 $4.166666790e-02, v29  }
0x17a: {  	v63 =	vpop (erf);
	v22 =	vadd.f32 $1.000000000e+00, v22;
	v23 =	vadd.s32 v32, v23;
	v26 =	vsub.f32 v58, v61  }
0x17b: {  	v24 =	vmul.f32 v63, v24;
	v23 =	vadd.s32 $0x7FFF, v23;
	v29 =	vmul.f32 v29, v50  }
0x17c: {  	v61 =	vld.idx.msk [tilespmem:v54+s19+$0x0], $0xffff;
	v22 =	vmul.f32 v60, v22;
	v23 =	vand.u32 $0xFFFF0000, v23;
	v26 =	vmul.f32 $6.931471820e-01, v26  }
0x17d: {  	v30 =	vshll.u32 v30, $0x17;
	v60 =	vld.idx.msk [tilespmem:v54+s18+$0x0], $0xffff;
	v38 =	vmul.f32 v23, v8;
	v29 =	vadd.f32 $1.666666720e-01, v29  }
0x17e: {  	v24 =	vsub.f32 $2.000000000e+00, v24;
	v22 =	vadd.f32 $1.000000000e+00, v22;
	v40 =	vmul.f32 $1.984127010e-04, v26  }
0x17f: {  	v35 =	vadd.f32 v38, v21;
	v21 =	vsub.f32 $0.0e+00, v42;
	v29 =	vmul.f32 v29, v50  }
0x180: {  	v30 =	vadd.s32 $0x3F800000, v30;
	v24 =	vmul.f32 v24, v63;
	(erf) = vrcp.f32 v22  }
0x181: {  	v39 =	vpop (erf);
	v41 =	vadd.f32 $1.388888920e-03, v40;
	v21 =	vmul.f32 $1.442695020e+00, v21;
	v29 =	vadd.f32 $5.000000000e-01, v29  }
0x182: {  	v43 =	vshrl.u32 v24, $0x10;
	v42 =	vmul.f32 v61, v60;
	v28 =	vmul.f32 v39, v28  }
0x183: {  	v31 =	vand.u32 $0x1, v43;
	v20 =	vmul.f32 v41, v26;
	v29 =	vmul.f32 v29, v50  }
0x184: {  	v40 =	vor.u32 $0xD, v19;
	v24 =	vadd.s32 v31, v24;
	v28 =	vsub.f32 $2.000000000e+00, v28  }
0x185: {  	v21 =	vmax.f32 v21, $-1.260000000e+02;
	v20 =	vadd.f32 $8.333333770e-03, v20;
	v44 =	vadd.f32 $1.000000000e+00, v29  }
0x186: {  	v51 =	vld.idx.msk [tilespmem:v45+s19+$0x0], $0xffff;
	v24 =	vadd.s32 $0x7FFF, v24;
	v21 =	vmin.f32 v21, $1.260000000e+02;
	v23 =	vmul.f32 v28, v39  }
0x187: {  	v24 =	vand.u32 $0xFFFF0000, v24;
	v29 =	vld.idx.msk [tilespmem:v45+s20+$0x0], $0xffff;
	v20 =	vmul.f32 v20, v26;
	v25 =	vmul.f32 v44, v50  }
0x188: {  	v49 =	vtrunc.f32 v21;
	v24 =	vmul.f32 v24, v9;
	v46 =	vshrl.u32 v23, $0x10;
	v50 =	vld.idx.msk [tilespmem:v45+s18+$0x0], $0xffff  }
0x189: {  	v47 =	vpop (erf);
	v20 =	vadd.f32 $4.166666790e-02, v20;
	v31 =	vand.u32 $0x1, v46;
	v25 =	vadd.f32 $1.000000000e+00, v25  }
0x18a: {  	v28 =	vadd.s32 $0x3F800000, v48;
	v22 =	vmul.f32 v47, v22;
	v23 =	vadd.s32 v31, v23  }
0x18b: {  	v20 =	vmul.f32 v20, v26;
	v23 =	vadd.s32 $0x7FFF, v23;
	v25 =	vmul.f32 v28, v25  }
0x18c: {  	v28 =	vcvt.f32.s32 v49;
	v22 =	vsub.f32 $2.000000000e+00, v22;
	v23 =	vand.u32 $0xFFFF0000, v23  }
0x18d: {  	v20 =	vadd.f32 $1.666666720e-01, v20;
	v53 =	vmul.f32 v51, v50;
	v29 =	vmul.f32 v29, v50  }
0x18e: {  	v25 =	vadd.f32 $1.000000000e+00, v25;
	v52 =	vcvt.s32.f32 v28;
	v22 =	vmul.f32 v22, v47  }
0x18f: {  	v20 =	vmul.f32 v20, v26;
	v31 =	vsub.f32 $0.0e+00, v53;
	v29 =	vsub.f32 $0.0e+00, v29  }
0x190: {  	(erf) = vrcp.f32 v25;
	v21 =	vsub.f32 v21, v52;
	v32 =	vshrl.u32 v22, $0x10  }
0x191: {  	v32 =	vand.u32 $0x1, v32;
	v20 =	vadd.f32 $5.000000000e-01, v20;
	v31 =	vmul.f32 $1.442695020e+00, v31  }
0x192: {  	v29 =	vmul.f32 $1.442695020e+00, v29;
	v33 =	vmul.f32 $6.931471820e-01, v21;
	v22 =	vadd.s32 v32, v22  }
0x193: {  	v23 =	vmul.f32 v23, v9;
	v22 =	vadd.s32 $0x7FFF, v22;
	v56 =	vmul.f32 v20, v26  }
0x194: {  	v21 =	vld.idx.msk [tilespmem:v54+s20+$0x0], $0xffff;
	v31 =	vmax.f32 v31, $-1.260000000e+02;
	v29 =	vmax.f32 v29, $-1.260000000e+02;
	v55 =	vmul.f32 $1.984127010e-04, v33  }
0x195: {  	v57 =	vand.u32 $0xFFFF0000, v22;
	v31 =	vmin.f32 v31, $1.260000000e+02;
	v29 =	vmin.f32 v29, $1.260000000e+02  }
0x196: {  	v20 =	vmul.f32 v57, v10;
	v59 =	vadd.f32 $1.000000000e+00, v56;
	v62 =	vtrunc.f32 v31  }
0x197: {  	v43 =	vtrunc.f32 v29;
	v58 =	vadd.f32 $1.388888920e-03, v55;
	v32 =	vcvt.f32.s32 v62  }
0x198: {  	v28 =	vshll.u32 v28, $0x17;
	v36 =	vcvt.f32.s32 v43;
	v26 =	vmul.f32 v59, v26  }
0x199: {  	v28 =	vadd.s32 $0x3F800000, v28;
	v21 =	vmul.f32 v21, v60;
	v22 =	vmul.f32 v58, v33  }
0x19a: {  	v41 =	vcvt.s32.f32 v32;
	v44 =	vcvt.s32.f32 v36;
	v32 =	vshll.u32 v32, $0x17  }
0x19b: {  	v63 =	vpop (erf);
	v26 =	vadd.f32 $1.000000000e+00, v26;
	v21 =	vsub.f32 $0.0e+00, v21;
	v32 =	vadd.s32 $0x3F800000, v32  }
0x19c: {  	v22 =	vadd.f32 $8.333333770e-03, v22;
	v25 =	vmul.f32 v63, v25;
	v31 =	vsub.f32 v31, v41  }
0x19d: {  	v29 =	vsub.f32 v29, v44;
	v26 =	vmul.f32 v30, v26;
	v21 =	vmul.f32 $1.442695020e+00, v21  }
0x19e: {  	v30 =	vsub.f32 $0.0e+00, v42;
	v22 =	vmul.f32 v22, v33;
	v31 =	vmul.f32 $6.931471820e-01, v31  }
0x19f: {  	v29 =	vmul.f32 $6.931471820e-01, v29;
	v25 =	vsub.f32 $2.000000000e+00, v25;
	v26 =	vadd.f32 $1.000000000e+00, v26  }
0x1a0: {  	v30 =	vmul.f32 $1.442695020e+00, v30;
	v21 =	vmax.f32 v21, $-1.260000000e+02;
	v22 =	vadd.f32 $4.166666790e-02, v22  }
0x1a1: {  	v45 =	vmul.f32 $1.984127010e-04, v31;
	v48 =	vmin.f32 v21, $1.260000000e+02;
	v49 =	vmul.f32 $1.984127010e-04, v29  }
0x1a2: {  	v21 =	vadd.f32 v24, v27;
	v25 =	vmul.f32 v25, v63;
	(erf) = vrcp.f32 v26  }
0x1a3: {  	v30 =	vmax.f32 v30, $-1.260000000e+02;
	v41 =	vtrunc.f32 v48;
	v22 =	vmul.f32 v22, v33  }
0x1a4: {  	v46 =	vadd.f32 $1.388888920e-03, v45;
	v30 =	vmin.f32 v30, $1.260000000e+02;
	v27 =	vcvt.f32.s32 v41  }
0x1a5: {  	v51 =	vadd.f32 $1.388888920e-03, v49;
	v21 =	vadd.f32 v20, v21;
	v47 =	vtrunc.f32 v30  }
0x1a6: {  	v22 =	vadd.f32 $1.666666720e-01, v22;
	v34 =	vmul.f32 v46, v31;
	v38 =	vcvt.f32.s32 v47  }
0x1a7: {  	v45 =	vld.idx.msk [tilespmem:v40+s18+$0x0], $0xffff;
	v53 =	vcvt.s32.f32 v27;
	v55 =	vmul.f32 v51, v29;
	v46 =	vshrl.u32 v25, $0x10  }
0x1a8: {  	v47 =	vld.idx.msk [tilespmem:v40+s19+$0x0], $0xffff;
	v27 =	vshll.u32 v27, $0x17;
	v39 =	vand.u32 $0x1, v46;
	v22 =	vmul.f32 v22, v33  }
0x1a9: {  	v50 =	vcvt.s32.f32 v38;
	v34 =	vadd.f32 $8.333333770e-03, v34;
	v25 =	vadd.s32 v39, v25  }
0x1aa: {  	v27 =	vadd.s32 $0x3F800000, v27;
	v25 =	vadd.s32 $0x7FFF, v25;
	v52 =	vadd.f32 $5.000000000e-01, v22  }
0x1ab: {  	v24 =	vsub.f32 v30, v50;
	v22 =	vadd.f32 v23, v35;
	v54 =	vmul.f32 v34, v31  }
0x1ac: {  	v30 =	vsub.f32 v48, v53;
	v34 =	vadd.f32 $8.333333770e-03, v55;
	v25 =	vand.u32 $0xFFFF0000, v25  }
0x1ad: {  	v50 =	vmul.f32 v47, v45;
	v25 =	vmul.f32 v25, v10;
	v47 =	vor.u32 $0xF, v19  }
0x1ae: {  	v57 =	vmul.f32 v52, v33;
	v24 =	vmul.f32 $6.931471820e-01, v24;
	v23 =	vadd.f32 $4.166666790e-02, v54  }
0x1af: {  	v30 =	vmul.f32 $6.931471820e-01, v30;
	v34 =	vmul.f32 v34, v29;
	v52 =	vshll.u32 v36, $0x17  }
0x1b0: {  	v22 =	vadd.f32 v25, v22;
	v58 =	vmul.f32 $1.984127010e-04, v24;
	v23 =	vmul.f32 v23, v31  }
0x1b1: {  	v56 =	vpop (erf);
	v37 =	vadd.f32 $1.000000000e+00, v57;
	v60 =	vmul.f32 $1.984127010e-04, v30;
	v34 =	vadd.f32 $4.166666790e-02, v34  }
0x1b2: {  	v26 =	vmul.f32 v56, v26;
	v59 =	vadd.f32 $1.388888920e-03, v58;
	v23 =	vadd.f32 $1.666666720e-01, v23  }
0x1b3: {  	v33 =	vmul.f32 v37, v33;
	v62 =	vadd.f32 $1.388888920e-03, v60;
	v34 =	vmul.f32 v34, v29  }
0x1b4: {  	v26 =	vsub.f32 $2.000000000e+00, v26;
	v61 =	vmul.f32 v59, v24;
	v23 =	vmul.f32 v23, v31  }
0x1b5: {  	v33 =	vadd.f32 $1.000000000e+00, v33;
	v37 =	vmul.f32 v62, v30;
	v34 =	vadd.f32 $1.666666720e-01, v34  }
0x1b6: {  	v26 =	vmul.f32 v26, v56;
	v35 =	vadd.f32 $8.333333770e-03, v61;
	v23 =	vadd.f32 $5.000000000e-01, v23  }
0x1b7: {  	v28 =	vmul.f32 v28, v33;
	v44 =	vadd.f32 $8.333333770e-03, v37;
	v34 =	vmul.f32 v34, v29  }
0x1b8: {  	v58 =	vshll.u32 v38, $0x17;
	v63 =	vmul.f32 v35, v24;
	v23 =	vmul.f32 v23, v31  }
0x1b9: {  	v28 =	vadd.f32 $1.000000000e+00, v28;
	v35 =	vmul.f32 v44, v30;
	v34 =	vadd.f32 $5.000000000e-01, v34  }
0x1ba: {  	v51 =	vshrl.u32 v26, $0x10;
	v33 =	vadd.f32 $4.166666790e-02, v63;
	v23 =	vadd.f32 $1.000000000e+00, v23  }
0x1bb: {  	(erf) = vrcp.f32 v28;
	v35 =	vadd.f32 $4.166666790e-02, v35;
	v48 =	vmul.f32 v34, v29  }
0x1bc: {  	v60 =	vand.u32 $0x1, v51;
	v33 =	vmul.f32 v33, v24;
	v23 =	vmul.f32 v23, v31  }
0x1bd: {  	v49 =	vmul.f32 v35, v30;
	v31 =	vadd.f32 $1.000000000e+00, v48;
	v35 =	vsub.f32 $0.0e+00, v50  }
0x1be: {  	v59 =	vor.u32 $0xE, v19;
	v26 =	vadd.s32 v60, v26;
	v33 =	vadd.f32 $1.666666720e-01, v33  }
0x1bf: {  	v34 =	vadd.f32 $1.666666720e-01, v49;
	v29 =	vmul.f32 v31, v29;
	v35 =	vmul.f32 $1.442695020e+00, v35  }
0x1c0: {  	v23 =	vadd.f32 $1.000000000e+00, v23;
	v31 =	vadd.s32 $0x3F800000, v52;
	v33 =	vmul.f32 v33, v24  }
0x1c1: {  	v34 =	vmul.f32 v34, v30;
	v29 =	vadd.f32 $1.000000000e+00, v29;
	v35 =	vmax.f32 v35, $-1.260000000e+02  }
0x1c2: {  	v23 =	vmul.f32 v32, v23;
	v53 =	vmin.f32 v35, $1.260000000e+02;
	v33 =	vadd.f32 $5.000000000e-01, v33  }
0x1c3: {  	v34 =	vadd.f32 $5.000000000e-01, v34;
	v29 =	vmul.f32 v31, v29;
	v35 =	vtrunc.f32 v53  }
0x1c4: {  	v55 =	vadd.f32 $1.000000000e+00, v23;
	v54 =	vpop (erf);
	v23 =	vcvt.f32.s32 v35;
	v33 =	vmul.f32 v33, v24  }
0x1c5: {  	v61 =	vld.idx.msk [tilespmem:v40+s20+$0x0], $0xffff;
	v34 =	vmul.f32 v34, v30;
	v28 =	vmul.f32 v54, v28;
	v29 =	vadd.f32 $1.000000000e+00, v29  }
0x1c6: {  	v42 =	vld.idx.msk [tilespmem:v59+s19+$0x0], $0xffff;
	(erf) = vrcp.f32 v55;
	v57 =	vcvt.s32.f32 v23;
	v33 =	vadd.f32 $1.000000000e+00, v33  }
0x1c7: {  	v26 =	vadd.s32 $0x7FFF, v26;
	v63 =	vld.idx.msk [tilespmem:v59+s18+$0x0], $0xffff;
	v56 =	vadd.f32 $1.000000000e+00, v34;
	v28 =	vsub.f32 $2.000000000e+00, v28  }
0x1c8: {  	v52 =	vld.idx.msk [tilespmem:v47+s18+$0x0], $0xffff;
	(erf) = vrcp.f32 v29;
	v31 =	vsub.f32 v53, v57;
	v24 =	vmul.f32 v33, v24  }
0x1c9: {  	v26 =	vand.u32 $0xFFFF0000, v26;
	v34 =	vld.idx.msk [tilespmem:v59+s20+$0x0], $0xffff;
	v30 =	vmul.f32 v56, v30;
	v28 =	vmul.f32 v28, v54  }
0x1ca: {  	v26 =	vmul.f32 v26, v11;
	v54 =	vld.idx.msk [tilespmem:v47+s19+$0x0], $0xffff;
	v31 =	vmul.f32 $6.931471820e-01, v31;
	v24 =	vadd.f32 $1.000000000e+00, v24  }
0x1cb: {  	v33 =	vadd.s32 $0x3F800000, v58;
	v30 =	vadd.f32 $1.000000000e+00, v30;
	v41 =	vshrl.u32 v28, $0x10  }
0x1cc: {  	v62 =	vmul.f32 $1.984127010e-04, v31;
	v35 =	vand.u32 $0x1, v41;
	v24 =	vmul.f32 v33, v24  }
0x1cd: {  	v27 =	vmul.f32 v27, v30;
	v28 =	vadd.s32 v35, v28;
	v30 =	vmul.f32 v61, v45  }
0x1ce: {  	v45 =	vmul.f32 v42, v63;
	v33 =	vmul.f32 v34, v63;
	v32 =	vadd.f32 $1.388888920e-03, v62  }
0x1cf: {  	v43 =	vpop (erf);
	v28 =	vadd.s32 $0x7FFF, v28;
	v60 =	vmul.f32 v54, v52;
	v24 =	vadd.f32 $1.000000000e+00, v24  }
0x1d0: {  	v27 =	vadd.f32 $1.000000000e+00, v27;
	v36 =	vmul.f32 v43, v55;
	v28 =	vand.u32 $0xFFFF0000, v28  }
0x1d1: {  	v30 =	vsub.f32 $0.0e+00, v30;
	v37 =	vsub.f32 $0.0e+00, v45;
	v32 =	vmul.f32 v32, v31  }
0x1d2: {  	v33 =	vsub.f32 $0.0e+00, v33;
	v44 =	vpop (erf);
	v28 =	vmul.f32 v28, v11;
	(erf) = vrcp.f32 v24  }
0x1d3: {  	v29 =	vmul.f32 v44, v29;
	v30 =	vmul.f32 $1.442695020e+00, v30;
	v32 =	vadd.f32 $8.333333770e-03, v32  }
0x1d4: {  	v36 =	vsub.f32 $2.000000000e+00, v36;
	v37 =	vmul.f32 $1.442695020e+00, v37;
	(erf) = vrcp.f32 v27  }
0x1d5: {  	v59 =	vmul.f32 $1.442695020e+00, v33;
	v30 =	vmax.f32 v30, $-1.260000000e+02;
	v32 =	vmul.f32 v32, v31  }
0x1d6: {  	v22 =	vadd.f32 v28, v22;
	v28 =	vsub.f32 $0.0e+00, v60;
	v30 =	vmin.f32 v30, $1.260000000e+02  }
0x1d7: {  	v29 =	vsub.f32 $2.000000000e+00, v29;
	v49 =	vtrunc.f32 v30;
	v32 =	vadd.f32 $4.166666790e-02, v32  }
0x1d8: {  	v37 =	vmax.f32 v37, $-1.260000000e+02;
	v28 =	vmul.f32 $1.442695020e+00, v28;
	v39 =	vcvt.f32.s32 v49  }
0x1d9: {  	v35 =	vmul.f32 v36, v43;
	v37 =	vmin.f32 v37, $1.260000000e+02;
	v32 =	vmul.f32 v32, v31  }
0x1da: {  	v29 =	vmul.f32 v29, v44;
	v28 =	vmax.f32 v28, $-1.260000000e+02;
	v53 =	vcvt.s32.f32 v39  }
0x1db: {  	v50 =	vtrunc.f32 v37;
	v28 =	vmin.f32 v28, $1.260000000e+02;
	v46 =	vpop (erf);
	v32 =	vadd.f32 $1.666666720e-01, v32  }
0x1dc: {  	v43 =	vtrunc.f32 v28;
	v30 =	vsub.f32 v30, v53;
	v19 =	vmul.f32 v46, v24  }
0x1dd: {  	v21 =	vadd.f32 v26, v21;
	v57 =	vld.idx.msk [tilespmem:v47+s20+$0x0], $0xffff;
	v48 =	vpop (erf);
	v51 =	vmul.f32 v32, v31;
	v32 =	vcvt.f32.s32 v50  }
0x1de: {  	v27 =	vmul.f32 v48, v27;
	v58 =	vmul.f32 $6.931471820e-01, v30;
	v30 =	vmax.f32 v59, $-1.260000000e+02  }
0x1df: {  	v19 =	vsub.f32 $2.000000000e+00, v19;
	v30 =	vmin.f32 v30, $1.260000000e+02;
	v42 =	vcvt.s32.f32 v32  }
0x1e0: {  	v27 =	vsub.f32 $2.000000000e+00, v27;
	v25 =	vadd.f32 $5.000000000e-01, v51;
	v61 =	vmul.f32 $1.984127010e-04, v58  }
0x1e1: {  	v63 =	vtrunc.f32 v30;
	v20 =	vmul.f32 v19, v46;
	v56 =	vsub.f32 v37, v42  }
0x1e2: {  	v23 =	vshll.u32 v23, $0x17;
	v19 =	vmul.f32 v27, v48;
	v27 =	vmul.f32 v57, v52  }
0x1e3: {  	v23 =	vadd.s32 $0x3F800000, v23;
	v55 =	vmul.f32 v25, v31;
	v25 =	vmul.f32 $6.931471820e-01, v56  }
0x1e4: {  	v32 =	vshll.u32 v32, $0x17;
	v36 =	vcvt.f32.s32 v63;
	v27 =	vsub.f32 $0.0e+00, v27  }
0x1e5: {  	v60 =	vshll.u32 v39, $0x17;
	v32 =	vadd.s32 $0x3F800000, v32;
	v62 =	vmul.f32 $1.984127010e-04, v25  }
0x1e6: {  	v33 =	vadd.f32 $1.388888920e-03, v61;
	v42 =	vcvt.s32.f32 v36;
	v27 =	vmul.f32 $1.442695020e+00, v27  }
0x1e7: {  	v52 =	vshrl.u32 v35, $0x10;
	v24 =	vadd.f32 $1.000000000e+00, v55;
	v34 =	vadd.f32 $1.388888920e-03, v62  }
0x1e8: {  	v40 =	vmul.f32 v33, v58;
	v30 =	vsub.f32 v30, v42;
	v27 =	vmax.f32 v27, $-1.260000000e+02  }
0x1e9: {  	v24 =	vmul.f32 v24, v31;
	v27 =	vmin.f32 v27, $1.260000000e+02;
	v41 =	vmul.f32 v34, v25  }
0x1ea: {  	v31 =	vadd.f32 $8.333333770e-03, v40;
	v34 =	vcvt.f32.s32 v43;
	v45 =	vtrunc.f32 v27  }
0x1eb: {  	v57 =	vshrl.u32 v29, $0x10;
	v30 =	vmul.f32 $6.931471820e-01, v30;
	v38 =	vcvt.f32.s32 v45  }
0x1ec: {  	v31 =	vmul.f32 v31, v58;
	v33 =	vadd.f32 $8.333333770e-03, v41;
	v44 =	vcvt.s32.f32 v34  }
0x1ed: {  	v36 =	vshll.u32 v36, $0x17;
	v46 =	vmul.f32 $1.984127010e-04, v30;
	v48 =	vcvt.s32.f32 v38  }
0x1ee: {  	v31 =	vadd.f32 $4.166666790e-02, v31;
	v33 =	vmul.f32 v33, v25;
	v28 =	vsub.f32 v28, v44  }
0x1ef: {  	v40 =	vand.u32 $0x1, v52;
	v47 =	vadd.f32 $1.388888920e-03, v46;
	v27 =	vsub.f32 v27, v48  }
0x1f0: {  	v31 =	vmul.f32 v31, v58;
	v33 =	vadd.f32 $4.166666790e-02, v33;
	v28 =	vmul.f32 $6.931471820e-01, v28  }
0x1f1: {  	v35 =	vadd.s32 v40, v35;
	v37 =	vmul.f32 v47, v30;
	v27 =	vmul.f32 $6.931471820e-01, v27  }
0x1f2: {  	v24 =	vadd.f32 $1.000000000e+00, v24;
	v33 =	vmul.f32 v33, v25;
	v49 =	vmul.f32 $1.984127010e-04, v28  }
0x1f3: {  	v31 =	vadd.f32 $1.666666720e-01, v31;
	v50 =	vadd.f32 $8.333333770e-03, v37;
	v53 =	vmul.f32 $1.984127010e-04, v27  }
0x1f4: {  	v23 =	vmul.f32 v23, v24;
	v33 =	vadd.f32 $1.666666720e-01, v33;
	v51 =	vadd.f32 $1.388888920e-03, v49  }
0x1f5: {  	v31 =	vmul.f32 v31, v58;
	v24 =	vmul.f32 v50, v30;
	v41 =	vadd.f32 $1.388888920e-03, v53  }
0x1f6: {  	v23 =	vadd.f32 $1.000000000e+00, v23;
	v33 =	vmul.f32 v33, v25;
	v37 =	vmul.f32 v51, v28  }
0x1f7: {  	v31 =	vadd.f32 $5.000000000e-01, v31;
	v24 =	vadd.f32 $4.166666790e-02, v24;
	v54 =	vmul.f32 v41, v27  }
0x1f8: {  	(erf) = vrcp.f32 v23;
	v33 =	vadd.f32 $5.000000000e-01, v33;
	v37 =	vadd.f32 $8.333333770e-03, v37  }
0x1f9: {  	v31 =	vmul.f32 v31, v58;
	v24 =	vmul.f32 v24, v30;
	v40 =	vadd.f32 $8.333333770e-03, v54  }
0x1fa: {  	v61 =	vadd.s32 $0x7FFF, v35;
	v33 =	vmul.f32 v33, v25;
	v56 =	vmul.f32 v37, v28  }
0x1fb: {  	v31 =	vadd.f32 $1.000000000e+00, v31;
	v24 =	vadd.f32 $1.666666720e-01, v24;
	v59 =	vmul.f32 v40, v27  }
0x1fc: {  	v62 =	vand.u32 $0xFFFF0000, v61;
	v55 =	vadd.f32 $1.000000000e+00, v33;
	v33 =	vadd.f32 $4.166666790e-02, v56  }
0x1fd: {  	v26 =	vmul.f32 v31, v58;
	v24 =	vmul.f32 v24, v30;
	v31 =	vadd.f32 $4.166666790e-02, v59  }
0x1fe: {  	v43 =	vshrl.u32 v19, $0x10;
	v42 =	vshll.u32 v38, $0x17;
	v33 =	vmul.f32 v33, v28  }
0x1ff: {  	v26 =	vadd.f32 $1.000000000e+00, v26;
	v24 =	vadd.f32 $5.000000000e-01, v24;
	v31 =	vmul.f32 v31, v27  }
0x200: {  	v44 =	vand.u32 $0x1, v43;
	v37 =	vadd.s32 $0x3F800000, v60;
	v33 =	vadd.f32 $1.666666720e-01, v33  }
0x201: {  	v26 =	vmul.f32 v37, v26;
	v24 =	vmul.f32 v24, v30;
	v31 =	vadd.f32 $1.666666720e-01, v31  }
0x202: {  	v58 =	vand.u32 $0x1, v57;
	v25 =	vmul.f32 v55, v25;
	v33 =	vmul.f32 v33, v28  }
0x203: {  	v39 =	vpop (erf);
	v26 =	vadd.f32 $1.000000000e+00, v26;
	v24 =	vadd.f32 $1.000000000e+00, v24;
	v31 =	vmul.f32 v31, v27  }
0x204: {  	v23 =	vmul.f32 v39, v23;
	v25 =	vadd.f32 $1.000000000e+00, v25;
	v33 =	vadd.f32 $5.000000000e-01, v33  }
0x205: {  	(erf) = vrcp.f32 v26;
	v24 =	vmul.f32 v24, v30;
	v31 =	vadd.f32 $5.000000000e-01, v31  }
0x206: {  	v29 =	vadd.s32 v58, v29;
	v25 =	vmul.f32 v32, v25;
	v63 =	vmul.f32 v33, v28  }
0x207: {  	v29 =	vadd.s32 $0x7FFF, v29;
	v30 =	vmul.f32 v62, v12;
	v35 =	vmul.f32 v31, v27  }
0x208: {  	v29 =	vand.u32 $0xFFFF0000, v29;
	v25 =	vadd.f32 $1.000000000e+00, v25;
	v32 =	vadd.f32 $1.000000000e+00, v63  }
0x209: {  	v29 =	vmul.f32 v29, v12;
	v21 =	vadd.f32 v30, v21;
	v30 =	vadd.f32 $1.000000000e+00, v35  }
0x20a: {  	v24 =	vadd.f32 $1.000000000e+00, v24;
	(erf) = vrcp.f32 v25;
	v28 =	vmul.f32 v32, v28  }
0x20b: {  	v22 =	vadd.f32 v29, v22;
	v29 =	vadd.s32 $0x3F800000, v36;
	v27 =	vmul.f32 v30, v27  }
0x20c: {  	v37 =	vshll.u32 v34, $0x17;
	v24 =	vmul.f32 v29, v24;
	v28 =	vadd.f32 $1.000000000e+00, v28  }
0x20d: {  	v23 =	vsub.f32 $2.000000000e+00, v23;
	v40 =	vadd.s32 $0x3F800000, v37;
	v27 =	vadd.f32 $1.000000000e+00, v27  }
0x20e: {  	v24 =	vadd.f32 $1.000000000e+00, v24;
	v31 =	vadd.s32 $0x3F800000, v42;
	v28 =	vmul.f32 v40, v28  }
0x20f: {  	v19 =	vadd.s32 v44, v19;
	v27 =	vmul.f32 v31, v27  }
0x210: {  	v23 =	vmul.f32 v23, v39;
	(erf) = vrcp.f32 v24;
	v46 =	vpop (erf);
	v28 =	vadd.f32 $1.000000000e+00, v28  }
0x211: {  	v41 =	vshrl.u32 v20, $0x10;
	v26 =	vmul.f32 v46, v26;
	v27 =	vadd.f32 $1.000000000e+00, v27  }
0x212: {  	v45 =	vshrl.u32 v23, $0x10;
	v30 =	vand.u32 $0x1, v41;
	(erf) = vrcp.f32 v28  }
0x213: {  	v20 =	vadd.s32 v30, v20;
	v26 =	vsub.f32 $2.000000000e+00, v26;
	v47 =	vpop (erf);
	(erf) = vrcp.f32 v27  }
0x214: {  	v19 =	vadd.s32 $0x7FFF, v19;
	v29 =	vand.u32 $0x1, v45;
	v20 =	vadd.s32 $0x7FFF, v20  }
0x215: {  	v23 =	vadd.s32 v29, v23;
	v20 =	vand.u32 $0xFFFF0000, v20;
	v26 =	vmul.f32 v26, v46  }
0x216: {  	v23 =	vadd.s32 $0x7FFF, v23;
	v20 =	vmul.f32 v20, v13;
	v25 =	vmul.f32 v47, v25  }
0x217: {  	v19 =	vand.u32 $0xFFFF0000, v19;
	v23 =	vand.u32 $0xFFFF0000, v23;
	v52 =	vshrl.u32 v26, $0x10  }
0x218: {  	v20 =	vadd.f32 v20, v21;
	v21 =	vand.u32 $0x1, v52;
	v25 =	vsub.f32 $2.000000000e+00, v25  }
0x219: {  	v19 =	vmul.f32 v19, v13;
	v49 =	vmul.f32 v23, v14;
	v48 =	vpop (erf);
	v21 =	vadd.s32 v21, v26  }
0x21a: {  	v51 =	vmul.f32 v48, v24;
	v21 =	vadd.s32 $0x7FFF, v21;
	v50 =	vmul.f32 v25, v47  }
0x21b: {  	v19 =	vadd.f32 v19, v22;
	v20 =	vadd.f32 v49, v20;
	v21 =	vand.u32 $0xFFFF0000, v21;
	v54 =	vpop (erf)  }
0x21c: {  	v22 =	vsub.f32 $2.000000000e+00, v51;
	v53 =	vshrl.u32 v50, $0x10;
	v55 =	vmul.f32 v54, v28;
	v56 =	vpop (erf)  }
0x21d: {  	v21 =	vmul.f32 v21, v14;
	v24 =	vand.u32 $0x1, v53;
	v27 =	vmul.f32 v56, v27  }
0x21e: {  	v22 =	vmul.f32 v22, v48;
	v23 =	vadd.s32 v24, v50;
	v24 =	vsub.f32 $2.000000000e+00, v55  }
0x21f: {  	v18 =	vshll.u32 v18, $0x3;
	v19 =	vadd.f32 v21, v19;
	v27 =	vsub.f32 $2.000000000e+00, v27  }
0x220: {  	v23 =	vadd.s32 $0x7FFF, v23;
	v57 =	vshrl.u32 v22, $0x10;
	v24 =	vmul.f32 v24, v54  }
0x221: {  	v23 =	vand.u32 $0xFFFF0000, v23;
	v58 =	vand.u32 $0x1, v57;
	v59 =	vmul.f32 v27, v56  }
0x222: {  	v23 =	vmul.f32 v23, v16;
	v21 =	vadd.s32 v58, v22;
	v60 =	vshrl.u32 v24, $0x10  }
0x223: {  	v21 =	vadd.s32 $0x7FFF, v21;
	v22 =	vand.u32 $0x1, v60;
	v61 =	vshrl.u32 v59, $0x10  }
0x224: {  	v20 =	vadd.f32 v23, v20;
	v22 =	vadd.s32 v22, v24;
	v23 =	vand.u32 $0x1, v61  }
0x225: {  	v21 =	vand.u32 $0xFFFF0000, v21;
	v22 =	vadd.s32 $0x7FFF, v22;
	v23 =	vadd.s32 v23, v59  }
0x226: {  	v21 =	vmul.f32 v21, v16;
	v22 =	vand.u32 $0xFFFF0000, v22;
	v23 =	vadd.s32 $0x7FFF, v23  }
0x227: {  	p0 =	sne.s32 s26, $0x1F0;
	v62 =	vor.u32 $0x1, v18;
	v22 =	vmul.f32 v22, v17;
	v23 =	vand.u32 $0xFFFF0000, v23  }
.Ltmp0:
0x228: {  	v19 =	vadd.f32 v21, v19;
	v63 =	vmul.f32 v23, v17;
	(pc) =	sbr.rel @p0 .LBB2_2-.Ltmp0, $4  }
0x229: {  	v20 =	vadd.f32 v22, v20  }
0x22a: {  	v19 =	vadd.f32 v63, v19  }
0x22b: {  	[tilespmem:v18+s24+$0x0] =	vst.idx.msk $0xffff, v20  }
0x22c: {  	s26 =	sadd.s32 $0x10, s26;
	[tilespmem:v62+s24+$0x0] =	vst.idx.msk $0xffff, v19  }
0x22d: {  	s25 =	sadd.s32 $0x1, s25  }
0x22e: {  	p0 =	sne.s32 s25, s11  }
.Ltmp1:
0x22f: {  	_ = 	snop;
	(pc) =	sbr.rel @p0 .LBB2_1-.Ltmp1, $4  }
0x230: {  	[hbm4b:s10+s3] =	stream.linear.scatter [tilespmem:s24], [sflag:$0x2], $0x1000, $0x38;
	[tilespmem:$0x7620] =	vst v63  }
0x231: {  	_ =	swait.ge [sflag:s12], $0x1000  }
0x232: {  	[sflag:s12] =	ssyncset.done $0x0  }
0x233: {  	[sflag:s12] =	ssyncadd.s32 $0xFFFFF000  }
0x234: {  	_ =	sfence.sel $0x180000  }
0x235: {  	[bflag:$0x0] =	sbarrier.arrive $0xFFFF  }
0x236: {  	_ =	strace $0x90000047  }
0x237: {  	s0 =	stileid.u32;
	[bflag:$0x2] =	sbarrier.arrive $0xFFFF  }
0x238: {  	p0 =	sne.s32 s0, $0x0;
	s0 =	rddreg [dreg:$0x5]  }
0x239: {  	s0 =	sadd.s32 @!p0 $0x100000, s0  }
0x23a: {  	[sflag:s0] =	ssyncadd.tile.s32 @!p0 $0x1;
	_ =	shalt  }
.Lfunc_end2:
_tile_overlayer_lowered:
.L_overlay_start_2:
0x23b: {  	(tag) =	ssettag $0x2  }
0x23c: {  	s0 =	rddreg [dreg:$0x0];
	s2 =	stileid.u32  }
0x23d: {  	s1 =	rddreg [dreg:$0x1];
	p0 =	sne.s32 s2, $0x0  }
0x23e: {  	s3 =	rddreg [dreg:$0x2];
	[bflag:$0x3] =	sbarrier.arrive $0xFFFF;
	s2 =	simm.s32 @!p0 $0x1C02  }
0x23f: {  	[timem:s3], [sflag:s2] =	dma.local @!p0 [hbm:s0], s1  }
0x240: {  	s0 =	simm.s32 @!p0 $0x2  }
0x241: {  	_ =	swait.ge @!p0 [sflag:s0], s1  }
0x242: {  	s1 =	ssub.s32 @!p0 $0x0, s1;
	[sflag:s0] =	ssyncset.done @!p0 $0x0  }
0x243: {  	[sflag:s0] =	ssyncadd.s32 @!p0 s1  }
0x244: {  	[bflag:$0x3] =	sbarrier.arrive $0xFFFF  }
0x245: {  	_ =	shalt  }

</sc_bundles>
